<compile_context>
chip_gen: v7x
topology: tpu7x:2x2x1
jax: 0.10.2.dev20260603
libtpu: 0.0.44.dev20260713+nightly
codegen_flags: <defaults>
</compile_context>

<pallas_src>
import functools

import jax
import jax.numpy as jnp
from jax import lax
from jax.experimental import pallas as pl
from jax.experimental.pallas import tpu as pltpu
from jax.experimental.pallas import tpu_sc as plsc

_NUM_CLASSES = 150
_SMOOTH = 1e-05
_NHI = 16
_NLO = 16
_BINS = _NHI * _NLO

_H_SC = 48
_NC = 2
_NS = 16
_NW = _NC * _NS
_L = 16
_W = 384
_G = 8


def _hist2d(v_flat, n):
    hi = v_flat >> 4
    lo = v_flat & 15
    hi_iota = lax.broadcasted_iota(jnp.int32, (_NHI, n), 0)
    lo_iota = lax.broadcasted_iota(jnp.int32, (_NLO, n), 0)
    one = jnp.float32(1.0)
    zero = jnp.float32(0.0)
    hi_f = jnp.where(hi == hi_iota, one, zero)
    lo_f = jnp.where(lo == lo_iota, one, zero)
    return lax.dot_general(
        hi_f, lo_f, (((1,), (1,)), ((), ())),
        preferred_element_type=jnp.float32,
    )


def _hist3(pred_flat, t_flat, n):
    eq = t_flat == pred_flat
    t_masked = jnp.where(eq, t_flat, _NUM_CLASSES)
    return _hist2d(t_masked, n), _hist2d(pred_flat, n), _hist2d(t_flat, n)


def _tc_kernel(x_ref, t_ref, out_ref, acc_ref):
    b = pl.program_id(0)
    i = pl.program_id(1)
    nb = pl.num_programs(0)
    ni = pl.num_programs(1)

    @pl.when((b == 0) & (i == 0))
    def _init():
        acc_ref[...] = jnp.zeros_like(acc_ref)

    x = x_ref[0]
    t = t_ref[0]
    c, r, w = x.shape
    n = r * w

    runmax = x[0]
    runidx = jnp.zeros((r, w), jnp.int32)
    for ci in range(1, c):
        xi = x[ci]
        gt = xi > runmax
        runmax = jnp.maximum(runmax, xi)
        runidx = jnp.where(gt, ci, runidx)

    h_i, h_p, h_t = _hist3(runidx.reshape(1, n), t.reshape(1, n), n)
    acc_ref[0] += h_i
    acc_ref[1] += h_p
    acc_ref[2] += h_t

    @pl.when((b == nb - 1) & (i == ni - 1))
    def _fin():
        out_ref[...] = acc_ref[...]


def _tc_counts(x, t):
    B, C, H, W = x.shape
    R = 48
    nblk = H // R
    return pl.pallas_call(
        _tc_kernel,
        grid=(B, nblk),
        in_specs=[
            pl.BlockSpec((1, C, R, W), lambda b, i: (b, 0, i, 0)),
            pl.BlockSpec((1, R, W), lambda b, i: (b, i, 0)),
        ],
        out_specs=pl.BlockSpec((3, _NHI, _NLO), lambda b, i: (0, 0, 0)),
        out_shape=jax.ShapeDtypeStruct((3, _NHI, _NLO), jnp.float32),
        scratch_shapes=[pltpu.VMEM((3, _NHI, _NLO), jnp.float32)],
    )(x, t)


def _sc_body(x_hbm, out_hbm, xrow_v, prow_v):
    cid = lax.axis_index("c")
    sid = lax.axis_index("s")
    wid = sid * _NC + cid
    c = _NUM_CLASSES
    nru = 2 * _H_SC // _NW

    for u in range(nru):
        ru = wid * nru + u
        b = ru // _H_SC
        r = ru - b * _H_SC
        pltpu.sync_copy(x_hbm.at[b, :, r, :], xrow_v)

        for g0 in range(0, _W // _L, _G):
            cols = [(g0 + k) * _L for k in range(_G)]

            def _amax(ci, carry):
                out = []
                for k in range(_G):
                    rm, ri = carry[2 * k], carry[2 * k + 1]
                    xi = xrow_v[ci, pl.ds(cols[k], _L)]
                    gt = xi > rm
                    out.append(jnp.where(gt, xi, rm))
                    out.append(jnp.where(gt, ci, ri))
                return tuple(out)

            init = []
            for k in range(_G):
                init.append(xrow_v[0, pl.ds(cols[k], _L)])
                init.append(jnp.zeros((_L,), jnp.int32))
            res = lax.fori_loop(1, c, _amax, tuple(init))

            for k in range(_G):
                prow_v[pl.ds(cols[k], _L)] = res[2 * k + 1]

        pltpu.sync_copy(prow_v, out_hbm.at[b, r, :])


def _sc_pred(x_sc):
    B = x_sc.shape[0]
    mesh = plsc.VectorSubcoreMesh(core_axis_name="c", subcore_axis_name="s")
    k = functools.partial(
        pl.kernel,
        mesh=mesh,
        out_type=jax.ShapeDtypeStruct((B, _H_SC, _W), jnp.int32),
        scratch_types=[
            pltpu.VMEM((_NUM_CLASSES, _W), jnp.float32),
            pltpu.VMEM((_W,), jnp.int32),
        ],
    )(_sc_body)
    return k(x_sc)


def _combine_kernel(tc_ref, p_ref, t_ref, out_ref):
    tc = tc_ref[...]
    n = p_ref.shape[1]
    h_i, h_p, h_t = _hist3(p_ref[...], t_ref[...], n)
    inter = tc[0] + h_i
    cnt_p = tc[1] + h_p
    cnt_t = tc[2] + h_t
    out_ref[...] = inter / (cnt_p + cnt_t - inter + _SMOOTH)


def _combine(tc_acc, sc_pred, t_sc):
    n = sc_pred.size
    iou2d = pl.pallas_call(
        _combine_kernel,
        out_shape=jax.ShapeDtypeStruct((_NHI, _NLO), jnp.float32),
    )(tc_acc, sc_pred.reshape(1, n), t_sc.reshape(1, n))
    return iou2d.reshape(_BINS)[:_NUM_CLASSES]


def kernel(pred_logits, target):
    B, C, H, W = pred_logits.shape
    h_tc = H - _H_SC
    sc_pred = _sc_pred(pred_logits[:, :, h_tc:, :])
    tc_acc = _tc_counts(pred_logits[:, :, :h_tc, :], target[:, :h_tc, :])
    return _combine(tc_acc, sc_pred, target[:, h_tc:, :])

# --- scband reference (transcript-rebuilt; emitter-appended) ---
"""Pipeline reference for scband-io-u-21114059227605 (READ-ONLY COPY).

The authoritative reference and input builder live on the scoring server;
editing this copy changes nothing except your own understanding.
"""

import jax, jax.numpy as jnp
import numpy as np

NUM_CLASSES = 150
SMOOTH = 1e-05


def setup_inputs(seed: int = 0) -> dict:
    key = jax.random.key(seed)
    k1, k2 = jax.random.split(key)
    pred_logits = jax.random.normal(k1, (2, NUM_CLASSES, 384, 384), dtype=jnp.float32)
    target = jax.random.randint(k2, (2, 384, 384), 0, NUM_CLASSES, dtype=jnp.int32)
    return {"pred_logits": pred_logits, "target": target}


def reference(pred_logits, target):
    # argmax over the class/channel dimension (dim=1 in torch)
    max_pred = jnp.argmax(pred_logits, axis=1)
    _prediction = max_pred.reshape(-1)
    _target = target.reshape(-1)
    # ignore_val is None -> no filtering
    eq = (_target == _prediction)
    w_eq = eq.astype(jnp.float32)
    w_neq = 1.0 - w_eq
    # torch.bincount on boolean-filtered arrays == weighted bincount with 0/1 weights
    _bin_intersection = jnp.bincount(_target, weights=w_eq, minlength=NUM_CLASSES, length=NUM_CLASSES)
    _bin_pred_rest = jnp.bincount(_prediction, weights=w_neq, minlength=NUM_CLASSES, length=NUM_CLASSES)
    _bin_target_rest = jnp.bincount(_target, weights=w_neq, minlength=NUM_CLASSES, length=NUM_CLASSES)
    _iou = _bin_intersection / (_bin_intersection + _bin_pred_rest + (_bin_target_rest + SMOOTH))
    # reduction == 'none' -> class-wise IoU vector
    return _iou

if __name__ == "__main__":
    import jax
    _d = setup_inputs()
    print(jax.jit(kernel)(*tuple(_d.values())))

</pallas_src>

<mosaic_0001>
#map = affine_map<(d0, d1) -> (0, 0, 0, 0)>
#map1 = affine_map<(d0, d1) -> (0, 0, 0)>
module attributes {stable_mosaic.version = 14 : i64} {
  func.func @_sc_body(%arg0: i32, %arg1: i32, %arg2: memref<2x150x48x384xf32, #tpu.memory_space<hbm>>, %arg3: memref<2x48x384xi32, #tpu.memory_space<hbm>>, %arg4: memref<150x384xf32, #tpu.memory_space<vmem>>, %arg5: memref<384xi32, #tpu.memory_space<vmem>>) attributes {dimension_semantics = [#tpu.dimension_semantics<core_parallel>, #tpu.dimension_semantics<subcore_parallel>], iteration_bounds = array<i64: 2, 16>, scalar_prefetch = 0 : i64, scratch_operands = 2 : i64, tpu.core_type = #tpu.core_type<sc_vector_subcore>, window_params = [{transform_indices = #map}, {transform_indices = #map1}]} {
    %mul3A = arith.constant 2 : i32
    %mul3A_0 = arith.muli %arg1, %mul3A : i32
    %add3A = arith.addi %mul3A_0, %arg0 : i32
    %mul3A_1 = arith.constant 3 : i32
    %mul3A_2 = arith.muli %add3A, %mul3A_1 : i32
    %add3A_3 = arith.constant 0 : i32
    %add3A_4 = arith.addi %mul3A_2, %add3A_3 : i32
    %jit3A = arith.constant 48 : i32
    %div3A = arith.divsi %add3A_4, %jit3A : i32
    %sign3A = arith.constant 0 : i32
    %sign3A_5 = arith.cmpi sgt, %add3A_4, %sign3A : i32
    %sign3A_6 = arith.extui %sign3A_5 : i1 to i32
    %sign3A_7 = arith.constant 0 : i32
    %sign3A_8 = arith.cmpi slt, %add3A_4, %sign3A_7 : i32
    %sign3A_9 = arith.extui %sign3A_8 : i1 to i32
    %sign3A_10 = arith.subi %sign3A_6, %sign3A_9 : i32
    %sign3A_11 = arith.constant 0 : i32
    %sign3A_12 = arith.cmpi sgt, %jit3A, %sign3A_11 : i32
    %sign3A_13 = arith.extui %sign3A_12 : i1 to i32
    %sign3A_14 = arith.constant 0 : i32
    %sign3A_15 = arith.cmpi slt, %jit3A, %sign3A_14 : i32
    %sign3A_16 = arith.extui %sign3A_15 : i1 to i32
    %sign3A_17 = arith.subi %sign3A_13, %sign3A_16 : i32
    %ne3A = arith.cmpi ne, %sign3A_10, %sign3A_17 : i32
    %rem3A = arith.remsi %add3A_4, %jit3A : i32
    %ne3A_18 = arith.constant 0 : i32
    %ne3A_19 = arith.cmpi ne, %rem3A, %ne3A_18 : i32
    %and3A = arith.andi %ne3A, %ne3A_19 : i1
    %sub3A = arith.constant 1 : i32
    %sub3A_20 = arith.subi %div3A, %sub3A : i32
    %select_n3A = arith.select %and3A, %sub3A_20, %div3A : i32
    %mul3A_21 = arith.constant 48 : i32
    %mul3A_22 = arith.muli %select_n3A, %mul3A_21 : i32
    %sub3A_23 = arith.subi %add3A_4, %mul3A_22 : i32
    "tpu.region"() ({
      %run_scoped3A = tpu.sem_alloc : memref<!tpu.dma_semaphore, #tpu.memory_space<semaphore_mem>>
      %dma_start3A = arith.constant 0 : i32
      %dma_start3A_928 = arith.constant 0 : i32
      %dma_start3A_929 = tpu.memref_slice %arg2[%select_n3A, %dma_start3A, %sub3A_23, %dma_start3A_928] : memref<2x150x48x384xf32, #tpu.memory_space<hbm>> -> memref<1x150x1x384xf32, #tpu.memory_space<hbm>>
      %dma_start3A_930 = tpu.memref_squeeze %dma_start3A_929 : memref<1x150x1x384xf32, #tpu.memory_space<hbm>> -> memref<150x384xf32, #tpu.memory_space<hbm>>
      %dma_start3A_931 = arith.constant 0 : i32
      %dma_start3A_932 = arith.constant 0 : i32
      %dma_start3A_933 = tpu.memref_slice %arg2[%select_n3A, %dma_start3A_931, %sub3A_23, %dma_start3A_932] : memref<2x150x48x384xf32, #tpu.memory_space<hbm>> -> memref<1x150x1x384xf32, #tpu.memory_space<hbm>>
      %dma_start3A_934 = tpu.memref_squeeze %dma_start3A_933 : memref<1x150x1x384xf32, #tpu.memory_space<hbm>> -> memref<150x384xf32, #tpu.memory_space<hbm>>
      tpu.enqueue_dma source(%dma_start3A_934 : memref<150x384xf32, #tpu.memory_space<hbm>>) target(%arg4 : memref<150x384xf32, #tpu.memory_space<vmem>>) target_semaphore(%run_scoped3A : memref<!tpu.dma_semaphore, #tpu.memory_space<semaphore_mem>>)
      %dma_wait3A = arith.constant 0 : i32
      %dma_wait3A_935 = arith.constant 0 : i32
      %dma_wait3A_936 = tpu.memref_slice %arg2[%select_n3A, %dma_wait3A, %sub3A_23, %dma_wait3A_935] : memref<2x150x48x384xf32, #tpu.memory_space<hbm>> -> memref<1x150x1x384xf32, #tpu.memory_space<hbm>>
      %dma_wait3A_937 = tpu.memref_squeeze %dma_wait3A_936 : memref<1x150x1x384xf32, #tpu.memory_space<hbm>> -> memref<150x384xf32, #tpu.memory_space<hbm>>
      %dma_wait3A_938 = arith.constant 0 : i32
      %dma_wait3A_939 = arith.constant 0 : i32
      %dma_wait3A_940 = tpu.memref_slice %arg2[%select_n3A, %dma_wait3A_938, %sub3A_23, %dma_wait3A_939] : memref<2x150x48x384xf32, #tpu.memory_space<hbm>> -> memref<1x150x1x384xf32, #tpu.memory_space<hbm>>
      %dma_wait3A_941 = tpu.memref_squeeze %dma_wait3A_940 : memref<1x150x1x384xf32, #tpu.memory_space<hbm>> -> memref<150x384xf32, #tpu.memory_space<hbm>>
      tpu.wait_dma2 semaphore(%run_scoped3A : memref<!tpu.dma_semaphore, #tpu.memory_space<semaphore_mem>>) src(%dma_wait3A_941 : memref<150x384xf32, #tpu.memory_space<hbm>>) dst(%arg4 : memref<150x384xf32, #tpu.memory_space<vmem>>)
      tpu.yield
    }) : () -> ()
    %get3A = arith.constant 0 : i32
    %get3A_24 = arith.index_cast %get3A : i32 to index
    %get3A_25 = arith.constant 0 : index
    %get3A_26 = tpu.vector_load %arg4[%get3A_24, %get3A_25] {strides = array<i32>} : memref<150x384xf32, #tpu.memory_space<vmem>>, vector<1x16xf32>,
    %get3A_27 = vector.shape_cast %get3A_26 : vector<1x16xf32> to vector<16xf32>
    %broadcast_in_dim3A = arith.constant 0 : i32
    %broadcast_in_dim3A_28 = vector.broadcast %broadcast_in_dim3A : i32 to vector<16xi32>
    %get3A_29 = arith.constant 0 : i32
    %get3A_30 = arith.index_cast %get3A_29 : i32 to index
    %get3A_31 = arith.constant 16 : index
    %get3A_32 = tpu.vector_load %arg4[%get3A_30, %get3A_31] {strides = array<i32>} : memref<150x384xf32, #tpu.memory_space<vmem>>, vector<1x16xf32>,
    %get3A_33 = vector.shape_cast %get3A_32 : vector<1x16xf32> to vector<16xf32>
    %broadcast_in_dim3A_34 = arith.constant 0 : i32
    %broadcast_in_dim3A_35 = vector.broadcast %broadcast_in_dim3A_34 : i32 to vector<16xi32>
    %get3A_36 = arith.constant 0 : i32
    %get3A_37 = arith.index_cast %get3A_36 : i32 to index
    %get3A_38 = arith.constant 32 : index
    %get3A_39 = tpu.vector_load %arg4[%get3A_37, %get3A_38] {strides = array<i32>} : memref<150x384xf32, #tpu.memory_space<vmem>>, vector<1x16xf32>,
    %get3A_40 = vector.shape_cast %get3A_39 : vector<1x16xf32> to vector<16xf32>
    %broadcast_in_dim3A_41 = arith.constant 0 : i32
    %broadcast_in_dim3A_42 = vector.broadcast %broadcast_in_dim3A_41 : i32 to vector<16xi32>
    %get3A_43 = arith.constant 0 : i32
    %get3A_44 = arith.index_cast %get3A_43 : i32 to index
    %get3A_45 = arith.constant 48 : index
    %get3A_46 = tpu.vector_load %arg4[%get3A_44, %get3A_45] {strides = array<i32>} : memref<150x384xf32, #tpu.memory_space<vmem>>, vector<1x16xf32>,
    %get3A_47 = vector.shape_cast %get3A_46 : vector<1x16xf32> to vector<16xf32>
    %broadcast_in_dim3A_48 = arith.constant 0 : i32
    %broadcast_in_dim3A_49 = vector.broadcast %broadcast_in_dim3A_48 : i32 to vector<16xi32>
    %get3A_50 = arith.constant 0 : i32
    %get3A_51 = arith.index_cast %get3A_50 : i32 to index
    %get3A_52 = arith.constant 64 : index
    %get3A_53 = tpu.vector_load %arg4[%get3A_51, %get3A_52] {strides = array<i32>} : memref<150x384xf32, #tpu.memory_space<vmem>>, vector<1x16xf32>,
    %get3A_54 = vector.shape_cast %get3A_53 : vector<1x16xf32> to vector<16xf32>
    %broadcast_in_dim3A_55 = arith.constant 0 : i32
    %broadcast_in_dim3A_56 = vector.broadcast %broadcast_in_dim3A_55 : i32 to vector<16xi32>
    %get3A_57 = arith.constant 0 : i32
    %get3A_58 = arith.index_cast %get3A_57 : i32 to index
    %get3A_59 = arith.constant 80 : index
    %get3A_60 = tpu.vector_load %arg4[%get3A_58, %get3A_59] {strides = array<i32>} : memref<150x384xf32, #tpu.memory_space<vmem>>, vector<1x16xf32>,
    %get3A_61 = vector.shape_cast %get3A_60 : vector<1x16xf32> to vector<16xf32>
    %broadcast_in_dim3A_62 = arith.constant 0 : i32
    %broadcast_in_dim3A_63 = vector.broadcast %broadcast_in_dim3A_62 : i32 to vector<16xi32>
    %get3A_64 = arith.constant 0 : i32
    %get3A_65 = arith.index_cast %get3A_64 : i32 to index
    %get3A_66 = arith.constant 96 : index
    %get3A_67 = tpu.vector_load %arg4[%get3A_65, %get3A_66] {strides = array<i32>} : memref<150x384xf32, #tpu.memory_space<vmem>>, vector<1x16xf32>,
    %get3A_68 = vector.shape_cast %get3A_67 : vector<1x16xf32> to vector<16xf32>
    %broadcast_in_dim3A_69 = arith.constant 0 : i32
    %broadcast_in_dim3A_70 = vector.broadcast %broadcast_in_dim3A_69 : i32 to vector<16xi32>
    %get3A_71 = arith.constant 0 : i32
    %get3A_72 = arith.index_cast %get3A_71 : i32 to index
    %get3A_73 = arith.constant 112 : index
    %get3A_74 = tpu.vector_load %arg4[%get3A_72, %get3A_73] {strides = array<i32>} : memref<150x384xf32, #tpu.memory_space<vmem>>, vector<1x16xf32>,
    %get3A_75 = vector.shape_cast %get3A_74 : vector<1x16xf32> to vector<16xf32>
    %broadcast_in_dim3A_76 = arith.constant 0 : i32
    %broadcast_in_dim3A_77 = vector.broadcast %broadcast_in_dim3A_76 : i32 to vector<16xi32>
    %scan3A = arith.constant 1 : i32
    %scan3A_78 = arith.constant 149 : i32
    %scan3A_79 = arith.addi %scan3A, %scan3A_78 : i32
    %scan3A_80 = arith.constant 1 : i32
    %scan3A_81:16 = scf.for %scan3A_928 = %scan3A to %scan3A_79 step %scan3A_80 iter_args(%scan3A_929 = %get3A_27, %scan3A_930 = %broadcast_in_dim3A_28, %scan3A_931 = %get3A_33, %scan3A_932 = %broadcast_in_dim3A_35, %scan3A_933 = %get3A_40, %scan3A_934 = %broadcast_in_dim3A_42, %scan3A_935 = %get3A_47, %scan3A_936 = %broadcast_in_dim3A_49, %scan3A_937 = %get3A_54, %scan3A_938 = %broadcast_in_dim3A_56, %scan3A_939 = %get3A_61, %scan3A_940 = %broadcast_in_dim3A_63, %scan3A_941 = %get3A_68, %scan3A_942 = %broadcast_in_dim3A_70, %scan3A_943 = %get3A_75, %scan3A_944 = %broadcast_in_dim3A_77) -> (vector<16xf32>, vector<16xi32>, vector<16xf32>, vector<16xi32>, vector<16xf32>, vector<16xi32>, vector<16xf32>, vector<16xi32>, vector<16xf32>, vector<16xi32>, vector<16xf32>, vector<16xi32>, vector<16xf32>, vector<16xi32>, vector<16xf32>, vector<16xi32>)  : i32 {
      %get3A_945 = arith.index_cast %scan3A_928 : i32 to index
      %get3A_946 = arith.constant 0 : index
      %get3A_947 = tpu.vector_load %arg4[%get3A_945, %get3A_946] {strides = array<i32>} : memref<150x384xf32, #tpu.memory_space<vmem>>, vector<1x16xf32>,
      %get3A_948 = vector.shape_cast %get3A_947 : vector<1x16xf32> to vector<16xf32>
      %gt3A = arith.cmpf ogt, %get3A_948, %scan3A_929 : vector<16xf32>
      %select_n3A_949 = arith.select %gt3A, %get3A_948, %scan3A_929 : vector<16xi1>, vector<16xf32>
      %broadcast_in_dim3A_950 = vector.broadcast %scan3A_928 : i32 to vector<16xi32>
      %select_n3A_951 = arith.select %gt3A, %broadcast_in_dim3A_950, %scan3A_930 : vector<16xi1>, vector<16xi32>
      %get3A_952 = arith.index_cast %scan3A_928 : i32 to index
      %get3A_953 = arith.constant 16 : index
      %get3A_954 = tpu.vector_load %arg4[%get3A_952, %get3A_953] {strides = array<i32>} : memref<150x384xf32, #tpu.memory_space<vmem>>, vector<1x16xf32>,
      %get3A_955 = vector.shape_cast %get3A_954 : vector<1x16xf32> to vector<16xf32>
      %gt3A_956 = arith.cmpf ogt, %get3A_955, %scan3A_931 : vector<16xf32>
      %select_n3A_957 = arith.select %gt3A_956, %get3A_955, %scan3A_931 : vector<16xi1>, vector<16xf32>
      %broadcast_in_dim3A_958 = vector.broadcast %scan3A_928 : i32 to vector<16xi32>
      %select_n3A_959 = arith.select %gt3A_956, %broadcast_in_dim3A_958, %scan3A_932 : vector<16xi1>, vector<16xi32>
      %get3A_960 = arith.index_cast %scan3A_928 : i32 to index
      %get3A_961 = arith.constant 32 : index
      %get3A_962 = tpu.vector_load %arg4[%get3A_960, %get3A_961] {strides = array<i32>} : memref<150x384xf32, #tpu.memory_space<vmem>>, vector<1x16xf32>,
      %get3A_963 = vector.shape_cast %get3A_962 : vector<1x16xf32> to vector<16xf32>
      %gt3A_964 = arith.cmpf ogt, %get3A_963, %scan3A_933 : vector<16xf32>
      %select_n3A_965 = arith.select %gt3A_964, %get3A_963, %scan3A_933 : vector<16xi1>, vector<16xf32>
      %broadcast_in_dim3A_966 = vector.broadcast %scan3A_928 : i32 to vector<16xi32>
      %select_n3A_967 = arith.select %gt3A_964, %broadcast_in_dim3A_966, %scan3A_934 : vector<16xi1>, vector<16xi32>
      %get3A_968 = arith.index_cast %scan3A_928 : i32 to index
      %get3A_969 = arith.constant 48 : index
      %get3A_970 = tpu.vector_load %arg4[%get3A_968, %get3A_969] {strides = array<i32>} : memref<150x384xf32, #tpu.memory_space<vmem>>, vector<1x16xf32>,
      %get3A_971 = vector.shape_cast %get3A_970 : vector<1x16xf32> to vector<16xf32>
      %gt3A_972 = arith.cmpf ogt, %get3A_971, %scan3A_935 : vector<16xf32>
      %select_n3A_973 = arith.select %gt3A_972, %get3A_971, %scan3A_935 : vector<16xi1>, vector<16xf32>
      %broadcast_in_dim3A_974 = vector.broadcast %scan3A_928 : i32 to vector<16xi32>
      %select_n3A_975 = arith.select %gt3A_972, %broadcast_in_dim3A_974, %scan3A_936 : vector<16xi1>, vector<16xi32>
      %get3A_976 = arith.index_cast %scan3A_928 : i32 to index
      %get3A_977 = arith.constant 64 : index
      %get3A_978 = tpu.vector_load %arg4[%get3A_976, %get3A_977] {strides = array<i32>} : memref<150x384xf32, #tpu.memory_space<vmem>>, vector<1x16xf32>,
      %get3A_979 = vector.shape_cast %get3A_978 : vector<1x16xf32> to vector<16xf32>
      %gt3A_980 = arith.cmpf ogt, %get3A_979, %scan3A_937 : vector<16xf32>
      %select_n3A_981 = arith.select %gt3A_980, %get3A_979, %scan3A_937 : vector<16xi1>, vector<16xf32>
      %broadcast_in_dim3A_982 = vector.broadcast %scan3A_928 : i32 to vector<16xi32>
      %select_n3A_983 = arith.select %gt3A_980, %broadcast_in_dim3A_982, %scan3A_938 : vector<16xi1>, vector<16xi32>
      %get3A_984 = arith.index_cast %scan3A_928 : i32 to index
      %get3A_985 = arith.constant 80 : index
      %get3A_986 = tpu.vector_load %arg4[%get3A_984, %get3A_985] {strides = array<i32>} : memref<150x384xf32, #tpu.memory_space<vmem>>, vector<1x16xf32>,
      %get3A_987 = vector.shape_cast %get3A_986 : vector<1x16xf32> to vector<16xf32>
      %gt3A_988 = arith.cmpf ogt, %get3A_987, %scan3A_939 : vector<16xf32>
      %select_n3A_989 = arith.select %gt3A_988, %get3A_987, %scan3A_939 : vector<16xi1>, vector<16xf32>
      %broadcast_in_dim3A_990 = vector.broadcast %scan3A_928 : i32 to vector<16xi32>
      %select_n3A_991 = arith.select %gt3A_988, %broadcast_in_dim3A_990, %scan3A_940 : vector<16xi1>, vector<16xi32>
      %get3A_992 = arith.index_cast %scan3A_928 : i32 to index
      %get3A_993 = arith.constant 96 : index
      %get3A_994 = tpu.vector_load %arg4[%get3A_992, %get3A_993] {strides = array<i32>} : memref<150x384xf32, #tpu.memory_space<vmem>>, vector<1x16xf32>,
      %get3A_995 = vector.shape_cast %get3A_994 : vector<1x16xf32> to vector<16xf32>
      %gt3A_996 = arith.cmpf ogt, %get3A_995, %scan3A_941 : vector<16xf32>
      %select_n3A_997 = arith.select %gt3A_996, %get3A_995, %scan3A_941 : vector<16xi1>, vector<16xf32>
      %broadcast_in_dim3A_998 = vector.broadcast %scan3A_928 : i32 to vector<16xi32>
      %select_n3A_999 = arith.select %gt3A_996, %broadcast_in_dim3A_998, %scan3A_942 : vector<16xi1>, vector<16xi32>
      %get3A_1000 = arith.index_cast %scan3A_928 : i32 to index
      %get3A_1001 = arith.constant 112 : index
      %get3A_1002 = tpu.vector_load %arg4[%get3A_1000, %get3A_1001] {strides = array<i32>} : memref<150x384xf32, #tpu.memory_space<vmem>>, vector<1x16xf32>,
      %get3A_1003 = vector.shape_cast %get3A_1002 : vector<1x16xf32> to vector<16xf32>
      %gt3A_1004 = arith.cmpf ogt, %get3A_1003, %scan3A_943 : vector<16xf32>
      %select_n3A_1005 = arith.select %gt3A_1004, %get3A_1003, %scan3A_943 : vector<16xi1>, vector<16xf32>
      %broadcast_in_dim3A_1006 = vector.broadcast %scan3A_928 : i32 to vector<16xi32>
      %select_n3A_1007 = arith.select %gt3A_1004, %broadcast_in_dim3A_1006, %scan3A_944 : vector<16xi1>, vector<16xi32>
      scf.yield %select_n3A_949, %select_n3A_951, %select_n3A_957, %select_n3A_959, %select_n3A_965, %select_n3A_967, %select_n3A_973, %select_n3A_975, %select_n3A_981, %select_n3A_983, %select_n3A_989, %select_n3A_991, %select_n3A_997, %select_n3A_999, %select_n3A_1005, %select_n3A_1007 : vector<16xf32>, vector<16xi32>, vector<16xf32>, vector<16xi32>, vector<16xf32>, vector<16xi32>, vector<16xf32>, vector<16xi32>, vector<16xf32>, vector<16xi32>, vector<16xf32>, vector<16xi32>, vector<16xf32>, vector<16xi32>, vector<16xf32>, vector<16xi32>
    }
    %scan3A_82 = arith.constant 149 : i32
    %swap3A = arith.constant 0 : index
    %swap3A_83 = tpu.vector_load %arg5[%swap3A] {strides = array<i32>} : memref<384xi32, #tpu.memory_space<vmem>>, vector<16xi32>,
    %swap3A_84 = vector.shape_cast %swap3A_83 : vector<16xi32> to vector<16xi32>
    %swap3A_85 = vector.shape_cast %scan3A_81#1 : vector<16xi32> to vector<16xi32>
    tpu.vector_store %arg5[%swap3A], %swap3A_85 {strides = array<i32>} : memref<384xi32, #tpu.memory_space<vmem>>, vector<16xi32>,
    %swap3A_86 = arith.constant 16 : index
    %swap3A_87 = tpu.vector_load %arg5[%swap3A_86] {strides = array<i32>} : memref<384xi32, #tpu.memory_space<vmem>>, vector<16xi32>,
    %swap3A_88 = vector.shape_cast %swap3A_87 : vector<16xi32> to vector<16xi32>
    %swap3A_89 = vector.shape_cast %scan3A_81#3 : vector<16xi32> to vector<16xi32>
    tpu.vector_store %arg5[%swap3A_86], %swap3A_89 {strides = array<i32>} : memref<384xi32, #tpu.memory_space<vmem>>, vector<16xi32>,
    %swap3A_90 = arith.constant 32 : index
    %swap3A_91 = tpu.vector_load %arg5[%swap3A_90] {strides = array<i32>} : memref<384xi32, #tpu.memory_space<vmem>>, vector<16xi32>,
    %swap3A_92 = vector.shape_cast %swap3A_91 : vector<16xi32> to vector<16xi32>
    %swap3A_93 = vector.shape_cast %scan3A_81#5 : vector<16xi32> to vector<16xi32>
    tpu.vector_store %arg5[%swap3A_90], %swap3A_93 {strides = array<i32>} : memref<384xi32, #tpu.memory_space<vmem>>, vector<16xi32>,
    %swap3A_94 = arith.constant 48 : index
    %swap3A_95 = tpu.vector_load %arg5[%swap3A_94] {strides = array<i32>} : memref<384xi32, #tpu.memory_space<vmem>>, vector<16xi32>,
    %swap3A_96 = vector.shape_cast %swap3A_95 : vector<16xi32> to vector<16xi32>
    %swap3A_97 = vector.shape_cast %scan3A_81#7 : vector<16xi32> to vector<16xi32>
    tpu.vector_store %arg5[%swap3A_94], %swap3A_97 {strides = array<i32>} : memref<384xi32, #tpu.memory_space<vmem>>, vector<16xi32>,
    %swap3A_98 = arith.constant 64 : index
    %swap3A_99 = tpu.vector_load %arg5[%swap3A_98] {strides = array<i32>} : memref<384xi32, #tpu.memory_space<vmem>>, vector<16xi32>,
    %swap3A_100 = vector.shape_cast %swap3A_99 : vector<16xi32> to vector<16xi32>
    %swap3A_101 = vector.shape_cast %scan3A_81#9 : vector<16xi32> to vector<16xi32>
    tpu.vector_store %arg5[%swap3A_98], %swap3A_101 {strides = array<i32>} : memref<384xi32, #tpu.memory_space<vmem>>, vector<16xi32>,
    %swap3A_102 = arith.constant 80 : index
    %swap3A_103 = tpu.vector_load %arg5[%swap3A_102] {strides = array<i32>} : memref<384xi32, #tpu.memory_space<vmem>>, vector<16xi32>,
    %swap3A_104 = vector.shape_cast %swap3A_103 : vector<16xi32> to vector<16xi32>
    %swap3A_105 = vector.shape_cast %scan3A_81#11 : vector<16xi32> to vector<16xi32>
    tpu.vector_store %arg5[%swap3A_102], %swap3A_105 {strides = array<i32>} : memref<384xi32, #tpu.memory_space<vmem>>, vector<16xi32>,
    %swap3A_106 = arith.constant 96 : index
    %swap3A_107 = tpu.vector_load %arg5[%swap3A_106] {strides = array<i32>} : memref<384xi32, #tpu.memory_space<vmem>>, vector<16xi32>,
    %swap3A_108 = vector.shape_cast %swap3A_107 : vector<16xi32> to vector<16xi32>
    %swap3A_109 = vector.shape_cast %scan3A_81#13 : vector<16xi32> to vector<16xi32>
    tpu.vector_store %arg5[%swap3A_106], %swap3A_109 {strides = array<i32>} : memref<384xi32, #tpu.memory_space<vmem>>, vector<16xi32>,
    %swap3A_110 = arith.constant 112 : index
    %swap3A_111 = tpu.vector_load %arg5[%swap3A_110] {strides = array<i32>} : memref<384xi32, #tpu.memory_space<vmem>>, vector<16xi32>,
    %swap3A_112 = vector.shape_cast %swap3A_111 : vector<16xi32> to vector<16xi32>
    %swap3A_113 = vector.shape_cast %scan3A_81#15 : vector<16xi32> to vector<16xi32>
    tpu.vector_store %arg5[%swap3A_110], %swap3A_113 {strides = array<i32>} : memref<384xi32, #tpu.memory_space<vmem>>, vector<16xi32>,
    %get3A_114 = arith.constant 0 : i32
    %get3A_115 = arith.index_cast %get3A_114 : i32 to index
    %get3A_116 = arith.constant 128 : index
    %get3A_117 = tpu.vector_load %arg4[%get3A_115, %get3A_116] {strides = array<i32>} : memref<150x384xf32, #tpu.memory_space<vmem>>, vector<1x16xf32>,
    %get3A_118 = vector.shape_cast %get3A_117 : vector<1x16xf32> to vector<16xf32>
    %broadcast_in_dim3A_119 = arith.constant 0 : i32
    %broadcast_in_dim3A_120 = vector.broadcast %broadcast_in_dim3A_119 : i32 to vector<16xi32>
    %get3A_121 = arith.constant 0 : i32
    %get3A_122 = arith.index_cast %get3A_121 : i32 to index
    %get3A_123 = arith.constant 144 : index
    %get3A_124 = tpu.vector_load %arg4[%get3A_122, %get3A_123] {strides = array<i32>} : memref<150x384xf32, #tpu.memory_space<vmem>>, vector<1x16xf32>,
    %get3A_125 = vector.shape_cast %get3A_124 : vector<1x16xf32> to vector<16xf32>
    %broadcast_in_dim3A_126 = arith.constant 0 : i32
    %broadcast_in_dim3A_127 = vector.broadcast %broadcast_in_dim3A_126 : i32 to vector<16xi32>
    %get3A_128 = arith.constant 0 : i32
    %get3A_129 = arith.index_cast %get3A_128 : i32 to index
    %get3A_130 = arith.constant 160 : index
    %get3A_131 = tpu.vector_load %arg4[%get3A_129, %get3A_130] {strides = array<i32>} : memref<150x384xf32, #tpu.memory_space<vmem>>, vector<1x16xf32>,
    %get3A_132 = vector.shape_cast %get3A_131 : vector<1x16xf32> to vector<16xf32>
    %broadcast_in_dim3A_133 = arith.constant 0 : i32
    %broadcast_in_dim3A_134 = vector.broadcast %broadcast_in_dim3A_133 : i32 to vector<16xi32>
    %get3A_135 = arith.constant 0 : i32
    %get3A_136 = arith.index_cast %get3A_135 : i32 to index
    %get3A_137 = arith.constant 176 : index
    %get3A_138 = tpu.vector_load %arg4[%get3A_136, %get3A_137] {strides = array<i32>} : memref<150x384xf32, #tpu.memory_space<vmem>>, vector<1x16xf32>,
    %get3A_139 = vector.shape_cast %get3A_138 : vector<1x16xf32> to vector<16xf32>
    %broadcast_in_dim3A_140 = arith.constant 0 : i32
    %broadcast_in_dim3A_141 = vector.broadcast %broadcast_in_dim3A_140 : i32 to vector<16xi32>
    %get3A_142 = arith.constant 0 : i32
    %get3A_143 = arith.index_cast %get3A_142 : i32 to index
    %get3A_144 = arith.constant 192 : index
    %get3A_145 = tpu.vector_load %arg4[%get3A_143, %get3A_144] {strides = array<i32>} : memref<150x384xf32, #tpu.memory_space<vmem>>, vector<1x16xf32>,
    %get3A_146 = vector.shape_cast %get3A_145 : vector<1x16xf32> to vector<16xf32>
    %broadcast_in_dim3A_147 = arith.constant 0 : i32
    %broadcast_in_dim3A_148 = vector.broadcast %broadcast_in_dim3A_147 : i32 to vector<16xi32>
    %get3A_149 = arith.constant 0 : i32
    %get3A_150 = arith.index_cast %get3A_149 : i32 to index
    %get3A_151 = arith.constant 208 : index
    %get3A_152 = tpu.vector_load %arg4[%get3A_150, %get3A_151] {strides = array<i32>} : memref<150x384xf32, #tpu.memory_space<vmem>>, vector<1x16xf32>,
    %get3A_153 = vector.shape_cast %get3A_152 : vector<1x16xf32> to vector<16xf32>
    %broadcast_in_dim3A_154 = arith.constant 0 : i32
    %broadcast_in_dim3A_155 = vector.broadcast %broadcast_in_dim3A_154 : i32 to vector<16xi32>
    %get3A_156 = arith.constant 0 : i32
    %get3A_157 = arith.index_cast %get3A_156 : i32 to index
    %get3A_158 = arith.constant 224 : index
    %get3A_159 = tpu.vector_load %arg4[%get3A_157, %get3A_158] {strides = array<i32>} : memref<150x384xf32, #tpu.memory_space<vmem>>, vector<1x16xf32>,
    %get3A_160 = vector.shape_cast %get3A_159 : vector<1x16xf32> to vector<16xf32>
    %broadcast_in_dim3A_161 = arith.constant 0 : i32
    %broadcast_in_dim3A_162 = vector.broadcast %broadcast_in_dim3A_161 : i32 to vector<16xi32>
    %get3A_163 = arith.constant 0 : i32
    %get3A_164 = arith.index_cast %get3A_163 : i32 to index
    %get3A_165 = arith.constant 240 : index
    %get3A_166 = tpu.vector_load %arg4[%get3A_164, %get3A_165] {strides = array<i32>} : memref<150x384xf32, #tpu.memory_space<vmem>>, vector<1x16xf32>,
    %get3A_167 = vector.shape_cast %get3A_166 : vector<1x16xf32> to vector<16xf32>
    %broadcast_in_dim3A_168 = arith.constant 0 : i32
    %broadcast_in_dim3A_169 = vector.broadcast %broadcast_in_dim3A_168 : i32 to vector<16xi32>
    %scan3A_170 = arith.constant 1 : i32
    %scan3A_171 = arith.constant 149 : i32
    %scan3A_172 = arith.addi %scan3A_170, %scan3A_171 : i32
    %scan3A_173 = arith.constant 1 : i32
    %scan3A_174:16 = scf.for %scan3A_928 = %scan3A_170 to %scan3A_172 step %scan3A_173 iter_args(%scan3A_929 = %get3A_118, %scan3A_930 = %broadcast_in_dim3A_120, %scan3A_931 = %get3A_125, %scan3A_932 = %broadcast_in_dim3A_127, %scan3A_933 = %get3A_132, %scan3A_934 = %broadcast_in_dim3A_134, %scan3A_935 = %get3A_139, %scan3A_936 = %broadcast_in_dim3A_141, %scan3A_937 = %get3A_146, %scan3A_938 = %broadcast_in_dim3A_148, %scan3A_939 = %get3A_153, %scan3A_940 = %broadcast_in_dim3A_155, %scan3A_941 = %get3A_160, %scan3A_942 = %broadcast_in_dim3A_162, %scan3A_943 = %get3A_167, %scan3A_944 = %broadcast_in_dim3A_169) -> (vector<16xf32>, vector<16xi32>, vector<16xf32>, vector<16xi32>, vector<16xf32>, vector<16xi32>, vector<16xf32>, vector<16xi32>, vector<16xf32>, vector<16xi32>, vector<16xf32>, vector<16xi32>, vector<16xf32>, vector<16xi32>, vector<16xf32>, vector<16xi32>)  : i32 {
      %get3A_945 = arith.index_cast %scan3A_928 : i32 to index
      %get3A_946 = arith.constant 128 : index
      %get3A_947 = tpu.vector_load %arg4[%get3A_945, %get3A_946] {strides = array<i32>} : memref<150x384xf32, #tpu.memory_space<vmem>>, vector<1x16xf32>,
      %get3A_948 = vector.shape_cast %get3A_947 : vector<1x16xf32> to vector<16xf32>
      %gt3A = arith.cmpf ogt, %get3A_948, %scan3A_929 : vector<16xf32>
      %select_n3A_949 = arith.select %gt3A, %get3A_948, %scan3A_929 : vector<16xi1>, vector<16xf32>
      %broadcast_in_dim3A_950 = vector.broadcast %scan3A_928 : i32 to vector<16xi32>
      %select_n3A_951 = arith.select %gt3A, %broadcast_in_dim3A_950, %scan3A_930 : vector<16xi1>, vector<16xi32>
      %get3A_952 = arith.index_cast %scan3A_928 : i32 to index
      %get3A_953 = arith.constant 144 : index
      %get3A_954 = tpu.vector_load %arg4[%get3A_952, %get3A_953] {strides = array<i32>} : memref<150x384xf32, #tpu.memory_space<vmem>>, vector<1x16xf32>,
      %get3A_955 = vector.shape_cast %get3A_954 : vector<1x16xf32> to vector<16xf32>
      %gt3A_956 = arith.cmpf ogt, %get3A_955, %scan3A_931 : vector<16xf32>
      %select_n3A_957 = arith.select %gt3A_956, %get3A_955, %scan3A_931 : vector<16xi1>, vector<16xf32>
      %broadcast_in_dim3A_958 = vector.broadcast %scan3A_928 : i32 to vector<16xi32>
      %select_n3A_959 = arith.select %gt3A_956, %broadcast_in_dim3A_958, %scan3A_932 : vector<16xi1>, vector<16xi32>
      %get3A_960 = arith.index_cast %scan3A_928 : i32 to index
      %get3A_961 = arith.constant 160 : index
      %get3A_962 = tpu.vector_load %arg4[%get3A_960, %get3A_961] {strides = array<i32>} : memref<150x384xf32, #tpu.memory_space<vmem>>, vector<1x16xf32>,
      %get3A_963 = vector.shape_cast %get3A_962 : vector<1x16xf32> to vector<16xf32>
      %gt3A_964 = arith.cmpf ogt, %get3A_963, %scan3A_933 : vector<16xf32>
      %select_n3A_965 = arith.select %gt3A_964, %get3A_963, %scan3A_933 : vector<16xi1>, vector<16xf32>
      %broadcast_in_dim3A_966 = vector.broadcast %scan3A_928 : i32 to vector<16xi32>
      %select_n3A_967 = arith.select %gt3A_964, %broadcast_in_dim3A_966, %scan3A_934 : vector<16xi1>, vector<16xi32>
      %get3A_968 = arith.index_cast %scan3A_928 : i32 to index
      %get3A_969 = arith.constant 176 : index
      %get3A_970 = tpu.vector_load %arg4[%get3A_968, %get3A_969] {strides = array<i32>} : memref<150x384xf32, #tpu.memory_space<vmem>>, vector<1x16xf32>,
      %get3A_971 = vector.shape_cast %get3A_970 : vector<1x16xf32> to vector<16xf32>
      %gt3A_972 = arith.cmpf ogt, %get3A_971, %scan3A_935 : vector<16xf32>
      %select_n3A_973 = arith.select %gt3A_972, %get3A_971, %scan3A_935 : vector<16xi1>, vector<16xf32>
      %broadcast_in_dim3A_974 = vector.broadcast %scan3A_928 : i32 to vector<16xi32>
      %select_n3A_975 = arith.select %gt3A_972, %broadcast_in_dim3A_974, %scan3A_936 : vector<16xi1>, vector<16xi32>
      %get3A_976 = arith.index_cast %scan3A_928 : i32 to index
      %get3A_977 = arith.constant 192 : index
      %get3A_978 = tpu.vector_load %arg4[%get3A_976, %get3A_977] {strides = array<i32>} : memref<150x384xf32, #tpu.memory_space<vmem>>, vector<1x16xf32>,
      %get3A_979 = vector.shape_cast %get3A_978 : vector<1x16xf32> to vector<16xf32>
      %gt3A_980 = arith.cmpf ogt, %get3A_979, %scan3A_937 : vector<16xf32>
      %select_n3A_981 = arith.select %gt3A_980, %get3A_979, %scan3A_937 : vector<16xi1>, vector<16xf32>
      %broadcast_in_dim3A_982 = vector.broadcast %scan3A_928 : i32 to vector<16xi32>
      %select_n3A_983 = arith.select %gt3A_980, %broadcast_in_dim3A_982, %scan3A_938 : vector<16xi1>, vector<16xi32>
      %get3A_984 = arith.index_cast %scan3A_928 : i32 to index
      %get3A_985 = arith.constant 208 : index
      %get3A_986 = tpu.vector_load %arg4[%get3A_984, %get3A_985] {strides = array<i32>} : memref<150x384xf32, #tpu.memory_space<vmem>>, vector<1x16xf32>,
      %get3A_987 = vector.shape_cast %get3A_986 : vector<1x16xf32> to vector<16xf32>
      %gt3A_988 = arith.cmpf ogt, %get3A_987, %scan3A_939 : vector<16xf32>
      %select_n3A_989 = arith.select %gt3A_988, %get3A_987, %scan3A_939 : vector<16xi1>, vector<16xf32>
      %broadcast_in_dim3A_990 = vector.broadcast %scan3A_928 : i32 to vector<16xi32>
      %select_n3A_991 = arith.select %gt3A_988, %broadcast_in_dim3A_990, %scan3A_940 : vector<16xi1>, vector<16xi32>
      %get3A_992 = arith.index_cast %scan3A_928 : i32 to index
      %get3A_993 = arith.constant 224 : index
      %get3A_994 = tpu.vector_load %arg4[%get3A_992, %get3A_993] {strides = array<i32>} : memref<150x384xf32, #tpu.memory_space<vmem>>, vector<1x16xf32>,
      %get3A_995 = vector.shape_cast %get3A_994 : vector<1x16xf32> to vector<16xf32>
      %gt3A_996 = arith.cmpf ogt, %get3A_995, %scan3A_941 : vector<16xf32>
      %select_n3A_997 = arith.select %gt3A_996, %get3A_995, %scan3A_941 : vector<16xi1>, vector<16xf32>
      %broadcast_in_dim3A_998 = vector.broadcast %scan3A_928 : i32 to vector<16xi32>
      %select_n3A_999 = arith.select %gt3A_996, %broadcast_in_dim3A_998, %scan3A_942 : vector<16xi1>, vector<16xi32>
      %get3A_1000 = arith.index_cast %scan3A_928 : i32 to index
      %get3A_1001 = arith.constant 240 : index
      %get3A_1002 = tpu.vector_load %arg4[%get3A_1000, %get3A_1001] {strides = array<i32>} : memref<150x384xf32, #tpu.memory_space<vmem>>, vector<1x16xf32>,
      %get3A_1003 = vector.shape_cast %get3A_1002 : vector<1x16xf32> to vector<16xf32>
      %gt3A_1004 = arith.cmpf ogt, %get3A_1003, %scan3A_943 : vector<16xf32>
      %select_n3A_1005 = arith.select %gt3A_1004, %get3A_1003, %scan3A_943 : vector<16xi1>, vector<16xf32>
      %broadcast_in_dim3A_1006 = vector.broadcast %scan3A_928 : i32 to vector<16xi32>
      %select_n3A_1007 = arith.select %gt3A_1004, %broadcast_in_dim3A_1006, %scan3A_944 : vector<16xi1>, vector<16xi32>
      scf.yield %select_n3A_949, %select_n3A_951, %select_n3A_957, %select_n3A_959, %select_n3A_965, %select_n3A_967, %select_n3A_973, %select_n3A_975, %select_n3A_981, %select_n3A_983, %select_n3A_989, %select_n3A_991, %select_n3A_997, %select_n3A_999, %select_n3A_1005, %select_n3A_1007 : vector<16xf32>, vector<16xi32>, vector<16xf32>, vector<16xi32>, vector<16xf32>, vector<16xi32>, vector<16xf32>, vector<16xi32>, vector<16xf32>, vector<16xi32>, vector<16xf32>, vector<16xi32>, vector<16xf32>, vector<16xi32>, vector<16xf32>, vector<16xi32>
    }
    %scan3A_175 = arith.constant 149 : i32
    %swap3A_176 = arith.constant 128 : index
    %swap3A_177 = tpu.vector_load %arg5[%swap3A_176] {strides = array<i32>} : memref<384xi32, #tpu.memory_space<vmem>>, vector<16xi32>,
    %swap3A_178 = vector.shape_cast %swap3A_177 : vector<16xi32> to vector<16xi32>
    %swap3A_179 = vector.shape_cast %scan3A_174#1 : vector<16xi32> to vector<16xi32>
    tpu.vector_store %arg5[%swap3A_176], %swap3A_179 {strides = array<i32>} : memref<384xi32, #tpu.memory_space<vmem>>, vector<16xi32>,
    %swap3A_180 = arith.constant 144 : index
    %swap3A_181 = tpu.vector_load %arg5[%swap3A_180] {strides = array<i32>} : memref<384xi32, #tpu.memory_space<vmem>>, vector<16xi32>,
    %swap3A_182 = vector.shape_cast %swap3A_181 : vector<16xi32> to vector<16xi32>
    %swap3A_183 = vector.shape_cast %scan3A_174#3 : vector<16xi32> to vector<16xi32>
    tpu.vector_store %arg5[%swap3A_180], %swap3A_183 {strides = array<i32>} : memref<384xi32, #tpu.memory_space<vmem>>, vector<16xi32>,
    %swap3A_184 = arith.constant 160 : index
    %swap3A_185 = tpu.vector_load %arg5[%swap3A_184] {strides = array<i32>} : memref<384xi32, #tpu.memory_space<vmem>>, vector<16xi32>,
    %swap3A_186 = vector.shape_cast %swap3A_185 : vector<16xi32> to vector<16xi32>
    %swap3A_187 = vector.shape_cast %scan3A_174#5 : vector<16xi32> to vector<16xi32>
    tpu.vector_store %arg5[%swap3A_184], %swap3A_187 {strides = array<i32>} : memref<384xi32, #tpu.memory_space<vmem>>, vector<16xi32>,
    %swap3A_188 = arith.constant 176 : index
    %swap3A_189 = tpu.vector_load %arg5[%swap3A_188] {strides = array<i32>} : memref<384xi32, #tpu.memory_space<vmem>>, vector<16xi32>,
    %swap3A_190 = vector.shape_cast %swap3A_189 : vector<16xi32> to vector<16xi32>
    %swap3A_191 = vector.shape_cast %scan3A_174#7 : vector<16xi32> to vector<16xi32>
    tpu.vector_store %arg5[%swap3A_188], %swap3A_191 {strides = array<i32>} : memref<384xi32, #tpu.memory_space<vmem>>, vector<16xi32>,
    %swap3A_192 = arith.constant 192 : index
    %swap3A_193 = tpu.vector_load %arg5[%swap3A_192] {strides = array<i32>} : memref<384xi32, #tpu.memory_space<vmem>>, vector<16xi32>,
    %swap3A_194 = vector.shape_cast %swap3A_193 : vector<16xi32> to vector<16xi32>
    %swap3A_195 = vector.shape_cast %scan3A_174#9 : vector<16xi32> to vector<16xi32>
    tpu.vector_store %arg5[%swap3A_192], %swap3A_195 {strides = array<i32>} : memref<384xi32, #tpu.memory_space<vmem>>, vector<16xi32>,
    %swap3A_196 = arith.constant 208 : index
    %swap3A_197 = tpu.vector_load %arg5[%swap3A_196] {strides = array<i32>} : memref<384xi32, #tpu.memory_space<vmem>>, vector<16xi32>,
    %swap3A_198 = vector.shape_cast %swap3A_197 : vector<16xi32> to vector<16xi32>
    %swap3A_199 = vector.shape_cast %scan3A_174#11 : vector<16xi32> to vector<16xi32>
    tpu.vector_store %arg5[%swap3A_196], %swap3A_199 {strides = array<i32>} : memref<384xi32, #tpu.memory_space<vmem>>, vector<16xi32>,
    %swap3A_200 = arith.constant 224 : index
    %swap3A_201 = tpu.vector_load %arg5[%swap3A_200] {strides = array<i32>} : memref<384xi32, #tpu.memory_space<vmem>>, vector<16xi32>,
    %swap3A_202 = vector.shape_cast %swap3A_201 : vector<16xi32> to vector<16xi32>
    %swap3A_203 = vector.shape_cast %scan3A_174#13 : vector<16xi32> to vector<16xi32>
    tpu.vector_store %arg5[%swap3A_200], %swap3A_203 {strides = array<i32>} : memref<384xi32, #tpu.memory_space<vmem>>, vector<16xi32>,
    %swap3A_204 = arith.constant 240 : index
    %swap3A_205 = tpu.vector_load %arg5[%swap3A_204] {strides = array<i32>} : memref<384xi32, #tpu.memory_space<vmem>>, vector<16xi32>,
    %swap3A_206 = vector.shape_cast %swap3A_205 : vector<16xi32> to vector<16xi32>
    %swap3A_207 = vector.shape_cast %scan3A_174#15 : vector<16xi32> to vector<16xi32>
    tpu.vector_store %arg5[%swap3A_204], %swap3A_207 {strides = array<i32>} : memref<384xi32, #tpu.memory_space<vmem>>, vector<16xi32>,
    %get3A_208 = arith.constant 0 : i32
    %get3A_209 = arith.index_cast %get3A_208 : i32 to index
    %get3A_210 = arith.constant 256 : index
    %get3A_211 = tpu.vector_load %arg4[%get3A_209, %get3A_210] {strides = array<i32>} : memref<150x384xf32, #tpu.memory_space<vmem>>, vector<1x16xf32>,
    %get3A_212 = vector.shape_cast %get3A_211 : vector<1x16xf32> to vector<16xf32>
    %broadcast_in_dim3A_213 = arith.constant 0 : i32
    %broadcast_in_dim3A_214 = vector.broadcast %broadcast_in_dim3A_213 : i32 to vector<16xi32>
    %get3A_215 = arith.constant 0 : i32
    %get3A_216 = arith.index_cast %get3A_215 : i32 to index
    %get3A_217 = arith.constant 272 : index
    %get3A_218 = tpu.vector_load %arg4[%get3A_216, %get3A_217] {strides = array<i32>} : memref<150x384xf32, #tpu.memory_space<vmem>>, vector<1x16xf32>,
    %get3A_219 = vector.shape_cast %get3A_218 : vector<1x16xf32> to vector<16xf32>
    %broadcast_in_dim3A_220 = arith.constant 0 : i32
    %broadcast_in_dim3A_221 = vector.broadcast %broadcast_in_dim3A_220 : i32 to vector<16xi32>
    %get3A_222 = arith.constant 0 : i32
    %get3A_223 = arith.index_cast %get3A_222 : i32 to index
    %get3A_224 = arith.constant 288 : index
    %get3A_225 = tpu.vector_load %arg4[%get3A_223, %get3A_224] {strides = array<i32>} : memref<150x384xf32, #tpu.memory_space<vmem>>, vector<1x16xf32>,
    %get3A_226 = vector.shape_cast %get3A_225 : vector<1x16xf32> to vector<16xf32>
    %broadcast_in_dim3A_227 = arith.constant 0 : i32
    %broadcast_in_dim3A_228 = vector.broadcast %broadcast_in_dim3A_227 : i32 to vector<16xi32>
    %get3A_229 = arith.constant 0 : i32
    %get3A_230 = arith.index_cast %get3A_229 : i32 to index
    %get3A_231 = arith.constant 304 : index
    %get3A_232 = tpu.vector_load %arg4[%get3A_230, %get3A_231] {strides = array<i32>} : memref<150x384xf32, #tpu.memory_space<vmem>>, vector<1x16xf32>,
    %get3A_233 = vector.shape_cast %get3A_232 : vector<1x16xf32> to vector<16xf32>
    %broadcast_in_dim3A_234 = arith.constant 0 : i32
    %broadcast_in_dim3A_235 = vector.broadcast %broadcast_in_dim3A_234 : i32 to vector<16xi32>
    %get3A_236 = arith.constant 0 : i32
    %get3A_237 = arith.index_cast %get3A_236 : i32 to index
    %get3A_238 = arith.constant 320 : index
    %get3A_239 = tpu.vector_load %arg4[%get3A_237, %get3A_238] {strides = array<i32>} : memref<150x384xf32, #tpu.memory_space<vmem>>, vector<1x16xf32>,
    %get3A_240 = vector.shape_cast %get3A_239 : vector<1x16xf32> to vector<16xf32>
    %broadcast_in_dim3A_241 = arith.constant 0 : i32
    %broadcast_in_dim3A_242 = vector.broadcast %broadcast_in_dim3A_241 : i32 to vector<16xi32>
    %get3A_243 = arith.constant 0 : i32
    %get3A_244 = arith.index_cast %get3A_243 : i32 to index
    %get3A_245 = arith.constant 336 : index
    %get3A_246 = tpu.vector_load %arg4[%get3A_244, %get3A_245] {strides = array<i32>} : memref<150x384xf32, #tpu.memory_space<vmem>>, vector<1x16xf32>,
    %get3A_247 = vector.shape_cast %get3A_246 : vector<1x16xf32> to vector<16xf32>
    %broadcast_in_dim3A_248 = arith.constant 0 : i32
    %broadcast_in_dim3A_249 = vector.broadcast %broadcast_in_dim3A_248 : i32 to vector<16xi32>
    %get3A_250 = arith.constant 0 : i32
    %get3A_251 = arith.index_cast %get3A_250 : i32 to index
    %get3A_252 = arith.constant 352 : index
    %get3A_253 = tpu.vector_load %arg4[%get3A_251, %get3A_252] {strides = array<i32>} : memref<150x384xf32, #tpu.memory_space<vmem>>, vector<1x16xf32>,
    %get3A_254 = vector.shape_cast %get3A_253 : vector<1x16xf32> to vector<16xf32>
    %broadcast_in_dim3A_255 = arith.constant 0 : i32
    %broadcast_in_dim3A_256 = vector.broadcast %broadcast_in_dim3A_255 : i32 to vector<16xi32>
    %get3A_257 = arith.constant 0 : i32
    %get3A_258 = arith.index_cast %get3A_257 : i32 to index
    %get3A_259 = arith.constant 368 : index
    %get3A_260 = tpu.vector_load %arg4[%get3A_258, %get3A_259] {strides = array<i32>} : memref<150x384xf32, #tpu.memory_space<vmem>>, vector<1x16xf32>,
    %get3A_261 = vector.shape_cast %get3A_260 : vector<1x16xf32> to vector<16xf32>
    %broadcast_in_dim3A_262 = arith.constant 0 : i32
    %broadcast_in_dim3A_263 = vector.broadcast %broadcast_in_dim3A_262 : i32 to vector<16xi32>
    %scan3A_264 = arith.constant 1 : i32
    %scan3A_265 = arith.constant 149 : i32
    %scan3A_266 = arith.addi %scan3A_264, %scan3A_265 : i32
    %scan3A_267 = arith.constant 1 : i32
    %scan3A_268:16 = scf.for %scan3A_928 = %scan3A_264 to %scan3A_266 step %scan3A_267 iter_args(%scan3A_929 = %get3A_212, %scan3A_930 = %broadcast_in_dim3A_214, %scan3A_931 = %get3A_219, %scan3A_932 = %broadcast_in_dim3A_221, %scan3A_933 = %get3A_226, %scan3A_934 = %broadcast_in_dim3A_228, %scan3A_935 = %get3A_233, %scan3A_936 = %broadcast_in_dim3A_235, %scan3A_937 = %get3A_240, %scan3A_938 = %broadcast_in_dim3A_242, %scan3A_939 = %get3A_247, %scan3A_940 = %broadcast_in_dim3A_249, %scan3A_941 = %get3A_254, %scan3A_942 = %broadcast_in_dim3A_256, %scan3A_943 = %get3A_261, %scan3A_944 = %broadcast_in_dim3A_263) -> (vector<16xf32>, vector<16xi32>, vector<16xf32>, vector<16xi32>, vector<16xf32>, vector<16xi32>, vector<16xf32>, vector<16xi32>, vector<16xf32>, vector<16xi32>, vector<16xf32>, vector<16xi32>, vector<16xf32>, vector<16xi32>, vector<16xf32>, vector<16xi32>)  : i32 {
      %get3A_945 = arith.index_cast %scan3A_928 : i32 to index
      %get3A_946 = arith.constant 256 : index
      %get3A_947 = tpu.vector_load %arg4[%get3A_945, %get3A_946] {strides = array<i32>} : memref<150x384xf32, #tpu.memory_space<vmem>>, vector<1x16xf32>,
      %get3A_948 = vector.shape_cast %get3A_947 : vector<1x16xf32> to vector<16xf32>
      %gt3A = arith.cmpf ogt, %get3A_948, %scan3A_929 : vector<16xf32>
      %select_n3A_949 = arith.select %gt3A, %get3A_948, %scan3A_929 : vector<16xi1>, vector<16xf32>
      %broadcast_in_dim3A_950 = vector.broadcast %scan3A_928 : i32 to vector<16xi32>
      %select_n3A_951 = arith.select %gt3A, %broadcast_in_dim3A_950, %scan3A_930 : vector<16xi1>, vector<16xi32>
      %get3A_952 = arith.index_cast %scan3A_928 : i32 to index
      %get3A_953 = arith.constant 272 : index
      %get3A_954 = tpu.vector_load %arg4[%get3A_952, %get3A_953] {strides = array<i32>} : memref<150x384xf32, #tpu.memory_space<vmem>>, vector<1x16xf32>,
      %get3A_955 = vector.shape_cast %get3A_954 : vector<1x16xf32> to vector<16xf32>
      %gt3A_956 = arith.cmpf ogt, %get3A_955, %scan3A_931 : vector<16xf32>
      %select_n3A_957 = arith.select %gt3A_956, %get3A_955, %scan3A_931 : vector<16xi1>, vector<16xf32>
      %broadcast_in_dim3A_958 = vector.broadcast %scan3A_928 : i32 to vector<16xi32>
      %select_n3A_959 = arith.select %gt3A_956, %broadcast_in_dim3A_958, %scan3A_932 : vector<16xi1>, vector<16xi32>
      %get3A_960 = arith.index_cast %scan3A_928 : i32 to index
      %get3A_961 = arith.constant 288 : index
      %get3A_962 = tpu.vector_load %arg4[%get3A_960, %get3A_961] {strides = array<i32>} : memref<150x384xf32, #tpu.memory_space<vmem>>, vector<1x16xf32>,
      %get3A_963 = vector.shape_cast %get3A_962 : vector<1x16xf32> to vector<16xf32>
      %gt3A_964 = arith.cmpf ogt, %get3A_963, %scan3A_933 : vector<16xf32>
      %select_n3A_965 = arith.select %gt3A_964, %get3A_963, %scan3A_933 : vector<16xi1>, vector<16xf32>
      %broadcast_in_dim3A_966 = vector.broadcast %scan3A_928 : i32 to vector<16xi32>
      %select_n3A_967 = arith.select %gt3A_964, %broadcast_in_dim3A_966, %scan3A_934 : vector<16xi1>, vector<16xi32>
      %get3A_968 = arith.index_cast %scan3A_928 : i32 to index
      %get3A_969 = arith.constant 304 : index
      %get3A_970 = tpu.vector_load %arg4[%get3A_968, %get3A_969] {strides = array<i32>} : memref<150x384xf32, #tpu.memory_space<vmem>>, vector<1x16xf32>,
      %get3A_971 = vector.shape_cast %get3A_970 : vector<1x16xf32> to vector<16xf32>
      %gt3A_972 = arith.cmpf ogt, %get3A_971, %scan3A_935 : vector<16xf32>
      %select_n3A_973 = arith.select %gt3A_972, %get3A_971, %scan3A_935 : vector<16xi1>, vector<16xf32>
      %broadcast_in_dim3A_974 = vector.broadcast %scan3A_928 : i32 to vector<16xi32>
      %select_n3A_975 = arith.select %gt3A_972, %broadcast_in_dim3A_974, %scan3A_936 : vector<16xi1>, vector<16xi32>
      %get3A_976 = arith.index_cast %scan3A_928 : i32 to index
      %get3A_977 = arith.constant 320 : index
      %get3A_978 = tpu.vector_load %arg4[%get3A_976, %get3A_977] {strides = array<i32>} : memref<150x384xf32, #tpu.memory_space<vmem>>, vector<1x16xf32>,
      %get3A_979 = vector.shape_cast %get3A_978 : vector<1x16xf32> to vector<16xf32>
      %gt3A_980 = arith.cmpf ogt, %get3A_979, %scan3A_937 : vector<16xf32>
      %select_n3A_981 = arith.select %gt3A_980, %get3A_979, %scan3A_937 : vector<16xi1>, vector<16xf32>
      %broadcast_in_dim3A_982 = vector.broadcast %scan3A_928 : i32 to vector<16xi32>
      %select_n3A_983 = arith.select %gt3A_980, %broadcast_in_dim3A_982, %scan3A_938 : vector<16xi1>, vector<16xi32>
      %get3A_984 = arith.index_cast %scan3A_928 : i32 to index
      %get3A_985 = arith.constant 336 : index
      %get3A_986 = tpu.vector_load %arg4[%get3A_984, %get3A_985] {strides = array<i32>} : memref<150x384xf32, #tpu.memory_space<vmem>>, vector<1x16xf32>,
      %get3A_987 = vector.shape_cast %get3A_986 : vector<1x16xf32> to vector<16xf32>
      %gt3A_988 = arith.cmpf ogt, %get3A_987, %scan3A_939 : vector<16xf32>
      %select_n3A_989 = arith.select %gt3A_988, %get3A_987, %scan3A_939 : vector<16xi1>, vector<16xf32>
      %broadcast_in_dim3A_990 = vector.broadcast %scan3A_928 : i32 to vector<16xi32>
      %select_n3A_991 = arith.select %gt3A_988, %broadcast_in_dim3A_990, %scan3A_940 : vector<16xi1>, vector<16xi32>
      %get3A_992 = arith.index_cast %scan3A_928 : i32 to index
      %get3A_993 = arith.constant 352 : index
      %get3A_994 = tpu.vector_load %arg4[%get3A_992, %get3A_993] {strides = array<i32>} : memref<150x384xf32, #tpu.memory_space<vmem>>, vector<1x16xf32>,
      %get3A_995 = vector.shape_cast %get3A_994 : vector<1x16xf32> to vector<16xf32>
      %gt3A_996 = arith.cmpf ogt, %get3A_995, %scan3A_941 : vector<16xf32>
      %select_n3A_997 = arith.select %gt3A_996, %get3A_995, %scan3A_941 : vector<16xi1>, vector<16xf32>
      %broadcast_in_dim3A_998 = vector.broadcast %scan3A_928 : i32 to vector<16xi32>
      %select_n3A_999 = arith.select %gt3A_996, %broadcast_in_dim3A_998, %scan3A_942 : vector<16xi1>, vector<16xi32>
      %get3A_1000 = arith.index_cast %scan3A_928 : i32 to index
      %get3A_1001 = arith.constant 368 : index
      %get3A_1002 = tpu.vector_load %arg4[%get3A_1000, %get3A_1001] {strides = array<i32>} : memref<150x384xf32, #tpu.memory_space<vmem>>, vector<1x16xf32>,
      %get3A_1003 = vector.shape_cast %get3A_1002 : vector<1x16xf32> to vector<16xf32>
      %gt3A_1004 = arith.cmpf ogt, %get3A_1003, %scan3A_943 : vector<16xf32>
      %select_n3A_1005 = arith.select %gt3A_1004, %get3A_1003, %scan3A_943 : vector<16xi1>, vector<16xf32>
      %broadcast_in_dim3A_1006 = vector.broadcast %scan3A_928 : i32 to vector<16xi32>
      %select_n3A_1007 = arith.select %gt3A_1004, %broadcast_in_dim3A_1006, %scan3A_944 : vector<16xi1>, vector<16xi32>
      scf.yield %select_n3A_949, %select_n3A_951, %select_n3A_957, %select_n3A_959, %select_n3A_965, %select_n3A_967, %select_n3A_973, %select_n3A_975, %select_n3A_981, %select_n3A_983, %select_n3A_989, %select_n3A_991, %select_n3A_997, %select_n3A_999, %select_n3A_1005, %select_n3A_1007 : vector<16xf32>, vector<16xi32>, vector<16xf32>, vector<16xi32>, vector<16xf32>, vector<16xi32>, vector<16xf32>, vector<16xi32>, vector<16xf32>, vector<16xi32>, vector<16xf32>, vector<16xi32>, vector<16xf32>, vector<16xi32>, vector<16xf32>, vector<16xi32>
    }
    %scan3A_269 = arith.constant 149 : i32
    %swap3A_270 = arith.constant 256 : index
    %swap3A_271 = tpu.vector_load %arg5[%swap3A_270] {strides = array<i32>} : memref<384xi32, #tpu.memory_space<vmem>>, vector<16xi32>,
    %swap3A_272 = vector.shape_cast %swap3A_271 : vector<16xi32> to vector<16xi32>
    %swap3A_273 = vector.shape_cast %scan3A_268#1 : vector<16xi32> to vector<16xi32>
    tpu.vector_store %arg5[%swap3A_270], %swap3A_273 {strides = array<i32>} : memref<384xi32, #tpu.memory_space<vmem>>, vector<16xi32>,
    %swap3A_274 = arith.constant 272 : index
    %swap3A_275 = tpu.vector_load %arg5[%swap3A_274] {strides = array<i32>} : memref<384xi32, #tpu.memory_space<vmem>>, vector<16xi32>,
    %swap3A_276 = vector.shape_cast %swap3A_275 : vector<16xi32> to vector<16xi32>
    %swap3A_277 = vector.shape_cast %scan3A_268#3 : vector<16xi32> to vector<16xi32>
    tpu.vector_store %arg5[%swap3A_274], %swap3A_277 {strides = array<i32>} : memref<384xi32, #tpu.memory_space<vmem>>, vector<16xi32>,
    %swap3A_278 = arith.constant 288 : index
    %swap3A_279 = tpu.vector_load %arg5[%swap3A_278] {strides = array<i32>} : memref<384xi32, #tpu.memory_space<vmem>>, vector<16xi32>,
    %swap3A_280 = vector.shape_cast %swap3A_279 : vector<16xi32> to vector<16xi32>
    %swap3A_281 = vector.shape_cast %scan3A_268#5 : vector<16xi32> to vector<16xi32>
    tpu.vector_store %arg5[%swap3A_278], %swap3A_281 {strides = array<i32>} : memref<384xi32, #tpu.memory_space<vmem>>, vector<16xi32>,
    %swap3A_282 = arith.constant 304 : index
    %swap3A_283 = tpu.vector_load %arg5[%swap3A_282] {strides = array<i32>} : memref<384xi32, #tpu.memory_space<vmem>>, vector<16xi32>,
    %swap3A_284 = vector.shape_cast %swap3A_283 : vector<16xi32> to vector<16xi32>
    %swap3A_285 = vector.shape_cast %scan3A_268#7 : vector<16xi32> to vector<16xi32>
    tpu.vector_store %arg5[%swap3A_282], %swap3A_285 {strides = array<i32>} : memref<384xi32, #tpu.memory_space<vmem>>, vector<16xi32>,
    %swap3A_286 = arith.constant 320 : index
    %swap3A_287 = tpu.vector_load %arg5[%swap3A_286] {strides = array<i32>} : memref<384xi32, #tpu.memory_space<vmem>>, vector<16xi32>,
    %swap3A_288 = vector.shape_cast %swap3A_287 : vector<16xi32> to vector<16xi32>
    %swap3A_289 = vector.shape_cast %scan3A_268#9 : vector<16xi32> to vector<16xi32>
    tpu.vector_store %arg5[%swap3A_286], %swap3A_289 {strides = array<i32>} : memref<384xi32, #tpu.memory_space<vmem>>, vector<16xi32>,
    %swap3A_290 = arith.constant 336 : index
    %swap3A_291 = tpu.vector_load %arg5[%swap3A_290] {strides = array<i32>} : memref<384xi32, #tpu.memory_space<vmem>>, vector<16xi32>,
    %swap3A_292 = vector.shape_cast %swap3A_291 : vector<16xi32> to vector<16xi32>
    %swap3A_293 = vector.shape_cast %scan3A_268#11 : vector<16xi32> to vector<16xi32>
    tpu.vector_store %arg5[%swap3A_290], %swap3A_293 {strides = array<i32>} : memref<384xi32, #tpu.memory_space<vmem>>, vector<16xi32>,
    %swap3A_294 = arith.constant 352 : index
    %swap3A_295 = tpu.vector_load %arg5[%swap3A_294] {strides = array<i32>} : memref<384xi32, #tpu.memory_space<vmem>>, vector<16xi32>,
    %swap3A_296 = vector.shape_cast %swap3A_295 : vector<16xi32> to vector<16xi32>
    %swap3A_297 = vector.shape_cast %scan3A_268#13 : vector<16xi32> to vector<16xi32>
    tpu.vector_store %arg5[%swap3A_294], %swap3A_297 {strides = array<i32>} : memref<384xi32, #tpu.memory_space<vmem>>, vector<16xi32>,
    %swap3A_298 = arith.constant 368 : index
    %swap3A_299 = tpu.vector_load %arg5[%swap3A_298] {strides = array<i32>} : memref<384xi32, #tpu.memory_space<vmem>>, vector<16xi32>,
    %swap3A_300 = vector.shape_cast %swap3A_299 : vector<16xi32> to vector<16xi32>
    %swap3A_301 = vector.shape_cast %scan3A_268#15 : vector<16xi32> to vector<16xi32>
    tpu.vector_store %arg5[%swap3A_298], %swap3A_301 {strides = array<i32>} : memref<384xi32, #tpu.memory_space<vmem>>, vector<16xi32>,
    "tpu.region"() ({
      %run_scoped3A = tpu.sem_alloc : memref<!tpu.dma_semaphore, #tpu.memory_space<semaphore_mem>>
      %dma_start3A = arith.constant 0 : i32
      %dma_start3A_928 = tpu.memref_slice %arg3[%select_n3A, %sub3A_23, %dma_start3A] : memref<2x48x384xi32, #tpu.memory_space<hbm>> -> memref<1x1x384xi32, #tpu.memory_space<hbm>>
      %dma_start3A_929 = tpu.memref_squeeze %dma_start3A_928 : memref<1x1x384xi32, #tpu.memory_space<hbm>> -> memref<384xi32, #tpu.memory_space<hbm>>
      %dma_start3A_930 = arith.constant 0 : i32
      %dma_start3A_931 = tpu.memref_slice %arg3[%select_n3A, %sub3A_23, %dma_start3A_930] : memref<2x48x384xi32, #tpu.memory_space<hbm>> -> memref<1x1x384xi32, #tpu.memory_space<hbm>>
      %dma_start3A_932 = tpu.memref_squeeze %dma_start3A_931 : memref<1x1x384xi32, #tpu.memory_space<hbm>> -> memref<384xi32, #tpu.memory_space<hbm>>
      tpu.enqueue_dma source(%arg5 : memref<384xi32, #tpu.memory_space<vmem>>) target(%dma_start3A_932 : memref<384xi32, #tpu.memory_space<hbm>>) target_semaphore(%run_scoped3A : memref<!tpu.dma_semaphore, #tpu.memory_space<semaphore_mem>>)
      %dma_wait3A = arith.constant 0 : i32
      %dma_wait3A_933 = tpu.memref_slice %arg3[%select_n3A, %sub3A_23, %dma_wait3A] : memref<2x48x384xi32, #tpu.memory_space<hbm>> -> memref<1x1x384xi32, #tpu.memory_space<hbm>>
      %dma_wait3A_934 = tpu.memref_squeeze %dma_wait3A_933 : memref<1x1x384xi32, #tpu.memory_space<hbm>> -> memref<384xi32, #tpu.memory_space<hbm>>
      %dma_wait3A_935 = arith.constant 0 : i32
      %dma_wait3A_936 = tpu.memref_slice %arg3[%select_n3A, %sub3A_23, %dma_wait3A_935] : memref<2x48x384xi32, #tpu.memory_space<hbm>> -> memref<1x1x384xi32, #tpu.memory_space<hbm>>
      %dma_wait3A_937 = tpu.memref_squeeze %dma_wait3A_936 : memref<1x1x384xi32, #tpu.memory_space<hbm>> -> memref<384xi32, #tpu.memory_space<hbm>>
      tpu.wait_dma2 semaphore(%run_scoped3A : memref<!tpu.dma_semaphore, #tpu.memory_space<semaphore_mem>>) src(%arg5 : memref<384xi32, #tpu.memory_space<vmem>>) dst(%dma_wait3A_937 : memref<384xi32, #tpu.memory_space<hbm>>)
      tpu.yield
    }) : () -> ()
    %mul3A_302 = arith.constant 3 : i32
    %mul3A_303 = arith.muli %add3A, %mul3A_302 : i32
    %add3A_304 = arith.constant 1 : i32
    %add3A_305 = arith.addi %mul3A_303, %add3A_304 : i32
    %jit3A_306 = arith.constant 48 : i32
    %div3A_307 = arith.divsi %add3A_305, %jit3A_306 : i32
    %sign3A_308 = arith.constant 0 : i32
    %sign3A_309 = arith.cmpi sgt, %add3A_305, %sign3A_308 : i32
    %sign3A_310 = arith.extui %sign3A_309 : i1 to i32
    %sign3A_311 = arith.constant 0 : i32
    %sign3A_312 = arith.cmpi slt, %add3A_305, %sign3A_311 : i32
    %sign3A_313 = arith.extui %sign3A_312 : i1 to i32
    %sign3A_314 = arith.subi %sign3A_310, %sign3A_313 : i32
    %sign3A_315 = arith.constant 0 : i32
    %sign3A_316 = arith.cmpi sgt, %jit3A_306, %sign3A_315 : i32
    %sign3A_317 = arith.extui %sign3A_316 : i1 to i32
    %sign3A_318 = arith.constant 0 : i32
    %sign3A_319 = arith.cmpi slt, %jit3A_306, %sign3A_318 : i32
    %sign3A_320 = arith.extui %sign3A_319 : i1 to i32
    %sign3A_321 = arith.subi %sign3A_317, %sign3A_320 : i32
    %ne3A_322 = arith.cmpi ne, %sign3A_314, %sign3A_321 : i32
    %rem3A_323 = arith.remsi %add3A_305, %jit3A_306 : i32
    %ne3A_324 = arith.constant 0 : i32
    %ne3A_325 = arith.cmpi ne, %rem3A_323, %ne3A_324 : i32
    %and3A_326 = arith.andi %ne3A_322, %ne3A_325 : i1
    %sub3A_327 = arith.constant 1 : i32
    %sub3A_328 = arith.subi %div3A_307, %sub3A_327 : i32
    %select_n3A_329 = arith.select %and3A_326, %sub3A_328, %div3A_307 : i32
    %mul3A_330 = arith.constant 48 : i32
    %mul3A_331 = arith.muli %select_n3A_329, %mul3A_330 : i32
    %sub3A_332 = arith.subi %add3A_305, %mul3A_331 : i32
    "tpu.region"() ({
      %run_scoped3A = tpu.sem_alloc : memref<!tpu.dma_semaphore, #tpu.memory_space<semaphore_mem>>
      %dma_start3A = arith.constant 0 : i32
      %dma_start3A_928 = arith.constant 0 : i32
      %dma_start3A_929 = tpu.memref_slice %arg2[%select_n3A_329, %dma_start3A, %sub3A_332, %dma_start3A_928] : memref<2x150x48x384xf32, #tpu.memory_space<hbm>> -> memref<1x150x1x384xf32, #tpu.memory_space<hbm>>
      %dma_start3A_930 = tpu.memref_squeeze %dma_start3A_929 : memref<1x150x1x384xf32, #tpu.memory_space<hbm>> -> memref<150x384xf32, #tpu.memory_space<hbm>>
      %dma_start3A_931 = arith.constant 0 : i32
      %dma_start3A_932 = arith.constant 0 : i32
      %dma_start3A_933 = tpu.memref_slice %arg2[%select_n3A_329, %dma_start3A_931, %sub3A_332, %dma_start3A_932] : memref<2x150x48x384xf32, #tpu.memory_space<hbm>> -> memref<1x150x1x384xf32, #tpu.memory_space<hbm>>
      %dma_start3A_934 = tpu.memref_squeeze %dma_start3A_933 : memref<1x150x1x384xf32, #tpu.memory_space<hbm>> -> memref<150x384xf32, #tpu.memory_space<hbm>>
      tpu.enqueue_dma source(%dma_start3A_934 : memref<150x384xf32, #tpu.memory_space<hbm>>) target(%arg4 : memref<150x384xf32, #tpu.memory_space<vmem>>) target_semaphore(%run_scoped3A : memref<!tpu.dma_semaphore, #tpu.memory_space<semaphore_mem>>)
      %dma_wait3A = arith.constant 0 : i32
      %dma_wait3A_935 = arith.constant 0 : i32
      %dma_wait3A_936 = tpu.memref_slice %arg2[%select_n3A_329, %dma_wait3A, %sub3A_332, %dma_wait3A_935] : memref<2x150x48x384xf32, #tpu.memory_space<hbm>> -> memref<1x150x1x384xf32, #tpu.memory_space<hbm>>
      %dma_wait3A_937 = tpu.memref_squeeze %dma_wait3A_936 : memref<1x150x1x384xf32, #tpu.memory_space<hbm>> -> memref<150x384xf32, #tpu.memory_space<hbm>>
      %dma_wait3A_938 = arith.constant 0 : i32
      %dma_wait3A_939 = arith.constant 0 : i32
      %dma_wait3A_940 = tpu.memref_slice %arg2[%select_n3A_329, %dma_wait3A_938, %sub3A_332, %dma_wait3A_939] : memref<2x150x48x384xf32, #tpu.memory_space<hbm>> -> memref<1x150x1x384xf32, #tpu.memory_space<hbm>>
      %dma_wait3A_941 = tpu.memref_squeeze %dma_wait3A_940 : memref<1x150x1x384xf32, #tpu.memory_space<hbm>> -> memref<150x384xf32, #tpu.memory_space<hbm>>
      tpu.wait_dma2 semaphore(%run_scoped3A : memref<!tpu.dma_semaphore, #tpu.memory_space<semaphore_mem>>) src(%dma_wait3A_941 : memref<150x384xf32, #tpu.memory_space<hbm>>) dst(%arg4 : memref<150x384xf32, #tpu.memory_space<vmem>>)
      tpu.yield
    }) : () -> ()
    %get3A_333 = arith.constant 0 : i32
    %get3A_334 = arith.index_cast %get3A_333 : i32 to index
    %get3A_335 = arith.constant 0 : index
    %get3A_336 = tpu.vector_load %arg4[%get3A_334, %get3A_335] {strides = array<i32>} : memref<150x384xf32, #tpu.memory_space<vmem>>, vector<1x16xf32>,
    %get3A_337 = vector.shape_cast %get3A_336 : vector<1x16xf32> to vector<16xf32>
    %broadcast_in_dim3A_338 = arith.constant 0 : i32
    %broadcast_in_dim3A_339 = vector.broadcast %broadcast_in_dim3A_338 : i32 to vector<16xi32>
    %get3A_340 = arith.constant 0 : i32
    %get3A_341 = arith.index_cast %get3A_340 : i32 to index
    %get3A_342 = arith.constant 16 : index
    %get3A_343 = tpu.vector_load %arg4[%get3A_341, %get3A_342] {strides = array<i32>} : memref<150x384xf32, #tpu.memory_space<vmem>>, vector<1x16xf32>,
    %get3A_344 = vector.shape_cast %get3A_343 : vector<1x16xf32> to vector<16xf32>
    %broadcast_in_dim3A_345 = arith.constant 0 : i32
    %broadcast_in_dim3A_346 = vector.broadcast %broadcast_in_dim3A_345 : i32 to vector<16xi32>
    %get3A_347 = arith.constant 0 : i32
    %get3A_348 = arith.index_cast %get3A_347 : i32 to index
    %get3A_349 = arith.constant 32 : index
    %get3A_350 = tpu.vector_load %arg4[%get3A_348, %get3A_349] {strides = array<i32>} : memref<150x384xf32, #tpu.memory_space<vmem>>, vector<1x16xf32>,
    %get3A_351 = vector.shape_cast %get3A_350 : vector<1x16xf32> to vector<16xf32>
    %broadcast_in_dim3A_352 = arith.constant 0 : i32
    %broadcast_in_dim3A_353 = vector.broadcast %broadcast_in_dim3A_352 : i32 to vector<16xi32>
    %get3A_354 = arith.constant 0 : i32
    %get3A_355 = arith.index_cast %get3A_354 : i32 to index
    %get3A_356 = arith.constant 48 : index
    %get3A_357 = tpu.vector_load %arg4[%get3A_355, %get3A_356] {strides = array<i32>} : memref<150x384xf32, #tpu.memory_space<vmem>>, vector<1x16xf32>,
    %get3A_358 = vector.shape_cast %get3A_357 : vector<1x16xf32> to vector<16xf32>
    %broadcast_in_dim3A_359 = arith.constant 0 : i32
    %broadcast_in_dim3A_360 = vector.broadcast %broadcast_in_dim3A_359 : i32 to vector<16xi32>
    %get3A_361 = arith.constant 0 : i32
    %get3A_362 = arith.index_cast %get3A_361 : i32 to index
    %get3A_363 = arith.constant 64 : index
    %get3A_364 = tpu.vector_load %arg4[%get3A_362, %get3A_363] {strides = array<i32>} : memref<150x384xf32, #tpu.memory_space<vmem>>, vector<1x16xf32>,
    %get3A_365 = vector.shape_cast %get3A_364 : vector<1x16xf32> to vector<16xf32>
    %broadcast_in_dim3A_366 = arith.constant 0 : i32
    %broadcast_in_dim3A_367 = vector.broadcast %broadcast_in_dim3A_366 : i32 to vector<16xi32>
    %get3A_368 = arith.constant 0 : i32
    %get3A_369 = arith.index_cast %get3A_368 : i32 to index
    %get3A_370 = arith.constant 80 : index
    %get3A_371 = tpu.vector_load %arg4[%get3A_369, %get3A_370] {strides = array<i32>} : memref<150x384xf32, #tpu.memory_space<vmem>>, vector<1x16xf32>,
    %get3A_372 = vector.shape_cast %get3A_371 : vector<1x16xf32> to vector<16xf32>
    %broadcast_in_dim3A_373 = arith.constant 0 : i32
    %broadcast_in_dim3A_374 = vector.broadcast %broadcast_in_dim3A_373 : i32 to vector<16xi32>
    %get3A_375 = arith.constant 0 : i32
    %get3A_376 = arith.index_cast %get3A_375 : i32 to index
    %get3A_377 = arith.constant 96 : index
    %get3A_378 = tpu.vector_load %arg4[%get3A_376, %get3A_377] {strides = array<i32>} : memref<150x384xf32, #tpu.memory_space<vmem>>, vector<1x16xf32>,
    %get3A_379 = vector.shape_cast %get3A_378 : vector<1x16xf32> to vector<16xf32>
    %broadcast_in_dim3A_380 = arith.constant 0 : i32
    %broadcast_in_dim3A_381 = vector.broadcast %broadcast_in_dim3A_380 : i32 to vector<16xi32>
    %get3A_382 = arith.constant 0 : i32
    %get3A_383 = arith.index_cast %get3A_382 : i32 to index
    %get3A_384 = arith.constant 112 : index
    %get3A_385 = tpu.vector_load %arg4[%get3A_383, %get3A_384] {strides = array<i32>} : memref<150x384xf32, #tpu.memory_space<vmem>>, vector<1x16xf32>,
    %get3A_386 = vector.shape_cast %get3A_385 : vector<1x16xf32> to vector<16xf32>
    %broadcast_in_dim3A_387 = arith.constant 0 : i32
    %broadcast_in_dim3A_388 = vector.broadcast %broadcast_in_dim3A_387 : i32 to vector<16xi32>
    %scan3A_389 = arith.constant 1 : i32
    %scan3A_390 = arith.constant 149 : i32
    %scan3A_391 = arith.addi %scan3A_389, %scan3A_390 : i32
    %scan3A_392 = arith.constant 1 : i32
    %scan3A_393:16 = scf.for %scan3A_928 = %scan3A_389 to %scan3A_391 step %scan3A_392 iter_args(%scan3A_929 = %get3A_337, %scan3A_930 = %broadcast_in_dim3A_339, %scan3A_931 = %get3A_344, %scan3A_932 = %broadcast_in_dim3A_346, %scan3A_933 = %get3A_351, %scan3A_934 = %broadcast_in_dim3A_353, %scan3A_935 = %get3A_358, %scan3A_936 = %broadcast_in_dim3A_360, %scan3A_937 = %get3A_365, %scan3A_938 = %broadcast_in_dim3A_367, %scan3A_939 = %get3A_372, %scan3A_940 = %broadcast_in_dim3A_374, %scan3A_941 = %get3A_379, %scan3A_942 = %broadcast_in_dim3A_381, %scan3A_943 = %get3A_386, %scan3A_944 = %broadcast_in_dim3A_388) -> (vector<16xf32>, vector<16xi32>, vector<16xf32>, vector<16xi32>, vector<16xf32>, vector<16xi32>, vector<16xf32>, vector<16xi32>, vector<16xf32>, vector<16xi32>, vector<16xf32>, vector<16xi32>, vector<16xf32>, vector<16xi32>, vector<16xf32>, vector<16xi32>)  : i32 {
      %get3A_945 = arith.index_cast %scan3A_928 : i32 to index
      %get3A_946 = arith.constant 0 : index
      %get3A_947 = tpu.vector_load %arg4[%get3A_945, %get3A_946] {strides = array<i32>} : memref<150x384xf32, #tpu.memory_space<vmem>>, vector<1x16xf32>,
      %get3A_948 = vector.shape_cast %get3A_947 : vector<1x16xf32> to vector<16xf32>
      %gt3A = arith.cmpf ogt, %get3A_948, %scan3A_929 : vector<16xf32>
      %select_n3A_949 = arith.select %gt3A, %get3A_948, %scan3A_929 : vector<16xi1>, vector<16xf32>
      %broadcast_in_dim3A_950 = vector.broadcast %scan3A_928 : i32 to vector<16xi32>
      %select_n3A_951 = arith.select %gt3A, %broadcast_in_dim3A_950, %scan3A_930 : vector<16xi1>, vector<16xi32>
      %get3A_952 = arith.index_cast %scan3A_928 : i32 to index
      %get3A_953 = arith.constant 16 : index
      %get3A_954 = tpu.vector_load %arg4[%get3A_952, %get3A_953] {strides = array<i32>} : memref<150x384xf32, #tpu.memory_space<vmem>>, vector<1x16xf32>,
      %get3A_955 = vector.shape_cast %get3A_954 : vector<1x16xf32> to vector<16xf32>
      %gt3A_956 = arith.cmpf ogt, %get3A_955, %scan3A_931 : vector<16xf32>
      %select_n3A_957 = arith.select %gt3A_956, %get3A_955, %scan3A_931 : vector<16xi1>, vector<16xf32>
      %broadcast_in_dim3A_958 = vector.broadcast %scan3A_928 : i32 to vector<16xi32>
      %select_n3A_959 = arith.select %gt3A_956, %broadcast_in_dim3A_958, %scan3A_932 : vector<16xi1>, vector<16xi32>
      %get3A_960 = arith.index_cast %scan3A_928 : i32 to index
      %get3A_961 = arith.constant 32 : index
      %get3A_962 = tpu.vector_load %arg4[%get3A_960, %get3A_961] {strides = array<i32>} : memref<150x384xf32, #tpu.memory_space<vmem>>, vector<1x16xf32>,
      %get3A_963 = vector.shape_cast %get3A_962 : vector<1x16xf32> to vector<16xf32>
      %gt3A_964 = arith.cmpf ogt, %get3A_963, %scan3A_933 : vector<16xf32>
      %select_n3A_965 = arith.select %gt3A_964, %get3A_963, %scan3A_933 : vector<16xi1>, vector<16xf32>
      %broadcast_in_dim3A_966 = vector.broadcast %scan3A_928 : i32 to vector<16xi32>
      %select_n3A_967 = arith.select %gt3A_964, %broadcast_in_dim3A_966, %scan3A_934 : vector<16xi1>, vector<16xi32>
      %get3A_968 = arith.index_cast %scan3A_928 : i32 to index
      %get3A_969 = arith.constant 48 : index
      %get3A_970 = tpu.vector_load %arg4[%get3A_968, %get3A_969] {strides = array<i32>} : memref<150x384xf32, #tpu.memory_space<vmem>>, vector<1x16xf32>,
      %get3A_971 = vector.shape_cast %get3A_970 : vector<1x16xf32> to vector<16xf32>
      %gt3A_972 = arith.cmpf ogt, %get3A_971, %scan3A_935 : vector<16xf32>
      %select_n3A_973 = arith.select %gt3A_972, %get3A_971, %scan3A_935 : vector<16xi1>, vector<16xf32>
      %broadcast_in_dim3A_974 = vector.broadcast %scan3A_928 : i32 to vector<16xi32>
      %select_n3A_975 = arith.select %gt3A_972, %broadcast_in_dim3A_974, %scan3A_936 : vector<16xi1>, vector<16xi32>
      %get3A_976 = arith.index_cast %scan3A_928 : i32 to index
      %get3A_977 = arith.constant 64 : index
      %get3A_978 = tpu.vector_load %arg4[%get3A_976, %get3A_977] {strides = array<i32>} : memref<150x384xf32, #tpu.memory_space<vmem>>, vector<1x16xf32>,
      %get3A_979 = vector.shape_cast %get3A_978 : vector<1x16xf32> to vector<16xf32>
      %gt3A_980 = arith.cmpf ogt, %get3A_979, %scan3A_937 : vector<16xf32>
      %select_n3A_981 = arith.select %gt3A_980, %get3A_979, %scan3A_937 : vector<16xi1>, vector<16xf32>
      %broadcast_in_dim3A_982 = vector.broadcast %scan3A_928 : i32 to vector<16xi32>
      %select_n3A_983 = arith.select %gt3A_980, %broadcast_in_dim3A_982, %scan3A_938 : vector<16xi1>, vector<16xi32>
      %get3A_984 = arith.index_cast %scan3A_928 : i32 to index
      %get3A_985 = arith.constant 80 : index
      %get3A_986 = tpu.vector_load %arg4[%get3A_984, %get3A_985] {strides = array<i32>} : memref<150x384xf32, #tpu.memory_space<vmem>>, vector<1x16xf32>,
      %get3A_987 = vector.shape_cast %get3A_986 : vector<1x16xf32> to vector<16xf32>
      %gt3A_988 = arith.cmpf ogt, %get3A_987, %scan3A_939 : vector<16xf32>
      %select_n3A_989 = arith.select %gt3A_988, %get3A_987, %scan3A_939 : vector<16xi1>, vector<16xf32>
      %broadcast_in_dim3A_990 = vector.broadcast %scan3A_928 : i32 to vector<16xi32>
      %select_n3A_991 = arith.select %gt3A_988, %broadcast_in_dim3A_990, %scan3A_940 : vector<16xi1>, vector<16xi32>
      %get3A_992 = arith.index_cast %scan3A_928 : i32 to index
      %get3A_993 = arith.constant 96 : index
      %get3A_994 = tpu.vector_load %arg4[%get3A_992, %get3A_993] {strides = array<i32>} : memref<150x384xf32, #tpu.memory_space<vmem>>, vector<1x16xf32>,
      %get3A_995 = vector.shape_cast %get3A_994 : vector<1x16xf32> to vector<16xf32>
      %gt3A_996 = arith.cmpf ogt, %get3A_995, %scan3A_941 : vector<16xf32>
      %select_n3A_997 = arith.select %gt3A_996, %get3A_995, %scan3A_941 : vector<16xi1>, vector<16xf32>
      %broadcast_in_dim3A_998 = vector.broadcast %scan3A_928 : i32 to vector<16xi32>
      %select_n3A_999 = arith.select %gt3A_996, %broadcast_in_dim3A_998, %scan3A_942 : vector<16xi1>, vector<16xi32>
      %get3A_1000 = arith.index_cast %scan3A_928 : i32 to index
      %get3A_1001 = arith.constant 112 : index
      %get3A_1002 = tpu.vector_load %arg4[%get3A_1000, %get3A_1001] {strides = array<i32>} : memref<150x384xf32, #tpu.memory_space<vmem>>, vector<1x16xf32>,
      %get3A_1003 = vector.shape_cast %get3A_1002 : vector<1x16xf32> to vector<16xf32>
      %gt3A_1004 = arith.cmpf ogt, %get3A_1003, %scan3A_943 : vector<16xf32>
      %select_n3A_1005 = arith.select %gt3A_1004, %get3A_1003, %scan3A_943 : vector<16xi1>, vector<16xf32>
      %broadcast_in_dim3A_1006 = vector.broadcast %scan3A_928 : i32 to vector<16xi32>
      %select_n3A_1007 = arith.select %gt3A_1004, %broadcast_in_dim3A_1006, %scan3A_944 : vector<16xi1>, vector<16xi32>
      scf.yield %select_n3A_949, %select_n3A_951, %select_n3A_957, %select_n3A_959, %select_n3A_965, %select_n3A_967, %select_n3A_973, %select_n3A_975, %select_n3A_981, %select_n3A_983, %select_n3A_989, %select_n3A_991, %select_n3A_997, %select_n3A_999, %select_n3A_1005, %select_n3A_1007 : vector<16xf32>, vector<16xi32>, vector<16xf32>, vector<16xi32>, vector<16xf32>, vector<16xi32>, vector<16xf32>, vector<16xi32>, vector<16xf32>, vector<16xi32>, vector<16xf32>, vector<16xi32>, vector<16xf32>, vector<16xi32>, vector<16xf32>, vector<16xi32>
    }
    %scan3A_394 = arith.constant 149 : i32
    %swap3A_395 = arith.constant 0 : index
    %swap3A_396 = tpu.vector_load %arg5[%swap3A_395] {strides = array<i32>} : memref<384xi32, #tpu.memory_space<vmem>>, vector<16xi32>,
    %swap3A_397 = vector.shape_cast %swap3A_396 : vector<16xi32> to vector<16xi32>
    %swap3A_398 = vector.shape_cast %scan3A_393#1 : vector<16xi32> to vector<16xi32>
    tpu.vector_store %arg5[%swap3A_395], %swap3A_398 {strides = array<i32>} : memref<384xi32, #tpu.memory_space<vmem>>, vector<16xi32>,
    %swap3A_399 = arith.constant 16 : index
    %swap3A_400 = tpu.vector_load %arg5[%swap3A_399] {strides = array<i32>} : memref<384xi32, #tpu.memory_space<vmem>>, vector<16xi32>,
    %swap3A_401 = vector.shape_cast %swap3A_400 : vector<16xi32> to vector<16xi32>
    %swap3A_402 = vector.shape_cast %scan3A_393#3 : vector<16xi32> to vector<16xi32>
    tpu.vector_store %arg5[%swap3A_399], %swap3A_402 {strides = array<i32>} : memref<384xi32, #tpu.memory_space<vmem>>, vector<16xi32>,
    %swap3A_403 = arith.constant 32 : index
    %swap3A_404 = tpu.vector_load %arg5[%swap3A_403] {strides = array<i32>} : memref<384xi32, #tpu.memory_space<vmem>>, vector<16xi32>,
    %swap3A_405 = vector.shape_cast %swap3A_404 : vector<16xi32> to vector<16xi32>
    %swap3A_406 = vector.shape_cast %scan3A_393#5 : vector<16xi32> to vector<16xi32>
    tpu.vector_store %arg5[%swap3A_403], %swap3A_406 {strides = array<i32>} : memref<384xi32, #tpu.memory_space<vmem>>, vector<16xi32>,
    %swap3A_407 = arith.constant 48 : index
    %swap3A_408 = tpu.vector_load %arg5[%swap3A_407] {strides = array<i32>} : memref<384xi32, #tpu.memory_space<vmem>>, vector<16xi32>,
    %swap3A_409 = vector.shape_cast %swap3A_408 : vector<16xi32> to vector<16xi32>
    %swap3A_410 = vector.shape_cast %scan3A_393#7 : vector<16xi32> to vector<16xi32>
    tpu.vector_store %arg5[%swap3A_407], %swap3A_410 {strides = array<i32>} : memref<384xi32, #tpu.memory_space<vmem>>, vector<16xi32>,
    %swap3A_411 = arith.constant 64 : index
    %swap3A_412 = tpu.vector_load %arg5[%swap3A_411] {strides = array<i32>} : memref<384xi32, #tpu.memory_space<vmem>>, vector<16xi32>,
    %swap3A_413 = vector.shape_cast %swap3A_412 : vector<16xi32> to vector<16xi32>
    %swap3A_414 = vector.shape_cast %scan3A_393#9 : vector<16xi32> to vector<16xi32>
    tpu.vector_store %arg5[%swap3A_411], %swap3A_414 {strides = array<i32>} : memref<384xi32, #tpu.memory_space<vmem>>, vector<16xi32>,
    %swap3A_415 = arith.constant 80 : index
    %swap3A_416 = tpu.vector_load %arg5[%swap3A_415] {strides = array<i32>} : memref<384xi32, #tpu.memory_space<vmem>>, vector<16xi32>,
    %swap3A_417 = vector.shape_cast %swap3A_416 : vector<16xi32> to vector<16xi32>
    %swap3A_418 = vector.shape_cast %scan3A_393#11 : vector<16xi32> to vector<16xi32>
    tpu.vector_store %arg5[%swap3A_415], %swap3A_418 {strides = array<i32>} : memref<384xi32, #tpu.memory_space<vmem>>, vector<16xi32>,
    %swap3A_419 = arith.constant 96 : index
    %swap3A_420 = tpu.vector_load %arg5[%swap3A_419] {strides = array<i32>} : memref<384xi32, #tpu.memory_space<vmem>>, vector<16xi32>,
    %swap3A_421 = vector.shape_cast %swap3A_420 : vector<16xi32> to vector<16xi32>
    %swap3A_422 = vector.shape_cast %scan3A_393#13 : vector<16xi32> to vector<16xi32>
    tpu.vector_store %arg5[%swap3A_419], %swap3A_422 {strides = array<i32>} : memref<384xi32, #tpu.memory_space<vmem>>, vector<16xi32>,
    %swap3A_423 = arith.constant 112 : index
    %swap3A_424 = tpu.vector_load %arg5[%swap3A_423] {strides = array<i32>} : memref<384xi32, #tpu.memory_space<vmem>>, vector<16xi32>,
    %swap3A_425 = vector.shape_cast %swap3A_424 : vector<16xi32> to vector<16xi32>
    %swap3A_426 = vector.shape_cast %scan3A_393#15 : vector<16xi32> to vector<16xi32>
    tpu.vector_store %arg5[%swap3A_423], %swap3A_426 {strides = array<i32>} : memref<384xi32, #tpu.memory_space<vmem>>, vector<16xi32>,
    %get3A_427 = arith.constant 0 : i32
    %get3A_428 = arith.index_cast %get3A_427 : i32 to index
    %get3A_429 = arith.constant 128 : index
    %get3A_430 = tpu.vector_load %arg4[%get3A_428, %get3A_429] {strides = array<i32>} : memref<150x384xf32, #tpu.memory_space<vmem>>, vector<1x16xf32>,
    %get3A_431 = vector.shape_cast %get3A_430 : vector<1x16xf32> to vector<16xf32>
    %broadcast_in_dim3A_432 = arith.constant 0 : i32
    %broadcast_in_dim3A_433 = vector.broadcast %broadcast_in_dim3A_432 : i32 to vector<16xi32>
    %get3A_434 = arith.constant 0 : i32
    %get3A_435 = arith.index_cast %get3A_434 : i32 to index
    %get3A_436 = arith.constant 144 : index
    %get3A_437 = tpu.vector_load %arg4[%get3A_435, %get3A_436] {strides = array<i32>} : memref<150x384xf32, #tpu.memory_space<vmem>>, vector<1x16xf32>,
    %get3A_438 = vector.shape_cast %get3A_437 : vector<1x16xf32> to vector<16xf32>
    %broadcast_in_dim3A_439 = arith.constant 0 : i32
    %broadcast_in_dim3A_440 = vector.broadcast %broadcast_in_dim3A_439 : i32 to vector<16xi32>
    %get3A_441 = arith.constant 0 : i32
    %get3A_442 = arith.index_cast %get3A_441 : i32 to index
    %get3A_443 = arith.constant 160 : index
    %get3A_444 = tpu.vector_load %arg4[%get3A_442, %get3A_443] {strides = array<i32>} : memref<150x384xf32, #tpu.memory_space<vmem>>, vector<1x16xf32>,
    %get3A_445 = vector.shape_cast %get3A_444 : vector<1x16xf32> to vector<16xf32>
    %broadcast_in_dim3A_446 = arith.constant 0 : i32
    %broadcast_in_dim3A_447 = vector.broadcast %broadcast_in_dim3A_446 : i32 to vector<16xi32>
    %get3A_448 = arith.constant 0 : i32
    %get3A_449 = arith.index_cast %get3A_448 : i32 to index
    %get3A_450 = arith.constant 176 : index
    %get3A_451 = tpu.vector_load %arg4[%get3A_449, %get3A_450] {strides = array<i32>} : memref<150x384xf32, #tpu.memory_space<vmem>>, vector<1x16xf32>,
    %get3A_452 = vector.shape_cast %get3A_451 : vector<1x16xf32> to vector<16xf32>
    %broadcast_in_dim3A_453 = arith.constant 0 : i32
    %broadcast_in_dim3A_454 = vector.broadcast %broadcast_in_dim3A_453 : i32 to vector<16xi32>
    %get3A_455 = arith.constant 0 : i32
    %get3A_456 = arith.index_cast %get3A_455 : i32 to index
    %get3A_457 = arith.constant 192 : index
    %get3A_458 = tpu.vector_load %arg4[%get3A_456, %get3A_457] {strides = array<i32>} : memref<150x384xf32, #tpu.memory_space<vmem>>, vector<1x16xf32>,
    %get3A_459 = vector.shape_cast %get3A_458 : vector<1x16xf32> to vector<16xf32>
    %broadcast_in_dim3A_460 = arith.constant 0 : i32
    %broadcast_in_dim3A_461 = vector.broadcast %broadcast_in_dim3A_460 : i32 to vector<16xi32>
    %get3A_462 = arith.constant 0 : i32
    %get3A_463 = arith.index_cast %get3A_462 : i32 to index
    %get3A_464 = arith.constant 208 : index
    %get3A_465 = tpu.vector_load %arg4[%get3A_463, %get3A_464] {strides = array<i32>} : memref<150x384xf32, #tpu.memory_space<vmem>>, vector<1x16xf32>,
    %get3A_466 = vector.shape_cast %get3A_465 : vector<1x16xf32> to vector<16xf32>
    %broadcast_in_dim3A_467 = arith.constant 0 : i32
    %broadcast_in_dim3A_468 = vector.broadcast %broadcast_in_dim3A_467 : i32 to vector<16xi32>
    %get3A_469 = arith.constant 0 : i32
    %get3A_470 = arith.index_cast %get3A_469 : i32 to index
    %get3A_471 = arith.constant 224 : index
    %get3A_472 = tpu.vector_load %arg4[%get3A_470, %get3A_471] {strides = array<i32>} : memref<150x384xf32, #tpu.memory_space<vmem>>, vector<1x16xf32>,
    %get3A_473 = vector.shape_cast %get3A_472 : vector<1x16xf32> to vector<16xf32>
    %broadcast_in_dim3A_474 = arith.constant 0 : i32
    %broadcast_in_dim3A_475 = vector.broadcast %broadcast_in_dim3A_474 : i32 to vector<16xi32>
    %get3A_476 = arith.constant 0 : i32
    %get3A_477 = arith.index_cast %get3A_476 : i32 to index
    %get3A_478 = arith.constant 240 : index
    %get3A_479 = tpu.vector_load %arg4[%get3A_477, %get3A_478] {strides = array<i32>} : memref<150x384xf32, #tpu.memory_space<vmem>>, vector<1x16xf32>,
    %get3A_480 = vector.shape_cast %get3A_479 : vector<1x16xf32> to vector<16xf32>
    %broadcast_in_dim3A_481 = arith.constant 0 : i32
    %broadcast_in_dim3A_482 = vector.broadcast %broadcast_in_dim3A_481 : i32 to vector<16xi32>
    %scan3A_483 = arith.constant 1 : i32
    %scan3A_484 = arith.constant 149 : i32
    %scan3A_485 = arith.addi %scan3A_483, %scan3A_484 : i32
    %scan3A_486 = arith.constant 1 : i32
    %scan3A_487:16 = scf.for %scan3A_928 = %scan3A_483 to %scan3A_485 step %scan3A_486 iter_args(%scan3A_929 = %get3A_431, %scan3A_930 = %broadcast_in_dim3A_433, %scan3A_931 = %get3A_438, %scan3A_932 = %broadcast_in_dim3A_440, %scan3A_933 = %get3A_445, %scan3A_934 = %broadcast_in_dim3A_447, %scan3A_935 = %get3A_452, %scan3A_936 = %broadcast_in_dim3A_454, %scan3A_937 = %get3A_459, %scan3A_938 = %broadcast_in_dim3A_461, %scan3A_939 = %get3A_466, %scan3A_940 = %broadcast_in_dim3A_468, %scan3A_941 = %get3A_473, %scan3A_942 = %broadcast_in_dim3A_475, %scan3A_943 = %get3A_480, %scan3A_944 = %broadcast_in_dim3A_482) -> (vector<16xf32>, vector<16xi32>, vector<16xf32>, vector<16xi32>, vector<16xf32>, vector<16xi32>, vector<16xf32>, vector<16xi32>, vector<16xf32>, vector<16xi32>, vector<16xf32>, vector<16xi32>, vector<16xf32>, vector<16xi32>, vector<16xf32>, vector<16xi32>)  : i32 {
      %get3A_945 = arith.index_cast %scan3A_928 : i32 to index
      %get3A_946 = arith.constant 128 : index
      %get3A_947 = tpu.vector_load %arg4[%get3A_945, %get3A_946] {strides = array<i32>} : memref<150x384xf32, #tpu.memory_space<vmem>>, vector<1x16xf32>,
      %get3A_948 = vector.shape_cast %get3A_947 : vector<1x16xf32> to vector<16xf32>
      %gt3A = arith.cmpf ogt, %get3A_948, %scan3A_929 : vector<16xf32>
      %select_n3A_949 = arith.select %gt3A, %get3A_948, %scan3A_929 : vector<16xi1>, vector<16xf32>
      %broadcast_in_dim3A_950 = vector.broadcast %scan3A_928 : i32 to vector<16xi32>
      %select_n3A_951 = arith.select %gt3A, %broadcast_in_dim3A_950, %scan3A_930 : vector<16xi1>, vector<16xi32>
      %get3A_952 = arith.index_cast %scan3A_928 : i32 to index
      %get3A_953 = arith.constant 144 : index
      %get3A_954 = tpu.vector_load %arg4[%get3A_952, %get3A_953] {strides = array<i32>} : memref<150x384xf32, #tpu.memory_space<vmem>>, vector<1x16xf32>,
      %get3A_955 = vector.shape_cast %get3A_954 : vector<1x16xf32> to vector<16xf32>
      %gt3A_956 = arith.cmpf ogt, %get3A_955, %scan3A_931 : vector<16xf32>
      %select_n3A_957 = arith.select %gt3A_956, %get3A_955, %scan3A_931 : vector<16xi1>, vector<16xf32>
      %broadcast_in_dim3A_958 = vector.broadcast %scan3A_928 : i32 to vector<16xi32>
      %select_n3A_959 = arith.select %gt3A_956, %broadcast_in_dim3A_958, %scan3A_932 : vector<16xi1>, vector<16xi32>
      %get3A_960 = arith.index_cast %scan3A_928 : i32 to index
      %get3A_961 = arith.constant 160 : index
      %get3A_962 = tpu.vector_load %arg4[%get3A_960, %get3A_961] {strides = array<i32>} : memref<150x384xf32, #tpu.memory_space<vmem>>, vector<1x16xf32>,
      %get3A_963 = vector.shape_cast %get3A_962 : vector<1x16xf32> to vector<16xf32>
      %gt3A_964 = arith.cmpf ogt, %get3A_963, %scan3A_933 : vector<16xf32>
      %select_n3A_965 = arith.select %gt3A_964, %get3A_963, %scan3A_933 : vector<16xi1>, vector<16xf32>
      %broadcast_in_dim3A_966 = vector.broadcast %scan3A_928 : i32 to vector<16xi32>
      %select_n3A_967 = arith.select %gt3A_964, %broadcast_in_dim3A_966, %scan3A_934 : vector<16xi1>, vector<16xi32>
      %get3A_968 = arith.index_cast %scan3A_928 : i32 to index
      %get3A_969 = arith.constant 176 : index
      %get3A_970 = tpu.vector_load %arg4[%get3A_968, %get3A_969] {strides = array<i32>} : memref<150x384xf32, #tpu.memory_space<vmem>>, vector<1x16xf32>,
      %get3A_971 = vector.shape_cast %get3A_970 : vector<1x16xf32> to vector<16xf32>
      %gt3A_972 = arith.cmpf ogt, %get3A_971, %scan3A_935 : vector<16xf32>
      %select_n3A_973 = arith.select %gt3A_972, %get3A_971, %scan3A_935 : vector<16xi1>, vector<16xf32>
      %broadcast_in_dim3A_974 = vector.broadcast %scan3A_928 : i32 to vector<16xi32>
      %select_n3A_975 = arith.select %gt3A_972, %broadcast_in_dim3A_974, %scan3A_936 : vector<16xi1>, vector<16xi32>
      %get3A_976 = arith.index_cast %scan3A_928 : i32 to index
      %get3A_977 = arith.constant 192 : index
      %get3A_978 = tpu.vector_load %arg4[%get3A_976, %get3A_977] {strides = array<i32>} : memref<150x384xf32, #tpu.memory_space<vmem>>, vector<1x16xf32>,
      %get3A_979 = vector.shape_cast %get3A_978 : vector<1x16xf32> to vector<16xf32>
      %gt3A_980 = arith.cmpf ogt, %get3A_979, %scan3A_937 : vector<16xf32>
      %select_n3A_981 = arith.select %gt3A_980, %get3A_979, %scan3A_937 : vector<16xi1>, vector<16xf32>
      %broadcast_in_dim3A_982 = vector.broadcast %scan3A_928 : i32 to vector<16xi32>
      %select_n3A_983 = arith.select %gt3A_980, %broadcast_in_dim3A_982, %scan3A_938 : vector<16xi1>, vector<16xi32>
      %get3A_984 = arith.index_cast %scan3A_928 : i32 to index
      %get3A_985 = arith.constant 208 : index
      %get3A_986 = tpu.vector_load %arg4[%get3A_984, %get3A_985] {strides = array<i32>} : memref<150x384xf32, #tpu.memory_space<vmem>>, vector<1x16xf32>,
      %get3A_987 = vector.shape_cast %get3A_986 : vector<1x16xf32> to vector<16xf32>
      %gt3A_988 = arith.cmpf ogt, %get3A_987, %scan3A_939 : vector<16xf32>
      %select_n3A_989 = arith.select %gt3A_988, %get3A_987, %scan3A_939 : vector<16xi1>, vector<16xf32>
      %broadcast_in_dim3A_990 = vector.broadcast %scan3A_928 : i32 to vector<16xi32>
      %select_n3A_991 = arith.select %gt3A_988, %broadcast_in_dim3A_990, %scan3A_940 : vector<16xi1>, vector<16xi32>
      %get3A_992 = arith.index_cast %scan3A_928 : i32 to index
      %get3A_993 = arith.constant 224 : index
      %get3A_994 = tpu.vector_load %arg4[%get3A_992, %get3A_993] {strides = array<i32>} : memref<150x384xf32, #tpu.memory_space<vmem>>, vector<1x16xf32>,
      %get3A_995 = vector.shape_cast %get3A_994 : vector<1x16xf32> to vector<16xf32>
      %gt3A_996 = arith.cmpf ogt, %get3A_995, %scan3A_941 : vector<16xf32>
      %select_n3A_997 = arith.select %gt3A_996, %get3A_995, %scan3A_941 : vector<16xi1>, vector<16xf32>
      %broadcast_in_dim3A_998 = vector.broadcast %scan3A_928 : i32 to vector<16xi32>
      %select_n3A_999 = arith.select %gt3A_996, %broadcast_in_dim3A_998, %scan3A_942 : vector<16xi1>, vector<16xi32>
      %get3A_1000 = arith.index_cast %scan3A_928 : i32 to index
      %get3A_1001 = arith.constant 240 : index
      %get3A_1002 = tpu.vector_load %arg4[%get3A_1000, %get3A_1001] {strides = array<i32>} : memref<150x384xf32, #tpu.memory_space<vmem>>, vector<1x16xf32>,
      %get3A_1003 = vector.shape_cast %get3A_1002 : vector<1x16xf32> to vector<16xf32>
      %gt3A_1004 = arith.cmpf ogt, %get3A_1003, %scan3A_943 : vector<16xf32>
      %select_n3A_1005 = arith.select %gt3A_1004, %get3A_1003, %scan3A_943 : vector<16xi1>, vector<16xf32>
      %broadcast_in_dim3A_1006 = vector.broadcast %scan3A_928 : i32 to vector<16xi32>
      %select_n3A_1007 = arith.select %gt3A_1004, %broadcast_in_dim3A_1006, %scan3A_944 : vector<16xi1>, vector<16xi32>
      scf.yield %select_n3A_949, %select_n3A_951, %select_n3A_957, %select_n3A_959, %select_n3A_965, %select_n3A_967, %select_n3A_973, %select_n3A_975, %select_n3A_981, %select_n3A_983, %select_n3A_989, %select_n3A_991, %select_n3A_997, %select_n3A_999, %select_n3A_1005, %select_n3A_1007 : vector<16xf32>, vector<16xi32>, vector<16xf32>, vector<16xi32>, vector<16xf32>, vector<16xi32>, vector<16xf32>, vector<16xi32>, vector<16xf32>, vector<16xi32>, vector<16xf32>, vector<16xi32>, vector<16xf32>, vector<16xi32>, vector<16xf32>, vector<16xi32>
    }
    %scan3A_488 = arith.constant 149 : i32
    %swap3A_489 = arith.constant 128 : index
    %swap3A_490 = tpu.vector_load %arg5[%swap3A_489] {strides = array<i32>} : memref<384xi32, #tpu.memory_space<vmem>>, vector<16xi32>,
    %swap3A_491 = vector.shape_cast %swap3A_490 : vector<16xi32> to vector<16xi32>
    %swap3A_492 = vector.shape_cast %scan3A_487#1 : vector<16xi32> to vector<16xi32>
    tpu.vector_store %arg5[%swap3A_489], %swap3A_492 {strides = array<i32>} : memref<384xi32, #tpu.memory_space<vmem>>, vector<16xi32>,
    %swap3A_493 = arith.constant 144 : index
    %swap3A_494 = tpu.vector_load %arg5[%swap3A_493] {strides = array<i32>} : memref<384xi32, #tpu.memory_space<vmem>>, vector<16xi32>,
    %swap3A_495 = vector.shape_cast %swap3A_494 : vector<16xi32> to vector<16xi32>
    %swap3A_496 = vector.shape_cast %scan3A_487#3 : vector<16xi32> to vector<16xi32>
    tpu.vector_store %arg5[%swap3A_493], %swap3A_496 {strides = array<i32>} : memref<384xi32, #tpu.memory_space<vmem>>, vector<16xi32>,
    %swap3A_497 = arith.constant 160 : index
    %swap3A_498 = tpu.vector_load %arg5[%swap3A_497] {strides = array<i32>} : memref<384xi32, #tpu.memory_space<vmem>>, vector<16xi32>,
    %swap3A_499 = vector.shape_cast %swap3A_498 : vector<16xi32> to vector<16xi32>
    %swap3A_500 = vector.shape_cast %scan3A_487#5 : vector<16xi32> to vector<16xi32>
    tpu.vector_store %arg5[%swap3A_497], %swap3A_500 {strides = array<i32>} : memref<384xi32, #tpu.memory_space<vmem>>, vector<16xi32>,
    %swap3A_501 = arith.constant 176 : index
    %swap3A_502 = tpu.vector_load %arg5[%swap3A_501] {strides = array<i32>} : memref<384xi32, #tpu.memory_space<vmem>>, vector<16xi32>,
    %swap3A_503 = vector.shape_cast %swap3A_502 : vector<16xi32> to vector<16xi32>
    %swap3A_504 = vector.shape_cast %scan3A_487#7 : vector<16xi32> to vector<16xi32>
    tpu.vector_store %arg5[%swap3A_501], %swap3A_504 {strides = array<i32>} : memref<384xi32, #tpu.memory_space<vmem>>, vector<16xi32>,
    %swap3A_505 = arith.constant 192 : index
    %swap3A_506 = tpu.vector_load %arg5[%swap3A_505] {strides = array<i32>} : memref<384xi32, #tpu.memory_space<vmem>>, vector<16xi32>,
    %swap3A_507 = vector.shape_cast %swap3A_506 : vector<16xi32> to vector<16xi32>
    %swap3A_508 = vector.shape_cast %scan3A_487#9 : vector<16xi32> to vector<16xi32>
    tpu.vector_store %arg5[%swap3A_505], %swap3A_508 {strides = array<i32>} : memref<384xi32, #tpu.memory_space<vmem>>, vector<16xi32>,
    %swap3A_509 = arith.constant 208 : index
    %swap3A_510 = tpu.vector_load %arg5[%swap3A_509] {strides = array<i32>} : memref<384xi32, #tpu.memory_space<vmem>>, vector<16xi32>,
    %swap3A_511 = vector.shape_cast %swap3A_510 : vector<16xi32> to vector<16xi32>
    %swap3A_512 = vector.shape_cast %scan3A_487#11 : vector<16xi32> to vector<16xi32>
    tpu.vector_store %arg5[%swap3A_509], %swap3A_512 {strides = array<i32>} : memref<384xi32, #tpu.memory_space<vmem>>, vector<16xi32>,
    %swap3A_513 = arith.constant 224 : index
    %swap3A_514 = tpu.vector_load %arg5[%swap3A_513] {strides = array<i32>} : memref<384xi32, #tpu.memory_space<vmem>>, vector<16xi32>,
    %swap3A_515 = vector.shape_cast %swap3A_514 : vector<16xi32> to vector<16xi32>
    %swap3A_516 = vector.shape_cast %scan3A_487#13 : vector<16xi32> to vector<16xi32>
    tpu.vector_store %arg5[%swap3A_513], %swap3A_516 {strides = array<i32>} : memref<384xi32, #tpu.memory_space<vmem>>, vector<16xi32>,
    %swap3A_517 = arith.constant 240 : index
    %swap3A_518 = tpu.vector_load %arg5[%swap3A_517] {strides = array<i32>} : memref<384xi32, #tpu.memory_space<vmem>>, vector<16xi32>,
    %swap3A_519 = vector.shape_cast %swap3A_518 : vector<16xi32> to vector<16xi32>
    %swap3A_520 = vector.shape_cast %scan3A_487#15 : vector<16xi32> to vector<16xi32>
    tpu.vector_store %arg5[%swap3A_517], %swap3A_520 {strides = array<i32>} : memref<384xi32, #tpu.memory_space<vmem>>, vector<16xi32>,
    %get3A_521 = arith.constant 0 : i32
    %get3A_522 = arith.index_cast %get3A_521 : i32 to index
    %get3A_523 = arith.constant 256 : index
    %get3A_524 = tpu.vector_load %arg4[%get3A_522, %get3A_523] {strides = array<i32>} : memref<150x384xf32, #tpu.memory_space<vmem>>, vector<1x16xf32>,
    %get3A_525 = vector.shape_cast %get3A_524 : vector<1x16xf32> to vector<16xf32>
    %broadcast_in_dim3A_526 = arith.constant 0 : i32
    %broadcast_in_dim3A_527 = vector.broadcast %broadcast_in_dim3A_526 : i32 to vector<16xi32>
    %get3A_528 = arith.constant 0 : i32
    %get3A_529 = arith.index_cast %get3A_528 : i32 to index
    %get3A_530 = arith.constant 272 : index
    %get3A_531 = tpu.vector_load %arg4[%get3A_529, %get3A_530] {strides = array<i32>} : memref<150x384xf32, #tpu.memory_space<vmem>>, vector<1x16xf32>,
    %get3A_532 = vector.shape_cast %get3A_531 : vector<1x16xf32> to vector<16xf32>
    %broadcast_in_dim3A_533 = arith.constant 0 : i32
    %broadcast_in_dim3A_534 = vector.broadcast %broadcast_in_dim3A_533 : i32 to vector<16xi32>
    %get3A_535 = arith.constant 0 : i32
    %get3A_536 = arith.index_cast %get3A_535 : i32 to index
    %get3A_537 = arith.constant 288 : index
    %get3A_538 = tpu.vector_load %arg4[%get3A_536, %get3A_537] {strides = array<i32>} : memref<150x384xf32, #tpu.memory_space<vmem>>, vector<1x16xf32>,
    %get3A_539 = vector.shape_cast %get3A_538 : vector<1x16xf32> to vector<16xf32>
    %broadcast_in_dim3A_540 = arith.constant 0 : i32
    %broadcast_in_dim3A_541 = vector.broadcast %broadcast_in_dim3A_540 : i32 to vector<16xi32>
    %get3A_542 = arith.constant 0 : i32
    %get3A_543 = arith.index_cast %get3A_542 : i32 to index
    %get3A_544 = arith.constant 304 : index
    %get3A_545 = tpu.vector_load %arg4[%get3A_543, %get3A_544] {strides = array<i32>} : memref<150x384xf32, #tpu.memory_space<vmem>>, vector<1x16xf32>,
    %get3A_546 = vector.shape_cast %get3A_545 : vector<1x16xf32> to vector<16xf32>
    %broadcast_in_dim3A_547 = arith.constant 0 : i32
    %broadcast_in_dim3A_548 = vector.broadcast %broadcast_in_dim3A_547 : i32 to vector<16xi32>
    %get3A_549 = arith.constant 0 : i32
    %get3A_550 = arith.index_cast %get3A_549 : i32 to index
    %get3A_551 = arith.constant 320 : index
    %get3A_552 = tpu.vector_load %arg4[%get3A_550, %get3A_551] {strides = array<i32>} : memref<150x384xf32, #tpu.memory_space<vmem>>, vector<1x16xf32>,
    %get3A_553 = vector.shape_cast %get3A_552 : vector<1x16xf32> to vector<16xf32>
    %broadcast_in_dim3A_554 = arith.constant 0 : i32
    %broadcast_in_dim3A_555 = vector.broadcast %broadcast_in_dim3A_554 : i32 to vector<16xi32>
    %get3A_556 = arith.constant 0 : i32
    %get3A_557 = arith.index_cast %get3A_556 : i32 to index
    %get3A_558 = arith.constant 336 : index
    %get3A_559 = tpu.vector_load %arg4[%get3A_557, %get3A_558] {strides = array<i32>} : memref<150x384xf32, #tpu.memory_space<vmem>>, vector<1x16xf32>,
    %get3A_560 = vector.shape_cast %get3A_559 : vector<1x16xf32> to vector<16xf32>
    %broadcast_in_dim3A_561 = arith.constant 0 : i32
    %broadcast_in_dim3A_562 = vector.broadcast %broadcast_in_dim3A_561 : i32 to vector<16xi32>
    %get3A_563 = arith.constant 0 : i32
    %get3A_564 = arith.index_cast %get3A_563 : i32 to index
    %get3A_565 = arith.constant 352 : index
    %get3A_566 = tpu.vector_load %arg4[%get3A_564, %get3A_565] {strides = array<i32>} : memref<150x384xf32, #tpu.memory_space<vmem>>, vector<1x16xf32>,
    %get3A_567 = vector.shape_cast %get3A_566 : vector<1x16xf32> to vector<16xf32>
    %broadcast_in_dim3A_568 = arith.constant 0 : i32
    %broadcast_in_dim3A_569 = vector.broadcast %broadcast_in_dim3A_568 : i32 to vector<16xi32>
    %get3A_570 = arith.constant 0 : i32
    %get3A_571 = arith.index_cast %get3A_570 : i32 to index
    %get3A_572 = arith.constant 368 : index
    %get3A_573 = tpu.vector_load %arg4[%get3A_571, %get3A_572] {strides = array<i32>} : memref<150x384xf32, #tpu.memory_space<vmem>>, vector<1x16xf32>,
    %get3A_574 = vector.shape_cast %get3A_573 : vector<1x16xf32> to vector<16xf32>
    %broadcast_in_dim3A_575 = arith.constant 0 : i32
    %broadcast_in_dim3A_576 = vector.broadcast %broadcast_in_dim3A_575 : i32 to vector<16xi32>
    %scan3A_577 = arith.constant 1 : i32
    %scan3A_578 = arith.constant 149 : i32
    %scan3A_579 = arith.addi %scan3A_577, %scan3A_578 : i32
    %scan3A_580 = arith.constant 1 : i32
    %scan3A_581:16 = scf.for %scan3A_928 = %scan3A_577 to %scan3A_579 step %scan3A_580 iter_args(%scan3A_929 = %get3A_525, %scan3A_930 = %broadcast_in_dim3A_527, %scan3A_931 = %get3A_532, %scan3A_932 = %broadcast_in_dim3A_534, %scan3A_933 = %get3A_539, %scan3A_934 = %broadcast_in_dim3A_541, %scan3A_935 = %get3A_546, %scan3A_936 = %broadcast_in_dim3A_548, %scan3A_937 = %get3A_553, %scan3A_938 = %broadcast_in_dim3A_555, %scan3A_939 = %get3A_560, %scan3A_940 = %broadcast_in_dim3A_562, %scan3A_941 = %get3A_567, %scan3A_942 = %broadcast_in_dim3A_569, %scan3A_943 = %get3A_574, %scan3A_944 = %broadcast_in_dim3A_576) -> (vector<16xf32>, vector<16xi32>, vector<16xf32>, vector<16xi32>, vector<16xf32>, vector<16xi32>, vector<16xf32>, vector<16xi32>, vector<16xf32>, vector<16xi32>, vector<16xf32>, vector<16xi32>, vector<16xf32>, vector<16xi32>, vector<16xf32>, vector<16xi32>)  : i32 {
      %get3A_945 = arith.index_cast %scan3A_928 : i32 to index
      %get3A_946 = arith.constant 256 : index
      %get3A_947 = tpu.vector_load %arg4[%get3A_945, %get3A_946] {strides = array<i32>} : memref<150x384xf32, #tpu.memory_space<vmem>>, vector<1x16xf32>,
      %get3A_948 = vector.shape_cast %get3A_947 : vector<1x16xf32> to vector<16xf32>
      %gt3A = arith.cmpf ogt, %get3A_948, %scan3A_929 : vector<16xf32>
      %select_n3A_949 = arith.select %gt3A, %get3A_948, %scan3A_929 : vector<16xi1>, vector<16xf32>
      %broadcast_in_dim3A_950 = vector.broadcast %scan3A_928 : i32 to vector<16xi32>
      %select_n3A_951 = arith.select %gt3A, %broadcast_in_dim3A_950, %scan3A_930 : vector<16xi1>, vector<16xi32>
      %get3A_952 = arith.index_cast %scan3A_928 : i32 to index
      %get3A_953 = arith.constant 272 : index
      %get3A_954 = tpu.vector_load %arg4[%get3A_952, %get3A_953] {strides = array<i32>} : memref<150x384xf32, #tpu.memory_space<vmem>>, vector<1x16xf32>,
      %get3A_955 = vector.shape_cast %get3A_954 : vector<1x16xf32> to vector<16xf32>
      %gt3A_956 = arith.cmpf ogt, %get3A_955, %scan3A_931 : vector<16xf32>
      %select_n3A_957 = arith.select %gt3A_956, %get3A_955, %scan3A_931 : vector<16xi1>, vector<16xf32>
      %broadcast_in_dim3A_958 = vector.broadcast %scan3A_928 : i32 to vector<16xi32>
      %select_n3A_959 = arith.select %gt3A_956, %broadcast_in_dim3A_958, %scan3A_932 : vector<16xi1>, vector<16xi32>
      %get3A_960 = arith.index_cast %scan3A_928 : i32 to index
      %get3A_961 = arith.constant 288 : index
      %get3A_962 = tpu.vector_load %arg4[%get3A_960, %get3A_961] {strides = array<i32>} : memref<150x384xf32, #tpu.memory_space<vmem>>, vector<1x16xf32>,
      %get3A_963 = vector.shape_cast %get3A_962 : vector<1x16xf32> to vector<16xf32>
      %gt3A_964 = arith.cmpf ogt, %get3A_963, %scan3A_933 : vector<16xf32>
      %select_n3A_965 = arith.select %gt3A_964, %get3A_963, %scan3A_933 : vector<16xi1>, vector<16xf32>
      %broadcast_in_dim3A_966 = vector.broadcast %scan3A_928 : i32 to vector<16xi32>
      %select_n3A_967 = arith.select %gt3A_964, %broadcast_in_dim3A_966, %scan3A_934 : vector<16xi1>, vector<16xi32>
      %get3A_968 = arith.index_cast %scan3A_928 : i32 to index
      %get3A_969 = arith.constant 304 : index
      %get3A_970 = tpu.vector_load %arg4[%get3A_968, %get3A_969] {strides = array<i32>} : memref<150x384xf32, #tpu.memory_space<vmem>>, vector<1x16xf32>,
      %get3A_971 = vector.shape_cast %get3A_970 : vector<1x16xf32> to vector<16xf32>
      %gt3A_972 = arith.cmpf ogt, %get3A_971, %scan3A_935 : vector<16xf32>
      %select_n3A_973 = arith.select %gt3A_972, %get3A_971, %scan3A_935 : vector<16xi1>, vector<16xf32>
      %broadcast_in_dim3A_974 = vector.broadcast %scan3A_928 : i32 to vector<16xi32>
      %select_n3A_975 = arith.select %gt3A_972, %broadcast_in_dim3A_974, %scan3A_936 : vector<16xi1>, vector<16xi32>
      %get3A_976 = arith.index_cast %scan3A_928 : i32 to index
      %get3A_977 = arith.constant 320 : index
      %get3A_978 = tpu.vector_load %arg4[%get3A_976, %get3A_977] {strides = array<i32>} : memref<150x384xf32, #tpu.memory_space<vmem>>, vector<1x16xf32>,
      %get3A_979 = vector.shape_cast %get3A_978 : vector<1x16xf32> to vector<16xf32>
      %gt3A_980 = arith.cmpf ogt, %get3A_979, %scan3A_937 : vector<16xf32>
      %select_n3A_981 = arith.select %gt3A_980, %get3A_979, %scan3A_937 : vector<16xi1>, vector<16xf32>
      %broadcast_in_dim3A_982 = vector.broadcast %scan3A_928 : i32 to vector<16xi32>
      %select_n3A_983 = arith.select %gt3A_980, %broadcast_in_dim3A_982, %scan3A_938 : vector<16xi1>, vector<16xi32>
      %get3A_984 = arith.index_cast %scan3A_928 : i32 to index
      %get3A_985 = arith.constant 336 : index
      %get3A_986 = tpu.vector_load %arg4[%get3A_984, %get3A_985] {strides = array<i32>} : memref<150x384xf32, #tpu.memory_space<vmem>>, vector<1x16xf32>,
      %get3A_987 = vector.shape_cast %get3A_986 : vector<1x16xf32> to vector<16xf32>
      %gt3A_988 = arith.cmpf ogt, %get3A_987, %scan3A_939 : vector<16xf32>
      %select_n3A_989 = arith.select %gt3A_988, %get3A_987, %scan3A_939 : vector<16xi1>, vector<16xf32>
      %broadcast_in_dim3A_990 = vector.broadcast %scan3A_928 : i32 to vector<16xi32>
      %select_n3A_991 = arith.select %gt3A_988, %broadcast_in_dim3A_990, %scan3A_940 : vector<16xi1>, vector<16xi32>
      %get3A_992 = arith.index_cast %scan3A_928 : i32 to index
      %get3A_993 = arith.constant 352 : index
      %get3A_994 = tpu.vector_load %arg4[%get3A_992, %get3A_993] {strides = array<i32>} : memref<150x384xf32, #tpu.memory_space<vmem>>, vector<1x16xf32>,
      %get3A_995 = vector.shape_cast %get3A_994 : vector<1x16xf32> to vector<16xf32>
      %gt3A_996 = arith.cmpf ogt, %get3A_995, %scan3A_941 : vector<16xf32>
      %select_n3A_997 = arith.select %gt3A_996, %get3A_995, %scan3A_941 : vector<16xi1>, vector<16xf32>
      %broadcast_in_dim3A_998 = vector.broadcast %scan3A_928 : i32 to vector<16xi32>
      %select_n3A_999 = arith.select %gt3A_996, %broadcast_in_dim3A_998, %scan3A_942 : vector<16xi1>, vector<16xi32>
      %get3A_1000 = arith.index_cast %scan3A_928 : i32 to index
      %get3A_1001 = arith.constant 368 : index
      %get3A_1002 = tpu.vector_load %arg4[%get3A_1000, %get3A_1001] {strides = array<i32>} : memref<150x384xf32, #tpu.memory_space<vmem>>, vector<1x16xf32>,
      %get3A_1003 = vector.shape_cast %get3A_1002 : vector<1x16xf32> to vector<16xf32>
      %gt3A_1004 = arith.cmpf ogt, %get3A_1003, %scan3A_943 : vector<16xf32>
      %select_n3A_1005 = arith.select %gt3A_1004, %get3A_1003, %scan3A_943 : vector<16xi1>, vector<16xf32>
      %broadcast_in_dim3A_1006 = vector.broadcast %scan3A_928 : i32 to vector<16xi32>
      %select_n3A_1007 = arith.select %gt3A_1004, %broadcast_in_dim3A_1006, %scan3A_944 : vector<16xi1>, vector<16xi32>
      scf.yield %select_n3A_949, %select_n3A_951, %select_n3A_957, %select_n3A_959, %select_n3A_965, %select_n3A_967, %select_n3A_973, %select_n3A_975, %select_n3A_981, %select_n3A_983, %select_n3A_989, %select_n3A_991, %select_n3A_997, %select_n3A_999, %select_n3A_1005, %select_n3A_1007 : vector<16xf32>, vector<16xi32>, vector<16xf32>, vector<16xi32>, vector<16xf32>, vector<16xi32>, vector<16xf32>, vector<16xi32>, vector<16xf32>, vector<16xi32>, vector<16xf32>, vector<16xi32>, vector<16xf32>, vector<16xi32>, vector<16xf32>, vector<16xi32>
    }
    %scan3A_582 = arith.constant 149 : i32
    %swap3A_583 = arith.constant 256 : index
    %swap3A_584 = tpu.vector_load %arg5[%swap3A_583] {strides = array<i32>} : memref<384xi32, #tpu.memory_space<vmem>>, vector<16xi32>,
    %swap3A_585 = vector.shape_cast %swap3A_584 : vector<16xi32> to vector<16xi32>
    %swap3A_586 = vector.shape_cast %scan3A_581#1 : vector<16xi32> to vector<16xi32>
    tpu.vector_store %arg5[%swap3A_583], %swap3A_586 {strides = array<i32>} : memref<384xi32, #tpu.memory_space<vmem>>, vector<16xi32>,
    %swap3A_587 = arith.constant 272 : index
    %swap3A_588 = tpu.vector_load %arg5[%swap3A_587] {strides = array<i32>} : memref<384xi32, #tpu.memory_space<vmem>>, vector<16xi32>,
    %swap3A_589 = vector.shape_cast %swap3A_588 : vector<16xi32> to vector<16xi32>
    %swap3A_590 = vector.shape_cast %scan3A_581#3 : vector<16xi32> to vector<16xi32>
    tpu.vector_store %arg5[%swap3A_587], %swap3A_590 {strides = array<i32>} : memref<384xi32, #tpu.memory_space<vmem>>, vector<16xi32>,
    %swap3A_591 = arith.constant 288 : index
    %swap3A_592 = tpu.vector_load %arg5[%swap3A_591] {strides = array<i32>} : memref<384xi32, #tpu.memory_space<vmem>>, vector<16xi32>,
    %swap3A_593 = vector.shape_cast %swap3A_592 : vector<16xi32> to vector<16xi32>
    %swap3A_594 = vector.shape_cast %scan3A_581#5 : vector<16xi32> to vector<16xi32>
    tpu.vector_store %arg5[%swap3A_591], %swap3A_594 {strides = array<i32>} : memref<384xi32, #tpu.memory_space<vmem>>, vector<16xi32>,
    %swap3A_595 = arith.constant 304 : index
    %swap3A_596 = tpu.vector_load %arg5[%swap3A_595] {strides = array<i32>} : memref<384xi32, #tpu.memory_space<vmem>>, vector<16xi32>,
    %swap3A_597 = vector.shape_cast %swap3A_596 : vector<16xi32> to vector<16xi32>
    %swap3A_598 = vector.shape_cast %scan3A_581#7 : vector<16xi32> to vector<16xi32>
    tpu.vector_store %arg5[%swap3A_595], %swap3A_598 {strides = array<i32>} : memref<384xi32, #tpu.memory_space<vmem>>, vector<16xi32>,
    %swap3A_599 = arith.constant 320 : index
    %swap3A_600 = tpu.vector_load %arg5[%swap3A_599] {strides = array<i32>} : memref<384xi32, #tpu.memory_space<vmem>>, vector<16xi32>,
    %swap3A_601 = vector.shape_cast %swap3A_600 : vector<16xi32> to vector<16xi32>
    %swap3A_602 = vector.shape_cast %scan3A_581#9 : vector<16xi32> to vector<16xi32>
    tpu.vector_store %arg5[%swap3A_599], %swap3A_602 {strides = array<i32>} : memref<384xi32, #tpu.memory_space<vmem>>, vector<16xi32>,
    %swap3A_603 = arith.constant 336 : index
    %swap3A_604 = tpu.vector_load %arg5[%swap3A_603] {strides = array<i32>} : memref<384xi32, #tpu.memory_space<vmem>>, vector<16xi32>,
    %swap3A_605 = vector.shape_cast %swap3A_604 : vector<16xi32> to vector<16xi32>
    %swap3A_606 = vector.shape_cast %scan3A_581#11 : vector<16xi32> to vector<16xi32>
    tpu.vector_store %arg5[%swap3A_603], %swap3A_606 {strides = array<i32>} : memref<384xi32, #tpu.memory_space<vmem>>, vector<16xi32>,
    %swap3A_607 = arith.constant 352 : index
    %swap3A_608 = tpu.vector_load %arg5[%swap3A_607] {strides = array<i32>} : memref<384xi32, #tpu.memory_space<vmem>>, vector<16xi32>,
    %swap3A_609 = vector.shape_cast %swap3A_608 : vector<16xi32> to vector<16xi32>
    %swap3A_610 = vector.shape_cast %scan3A_581#13 : vector<16xi32> to vector<16xi32>
    tpu.vector_store %arg5[%swap3A_607], %swap3A_610 {strides = array<i32>} : memref<384xi32, #tpu.memory_space<vmem>>, vector<16xi32>,
    %swap3A_611 = arith.constant 368 : index
    %swap3A_612 = tpu.vector_load %arg5[%swap3A_611] {strides = array<i32>} : memref<384xi32, #tpu.memory_space<vmem>>, vector<16xi32>,
    %swap3A_613 = vector.shape_cast %swap3A_612 : vector<16xi32> to vector<16xi32>
    %swap3A_614 = vector.shape_cast %scan3A_581#15 : vector<16xi32> to vector<16xi32>
    tpu.vector_store %arg5[%swap3A_611], %swap3A_614 {strides = array<i32>} : memref<384xi32, #tpu.memory_space<vmem>>, vector<16xi32>,
    "tpu.region"() ({
      %run_scoped3A = tpu.sem_alloc : memref<!tpu.dma_semaphore, #tpu.memory_space<semaphore_mem>>
      %dma_start3A = arith.constant 0 : i32
      %dma_start3A_928 = tpu.memref_slice %arg3[%select_n3A_329, %sub3A_332, %dma_start3A] : memref<2x48x384xi32, #tpu.memory_space<hbm>> -> memref<1x1x384xi32, #tpu.memory_space<hbm>>
      %dma_start3A_929 = tpu.memref_squeeze %dma_start3A_928 : memref<1x1x384xi32, #tpu.memory_space<hbm>> -> memref<384xi32, #tpu.memory_space<hbm>>
      %dma_start3A_930 = arith.constant 0 : i32
      %dma_start3A_931 = tpu.memref_slice %arg3[%select_n3A_329, %sub3A_332, %dma_start3A_930] : memref<2x48x384xi32, #tpu.memory_space<hbm>> -> memref<1x1x384xi32, #tpu.memory_space<hbm>>
      %dma_start3A_932 = tpu.memref_squeeze %dma_start3A_931 : memref<1x1x384xi32, #tpu.memory_space<hbm>> -> memref<384xi32, #tpu.memory_space<hbm>>
      tpu.enqueue_dma source(%arg5 : memref<384xi32, #tpu.memory_space<vmem>>) target(%dma_start3A_932 : memref<384xi32, #tpu.memory_space<hbm>>) target_semaphore(%run_scoped3A : memref<!tpu.dma_semaphore, #tpu.memory_space<semaphore_mem>>)
      %dma_wait3A = arith.constant 0 : i32
      %dma_wait3A_933 = tpu.memref_slice %arg3[%select_n3A_329, %sub3A_332, %dma_wait3A] : memref<2x48x384xi32, #tpu.memory_space<hbm>> -> memref<1x1x384xi32, #tpu.memory_space<hbm>>
      %dma_wait3A_934 = tpu.memref_squeeze %dma_wait3A_933 : memref<1x1x384xi32, #tpu.memory_space<hbm>> -> memref<384xi32, #tpu.memory_space<hbm>>
      %dma_wait3A_935 = arith.constant 0 : i32
      %dma_wait3A_936 = tpu.memref_slice %arg3[%select_n3A_329, %sub3A_332, %dma_wait3A_935] : memref<2x48x384xi32, #tpu.memory_space<hbm>> -> memref<1x1x384xi32, #tpu.memory_space<hbm>>
      %dma_wait3A_937 = tpu.memref_squeeze %dma_wait3A_936 : memref<1x1x384xi32, #tpu.memory_space<hbm>> -> memref<384xi32, #tpu.memory_space<hbm>>
      tpu.wait_dma2 semaphore(%run_scoped3A : memref<!tpu.dma_semaphore, #tpu.memory_space<semaphore_mem>>) src(%arg5 : memref<384xi32, #tpu.memory_space<vmem>>) dst(%dma_wait3A_937 : memref<384xi32, #tpu.memory_space<hbm>>)
      tpu.yield
    }) : () -> ()
    %mul3A_615 = arith.constant 3 : i32
    %mul3A_616 = arith.muli %add3A, %mul3A_615 : i32
    %add3A_617 = arith.constant 2 : i32
    %add3A_618 = arith.addi %mul3A_616, %add3A_617 : i32
    %jit3A_619 = arith.constant 48 : i32
    %div3A_620 = arith.divsi %add3A_618, %jit3A_619 : i32
    %sign3A_621 = arith.constant 0 : i32
    %sign3A_622 = arith.cmpi sgt, %add3A_618, %sign3A_621 : i32
    %sign3A_623 = arith.extui %sign3A_622 : i1 to i32
    %sign3A_624 = arith.constant 0 : i32
    %sign3A_625 = arith.cmpi slt, %add3A_618, %sign3A_624 : i32
    %sign3A_626 = arith.extui %sign3A_625 : i1 to i32
    %sign3A_627 = arith.subi %sign3A_623, %sign3A_626 : i32
    %sign3A_628 = arith.constant 0 : i32
    %sign3A_629 = arith.cmpi sgt, %jit3A_619, %sign3A_628 : i32
    %sign3A_630 = arith.extui %sign3A_629 : i1 to i32
    %sign3A_631 = arith.constant 0 : i32
    %sign3A_632 = arith.cmpi slt, %jit3A_619, %sign3A_631 : i32
    %sign3A_633 = arith.extui %sign3A_632 : i1 to i32
    %sign3A_634 = arith.subi %sign3A_630, %sign3A_633 : i32
    %ne3A_635 = arith.cmpi ne, %sign3A_627, %sign3A_634 : i32
    %rem3A_636 = arith.remsi %add3A_618, %jit3A_619 : i32
    %ne3A_637 = arith.constant 0 : i32
    %ne3A_638 = arith.cmpi ne, %rem3A_636, %ne3A_637 : i32
    %and3A_639 = arith.andi %ne3A_635, %ne3A_638 : i1
    %sub3A_640 = arith.constant 1 : i32
    %sub3A_641 = arith.subi %div3A_620, %sub3A_640 : i32
    %select_n3A_642 = arith.select %and3A_639, %sub3A_641, %div3A_620 : i32
    %mul3A_643 = arith.constant 48 : i32
    %mul3A_644 = arith.muli %select_n3A_642, %mul3A_643 : i32
    %sub3A_645 = arith.subi %add3A_618, %mul3A_644 : i32
    "tpu.region"() ({
      %run_scoped3A = tpu.sem_alloc : memref<!tpu.dma_semaphore, #tpu.memory_space<semaphore_mem>>
      %dma_start3A = arith.constant 0 : i32
      %dma_start3A_928 = arith.constant 0 : i32
      %dma_start3A_929 = tpu.memref_slice %arg2[%select_n3A_642, %dma_start3A, %sub3A_645, %dma_start3A_928] : memref<2x150x48x384xf32, #tpu.memory_space<hbm>> -> memref<1x150x1x384xf32, #tpu.memory_space<hbm>>
      %dma_start3A_930 = tpu.memref_squeeze %dma_start3A_929 : memref<1x150x1x384xf32, #tpu.memory_space<hbm>> -> memref<150x384xf32, #tpu.memory_space<hbm>>
      %dma_start3A_931 = arith.constant 0 : i32
      %dma_start3A_932 = arith.constant 0 : i32
      %dma_start3A_933 = tpu.memref_slice %arg2[%select_n3A_642, %dma_start3A_931, %sub3A_645, %dma_start3A_932] : memref<2x150x48x384xf32, #tpu.memory_space<hbm>> -> memref<1x150x1x384xf32, #tpu.memory_space<hbm>>
      %dma_start3A_934 = tpu.memref_squeeze %dma_start3A_933 : memref<1x150x1x384xf32, #tpu.memory_space<hbm>> -> memref<150x384xf32, #tpu.memory_space<hbm>>
      tpu.enqueue_dma source(%dma_start3A_934 : memref<150x384xf32, #tpu.memory_space<hbm>>) target(%arg4 : memref<150x384xf32, #tpu.memory_space<vmem>>) target_semaphore(%run_scoped3A : memref<!tpu.dma_semaphore, #tpu.memory_space<semaphore_mem>>)
      %dma_wait3A = arith.constant 0 : i32
      %dma_wait3A_935 = arith.constant 0 : i32
      %dma_wait3A_936 = tpu.memref_slice %arg2[%select_n3A_642, %dma_wait3A, %sub3A_645, %dma_wait3A_935] : memref<2x150x48x384xf32, #tpu.memory_space<hbm>> -> memref<1x150x1x384xf32, #tpu.memory_space<hbm>>
      %dma_wait3A_937 = tpu.memref_squeeze %dma_wait3A_936 : memref<1x150x1x384xf32, #tpu.memory_space<hbm>> -> memref<150x384xf32, #tpu.memory_space<hbm>>
      %dma_wait3A_938 = arith.constant 0 : i32
      %dma_wait3A_939 = arith.constant 0 : i32
      %dma_wait3A_940 = tpu.memref_slice %arg2[%select_n3A_642, %dma_wait3A_938, %sub3A_645, %dma_wait3A_939] : memref<2x150x48x384xf32, #tpu.memory_space<hbm>> -> memref<1x150x1x384xf32, #tpu.memory_space<hbm>>
      %dma_wait3A_941 = tpu.memref_squeeze %dma_wait3A_940 : memref<1x150x1x384xf32, #tpu.memory_space<hbm>> -> memref<150x384xf32, #tpu.memory_space<hbm>>
      tpu.wait_dma2 semaphore(%run_scoped3A : memref<!tpu.dma_semaphore, #tpu.memory_space<semaphore_mem>>) src(%dma_wait3A_941 : memref<150x384xf32, #tpu.memory_space<hbm>>) dst(%arg4 : memref<150x384xf32, #tpu.memory_space<vmem>>)
      tpu.yield
    }) : () -> ()
    %get3A_646 = arith.constant 0 : i32
    %get3A_647 = arith.index_cast %get3A_646 : i32 to index
    %get3A_648 = arith.constant 0 : index
    %get3A_649 = tpu.vector_load %arg4[%get3A_647, %get3A_648] {strides = array<i32>} : memref<150x384xf32, #tpu.memory_space<vmem>>, vector<1x16xf32>,
    %get3A_650 = vector.shape_cast %get3A_649 : vector<1x16xf32> to vector<16xf32>
    %broadcast_in_dim3A_651 = arith.constant 0 : i32
    %broadcast_in_dim3A_652 = vector.broadcast %broadcast_in_dim3A_651 : i32 to vector<16xi32>
    %get3A_653 = arith.constant 0 : i32
    %get3A_654 = arith.index_cast %get3A_653 : i32 to index
    %get3A_655 = arith.constant 16 : index
    %get3A_656 = tpu.vector_load %arg4[%get3A_654, %get3A_655] {strides = array<i32>} : memref<150x384xf32, #tpu.memory_space<vmem>>, vector<1x16xf32>,
    %get3A_657 = vector.shape_cast %get3A_656 : vector<1x16xf32> to vector<16xf32>
    %broadcast_in_dim3A_658 = arith.constant 0 : i32
    %broadcast_in_dim3A_659 = vector.broadcast %broadcast_in_dim3A_658 : i32 to vector<16xi32>
    %get3A_660 = arith.constant 0 : i32
    %get3A_661 = arith.index_cast %get3A_660 : i32 to index
    %get3A_662 = arith.constant 32 : index
    %get3A_663 = tpu.vector_load %arg4[%get3A_661, %get3A_662] {strides = array<i32>} : memref<150x384xf32, #tpu.memory_space<vmem>>, vector<1x16xf32>,
    %get3A_664 = vector.shape_cast %get3A_663 : vector<1x16xf32> to vector<16xf32>
    %broadcast_in_dim3A_665 = arith.constant 0 : i32
    %broadcast_in_dim3A_666 = vector.broadcast %broadcast_in_dim3A_665 : i32 to vector<16xi32>
    %get3A_667 = arith.constant 0 : i32
    %get3A_668 = arith.index_cast %get3A_667 : i32 to index
    %get3A_669 = arith.constant 48 : index
    %get3A_670 = tpu.vector_load %arg4[%get3A_668, %get3A_669] {strides = array<i32>} : memref<150x384xf32, #tpu.memory_space<vmem>>, vector<1x16xf32>,
    %get3A_671 = vector.shape_cast %get3A_670 : vector<1x16xf32> to vector<16xf32>
    %broadcast_in_dim3A_672 = arith.constant 0 : i32
    %broadcast_in_dim3A_673 = vector.broadcast %broadcast_in_dim3A_672 : i32 to vector<16xi32>
    %get3A_674 = arith.constant 0 : i32
    %get3A_675 = arith.index_cast %get3A_674 : i32 to index
    %get3A_676 = arith.constant 64 : index
    %get3A_677 = tpu.vector_load %arg4[%get3A_675, %get3A_676] {strides = array<i32>} : memref<150x384xf32, #tpu.memory_space<vmem>>, vector<1x16xf32>,
    %get3A_678 = vector.shape_cast %get3A_677 : vector<1x16xf32> to vector<16xf32>
    %broadcast_in_dim3A_679 = arith.constant 0 : i32
    %broadcast_in_dim3A_680 = vector.broadcast %broadcast_in_dim3A_679 : i32 to vector<16xi32>
    %get3A_681 = arith.constant 0 : i32
    %get3A_682 = arith.index_cast %get3A_681 : i32 to index
    %get3A_683 = arith.constant 80 : index
    %get3A_684 = tpu.vector_load %arg4[%get3A_682, %get3A_683] {strides = array<i32>} : memref<150x384xf32, #tpu.memory_space<vmem>>, vector<1x16xf32>,
    %get3A_685 = vector.shape_cast %get3A_684 : vector<1x16xf32> to vector<16xf32>
    %broadcast_in_dim3A_686 = arith.constant 0 : i32
    %broadcast_in_dim3A_687 = vector.broadcast %broadcast_in_dim3A_686 : i32 to vector<16xi32>
    %get3A_688 = arith.constant 0 : i32
    %get3A_689 = arith.index_cast %get3A_688 : i32 to index
    %get3A_690 = arith.constant 96 : index
    %get3A_691 = tpu.vector_load %arg4[%get3A_689, %get3A_690] {strides = array<i32>} : memref<150x384xf32, #tpu.memory_space<vmem>>, vector<1x16xf32>,
    %get3A_692 = vector.shape_cast %get3A_691 : vector<1x16xf32> to vector<16xf32>
    %broadcast_in_dim3A_693 = arith.constant 0 : i32
    %broadcast_in_dim3A_694 = vector.broadcast %broadcast_in_dim3A_693 : i32 to vector<16xi32>
    %get3A_695 = arith.constant 0 : i32
    %get3A_696 = arith.index_cast %get3A_695 : i32 to index
    %get3A_697 = arith.constant 112 : index
    %get3A_698 = tpu.vector_load %arg4[%get3A_696, %get3A_697] {strides = array<i32>} : memref<150x384xf32, #tpu.memory_space<vmem>>, vector<1x16xf32>,
    %get3A_699 = vector.shape_cast %get3A_698 : vector<1x16xf32> to vector<16xf32>
    %broadcast_in_dim3A_700 = arith.constant 0 : i32
    %broadcast_in_dim3A_701 = vector.broadcast %broadcast_in_dim3A_700 : i32 to vector<16xi32>
    %scan3A_702 = arith.constant 1 : i32
    %scan3A_703 = arith.constant 149 : i32
    %scan3A_704 = arith.addi %scan3A_702, %scan3A_703 : i32
    %scan3A_705 = arith.constant 1 : i32
    %scan3A_706:16 = scf.for %scan3A_928 = %scan3A_702 to %scan3A_704 step %scan3A_705 iter_args(%scan3A_929 = %get3A_650, %scan3A_930 = %broadcast_in_dim3A_652, %scan3A_931 = %get3A_657, %scan3A_932 = %broadcast_in_dim3A_659, %scan3A_933 = %get3A_664, %scan3A_934 = %broadcast_in_dim3A_666, %scan3A_935 = %get3A_671, %scan3A_936 = %broadcast_in_dim3A_673, %scan3A_937 = %get3A_678, %scan3A_938 = %broadcast_in_dim3A_680, %scan3A_939 = %get3A_685, %scan3A_940 = %broadcast_in_dim3A_687, %scan3A_941 = %get3A_692, %scan3A_942 = %broadcast_in_dim3A_694, %scan3A_943 = %get3A_699, %scan3A_944 = %broadcast_in_dim3A_701) -> (vector<16xf32>, vector<16xi32>, vector<16xf32>, vector<16xi32>, vector<16xf32>, vector<16xi32>, vector<16xf32>, vector<16xi32>, vector<16xf32>, vector<16xi32>, vector<16xf32>, vector<16xi32>, vector<16xf32>, vector<16xi32>, vector<16xf32>, vector<16xi32>)  : i32 {
      %get3A_945 = arith.index_cast %scan3A_928 : i32 to index
      %get3A_946 = arith.constant 0 : index
      %get3A_947 = tpu.vector_load %arg4[%get3A_945, %get3A_946] {strides = array<i32>} : memref<150x384xf32, #tpu.memory_space<vmem>>, vector<1x16xf32>,
      %get3A_948 = vector.shape_cast %get3A_947 : vector<1x16xf32> to vector<16xf32>
      %gt3A = arith.cmpf ogt, %get3A_948, %scan3A_929 : vector<16xf32>
      %select_n3A_949 = arith.select %gt3A, %get3A_948, %scan3A_929 : vector<16xi1>, vector<16xf32>
      %broadcast_in_dim3A_950 = vector.broadcast %scan3A_928 : i32 to vector<16xi32>
      %select_n3A_951 = arith.select %gt3A, %broadcast_in_dim3A_950, %scan3A_930 : vector<16xi1>, vector<16xi32>
      %get3A_952 = arith.index_cast %scan3A_928 : i32 to index
      %get3A_953 = arith.constant 16 : index
      %get3A_954 = tpu.vector_load %arg4[%get3A_952, %get3A_953] {strides = array<i32>} : memref<150x384xf32, #tpu.memory_space<vmem>>, vector<1x16xf32>,
      %get3A_955 = vector.shape_cast %get3A_954 : vector<1x16xf32> to vector<16xf32>
      %gt3A_956 = arith.cmpf ogt, %get3A_955, %scan3A_931 : vector<16xf32>
      %select_n3A_957 = arith.select %gt3A_956, %get3A_955, %scan3A_931 : vector<16xi1>, vector<16xf32>
      %broadcast_in_dim3A_958 = vector.broadcast %scan3A_928 : i32 to vector<16xi32>
      %select_n3A_959 = arith.select %gt3A_956, %broadcast_in_dim3A_958, %scan3A_932 : vector<16xi1>, vector<16xi32>
      %get3A_960 = arith.index_cast %scan3A_928 : i32 to index
      %get3A_961 = arith.constant 32 : index
      %get3A_962 = tpu.vector_load %arg4[%get3A_960, %get3A_961] {strides = array<i32>} : memref<150x384xf32, #tpu.memory_space<vmem>>, vector<1x16xf32>,
      %get3A_963 = vector.shape_cast %get3A_962 : vector<1x16xf32> to vector<16xf32>
      %gt3A_964 = arith.cmpf ogt, %get3A_963, %scan3A_933 : vector<16xf32>
      %select_n3A_965 = arith.select %gt3A_964, %get3A_963, %scan3A_933 : vector<16xi1>, vector<16xf32>
      %broadcast_in_dim3A_966 = vector.broadcast %scan3A_928 : i32 to vector<16xi32>
      %select_n3A_967 = arith.select %gt3A_964, %broadcast_in_dim3A_966, %scan3A_934 : vector<16xi1>, vector<16xi32>
      %get3A_968 = arith.index_cast %scan3A_928 : i32 to index
      %get3A_969 = arith.constant 48 : index
      %get3A_970 = tpu.vector_load %arg4[%get3A_968, %get3A_969] {strides = array<i32>} : memref<150x384xf32, #tpu.memory_space<vmem>>, vector<1x16xf32>,
      %get3A_971 = vector.shape_cast %get3A_970 : vector<1x16xf32> to vector<16xf32>
      %gt3A_972 = arith.cmpf ogt, %get3A_971, %scan3A_935 : vector<16xf32>
      %select_n3A_973 = arith.select %gt3A_972, %get3A_971, %scan3A_935 : vector<16xi1>, vector<16xf32>
      %broadcast_in_dim3A_974 = vector.broadcast %scan3A_928 : i32 to vector<16xi32>
      %select_n3A_975 = arith.select %gt3A_972, %broadcast_in_dim3A_974, %scan3A_936 : vector<16xi1>, vector<16xi32>
      %get3A_976 = arith.index_cast %scan3A_928 : i32 to index
      %get3A_977 = arith.constant 64 : index
      %get3A_978 = tpu.vector_load %arg4[%get3A_976, %get3A_977] {strides = array<i32>} : memref<150x384xf32, #tpu.memory_space<vmem>>, vector<1x16xf32>,
      %get3A_979 = vector.shape_cast %get3A_978 : vector<1x16xf32> to vector<16xf32>
      %gt3A_980 = arith.cmpf ogt, %get3A_979, %scan3A_937 : vector<16xf32>
      %select_n3A_981 = arith.select %gt3A_980, %get3A_979, %scan3A_937 : vector<16xi1>, vector<16xf32>
      %broadcast_in_dim3A_982 = vector.broadcast %scan3A_928 : i32 to vector<16xi32>
      %select_n3A_983 = arith.select %gt3A_980, %broadcast_in_dim3A_982, %scan3A_938 : vector<16xi1>, vector<16xi32>
      %get3A_984 = arith.index_cast %scan3A_928 : i32 to index
      %get3A_985 = arith.constant 80 : index
      %get3A_986 = tpu.vector_load %arg4[%get3A_984, %get3A_985] {strides = array<i32>} : memref<150x384xf32, #tpu.memory_space<vmem>>, vector<1x16xf32>,
      %get3A_987 = vector.shape_cast %get3A_986 : vector<1x16xf32> to vector<16xf32>
      %gt3A_988 = arith.cmpf ogt, %get3A_987, %scan3A_939 : vector<16xf32>
      %select_n3A_989 = arith.select %gt3A_988, %get3A_987, %scan3A_939 : vector<16xi1>, vector<16xf32>
      %broadcast_in_dim3A_990 = vector.broadcast %scan3A_928 : i32 to vector<16xi32>
      %select_n3A_991 = arith.select %gt3A_988, %broadcast_in_dim3A_990, %scan3A_940 : vector<16xi1>, vector<16xi32>
      %get3A_992 = arith.index_cast %scan3A_928 : i32 to index
      %get3A_993 = arith.constant 96 : index
      %get3A_994 = tpu.vector_load %arg4[%get3A_992, %get3A_993] {strides = array<i32>} : memref<150x384xf32, #tpu.memory_space<vmem>>, vector<1x16xf32>,
      %get3A_995 = vector.shape_cast %get3A_994 : vector<1x16xf32> to vector<16xf32>
      %gt3A_996 = arith.cmpf ogt, %get3A_995, %scan3A_941 : vector<16xf32>
      %select_n3A_997 = arith.select %gt3A_996, %get3A_995, %scan3A_941 : vector<16xi1>, vector<16xf32>
      %broadcast_in_dim3A_998 = vector.broadcast %scan3A_928 : i32 to vector<16xi32>
      %select_n3A_999 = arith.select %gt3A_996, %broadcast_in_dim3A_998, %scan3A_942 : vector<16xi1>, vector<16xi32>
      %get3A_1000 = arith.index_cast %scan3A_928 : i32 to index
      %get3A_1001 = arith.constant 112 : index
      %get3A_1002 = tpu.vector_load %arg4[%get3A_1000, %get3A_1001] {strides = array<i32>} : memref<150x384xf32, #tpu.memory_space<vmem>>, vector<1x16xf32>,
      %get3A_1003 = vector.shape_cast %get3A_1002 : vector<1x16xf32> to vector<16xf32>
      %gt3A_1004 = arith.cmpf ogt, %get3A_1003, %scan3A_943 : vector<16xf32>
      %select_n3A_1005 = arith.select %gt3A_1004, %get3A_1003, %scan3A_943 : vector<16xi1>, vector<16xf32>
      %broadcast_in_dim3A_1006 = vector.broadcast %scan3A_928 : i32 to vector<16xi32>
      %select_n3A_1007 = arith.select %gt3A_1004, %broadcast_in_dim3A_1006, %scan3A_944 : vector<16xi1>, vector<16xi32>
      scf.yield %select_n3A_949, %select_n3A_951, %select_n3A_957, %select_n3A_959, %select_n3A_965, %select_n3A_967, %select_n3A_973, %select_n3A_975, %select_n3A_981, %select_n3A_983, %select_n3A_989, %select_n3A_991, %select_n3A_997, %select_n3A_999, %select_n3A_1005, %select_n3A_1007 : vector<16xf32>, vector<16xi32>, vector<16xf32>, vector<16xi32>, vector<16xf32>, vector<16xi32>, vector<16xf32>, vector<16xi32>, vector<16xf32>, vector<16xi32>, vector<16xf32>, vector<16xi32>, vector<16xf32>, vector<16xi32>, vector<16xf32>, vector<16xi32>
    }
    %scan3A_707 = arith.constant 149 : i32
    %swap3A_708 = arith.constant 0 : index
    %swap3A_709 = tpu.vector_load %arg5[%swap3A_708] {strides = array<i32>} : memref<384xi32, #tpu.memory_space<vmem>>, vector<16xi32>,
    %swap3A_710 = vector.shape_cast %swap3A_709 : vector<16xi32> to vector<16xi32>
    %swap3A_711 = vector.shape_cast %scan3A_706#1 : vector<16xi32> to vector<16xi32>
    tpu.vector_store %arg5[%swap3A_708], %swap3A_711 {strides = array<i32>} : memref<384xi32, #tpu.memory_space<vmem>>, vector<16xi32>,
    %swap3A_712 = arith.constant 16 : index
    %swap3A_713 = tpu.vector_load %arg5[%swap3A_712] {strides = array<i32>} : memref<384xi32, #tpu.memory_space<vmem>>, vector<16xi32>,
    %swap3A_714 = vector.shape_cast %swap3A_713 : vector<16xi32> to vector<16xi32>
    %swap3A_715 = vector.shape_cast %scan3A_706#3 : vector<16xi32> to vector<16xi32>
    tpu.vector_store %arg5[%swap3A_712], %swap3A_715 {strides = array<i32>} : memref<384xi32, #tpu.memory_space<vmem>>, vector<16xi32>,
    %swap3A_716 = arith.constant 32 : index
    %swap3A_717 = tpu.vector_load %arg5[%swap3A_716] {strides = array<i32>} : memref<384xi32, #tpu.memory_space<vmem>>, vector<16xi32>,
    %swap3A_718 = vector.shape_cast %swap3A_717 : vector<16xi32> to vector<16xi32>
    %swap3A_719 = vector.shape_cast %scan3A_706#5 : vector<16xi32> to vector<16xi32>
    tpu.vector_store %arg5[%swap3A_716], %swap3A_719 {strides = array<i32>} : memref<384xi32, #tpu.memory_space<vmem>>, vector<16xi32>,
    %swap3A_720 = arith.constant 48 : index
    %swap3A_721 = tpu.vector_load %arg5[%swap3A_720] {strides = array<i32>} : memref<384xi32, #tpu.memory_space<vmem>>, vector<16xi32>,
    %swap3A_722 = vector.shape_cast %swap3A_721 : vector<16xi32> to vector<16xi32>
    %swap3A_723 = vector.shape_cast %scan3A_706#7 : vector<16xi32> to vector<16xi32>
    tpu.vector_store %arg5[%swap3A_720], %swap3A_723 {strides = array<i32>} : memref<384xi32, #tpu.memory_space<vmem>>, vector<16xi32>,
    %swap3A_724 = arith.constant 64 : index
    %swap3A_725 = tpu.vector_load %arg5[%swap3A_724] {strides = array<i32>} : memref<384xi32, #tpu.memory_space<vmem>>, vector<16xi32>,
    %swap3A_726 = vector.shape_cast %swap3A_725 : vector<16xi32> to vector<16xi32>
    %swap3A_727 = vector.shape_cast %scan3A_706#9 : vector<16xi32> to vector<16xi32>
    tpu.vector_store %arg5[%swap3A_724], %swap3A_727 {strides = array<i32>} : memref<384xi32, #tpu.memory_space<vmem>>, vector<16xi32>,
    %swap3A_728 = arith.constant 80 : index
    %swap3A_729 = tpu.vector_load %arg5[%swap3A_728] {strides = array<i32>} : memref<384xi32, #tpu.memory_space<vmem>>, vector<16xi32>,
    %swap3A_730 = vector.shape_cast %swap3A_729 : vector<16xi32> to vector<16xi32>
    %swap3A_731 = vector.shape_cast %scan3A_706#11 : vector<16xi32> to vector<16xi32>
    tpu.vector_store %arg5[%swap3A_728], %swap3A_731 {strides = array<i32>} : memref<384xi32, #tpu.memory_space<vmem>>, vector<16xi32>,
    %swap3A_732 = arith.constant 96 : index
    %swap3A_733 = tpu.vector_load %arg5[%swap3A_732] {strides = array<i32>} : memref<384xi32, #tpu.memory_space<vmem>>, vector<16xi32>,
    %swap3A_734 = vector.shape_cast %swap3A_733 : vector<16xi32> to vector<16xi32>
    %swap3A_735 = vector.shape_cast %scan3A_706#13 : vector<16xi32> to vector<16xi32>
    tpu.vector_store %arg5[%swap3A_732], %swap3A_735 {strides = array<i32>} : memref<384xi32, #tpu.memory_space<vmem>>, vector<16xi32>,
    %swap3A_736 = arith.constant 112 : index
    %swap3A_737 = tpu.vector_load %arg5[%swap3A_736] {strides = array<i32>} : memref<384xi32, #tpu.memory_space<vmem>>, vector<16xi32>,
    %swap3A_738 = vector.shape_cast %swap3A_737 : vector<16xi32> to vector<16xi32>
    %swap3A_739 = vector.shape_cast %scan3A_706#15 : vector<16xi32> to vector<16xi32>
    tpu.vector_store %arg5[%swap3A_736], %swap3A_739 {strides = array<i32>} : memref<384xi32, #tpu.memory_space<vmem>>, vector<16xi32>,
    %get3A_740 = arith.constant 0 : i32
    %get3A_741 = arith.index_cast %get3A_740 : i32 to index
    %get3A_742 = arith.constant 128 : index
    %get3A_743 = tpu.vector_load %arg4[%get3A_741, %get3A_742] {strides = array<i32>} : memref<150x384xf32, #tpu.memory_space<vmem>>, vector<1x16xf32>,
    %get3A_744 = vector.shape_cast %get3A_743 : vector<1x16xf32> to vector<16xf32>
    %broadcast_in_dim3A_745 = arith.constant 0 : i32
    %broadcast_in_dim3A_746 = vector.broadcast %broadcast_in_dim3A_745 : i32 to vector<16xi32>
    %get3A_747 = arith.constant 0 : i32
    %get3A_748 = arith.index_cast %get3A_747 : i32 to index
    %get3A_749 = arith.constant 144 : index
    %get3A_750 = tpu.vector_load %arg4[%get3A_748, %get3A_749] {strides = array<i32>} : memref<150x384xf32, #tpu.memory_space<vmem>>, vector<1x16xf32>,
    %get3A_751 = vector.shape_cast %get3A_750 : vector<1x16xf32> to vector<16xf32>
    %broadcast_in_dim3A_752 = arith.constant 0 : i32
    %broadcast_in_dim3A_753 = vector.broadcast %broadcast_in_dim3A_752 : i32 to vector<16xi32>
    %get3A_754 = arith.constant 0 : i32
    %get3A_755 = arith.index_cast %get3A_754 : i32 to index
    %get3A_756 = arith.constant 160 : index
    %get3A_757 = tpu.vector_load %arg4[%get3A_755, %get3A_756] {strides = array<i32>} : memref<150x384xf32, #tpu.memory_space<vmem>>, vector<1x16xf32>,
    %get3A_758 = vector.shape_cast %get3A_757 : vector<1x16xf32> to vector<16xf32>
    %broadcast_in_dim3A_759 = arith.constant 0 : i32
    %broadcast_in_dim3A_760 = vector.broadcast %broadcast_in_dim3A_759 : i32 to vector<16xi32>
    %get3A_761 = arith.constant 0 : i32
    %get3A_762 = arith.index_cast %get3A_761 : i32 to index
    %get3A_763 = arith.constant 176 : index
    %get3A_764 = tpu.vector_load %arg4[%get3A_762, %get3A_763] {strides = array<i32>} : memref<150x384xf32, #tpu.memory_space<vmem>>, vector<1x16xf32>,
    %get3A_765 = vector.shape_cast %get3A_764 : vector<1x16xf32> to vector<16xf32>
    %broadcast_in_dim3A_766 = arith.constant 0 : i32
    %broadcast_in_dim3A_767 = vector.broadcast %broadcast_in_dim3A_766 : i32 to vector<16xi32>
    %get3A_768 = arith.constant 0 : i32
    %get3A_769 = arith.index_cast %get3A_768 : i32 to index
    %get3A_770 = arith.constant 192 : index
    %get3A_771 = tpu.vector_load %arg4[%get3A_769, %get3A_770] {strides = array<i32>} : memref<150x384xf32, #tpu.memory_space<vmem>>, vector<1x16xf32>,
    %get3A_772 = vector.shape_cast %get3A_771 : vector<1x16xf32> to vector<16xf32>
    %broadcast_in_dim3A_773 = arith.constant 0 : i32
    %broadcast_in_dim3A_774 = vector.broadcast %broadcast_in_dim3A_773 : i32 to vector<16xi32>
    %get3A_775 = arith.constant 0 : i32
    %get3A_776 = arith.index_cast %get3A_775 : i32 to index
    %get3A_777 = arith.constant 208 : index
    %get3A_778 = tpu.vector_load %arg4[%get3A_776, %get3A_777] {strides = array<i32>} : memref<150x384xf32, #tpu.memory_space<vmem>>, vector<1x16xf32>,
    %get3A_779 = vector.shape_cast %get3A_778 : vector<1x16xf32> to vector<16xf32>
    %broadcast_in_dim3A_780 = arith.constant 0 : i32
    %broadcast_in_dim3A_781 = vector.broadcast %broadcast_in_dim3A_780 : i32 to vector<16xi32>
    %get3A_782 = arith.constant 0 : i32
    %get3A_783 = arith.index_cast %get3A_782 : i32 to index
    %get3A_784 = arith.constant 224 : index
    %get3A_785 = tpu.vector_load %arg4[%get3A_783, %get3A_784] {strides = array<i32>} : memref<150x384xf32, #tpu.memory_space<vmem>>, vector<1x16xf32>,
    %get3A_786 = vector.shape_cast %get3A_785 : vector<1x16xf32> to vector<16xf32>
    %broadcast_in_dim3A_787 = arith.constant 0 : i32
    %broadcast_in_dim3A_788 = vector.broadcast %broadcast_in_dim3A_787 : i32 to vector<16xi32>
    %get3A_789 = arith.constant 0 : i32
    %get3A_790 = arith.index_cast %get3A_789 : i32 to index
    %get3A_791 = arith.constant 240 : index
    %get3A_792 = tpu.vector_load %arg4[%get3A_790, %get3A_791] {strides = array<i32>} : memref<150x384xf32, #tpu.memory_space<vmem>>, vector<1x16xf32>,
    %get3A_793 = vector.shape_cast %get3A_792 : vector<1x16xf32> to vector<16xf32>
    %broadcast_in_dim3A_794 = arith.constant 0 : i32
    %broadcast_in_dim3A_795 = vector.broadcast %broadcast_in_dim3A_794 : i32 to vector<16xi32>
    %scan3A_796 = arith.constant 1 : i32
    %scan3A_797 = arith.constant 149 : i32
    %scan3A_798 = arith.addi %scan3A_796, %scan3A_797 : i32
    %scan3A_799 = arith.constant 1 : i32
    %scan3A_800:16 = scf.for %scan3A_928 = %scan3A_796 to %scan3A_798 step %scan3A_799 iter_args(%scan3A_929 = %get3A_744, %scan3A_930 = %broadcast_in_dim3A_746, %scan3A_931 = %get3A_751, %scan3A_932 = %broadcast_in_dim3A_753, %scan3A_933 = %get3A_758, %scan3A_934 = %broadcast_in_dim3A_760, %scan3A_935 = %get3A_765, %scan3A_936 = %broadcast_in_dim3A_767, %scan3A_937 = %get3A_772, %scan3A_938 = %broadcast_in_dim3A_774, %scan3A_939 = %get3A_779, %scan3A_940 = %broadcast_in_dim3A_781, %scan3A_941 = %get3A_786, %scan3A_942 = %broadcast_in_dim3A_788, %scan3A_943 = %get3A_793, %scan3A_944 = %broadcast_in_dim3A_795) -> (vector<16xf32>, vector<16xi32>, vector<16xf32>, vector<16xi32>, vector<16xf32>, vector<16xi32>, vector<16xf32>, vector<16xi32>, vector<16xf32>, vector<16xi32>, vector<16xf32>, vector<16xi32>, vector<16xf32>, vector<16xi32>, vector<16xf32>, vector<16xi32>)  : i32 {
      %get3A_945 = arith.index_cast %scan3A_928 : i32 to index
      %get3A_946 = arith.constant 128 : index
      %get3A_947 = tpu.vector_load %arg4[%get3A_945, %get3A_946] {strides = array<i32>} : memref<150x384xf32, #tpu.memory_space<vmem>>, vector<1x16xf32>,
      %get3A_948 = vector.shape_cast %get3A_947 : vector<1x16xf32> to vector<16xf32>
      %gt3A = arith.cmpf ogt, %get3A_948, %scan3A_929 : vector<16xf32>
      %select_n3A_949 = arith.select %gt3A, %get3A_948, %scan3A_929 : vector<16xi1>, vector<16xf32>
      %broadcast_in_dim3A_950 = vector.broadcast %scan3A_928 : i32 to vector<16xi32>
      %select_n3A_951 = arith.select %gt3A, %broadcast_in_dim3A_950, %scan3A_930 : vector<16xi1>, vector<16xi32>
      %get3A_952 = arith.index_cast %scan3A_928 : i32 to index
      %get3A_953 = arith.constant 144 : index
      %get3A_954 = tpu.vector_load %arg4[%get3A_952, %get3A_953] {strides = array<i32>} : memref<150x384xf32, #tpu.memory_space<vmem>>, vector<1x16xf32>,
      %get3A_955 = vector.shape_cast %get3A_954 : vector<1x16xf32> to vector<16xf32>
      %gt3A_956 = arith.cmpf ogt, %get3A_955, %scan3A_931 : vector<16xf32>
      %select_n3A_957 = arith.select %gt3A_956, %get3A_955, %scan3A_931 : vector<16xi1>, vector<16xf32>
      %broadcast_in_dim3A_958 = vector.broadcast %scan3A_928 : i32 to vector<16xi32>
      %select_n3A_959 = arith.select %gt3A_956, %broadcast_in_dim3A_958, %scan3A_932 : vector<16xi1>, vector<16xi32>
      %get3A_960 = arith.index_cast %scan3A_928 : i32 to index
      %get3A_961 = arith.constant 160 : index
      %get3A_962 = tpu.vector_load %arg4[%get3A_960, %get3A_961] {strides = array<i32>} : memref<150x384xf32, #tpu.memory_space<vmem>>, vector<1x16xf32>,
      %get3A_963 = vector.shape_cast %get3A_962 : vector<1x16xf32> to vector<16xf32>
      %gt3A_964 = arith.cmpf ogt, %get3A_963, %scan3A_933 : vector<16xf32>
      %select_n3A_965 = arith.select %gt3A_964, %get3A_963, %scan3A_933 : vector<16xi1>, vector<16xf32>
      %broadcast_in_dim3A_966 = vector.broadcast %scan3A_928 : i32 to vector<16xi32>
      %select_n3A_967 = arith.select %gt3A_964, %broadcast_in_dim3A_966, %scan3A_934 : vector<16xi1>, vector<16xi32>
      %get3A_968 = arith.index_cast %scan3A_928 : i32 to index
      %get3A_969 = arith.constant 176 : index
      %get3A_970 = tpu.vector_load %arg4[%get3A_968, %get3A_969] {strides = array<i32>} : memref<150x384xf32, #tpu.memory_space<vmem>>, vector<1x16xf32>,
      %get3A_971 = vector.shape_cast %get3A_970 : vector<1x16xf32> to vector<16xf32>
      %gt3A_972 = arith.cmpf ogt, %get3A_971, %scan3A_935 : vector<16xf32>
      %select_n3A_973 = arith.select %gt3A_972, %get3A_971, %scan3A_935 : vector<16xi1>, vector<16xf32>
      %broadcast_in_dim3A_974 = vector.broadcast %scan3A_928 : i32 to vector<16xi32>
      %select_n3A_975 = arith.select %gt3A_972, %broadcast_in_dim3A_974, %scan3A_936 : vector<16xi1>, vector<16xi32>
      %get3A_976 = arith.index_cast %scan3A_928 : i32 to index
      %get3A_977 = arith.constant 192 : index
      %get3A_978 = tpu.vector_load %arg4[%get3A_976, %get3A_977] {strides = array<i32>} : memref<150x384xf32, #tpu.memory_space<vmem>>, vector<1x16xf32>,
      %get3A_979 = vector.shape_cast %get3A_978 : vector<1x16xf32> to vector<16xf32>
      %gt3A_980 = arith.cmpf ogt, %get3A_979, %scan3A_937 : vector<16xf32>
      %select_n3A_981 = arith.select %gt3A_980, %get3A_979, %scan3A_937 : vector<16xi1>, vector<16xf32>
      %broadcast_in_dim3A_982 = vector.broadcast %scan3A_928 : i32 to vector<16xi32>
      %select_n3A_983 = arith.select %gt3A_980, %broadcast_in_dim3A_982, %scan3A_938 : vector<16xi1>, vector<16xi32>
      %get3A_984 = arith.index_cast %scan3A_928 : i32 to index
      %get3A_985 = arith.constant 208 : index
      %get3A_986 = tpu.vector_load %arg4[%get3A_984, %get3A_985] {strides = array<i32>} : memref<150x384xf32, #tpu.memory_space<vmem>>, vector<1x16xf32>,
      %get3A_987 = vector.shape_cast %get3A_986 : vector<1x16xf32> to vector<16xf32>
      %gt3A_988 = arith.cmpf ogt, %get3A_987, %scan3A_939 : vector<16xf32>
      %select_n3A_989 = arith.select %gt3A_988, %get3A_987, %scan3A_939 : vector<16xi1>, vector<16xf32>
      %broadcast_in_dim3A_990 = vector.broadcast %scan3A_928 : i32 to vector<16xi32>
      %select_n3A_991 = arith.select %gt3A_988, %broadcast_in_dim3A_990, %scan3A_940 : vector<16xi1>, vector<16xi32>
      %get3A_992 = arith.index_cast %scan3A_928 : i32 to index
      %get3A_993 = arith.constant 224 : index
      %get3A_994 = tpu.vector_load %arg4[%get3A_992, %get3A_993] {strides = array<i32>} : memref<150x384xf32, #tpu.memory_space<vmem>>, vector<1x16xf32>,
      %get3A_995 = vector.shape_cast %get3A_994 : vector<1x16xf32> to vector<16xf32>
      %gt3A_996 = arith.cmpf ogt, %get3A_995, %scan3A_941 : vector<16xf32>
      %select_n3A_997 = arith.select %gt3A_996, %get3A_995, %scan3A_941 : vector<16xi1>, vector<16xf32>
      %broadcast_in_dim3A_998 = vector.broadcast %scan3A_928 : i32 to vector<16xi32>
      %select_n3A_999 = arith.select %gt3A_996, %broadcast_in_dim3A_998, %scan3A_942 : vector<16xi1>, vector<16xi32>
      %get3A_1000 = arith.index_cast %scan3A_928 : i32 to index
      %get3A_1001 = arith.constant 240 : index
      %get3A_1002 = tpu.vector_load %arg4[%get3A_1000, %get3A_1001] {strides = array<i32>} : memref<150x384xf32, #tpu.memory_space<vmem>>, vector<1x16xf32>,
      %get3A_1003 = vector.shape_cast %get3A_1002 : vector<1x16xf32> to vector<16xf32>
      %gt3A_1004 = arith.cmpf ogt, %get3A_1003, %scan3A_943 : vector<16xf32>
      %select_n3A_1005 = arith.select %gt3A_1004, %get3A_1003, %scan3A_943 : vector<16xi1>, vector<16xf32>
      %broadcast_in_dim3A_1006 = vector.broadcast %scan3A_928 : i32 to vector<16xi32>
      %select_n3A_1007 = arith.select %gt3A_1004, %broadcast_in_dim3A_1006, %scan3A_944 : vector<16xi1>, vector<16xi32>
      scf.yield %select_n3A_949, %select_n3A_951, %select_n3A_957, %select_n3A_959, %select_n3A_965, %select_n3A_967, %select_n3A_973, %select_n3A_975, %select_n3A_981, %select_n3A_983, %select_n3A_989, %select_n3A_991, %select_n3A_997, %select_n3A_999, %select_n3A_1005, %select_n3A_1007 : vector<16xf32>, vector<16xi32>, vector<16xf32>, vector<16xi32>, vector<16xf32>, vector<16xi32>, vector<16xf32>, vector<16xi32>, vector<16xf32>, vector<16xi32>, vector<16xf32>, vector<16xi32>, vector<16xf32>, vector<16xi32>, vector<16xf32>, vector<16xi32>
    }
    %scan3A_801 = arith.constant 149 : i32
    %swap3A_802 = arith.constant 128 : index
    %swap3A_803 = tpu.vector_load %arg5[%swap3A_802] {strides = array<i32>} : memref<384xi32, #tpu.memory_space<vmem>>, vector<16xi32>,
    %swap3A_804 = vector.shape_cast %swap3A_803 : vector<16xi32> to vector<16xi32>
    %swap3A_805 = vector.shape_cast %scan3A_800#1 : vector<16xi32> to vector<16xi32>
    tpu.vector_store %arg5[%swap3A_802], %swap3A_805 {strides = array<i32>} : memref<384xi32, #tpu.memory_space<vmem>>, vector<16xi32>,
    %swap3A_806 = arith.constant 144 : index
    %swap3A_807 = tpu.vector_load %arg5[%swap3A_806] {strides = array<i32>} : memref<384xi32, #tpu.memory_space<vmem>>, vector<16xi32>,
    %swap3A_808 = vector.shape_cast %swap3A_807 : vector<16xi32> to vector<16xi32>
    %swap3A_809 = vector.shape_cast %scan3A_800#3 : vector<16xi32> to vector<16xi32>
    tpu.vector_store %arg5[%swap3A_806], %swap3A_809 {strides = array<i32>} : memref<384xi32, #tpu.memory_space<vmem>>, vector<16xi32>,
    %swap3A_810 = arith.constant 160 : index
    %swap3A_811 = tpu.vector_load %arg5[%swap3A_810] {strides = array<i32>} : memref<384xi32, #tpu.memory_space<vmem>>, vector<16xi32>,
    %swap3A_812 = vector.shape_cast %swap3A_811 : vector<16xi32> to vector<16xi32>
    %swap3A_813 = vector.shape_cast %scan3A_800#5 : vector<16xi32> to vector<16xi32>
    tpu.vector_store %arg5[%swap3A_810], %swap3A_813 {strides = array<i32>} : memref<384xi32, #tpu.memory_space<vmem>>, vector<16xi32>,
    %swap3A_814 = arith.constant 176 : index
    %swap3A_815 = tpu.vector_load %arg5[%swap3A_814] {strides = array<i32>} : memref<384xi32, #tpu.memory_space<vmem>>, vector<16xi32>,
    %swap3A_816 = vector.shape_cast %swap3A_815 : vector<16xi32> to vector<16xi32>
    %swap3A_817 = vector.shape_cast %scan3A_800#7 : vector<16xi32> to vector<16xi32>
    tpu.vector_store %arg5[%swap3A_814], %swap3A_817 {strides = array<i32>} : memref<384xi32, #tpu.memory_space<vmem>>, vector<16xi32>,
    %swap3A_818 = arith.constant 192 : index
    %swap3A_819 = tpu.vector_load %arg5[%swap3A_818] {strides = array<i32>} : memref<384xi32, #tpu.memory_space<vmem>>, vector<16xi32>,
    %swap3A_820 = vector.shape_cast %swap3A_819 : vector<16xi32> to vector<16xi32>
    %swap3A_821 = vector.shape_cast %scan3A_800#9 : vector<16xi32> to vector<16xi32>
    tpu.vector_store %arg5[%swap3A_818], %swap3A_821 {strides = array<i32>} : memref<384xi32, #tpu.memory_space<vmem>>, vector<16xi32>,
    %swap3A_822 = arith.constant 208 : index
    %swap3A_823 = tpu.vector_load %arg5[%swap3A_822] {strides = array<i32>} : memref<384xi32, #tpu.memory_space<vmem>>, vector<16xi32>,
    %swap3A_824 = vector.shape_cast %swap3A_823 : vector<16xi32> to vector<16xi32>
    %swap3A_825 = vector.shape_cast %scan3A_800#11 : vector<16xi32> to vector<16xi32>
    tpu.vector_store %arg5[%swap3A_822], %swap3A_825 {strides = array<i32>} : memref<384xi32, #tpu.memory_space<vmem>>, vector<16xi32>,
    %swap3A_826 = arith.constant 224 : index
    %swap3A_827 = tpu.vector_load %arg5[%swap3A_826] {strides = array<i32>} : memref<384xi32, #tpu.memory_space<vmem>>, vector<16xi32>,
    %swap3A_828 = vector.shape_cast %swap3A_827 : vector<16xi32> to vector<16xi32>
    %swap3A_829 = vector.shape_cast %scan3A_800#13 : vector<16xi32> to vector<16xi32>
    tpu.vector_store %arg5[%swap3A_826], %swap3A_829 {strides = array<i32>} : memref<384xi32, #tpu.memory_space<vmem>>, vector<16xi32>,
    %swap3A_830 = arith.constant 240 : index
    %swap3A_831 = tpu.vector_load %arg5[%swap3A_830] {strides = array<i32>} : memref<384xi32, #tpu.memory_space<vmem>>, vector<16xi32>,
    %swap3A_832 = vector.shape_cast %swap3A_831 : vector<16xi32> to vector<16xi32>
    %swap3A_833 = vector.shape_cast %scan3A_800#15 : vector<16xi32> to vector<16xi32>
    tpu.vector_store %arg5[%swap3A_830], %swap3A_833 {strides = array<i32>} : memref<384xi32, #tpu.memory_space<vmem>>, vector<16xi32>,
    %get3A_834 = arith.constant 0 : i32
    %get3A_835 = arith.index_cast %get3A_834 : i32 to index
    %get3A_836 = arith.constant 256 : index
    %get3A_837 = tpu.vector_load %arg4[%get3A_835, %get3A_836] {strides = array<i32>} : memref<150x384xf32, #tpu.memory_space<vmem>>, vector<1x16xf32>,
    %get3A_838 = vector.shape_cast %get3A_837 : vector<1x16xf32> to vector<16xf32>
    %broadcast_in_dim3A_839 = arith.constant 0 : i32
    %broadcast_in_dim3A_840 = vector.broadcast %broadcast_in_dim3A_839 : i32 to vector<16xi32>
    %get3A_841 = arith.constant 0 : i32
    %get3A_842 = arith.index_cast %get3A_841 : i32 to index
    %get3A_843 = arith.constant 272 : index
    %get3A_844 = tpu.vector_load %arg4[%get3A_842, %get3A_843] {strides = array<i32>} : memref<150x384xf32, #tpu.memory_space<vmem>>, vector<1x16xf32>,
    %get3A_845 = vector.shape_cast %get3A_844 : vector<1x16xf32> to vector<16xf32>
    %broadcast_in_dim3A_846 = arith.constant 0 : i32
    %broadcast_in_dim3A_847 = vector.broadcast %broadcast_in_dim3A_846 : i32 to vector<16xi32>
    %get3A_848 = arith.constant 0 : i32
    %get3A_849 = arith.index_cast %get3A_848 : i32 to index
    %get3A_850 = arith.constant 288 : index
    %get3A_851 = tpu.vector_load %arg4[%get3A_849, %get3A_850] {strides = array<i32>} : memref<150x384xf32, #tpu.memory_space<vmem>>, vector<1x16xf32>,
    %get3A_852 = vector.shape_cast %get3A_851 : vector<1x16xf32> to vector<16xf32>
    %broadcast_in_dim3A_853 = arith.constant 0 : i32
    %broadcast_in_dim3A_854 = vector.broadcast %broadcast_in_dim3A_853 : i32 to vector<16xi32>
    %get3A_855 = arith.constant 0 : i32
    %get3A_856 = arith.index_cast %get3A_855 : i32 to index
    %get3A_857 = arith.constant 304 : index
    %get3A_858 = tpu.vector_load %arg4[%get3A_856, %get3A_857] {strides = array<i32>} : memref<150x384xf32, #tpu.memory_space<vmem>>, vector<1x16xf32>,
    %get3A_859 = vector.shape_cast %get3A_858 : vector<1x16xf32> to vector<16xf32>
    %broadcast_in_dim3A_860 = arith.constant 0 : i32
    %broadcast_in_dim3A_861 = vector.broadcast %broadcast_in_dim3A_860 : i32 to vector<16xi32>
    %get3A_862 = arith.constant 0 : i32
    %get3A_863 = arith.index_cast %get3A_862 : i32 to index
    %get3A_864 = arith.constant 320 : index
    %get3A_865 = tpu.vector_load %arg4[%get3A_863, %get3A_864] {strides = array<i32>} : memref<150x384xf32, #tpu.memory_space<vmem>>, vector<1x16xf32>,
    %get3A_866 = vector.shape_cast %get3A_865 : vector<1x16xf32> to vector<16xf32>
    %broadcast_in_dim3A_867 = arith.constant 0 : i32
    %broadcast_in_dim3A_868 = vector.broadcast %broadcast_in_dim3A_867 : i32 to vector<16xi32>
    %get3A_869 = arith.constant 0 : i32
    %get3A_870 = arith.index_cast %get3A_869 : i32 to index
    %get3A_871 = arith.constant 336 : index
    %get3A_872 = tpu.vector_load %arg4[%get3A_870, %get3A_871] {strides = array<i32>} : memref<150x384xf32, #tpu.memory_space<vmem>>, vector<1x16xf32>,
    %get3A_873 = vector.shape_cast %get3A_872 : vector<1x16xf32> to vector<16xf32>
    %broadcast_in_dim3A_874 = arith.constant 0 : i32
    %broadcast_in_dim3A_875 = vector.broadcast %broadcast_in_dim3A_874 : i32 to vector<16xi32>
    %get3A_876 = arith.constant 0 : i32
    %get3A_877 = arith.index_cast %get3A_876 : i32 to index
    %get3A_878 = arith.constant 352 : index
    %get3A_879 = tpu.vector_load %arg4[%get3A_877, %get3A_878] {strides = array<i32>} : memref<150x384xf32, #tpu.memory_space<vmem>>, vector<1x16xf32>,
    %get3A_880 = vector.shape_cast %get3A_879 : vector<1x16xf32> to vector<16xf32>
    %broadcast_in_dim3A_881 = arith.constant 0 : i32
    %broadcast_in_dim3A_882 = vector.broadcast %broadcast_in_dim3A_881 : i32 to vector<16xi32>
    %get3A_883 = arith.constant 0 : i32
    %get3A_884 = arith.index_cast %get3A_883 : i32 to index
    %get3A_885 = arith.constant 368 : index
    %get3A_886 = tpu.vector_load %arg4[%get3A_884, %get3A_885] {strides = array<i32>} : memref<150x384xf32, #tpu.memory_space<vmem>>, vector<1x16xf32>,
    %get3A_887 = vector.shape_cast %get3A_886 : vector<1x16xf32> to vector<16xf32>
    %broadcast_in_dim3A_888 = arith.constant 0 : i32
    %broadcast_in_dim3A_889 = vector.broadcast %broadcast_in_dim3A_888 : i32 to vector<16xi32>
    %scan3A_890 = arith.constant 1 : i32
    %scan3A_891 = arith.constant 149 : i32
    %scan3A_892 = arith.addi %scan3A_890, %scan3A_891 : i32
    %scan3A_893 = arith.constant 1 : i32
    %scan3A_894:16 = scf.for %scan3A_928 = %scan3A_890 to %scan3A_892 step %scan3A_893 iter_args(%scan3A_929 = %get3A_838, %scan3A_930 = %broadcast_in_dim3A_840, %scan3A_931 = %get3A_845, %scan3A_932 = %broadcast_in_dim3A_847, %scan3A_933 = %get3A_852, %scan3A_934 = %broadcast_in_dim3A_854, %scan3A_935 = %get3A_859, %scan3A_936 = %broadcast_in_dim3A_861, %scan3A_937 = %get3A_866, %scan3A_938 = %broadcast_in_dim3A_868, %scan3A_939 = %get3A_873, %scan3A_940 = %broadcast_in_dim3A_875, %scan3A_941 = %get3A_880, %scan3A_942 = %broadcast_in_dim3A_882, %scan3A_943 = %get3A_887, %scan3A_944 = %broadcast_in_dim3A_889) -> (vector<16xf32>, vector<16xi32>, vector<16xf32>, vector<16xi32>, vector<16xf32>, vector<16xi32>, vector<16xf32>, vector<16xi32>, vector<16xf32>, vector<16xi32>, vector<16xf32>, vector<16xi32>, vector<16xf32>, vector<16xi32>, vector<16xf32>, vector<16xi32>)  : i32 {
      %get3A_945 = arith.index_cast %scan3A_928 : i32 to index
      %get3A_946 = arith.constant 256 : index
      %get3A_947 = tpu.vector_load %arg4[%get3A_945, %get3A_946] {strides = array<i32>} : memref<150x384xf32, #tpu.memory_space<vmem>>, vector<1x16xf32>,
      %get3A_948 = vector.shape_cast %get3A_947 : vector<1x16xf32> to vector<16xf32>
      %gt3A = arith.cmpf ogt, %get3A_948, %scan3A_929 : vector<16xf32>
      %select_n3A_949 = arith.select %gt3A, %get3A_948, %scan3A_929 : vector<16xi1>, vector<16xf32>
      %broadcast_in_dim3A_950 = vector.broadcast %scan3A_928 : i32 to vector<16xi32>
      %select_n3A_951 = arith.select %gt3A, %broadcast_in_dim3A_950, %scan3A_930 : vector<16xi1>, vector<16xi32>
      %get3A_952 = arith.index_cast %scan3A_928 : i32 to index
      %get3A_953 = arith.constant 272 : index
      %get3A_954 = tpu.vector_load %arg4[%get3A_952, %get3A_953] {strides = array<i32>} : memref<150x384xf32, #tpu.memory_space<vmem>>, vector<1x16xf32>,
      %get3A_955 = vector.shape_cast %get3A_954 : vector<1x16xf32> to vector<16xf32>
      %gt3A_956 = arith.cmpf ogt, %get3A_955, %scan3A_931 : vector<16xf32>
      %select_n3A_957 = arith.select %gt3A_956, %get3A_955, %scan3A_931 : vector<16xi1>, vector<16xf32>
      %broadcast_in_dim3A_958 = vector.broadcast %scan3A_928 : i32 to vector<16xi32>
      %select_n3A_959 = arith.select %gt3A_956, %broadcast_in_dim3A_958, %scan3A_932 : vector<16xi1>, vector<16xi32>
      %get3A_960 = arith.index_cast %scan3A_928 : i32 to index
      %get3A_961 = arith.constant 288 : index
      %get3A_962 = tpu.vector_load %arg4[%get3A_960, %get3A_961] {strides = array<i32>} : memref<150x384xf32, #tpu.memory_space<vmem>>, vector<1x16xf32>,
      %get3A_963 = vector.shape_cast %get3A_962 : vector<1x16xf32> to vector<16xf32>
      %gt3A_964 = arith.cmpf ogt, %get3A_963, %scan3A_933 : vector<16xf32>
      %select_n3A_965 = arith.select %gt3A_964, %get3A_963, %scan3A_933 : vector<16xi1>, vector<16xf32>
      %broadcast_in_dim3A_966 = vector.broadcast %scan3A_928 : i32 to vector<16xi32>
      %select_n3A_967 = arith.select %gt3A_964, %broadcast_in_dim3A_966, %scan3A_934 : vector<16xi1>, vector<16xi32>
      %get3A_968 = arith.index_cast %scan3A_928 : i32 to index
      %get3A_969 = arith.constant 304 : index
      %get3A_970 = tpu.vector_load %arg4[%get3A_968, %get3A_969] {strides = array<i32>} : memref<150x384xf32, #tpu.memory_space<vmem>>, vector<1x16xf32>,
      %get3A_971 = vector.shape_cast %get3A_970 : vector<1x16xf32> to vector<16xf32>
      %gt3A_972 = arith.cmpf ogt, %get3A_971, %scan3A_935 : vector<16xf32>
      %select_n3A_973 = arith.select %gt3A_972, %get3A_971, %scan3A_935 : vector<16xi1>, vector<16xf32>
      %broadcast_in_dim3A_974 = vector.broadcast %scan3A_928 : i32 to vector<16xi32>
      %select_n3A_975 = arith.select %gt3A_972, %broadcast_in_dim3A_974, %scan3A_936 : vector<16xi1>, vector<16xi32>
      %get3A_976 = arith.index_cast %scan3A_928 : i32 to index
      %get3A_977 = arith.constant 320 : index
      %get3A_978 = tpu.vector_load %arg4[%get3A_976, %get3A_977] {strides = array<i32>} : memref<150x384xf32, #tpu.memory_space<vmem>>, vector<1x16xf32>,
      %get3A_979 = vector.shape_cast %get3A_978 : vector<1x16xf32> to vector<16xf32>
      %gt3A_980 = arith.cmpf ogt, %get3A_979, %scan3A_937 : vector<16xf32>
      %select_n3A_981 = arith.select %gt3A_980, %get3A_979, %scan3A_937 : vector<16xi1>, vector<16xf32>
      %broadcast_in_dim3A_982 = vector.broadcast %scan3A_928 : i32 to vector<16xi32>
      %select_n3A_983 = arith.select %gt3A_980, %broadcast_in_dim3A_982, %scan3A_938 : vector<16xi1>, vector<16xi32>
      %get3A_984 = arith.index_cast %scan3A_928 : i32 to index
      %get3A_985 = arith.constant 336 : index
      %get3A_986 = tpu.vector_load %arg4[%get3A_984, %get3A_985] {strides = array<i32>} : memref<150x384xf32, #tpu.memory_space<vmem>>, vector<1x16xf32>,
      %get3A_987 = vector.shape_cast %get3A_986 : vector<1x16xf32> to vector<16xf32>
      %gt3A_988 = arith.cmpf ogt, %get3A_987, %scan3A_939 : vector<16xf32>
      %select_n3A_989 = arith.select %gt3A_988, %get3A_987, %scan3A_939 : vector<16xi1>, vector<16xf32>
      %broadcast_in_dim3A_990 = vector.broadcast %scan3A_928 : i32 to vector<16xi32>
      %select_n3A_991 = arith.select %gt3A_988, %broadcast_in_dim3A_990, %scan3A_940 : vector<16xi1>, vector<16xi32>
      %get3A_992 = arith.index_cast %scan3A_928 : i32 to index
      %get3A_993 = arith.constant 352 : index
      %get3A_994 = tpu.vector_load %arg4[%get3A_992, %get3A_993] {strides = array<i32>} : memref<150x384xf32, #tpu.memory_space<vmem>>, vector<1x16xf32>,
      %get3A_995 = vector.shape_cast %get3A_994 : vector<1x16xf32> to vector<16xf32>
      %gt3A_996 = arith.cmpf ogt, %get3A_995, %scan3A_941 : vector<16xf32>
      %select_n3A_997 = arith.select %gt3A_996, %get3A_995, %scan3A_941 : vector<16xi1>, vector<16xf32>
      %broadcast_in_dim3A_998 = vector.broadcast %scan3A_928 : i32 to vector<16xi32>
      %select_n3A_999 = arith.select %gt3A_996, %broadcast_in_dim3A_998, %scan3A_942 : vector<16xi1>, vector<16xi32>
      %get3A_1000 = arith.index_cast %scan3A_928 : i32 to index
      %get3A_1001 = arith.constant 368 : index
      %get3A_1002 = tpu.vector_load %arg4[%get3A_1000, %get3A_1001] {strides = array<i32>} : memref<150x384xf32, #tpu.memory_space<vmem>>, vector<1x16xf32>,
      %get3A_1003 = vector.shape_cast %get3A_1002 : vector<1x16xf32> to vector<16xf32>
      %gt3A_1004 = arith.cmpf ogt, %get3A_1003, %scan3A_943 : vector<16xf32>
      %select_n3A_1005 = arith.select %gt3A_1004, %get3A_1003, %scan3A_943 : vector<16xi1>, vector<16xf32>
      %broadcast_in_dim3A_1006 = vector.broadcast %scan3A_928 : i32 to vector<16xi32>
      %select_n3A_1007 = arith.select %gt3A_1004, %broadcast_in_dim3A_1006, %scan3A_944 : vector<16xi1>, vector<16xi32>
      scf.yield %select_n3A_949, %select_n3A_951, %select_n3A_957, %select_n3A_959, %select_n3A_965, %select_n3A_967, %select_n3A_973, %select_n3A_975, %select_n3A_981, %select_n3A_983, %select_n3A_989, %select_n3A_991, %select_n3A_997, %select_n3A_999, %select_n3A_1005, %select_n3A_1007 : vector<16xf32>, vector<16xi32>, vector<16xf32>, vector<16xi32>, vector<16xf32>, vector<16xi32>, vector<16xf32>, vector<16xi32>, vector<16xf32>, vector<16xi32>, vector<16xf32>, vector<16xi32>, vector<16xf32>, vector<16xi32>, vector<16xf32>, vector<16xi32>
    }
    %scan3A_895 = arith.constant 149 : i32
    %swap3A_896 = arith.constant 256 : index
    %swap3A_897 = tpu.vector_load %arg5[%swap3A_896] {strides = array<i32>} : memref<384xi32, #tpu.memory_space<vmem>>, vector<16xi32>,
    %swap3A_898 = vector.shape_cast %swap3A_897 : vector<16xi32> to vector<16xi32>
    %swap3A_899 = vector.shape_cast %scan3A_894#1 : vector<16xi32> to vector<16xi32>
    tpu.vector_store %arg5[%swap3A_896], %swap3A_899 {strides = array<i32>} : memref<384xi32, #tpu.memory_space<vmem>>, vector<16xi32>,
    %swap3A_900 = arith.constant 272 : index
    %swap3A_901 = tpu.vector_load %arg5[%swap3A_900] {strides = array<i32>} : memref<384xi32, #tpu.memory_space<vmem>>, vector<16xi32>,
    %swap3A_902 = vector.shape_cast %swap3A_901 : vector<16xi32> to vector<16xi32>
    %swap3A_903 = vector.shape_cast %scan3A_894#3 : vector<16xi32> to vector<16xi32>
    tpu.vector_store %arg5[%swap3A_900], %swap3A_903 {strides = array<i32>} : memref<384xi32, #tpu.memory_space<vmem>>, vector<16xi32>,
    %swap3A_904 = arith.constant 288 : index
    %swap3A_905 = tpu.vector_load %arg5[%swap3A_904] {strides = array<i32>} : memref<384xi32, #tpu.memory_space<vmem>>, vector<16xi32>,
    %swap3A_906 = vector.shape_cast %swap3A_905 : vector<16xi32> to vector<16xi32>
    %swap3A_907 = vector.shape_cast %scan3A_894#5 : vector<16xi32> to vector<16xi32>
    tpu.vector_store %arg5[%swap3A_904], %swap3A_907 {strides = array<i32>} : memref<384xi32, #tpu.memory_space<vmem>>, vector<16xi32>,
    %swap3A_908 = arith.constant 304 : index
    %swap3A_909 = tpu.vector_load %arg5[%swap3A_908] {strides = array<i32>} : memref<384xi32, #tpu.memory_space<vmem>>, vector<16xi32>,
    %swap3A_910 = vector.shape_cast %swap3A_909 : vector<16xi32> to vector<16xi32>
    %swap3A_911 = vector.shape_cast %scan3A_894#7 : vector<16xi32> to vector<16xi32>
    tpu.vector_store %arg5[%swap3A_908], %swap3A_911 {strides = array<i32>} : memref<384xi32, #tpu.memory_space<vmem>>, vector<16xi32>,
    %swap3A_912 = arith.constant 320 : index
    %swap3A_913 = tpu.vector_load %arg5[%swap3A_912] {strides = array<i32>} : memref<384xi32, #tpu.memory_space<vmem>>, vector<16xi32>,
    %swap3A_914 = vector.shape_cast %swap3A_913 : vector<16xi32> to vector<16xi32>
    %swap3A_915 = vector.shape_cast %scan3A_894#9 : vector<16xi32> to vector<16xi32>
    tpu.vector_store %arg5[%swap3A_912], %swap3A_915 {strides = array<i32>} : memref<384xi32, #tpu.memory_space<vmem>>, vector<16xi32>,
    %swap3A_916 = arith.constant 336 : index
    %swap3A_917 = tpu.vector_load %arg5[%swap3A_916] {strides = array<i32>} : memref<384xi32, #tpu.memory_space<vmem>>, vector<16xi32>,
    %swap3A_918 = vector.shape_cast %swap3A_917 : vector<16xi32> to vector<16xi32>
    %swap3A_919 = vector.shape_cast %scan3A_894#11 : vector<16xi32> to vector<16xi32>
    tpu.vector_store %arg5[%swap3A_916], %swap3A_919 {strides = array<i32>} : memref<384xi32, #tpu.memory_space<vmem>>, vector<16xi32>,
    %swap3A_920 = arith.constant 352 : index
    %swap3A_921 = tpu.vector_load %arg5[%swap3A_920] {strides = array<i32>} : memref<384xi32, #tpu.memory_space<vmem>>, vector<16xi32>,
    %swap3A_922 = vector.shape_cast %swap3A_921 : vector<16xi32> to vector<16xi32>
    %swap3A_923 = vector.shape_cast %scan3A_894#13 : vector<16xi32> to vector<16xi32>
    tpu.vector_store %arg5[%swap3A_920], %swap3A_923 {strides = array<i32>} : memref<384xi32, #tpu.memory_space<vmem>>, vector<16xi32>,
    %swap3A_924 = arith.constant 368 : index
    %swap3A_925 = tpu.vector_load %arg5[%swap3A_924] {strides = array<i32>} : memref<384xi32, #tpu.memory_space<vmem>>, vector<16xi32>,
    %swap3A_926 = vector.shape_cast %swap3A_925 : vector<16xi32> to vector<16xi32>
    %swap3A_927 = vector.shape_cast %scan3A_894#15 : vector<16xi32> to vector<16xi32>
    tpu.vector_store %arg5[%swap3A_924], %swap3A_927 {strides = array<i32>} : memref<384xi32, #tpu.memory_space<vmem>>, vector<16xi32>,
    "tpu.region"() ({
      %run_scoped3A = tpu.sem_alloc : memref<!tpu.dma_semaphore, #tpu.memory_space<semaphore_mem>>
      %dma_start3A = arith.constant 0 : i32
      %dma_start3A_928 = tpu.memref_slice %arg3[%select_n3A_642, %sub3A_645, %dma_start3A] : memref<2x48x384xi32, #tpu.memory_space<hbm>> -> memref<1x1x384xi32, #tpu.memory_space<hbm>>
      %dma_start3A_929 = tpu.memref_squeeze %dma_start3A_928 : memref<1x1x384xi32, #tpu.memory_space<hbm>> -> memref<384xi32, #tpu.memory_space<hbm>>
      %dma_start3A_930 = arith.constant 0 : i32
      %dma_start3A_931 = tpu.memref_slice %arg3[%select_n3A_642, %sub3A_645, %dma_start3A_930] : memref<2x48x384xi32, #tpu.memory_space<hbm>> -> memref<1x1x384xi32, #tpu.memory_space<hbm>>
      %dma_start3A_932 = tpu.memref_squeeze %dma_start3A_931 : memref<1x1x384xi32, #tpu.memory_space<hbm>> -> memref<384xi32, #tpu.memory_space<hbm>>
      tpu.enqueue_dma source(%arg5 : memref<384xi32, #tpu.memory_space<vmem>>) target(%dma_start3A_932 : memref<384xi32, #tpu.memory_space<hbm>>) target_semaphore(%run_scoped3A : memref<!tpu.dma_semaphore, #tpu.memory_space<semaphore_mem>>)
      %dma_wait3A = arith.constant 0 : i32
      %dma_wait3A_933 = tpu.memref_slice %arg3[%select_n3A_642, %sub3A_645, %dma_wait3A] : memref<2x48x384xi32, #tpu.memory_space<hbm>> -> memref<1x1x384xi32, #tpu.memory_space<hbm>>
      %dma_wait3A_934 = tpu.memref_squeeze %dma_wait3A_933 : memref<1x1x384xi32, #tpu.memory_space<hbm>> -> memref<384xi32, #tpu.memory_space<hbm>>
      %dma_wait3A_935 = arith.constant 0 : i32
      %dma_wait3A_936 = tpu.memref_slice %arg3[%select_n3A_642, %sub3A_645, %dma_wait3A_935] : memref<2x48x384xi32, #tpu.memory_space<hbm>> -> memref<1x1x384xi32, #tpu.memory_space<hbm>>
      %dma_wait3A_937 = tpu.memref_squeeze %dma_wait3A_936 : memref<1x1x384xi32, #tpu.memory_space<hbm>> -> memref<384xi32, #tpu.memory_space<hbm>>
      tpu.wait_dma2 semaphore(%run_scoped3A : memref<!tpu.dma_semaphore, #tpu.memory_space<semaphore_mem>>) src(%arg5 : memref<384xi32, #tpu.memory_space<vmem>>) dst(%dma_wait3A_937 : memref<384xi32, #tpu.memory_space<hbm>>)
      tpu.yield
    }) : () -> ()
    return
  }
}

module attributes {stable_mosaic.version = 14 : i64} {
  func.func @_tc_kernel(%arg0: i32, %arg1: i32, %arg2: memref<1x150x48x384xf32, #tpu.memory_space<vmem>>, %arg3: memref<1x48x384xi32, #tpu.memory_space<vmem>>, %arg4: memref<3x16x16xf32, #tpu.memory_space<vmem>>, %arg5: memref<3x16x16xf32, #tpu.memory_space<vmem>>) attributes {dimension_semantics = [#tpu.dimension_semantics<arbitrary>, #tpu.dimension_semantics<arbitrary>], iteration_bounds = array<i64: 2, 7>, scalar_prefetch = 0 : i64, scratch_operands = 1 : i64, tpu.core_type = #tpu.core_type<tc>, window_params = [{transform_indices = @transform_0, window_bounds = array<i64: 1, 150, 48, 384>}, {transform_indices = @transform_1, window_bounds = array<i64: 1, 48, 384>}, {pipeline_mode = #tpu.pipeline_mode<synchronous>, transform_indices = @transform_2, window_bounds = array<i64: 3, 16, 16>}]} {
    %eq3A = arith.constant 0 : i32
    %eq3A_0 = arith.cmpi eq, %arg0, %eq3A : i32
    %eq3A_1 = arith.constant 0 : i32
    %eq3A_2 = arith.cmpi eq, %arg1, %eq3A_1 : i32
    %and3A = arith.andi %eq3A_0, %eq3A_2 : i1
    %convert_element_type3A = arith.extui %and3A : i1 to i32
    %cond3A = arith.constant 0 : i32
    %cond3A_3 = arith.cmpi ne, %convert_element_type3A, %cond3A : i32
    scf.if %cond3A_3 {
      %broadcast_in_dim3A_1169 = arith.constant 0.000000e+00 : f32
      %broadcast_in_dim3A_1170 = vector.broadcast %broadcast_in_dim3A_1169 : f32 to vector<3x16x16xf32>
      %swap3A_1171 = arith.constant 0 : index
      %swap3A_1172 = arith.constant 0 : index
      %swap3A_1173 = arith.constant 0 : index
      %swap3A_1174 = vector.load %arg5[%swap3A_1171, %swap3A_1172, %swap3A_1173] : memref<3x16x16xf32, #tpu.memory_space<vmem>>, vector<3x16x16xf32>
      tpu.vector_store %arg5[%swap3A_1171, %swap3A_1172, %swap3A_1173], %broadcast_in_dim3A_1170 {strides = array<i32>} : memref<3x16x16xf32, #tpu.memory_space<vmem>>, vector<3x16x16xf32>,
    } else {
    }
    %get3A = arith.constant 0 : index
    %get3A_4 = arith.constant 0 : index
    %get3A_5 = arith.constant 0 : index
    %get3A_6 = arith.constant 0 : index
    %get3A_7 = vector.load %arg2[%get3A, %get3A_4, %get3A_5, %get3A_6] : memref<1x150x48x384xf32, #tpu.memory_space<vmem>>, vector<1x150x48x384xf32>
    %get3A_8 = vector.shape_cast %get3A_7 : vector<1x150x48x384xf32> to vector<150x48x384xf32>
    %get3A_9 = arith.constant 0 : index
    %get3A_10 = arith.constant 0 : index
    %get3A_11 = arith.constant 0 : index
    %get3A_12 = vector.load %arg3[%get3A_9, %get3A_10, %get3A_11] : memref<1x48x384xi32, #tpu.memory_space<vmem>>, vector<1x48x384xi32>
    %get3A_13 = vector.shape_cast %get3A_12 : vector<1x48x384xi32> to vector<48x384xi32>
    %slice3A = vector.extract_strided_slice %get3A_8 {offsets = [0, 0, 0], sizes = [1, 48, 384], strides = [1, 1, 1]} : vector<150x48x384xf32> to vector<1x48x384xf32>
    %squeeze3A = vector.shape_cast %slice3A : vector<1x48x384xf32> to vector<48x384xf32>
    %broadcast_in_dim3A = arith.constant 0 : i32
    %broadcast_in_dim3A_14 = vector.broadcast %broadcast_in_dim3A : i32 to vector<48x384xi32>
    %slice3A_15 = vector.extract_strided_slice %get3A_8 {offsets = [1, 0, 0], sizes = [1, 48, 384], strides = [1, 1, 1]} : vector<150x48x384xf32> to vector<1x48x384xf32>
    %squeeze3A_16 = vector.shape_cast %slice3A_15 : vector<1x48x384xf32> to vector<48x384xf32>
    %gt3A = arith.cmpf ogt, %squeeze3A_16, %squeeze3A : vector<48x384xf32>
    %max3A = arith.maximumf %squeeze3A, %squeeze3A_16 : vector<48x384xf32>
    %jit3A = arith.constant 1 : i32
    %broadcast_in_dim3A_17 = vector.broadcast %jit3A : i32 to vector<48x384xi32>
    %select_n3A = arith.select %gt3A, %broadcast_in_dim3A_17, %broadcast_in_dim3A_14 : vector<48x384xi1>, vector<48x384xi32>
    %slice3A_18 = vector.extract_strided_slice %get3A_8 {offsets = [2, 0, 0], sizes = [1, 48, 384], strides = [1, 1, 1]} : vector<150x48x384xf32> to vector<1x48x384xf32>
    %squeeze3A_19 = vector.shape_cast %slice3A_18 : vector<1x48x384xf32> to vector<48x384xf32>
    %gt3A_20 = arith.cmpf ogt, %squeeze3A_19, %max3A : vector<48x384xf32>
    %max3A_21 = arith.maximumf %max3A, %squeeze3A_19 : vector<48x384xf32>
    %jit3A_22 = arith.constant 2 : i32
    %broadcast_in_dim3A_23 = vector.broadcast %jit3A_22 : i32 to vector<48x384xi32>
    %select_n3A_24 = arith.select %gt3A_20, %broadcast_in_dim3A_23, %select_n3A : vector<48x384xi1>, vector<48x384xi32>
    %slice3A_25 = vector.extract_strided_slice %get3A_8 {offsets = [3, 0, 0], sizes = [1, 48, 384], strides = [1, 1, 1]} : vector<150x48x384xf32> to vector<1x48x384xf32>
    %squeeze3A_26 = vector.shape_cast %slice3A_25 : vector<1x48x384xf32> to vector<48x384xf32>
    %gt3A_27 = arith.cmpf ogt, %squeeze3A_26, %max3A_21 : vector<48x384xf32>
    %max3A_28 = arith.maximumf %max3A_21, %squeeze3A_26 : vector<48x384xf32>
    %jit3A_29 = arith.constant 3 : i32
    %broadcast_in_dim3A_30 = vector.broadcast %jit3A_29 : i32 to vector<48x384xi32>
    %select_n3A_31 = arith.select %gt3A_27, %broadcast_in_dim3A_30, %select_n3A_24 : vector<48x384xi1>, vector<48x384xi32>
    %slice3A_32 = vector.extract_strided_slice %get3A_8 {offsets = [4, 0, 0], sizes = [1, 48, 384], strides = [1, 1, 1]} : vector<150x48x384xf32> to vector<1x48x384xf32>
    %squeeze3A_33 = vector.shape_cast %slice3A_32 : vector<1x48x384xf32> to vector<48x384xf32>
    %gt3A_34 = arith.cmpf ogt, %squeeze3A_33, %max3A_28 : vector<48x384xf32>
    %max3A_35 = arith.maximumf %max3A_28, %squeeze3A_33 : vector<48x384xf32>
    %jit3A_36 = arith.constant 4 : i32
    %broadcast_in_dim3A_37 = vector.broadcast %jit3A_36 : i32 to vector<48x384xi32>
    %select_n3A_38 = arith.select %gt3A_34, %broadcast_in_dim3A_37, %select_n3A_31 : vector<48x384xi1>, vector<48x384xi32>
    %slice3A_39 = vector.extract_strided_slice %get3A_8 {offsets = [5, 0, 0], sizes = [1, 48, 384], strides = [1, 1, 1]} : vector<150x48x384xf32> to vector<1x48x384xf32>
    %squeeze3A_40 = vector.shape_cast %slice3A_39 : vector<1x48x384xf32> to vector<48x384xf32>
    %gt3A_41 = arith.cmpf ogt, %squeeze3A_40, %max3A_35 : vector<48x384xf32>
    %max3A_42 = arith.maximumf %max3A_35, %squeeze3A_40 : vector<48x384xf32>
    %jit3A_43 = arith.constant 5 : i32
    %broadcast_in_dim3A_44 = vector.broadcast %jit3A_43 : i32 to vector<48x384xi32>
    %select_n3A_45 = arith.select %gt3A_41, %broadcast_in_dim3A_44, %select_n3A_38 : vector<48x384xi1>, vector<48x384xi32>
    %slice3A_46 = vector.extract_strided_slice %get3A_8 {offsets = [6, 0, 0], sizes = [1, 48, 384], strides = [1, 1, 1]} : vector<150x48x384xf32> to vector<1x48x384xf32>
    %squeeze3A_47 = vector.shape_cast %slice3A_46 : vector<1x48x384xf32> to vector<48x384xf32>
    %gt3A_48 = arith.cmpf ogt, %squeeze3A_47, %max3A_42 : vector<48x384xf32>
    %max3A_49 = arith.maximumf %max3A_42, %squeeze3A_47 : vector<48x384xf32>
    %jit3A_50 = arith.constant 6 : i32
    %broadcast_in_dim3A_51 = vector.broadcast %jit3A_50 : i32 to vector<48x384xi32>
    %select_n3A_52 = arith.select %gt3A_48, %broadcast_in_dim3A_51, %select_n3A_45 : vector<48x384xi1>, vector<48x384xi32>
    %slice3A_53 = vector.extract_strided_slice %get3A_8 {offsets = [7, 0, 0], sizes = [1, 48, 384], strides = [1, 1, 1]} : vector<150x48x384xf32> to vector<1x48x384xf32>
    %squeeze3A_54 = vector.shape_cast %slice3A_53 : vector<1x48x384xf32> to vector<48x384xf32>
    %gt3A_55 = arith.cmpf ogt, %squeeze3A_54, %max3A_49 : vector<48x384xf32>
    %max3A_56 = arith.maximumf %max3A_49, %squeeze3A_54 : vector<48x384xf32>
    %jit3A_57 = arith.constant 7 : i32
    %broadcast_in_dim3A_58 = vector.broadcast %jit3A_57 : i32 to vector<48x384xi32>
    %select_n3A_59 = arith.select %gt3A_55, %broadcast_in_dim3A_58, %select_n3A_52 : vector<48x384xi1>, vector<48x384xi32>
    %slice3A_60 = vector.extract_strided_slice %get3A_8 {offsets = [8, 0, 0], sizes = [1, 48, 384], strides = [1, 1, 1]} : vector<150x48x384xf32> to vector<1x48x384xf32>
    %squeeze3A_61 = vector.shape_cast %slice3A_60 : vector<1x48x384xf32> to vector<48x384xf32>
    %gt3A_62 = arith.cmpf ogt, %squeeze3A_61, %max3A_56 : vector<48x384xf32>
    %max3A_63 = arith.maximumf %max3A_56, %squeeze3A_61 : vector<48x384xf32>
    %jit3A_64 = arith.constant 8 : i32
    %broadcast_in_dim3A_65 = vector.broadcast %jit3A_64 : i32 to vector<48x384xi32>
    %select_n3A_66 = arith.select %gt3A_62, %broadcast_in_dim3A_65, %select_n3A_59 : vector<48x384xi1>, vector<48x384xi32>
    %slice3A_67 = vector.extract_strided_slice %get3A_8 {offsets = [9, 0, 0], sizes = [1, 48, 384], strides = [1, 1, 1]} : vector<150x48x384xf32> to vector<1x48x384xf32>
    %squeeze3A_68 = vector.shape_cast %slice3A_67 : vector<1x48x384xf32> to vector<48x384xf32>
    %gt3A_69 = arith.cmpf ogt, %squeeze3A_68, %max3A_63 : vector<48x384xf32>
    %max3A_70 = arith.maximumf %max3A_63, %squeeze3A_68 : vector<48x384xf32>
    %jit3A_71 = arith.constant 9 : i32
    %broadcast_in_dim3A_72 = vector.broadcast %jit3A_71 : i32 to vector<48x384xi32>
    %select_n3A_73 = arith.select %gt3A_69, %broadcast_in_dim3A_72, %select_n3A_66 : vector<48x384xi1>, vector<48x384xi32>
    %slice3A_74 = vector.extract_strided_slice %get3A_8 {offsets = [10, 0, 0], sizes = [1, 48, 384], strides = [1, 1, 1]} : vector<150x48x384xf32> to vector<1x48x384xf32>
    %squeeze3A_75 = vector.shape_cast %slice3A_74 : vector<1x48x384xf32> to vector<48x384xf32>
    %gt3A_76 = arith.cmpf ogt, %squeeze3A_75, %max3A_70 : vector<48x384xf32>
    %max3A_77 = arith.maximumf %max3A_70, %squeeze3A_75 : vector<48x384xf32>
    %jit3A_78 = arith.constant 10 : i32
    %broadcast_in_dim3A_79 = vector.broadcast %jit3A_78 : i32 to vector<48x384xi32>
    %select_n3A_80 = arith.select %gt3A_76, %broadcast_in_dim3A_79, %select_n3A_73 : vector<48x384xi1>, vector<48x384xi32>
    %slice3A_81 = vector.extract_strided_slice %get3A_8 {offsets = [11, 0, 0], sizes = [1, 48, 384], strides = [1, 1, 1]} : vector<150x48x384xf32> to vector<1x48x384xf32>
    %squeeze3A_82 = vector.shape_cast %slice3A_81 : vector<1x48x384xf32> to vector<48x384xf32>
    %gt3A_83 = arith.cmpf ogt, %squeeze3A_82, %max3A_77 : vector<48x384xf32>
    %max3A_84 = arith.maximumf %max3A_77, %squeeze3A_82 : vector<48x384xf32>
    %jit3A_85 = arith.constant 11 : i32
    %broadcast_in_dim3A_86 = vector.broadcast %jit3A_85 : i32 to vector<48x384xi32>
    %select_n3A_87 = arith.select %gt3A_83, %broadcast_in_dim3A_86, %select_n3A_80 : vector<48x384xi1>, vector<48x384xi32>
    %slice3A_88 = vector.extract_strided_slice %get3A_8 {offsets = [12, 0, 0], sizes = [1, 48, 384], strides = [1, 1, 1]} : vector<150x48x384xf32> to vector<1x48x384xf32>
    %squeeze3A_89 = vector.shape_cast %slice3A_88 : vector<1x48x384xf32> to vector<48x384xf32>
    %gt3A_90 = arith.cmpf ogt, %squeeze3A_89, %max3A_84 : vector<48x384xf32>
    %max3A_91 = arith.maximumf %max3A_84, %squeeze3A_89 : vector<48x384xf32>
    %jit3A_92 = arith.constant 12 : i32
    %broadcast_in_dim3A_93 = vector.broadcast %jit3A_92 : i32 to vector<48x384xi32>
    %select_n3A_94 = arith.select %gt3A_90, %broadcast_in_dim3A_93, %select_n3A_87 : vector<48x384xi1>, vector<48x384xi32>
    %slice3A_95 = vector.extract_strided_slice %get3A_8 {offsets = [13, 0, 0], sizes = [1, 48, 384], strides = [1, 1, 1]} : vector<150x48x384xf32> to vector<1x48x384xf32>
    %squeeze3A_96 = vector.shape_cast %slice3A_95 : vector<1x48x384xf32> to vector<48x384xf32>
    %gt3A_97 = arith.cmpf ogt, %squeeze3A_96, %max3A_91 : vector<48x384xf32>
    %max3A_98 = arith.maximumf %max3A_91, %squeeze3A_96 : vector<48x384xf32>
    %jit3A_99 = arith.constant 13 : i32
    %broadcast_in_dim3A_100 = vector.broadcast %jit3A_99 : i32 to vector<48x384xi32>
    %select_n3A_101 = arith.select %gt3A_97, %broadcast_in_dim3A_100, %select_n3A_94 : vector<48x384xi1>, vector<48x384xi32>
    %slice3A_102 = vector.extract_strided_slice %get3A_8 {offsets = [14, 0, 0], sizes = [1, 48, 384], strides = [1, 1, 1]} : vector<150x48x384xf32> to vector<1x48x384xf32>
    %squeeze3A_103 = vector.shape_cast %slice3A_102 : vector<1x48x384xf32> to vector<48x384xf32>
    %gt3A_104 = arith.cmpf ogt, %squeeze3A_103, %max3A_98 : vector<48x384xf32>
    %max3A_105 = arith.maximumf %max3A_98, %squeeze3A_103 : vector<48x384xf32>
    %jit3A_106 = arith.constant 14 : i32
    %broadcast_in_dim3A_107 = vector.broadcast %jit3A_106 : i32 to vector<48x384xi32>
    %select_n3A_108 = arith.select %gt3A_104, %broadcast_in_dim3A_107, %select_n3A_101 : vector<48x384xi1>, vector<48x384xi32>
    %slice3A_109 = vector.extract_strided_slice %get3A_8 {offsets = [15, 0, 0], sizes = [1, 48, 384], strides = [1, 1, 1]} : vector<150x48x384xf32> to vector<1x48x384xf32>
    %squeeze3A_110 = vector.shape_cast %slice3A_109 : vector<1x48x384xf32> to vector<48x384xf32>
    %gt3A_111 = arith.cmpf ogt, %squeeze3A_110, %max3A_105 : vector<48x384xf32>
    %max3A_112 = arith.maximumf %max3A_105, %squeeze3A_110 : vector<48x384xf32>
    %jit3A_113 = arith.constant 15 : i32
    %broadcast_in_dim3A_114 = vector.broadcast %jit3A_113 : i32 to vector<48x384xi32>
    %select_n3A_115 = arith.select %gt3A_111, %broadcast_in_dim3A_114, %select_n3A_108 : vector<48x384xi1>, vector<48x384xi32>
    %slice3A_116 = vector.extract_strided_slice %get3A_8 {offsets = [16, 0, 0], sizes = [1, 48, 384], strides = [1, 1, 1]} : vector<150x48x384xf32> to vector<1x48x384xf32>
    %squeeze3A_117 = vector.shape_cast %slice3A_116 : vector<1x48x384xf32> to vector<48x384xf32>
    %gt3A_118 = arith.cmpf ogt, %squeeze3A_117, %max3A_112 : vector<48x384xf32>
    %max3A_119 = arith.maximumf %max3A_112, %squeeze3A_117 : vector<48x384xf32>
    %jit3A_120 = arith.constant 16 : i32
    %broadcast_in_dim3A_121 = vector.broadcast %jit3A_120 : i32 to vector<48x384xi32>
    %select_n3A_122 = arith.select %gt3A_118, %broadcast_in_dim3A_121, %select_n3A_115 : vector<48x384xi1>, vector<48x384xi32>
    %slice3A_123 = vector.extract_strided_slice %get3A_8 {offsets = [17, 0, 0], sizes = [1, 48, 384], strides = [1, 1, 1]} : vector<150x48x384xf32> to vector<1x48x384xf32>
    %squeeze3A_124 = vector.shape_cast %slice3A_123 : vector<1x48x384xf32> to vector<48x384xf32>
    %gt3A_125 = arith.cmpf ogt, %squeeze3A_124, %max3A_119 : vector<48x384xf32>
    %max3A_126 = arith.maximumf %max3A_119, %squeeze3A_124 : vector<48x384xf32>
    %jit3A_127 = arith.constant 17 : i32
    %broadcast_in_dim3A_128 = vector.broadcast %jit3A_127 : i32 to vector<48x384xi32>
    %select_n3A_129 = arith.select %gt3A_125, %broadcast_in_dim3A_128, %select_n3A_122 : vector<48x384xi1>, vector<48x384xi32>
    %slice3A_130 = vector.extract_strided_slice %get3A_8 {offsets = [18, 0, 0], sizes = [1, 48, 384], strides = [1, 1, 1]} : vector<150x48x384xf32> to vector<1x48x384xf32>
    %squeeze3A_131 = vector.shape_cast %slice3A_130 : vector<1x48x384xf32> to vector<48x384xf32>
    %gt3A_132 = arith.cmpf ogt, %squeeze3A_131, %max3A_126 : vector<48x384xf32>
    %max3A_133 = arith.maximumf %max3A_126, %squeeze3A_131 : vector<48x384xf32>
    %jit3A_134 = arith.constant 18 : i32
    %broadcast_in_dim3A_135 = vector.broadcast %jit3A_134 : i32 to vector<48x384xi32>
    %select_n3A_136 = arith.select %gt3A_132, %broadcast_in_dim3A_135, %select_n3A_129 : vector<48x384xi1>, vector<48x384xi32>
    %slice3A_137 = vector.extract_strided_slice %get3A_8 {offsets = [19, 0, 0], sizes = [1, 48, 384], strides = [1, 1, 1]} : vector<150x48x384xf32> to vector<1x48x384xf32>
    %squeeze3A_138 = vector.shape_cast %slice3A_137 : vector<1x48x384xf32> to vector<48x384xf32>
    %gt3A_139 = arith.cmpf ogt, %squeeze3A_138, %max3A_133 : vector<48x384xf32>
    %max3A_140 = arith.maximumf %max3A_133, %squeeze3A_138 : vector<48x384xf32>
    %jit3A_141 = arith.constant 19 : i32
    %broadcast_in_dim3A_142 = vector.broadcast %jit3A_141 : i32 to vector<48x384xi32>
    %select_n3A_143 = arith.select %gt3A_139, %broadcast_in_dim3A_142, %select_n3A_136 : vector<48x384xi1>, vector<48x384xi32>
    %slice3A_144 = vector.extract_strided_slice %get3A_8 {offsets = [20, 0, 0], sizes = [1, 48, 384], strides = [1, 1, 1]} : vector<150x48x384xf32> to vector<1x48x384xf32>
    %squeeze3A_145 = vector.shape_cast %slice3A_144 : vector<1x48x384xf32> to vector<48x384xf32>
    %gt3A_146 = arith.cmpf ogt, %squeeze3A_145, %max3A_140 : vector<48x384xf32>
    %max3A_147 = arith.maximumf %max3A_140, %squeeze3A_145 : vector<48x384xf32>
    %jit3A_148 = arith.constant 20 : i32
    %broadcast_in_dim3A_149 = vector.broadcast %jit3A_148 : i32 to vector<48x384xi32>
    %select_n3A_150 = arith.select %gt3A_146, %broadcast_in_dim3A_149, %select_n3A_143 : vector<48x384xi1>, vector<48x384xi32>
    %slice3A_151 = vector.extract_strided_slice %get3A_8 {offsets = [21, 0, 0], sizes = [1, 48, 384], strides = [1, 1, 1]} : vector<150x48x384xf32> to vector<1x48x384xf32>
    %squeeze3A_152 = vector.shape_cast %slice3A_151 : vector<1x48x384xf32> to vector<48x384xf32>
    %gt3A_153 = arith.cmpf ogt, %squeeze3A_152, %max3A_147 : vector<48x384xf32>
    %max3A_154 = arith.maximumf %max3A_147, %squeeze3A_152 : vector<48x384xf32>
    %jit3A_155 = arith.constant 21 : i32
    %broadcast_in_dim3A_156 = vector.broadcast %jit3A_155 : i32 to vector<48x384xi32>
    %select_n3A_157 = arith.select %gt3A_153, %broadcast_in_dim3A_156, %select_n3A_150 : vector<48x384xi1>, vector<48x384xi32>
    %slice3A_158 = vector.extract_strided_slice %get3A_8 {offsets = [22, 0, 0], sizes = [1, 48, 384], strides = [1, 1, 1]} : vector<150x48x384xf32> to vector<1x48x384xf32>
    %squeeze3A_159 = vector.shape_cast %slice3A_158 : vector<1x48x384xf32> to vector<48x384xf32>
    %gt3A_160 = arith.cmpf ogt, %squeeze3A_159, %max3A_154 : vector<48x384xf32>
    %max3A_161 = arith.maximumf %max3A_154, %squeeze3A_159 : vector<48x384xf32>
    %jit3A_162 = arith.constant 22 : i32
    %broadcast_in_dim3A_163 = vector.broadcast %jit3A_162 : i32 to vector<48x384xi32>
    %select_n3A_164 = arith.select %gt3A_160, %broadcast_in_dim3A_163, %select_n3A_157 : vector<48x384xi1>, vector<48x384xi32>
    %slice3A_165 = vector.extract_strided_slice %get3A_8 {offsets = [23, 0, 0], sizes = [1, 48, 384], strides = [1, 1, 1]} : vector<150x48x384xf32> to vector<1x48x384xf32>
    %squeeze3A_166 = vector.shape_cast %slice3A_165 : vector<1x48x384xf32> to vector<48x384xf32>
    %gt3A_167 = arith.cmpf ogt, %squeeze3A_166, %max3A_161 : vector<48x384xf32>
    %max3A_168 = arith.maximumf %max3A_161, %squeeze3A_166 : vector<48x384xf32>
    %jit3A_169 = arith.constant 23 : i32
    %broadcast_in_dim3A_170 = vector.broadcast %jit3A_169 : i32 to vector<48x384xi32>
    %select_n3A_171 = arith.select %gt3A_167, %broadcast_in_dim3A_170, %select_n3A_164 : vector<48x384xi1>, vector<48x384xi32>
    %slice3A_172 = vector.extract_strided_slice %get3A_8 {offsets = [24, 0, 0], sizes = [1, 48, 384], strides = [1, 1, 1]} : vector<150x48x384xf32> to vector<1x48x384xf32>
    %squeeze3A_173 = vector.shape_cast %slice3A_172 : vector<1x48x384xf32> to vector<48x384xf32>
    %gt3A_174 = arith.cmpf ogt, %squeeze3A_173, %max3A_168 : vector<48x384xf32>
    %max3A_175 = arith.maximumf %max3A_168, %squeeze3A_173 : vector<48x384xf32>
    %jit3A_176 = arith.constant 24 : i32
    %broadcast_in_dim3A_177 = vector.broadcast %jit3A_176 : i32 to vector<48x384xi32>
    %select_n3A_178 = arith.select %gt3A_174, %broadcast_in_dim3A_177, %select_n3A_171 : vector<48x384xi1>, vector<48x384xi32>
    %slice3A_179 = vector.extract_strided_slice %get3A_8 {offsets = [25, 0, 0], sizes = [1, 48, 384], strides = [1, 1, 1]} : vector<150x48x384xf32> to vector<1x48x384xf32>
    %squeeze3A_180 = vector.shape_cast %slice3A_179 : vector<1x48x384xf32> to vector<48x384xf32>
    %gt3A_181 = arith.cmpf ogt, %squeeze3A_180, %max3A_175 : vector<48x384xf32>
    %max3A_182 = arith.maximumf %max3A_175, %squeeze3A_180 : vector<48x384xf32>
    %jit3A_183 = arith.constant 25 : i32
    %broadcast_in_dim3A_184 = vector.broadcast %jit3A_183 : i32 to vector<48x384xi32>
    %select_n3A_185 = arith.select %gt3A_181, %broadcast_in_dim3A_184, %select_n3A_178 : vector<48x384xi1>, vector<48x384xi32>
    %slice3A_186 = vector.extract_strided_slice %get3A_8 {offsets = [26, 0, 0], sizes = [1, 48, 384], strides = [1, 1, 1]} : vector<150x48x384xf32> to vector<1x48x384xf32>
    %squeeze3A_187 = vector.shape_cast %slice3A_186 : vector<1x48x384xf32> to vector<48x384xf32>
    %gt3A_188 = arith.cmpf ogt, %squeeze3A_187, %max3A_182 : vector<48x384xf32>
    %max3A_189 = arith.maximumf %max3A_182, %squeeze3A_187 : vector<48x384xf32>
    %jit3A_190 = arith.constant 26 : i32
    %broadcast_in_dim3A_191 = vector.broadcast %jit3A_190 : i32 to vector<48x384xi32>
    %select_n3A_192 = arith.select %gt3A_188, %broadcast_in_dim3A_191, %select_n3A_185 : vector<48x384xi1>, vector<48x384xi32>
    %slice3A_193 = vector.extract_strided_slice %get3A_8 {offsets = [27, 0, 0], sizes = [1, 48, 384], strides = [1, 1, 1]} : vector<150x48x384xf32> to vector<1x48x384xf32>
    %squeeze3A_194 = vector.shape_cast %slice3A_193 : vector<1x48x384xf32> to vector<48x384xf32>
    %gt3A_195 = arith.cmpf ogt, %squeeze3A_194, %max3A_189 : vector<48x384xf32>
    %max3A_196 = arith.maximumf %max3A_189, %squeeze3A_194 : vector<48x384xf32>
    %jit3A_197 = arith.constant 27 : i32
    %broadcast_in_dim3A_198 = vector.broadcast %jit3A_197 : i32 to vector<48x384xi32>
    %select_n3A_199 = arith.select %gt3A_195, %broadcast_in_dim3A_198, %select_n3A_192 : vector<48x384xi1>, vector<48x384xi32>
    %slice3A_200 = vector.extract_strided_slice %get3A_8 {offsets = [28, 0, 0], sizes = [1, 48, 384], strides = [1, 1, 1]} : vector<150x48x384xf32> to vector<1x48x384xf32>
    %squeeze3A_201 = vector.shape_cast %slice3A_200 : vector<1x48x384xf32> to vector<48x384xf32>
    %gt3A_202 = arith.cmpf ogt, %squeeze3A_201, %max3A_196 : vector<48x384xf32>
    %max3A_203 = arith.maximumf %max3A_196, %squeeze3A_201 : vector<48x384xf32>
    %jit3A_204 = arith.constant 28 : i32
    %broadcast_in_dim3A_205 = vector.broadcast %jit3A_204 : i32 to vector<48x384xi32>
    %select_n3A_206 = arith.select %gt3A_202, %broadcast_in_dim3A_205, %select_n3A_199 : vector<48x384xi1>, vector<48x384xi32>
    %slice3A_207 = vector.extract_strided_slice %get3A_8 {offsets = [29, 0, 0], sizes = [1, 48, 384], strides = [1, 1, 1]} : vector<150x48x384xf32> to vector<1x48x384xf32>
    %squeeze3A_208 = vector.shape_cast %slice3A_207 : vector<1x48x384xf32> to vector<48x384xf32>
    %gt3A_209 = arith.cmpf ogt, %squeeze3A_208, %max3A_203 : vector<48x384xf32>
    %max3A_210 = arith.maximumf %max3A_203, %squeeze3A_208 : vector<48x384xf32>
    %jit3A_211 = arith.constant 29 : i32
    %broadcast_in_dim3A_212 = vector.broadcast %jit3A_211 : i32 to vector<48x384xi32>
    %select_n3A_213 = arith.select %gt3A_209, %broadcast_in_dim3A_212, %select_n3A_206 : vector<48x384xi1>, vector<48x384xi32>
    %slice3A_214 = vector.extract_strided_slice %get3A_8 {offsets = [30, 0, 0], sizes = [1, 48, 384], strides = [1, 1, 1]} : vector<150x48x384xf32> to vector<1x48x384xf32>
    %squeeze3A_215 = vector.shape_cast %slice3A_214 : vector<1x48x384xf32> to vector<48x384xf32>
    %gt3A_216 = arith.cmpf ogt, %squeeze3A_215, %max3A_210 : vector<48x384xf32>
    %max3A_217 = arith.maximumf %max3A_210, %squeeze3A_215 : vector<48x384xf32>
    %jit3A_218 = arith.constant 30 : i32
    %broadcast_in_dim3A_219 = vector.broadcast %jit3A_218 : i32 to vector<48x384xi32>
    %select_n3A_220 = arith.select %gt3A_216, %broadcast_in_dim3A_219, %select_n3A_213 : vector<48x384xi1>, vector<48x384xi32>
    %slice3A_221 = vector.extract_strided_slice %get3A_8 {offsets = [31, 0, 0], sizes = [1, 48, 384], strides = [1, 1, 1]} : vector<150x48x384xf32> to vector<1x48x384xf32>
    %squeeze3A_222 = vector.shape_cast %slice3A_221 : vector<1x48x384xf32> to vector<48x384xf32>
    %gt3A_223 = arith.cmpf ogt, %squeeze3A_222, %max3A_217 : vector<48x384xf32>
    %max3A_224 = arith.maximumf %max3A_217, %squeeze3A_222 : vector<48x384xf32>
    %jit3A_225 = arith.constant 31 : i32
    %broadcast_in_dim3A_226 = vector.broadcast %jit3A_225 : i32 to vector<48x384xi32>
    %select_n3A_227 = arith.select %gt3A_223, %broadcast_in_dim3A_226, %select_n3A_220 : vector<48x384xi1>, vector<48x384xi32>
    %slice3A_228 = vector.extract_strided_slice %get3A_8 {offsets = [32, 0, 0], sizes = [1, 48, 384], strides = [1, 1, 1]} : vector<150x48x384xf32> to vector<1x48x384xf32>
    %squeeze3A_229 = vector.shape_cast %slice3A_228 : vector<1x48x384xf32> to vector<48x384xf32>
    %gt3A_230 = arith.cmpf ogt, %squeeze3A_229, %max3A_224 : vector<48x384xf32>
    %max3A_231 = arith.maximumf %max3A_224, %squeeze3A_229 : vector<48x384xf32>
    %jit3A_232 = arith.constant 32 : i32
    %broadcast_in_dim3A_233 = vector.broadcast %jit3A_232 : i32 to vector<48x384xi32>
    %select_n3A_234 = arith.select %gt3A_230, %broadcast_in_dim3A_233, %select_n3A_227 : vector<48x384xi1>, vector<48x384xi32>
    %slice3A_235 = vector.extract_strided_slice %get3A_8 {offsets = [33, 0, 0], sizes = [1, 48, 384], strides = [1, 1, 1]} : vector<150x48x384xf32> to vector<1x48x384xf32>
    %squeeze3A_236 = vector.shape_cast %slice3A_235 : vector<1x48x384xf32> to vector<48x384xf32>
    %gt3A_237 = arith.cmpf ogt, %squeeze3A_236, %max3A_231 : vector<48x384xf32>
    %max3A_238 = arith.maximumf %max3A_231, %squeeze3A_236 : vector<48x384xf32>
    %jit3A_239 = arith.constant 33 : i32
    %broadcast_in_dim3A_240 = vector.broadcast %jit3A_239 : i32 to vector<48x384xi32>
    %select_n3A_241 = arith.select %gt3A_237, %broadcast_in_dim3A_240, %select_n3A_234 : vector<48x384xi1>, vector<48x384xi32>
    %slice3A_242 = vector.extract_strided_slice %get3A_8 {offsets = [34, 0, 0], sizes = [1, 48, 384], strides = [1, 1, 1]} : vector<150x48x384xf32> to vector<1x48x384xf32>
    %squeeze3A_243 = vector.shape_cast %slice3A_242 : vector<1x48x384xf32> to vector<48x384xf32>
    %gt3A_244 = arith.cmpf ogt, %squeeze3A_243, %max3A_238 : vector<48x384xf32>
    %max3A_245 = arith.maximumf %max3A_238, %squeeze3A_243 : vector<48x384xf32>
    %jit3A_246 = arith.constant 34 : i32
    %broadcast_in_dim3A_247 = vector.broadcast %jit3A_246 : i32 to vector<48x384xi32>
    %select_n3A_248 = arith.select %gt3A_244, %broadcast_in_dim3A_247, %select_n3A_241 : vector<48x384xi1>, vector<48x384xi32>
    %slice3A_249 = vector.extract_strided_slice %get3A_8 {offsets = [35, 0, 0], sizes = [1, 48, 384], strides = [1, 1, 1]} : vector<150x48x384xf32> to vector<1x48x384xf32>
    %squeeze3A_250 = vector.shape_cast %slice3A_249 : vector<1x48x384xf32> to vector<48x384xf32>
    %gt3A_251 = arith.cmpf ogt, %squeeze3A_250, %max3A_245 : vector<48x384xf32>
    %max3A_252 = arith.maximumf %max3A_245, %squeeze3A_250 : vector<48x384xf32>
    %jit3A_253 = arith.constant 35 : i32
    %broadcast_in_dim3A_254 = vector.broadcast %jit3A_253 : i32 to vector<48x384xi32>
    %select_n3A_255 = arith.select %gt3A_251, %broadcast_in_dim3A_254, %select_n3A_248 : vector<48x384xi1>, vector<48x384xi32>
    %slice3A_256 = vector.extract_strided_slice %get3A_8 {offsets = [36, 0, 0], sizes = [1, 48, 384], strides = [1, 1, 1]} : vector<150x48x384xf32> to vector<1x48x384xf32>
    %squeeze3A_257 = vector.shape_cast %slice3A_256 : vector<1x48x384xf32> to vector<48x384xf32>
    %gt3A_258 = arith.cmpf ogt, %squeeze3A_257, %max3A_252 : vector<48x384xf32>
    %max3A_259 = arith.maximumf %max3A_252, %squeeze3A_257 : vector<48x384xf32>
    %jit3A_260 = arith.constant 36 : i32
    %broadcast_in_dim3A_261 = vector.broadcast %jit3A_260 : i32 to vector<48x384xi32>
    %select_n3A_262 = arith.select %gt3A_258, %broadcast_in_dim3A_261, %select_n3A_255 : vector<48x384xi1>, vector<48x384xi32>
    %slice3A_263 = vector.extract_strided_slice %get3A_8 {offsets = [37, 0, 0], sizes = [1, 48, 384], strides = [1, 1, 1]} : vector<150x48x384xf32> to vector<1x48x384xf32>
    %squeeze3A_264 = vector.shape_cast %slice3A_263 : vector<1x48x384xf32> to vector<48x384xf32>
    %gt3A_265 = arith.cmpf ogt, %squeeze3A_264, %max3A_259 : vector<48x384xf32>
    %max3A_266 = arith.maximumf %max3A_259, %squeeze3A_264 : vector<48x384xf32>
    %jit3A_267 = arith.constant 37 : i32
    %broadcast_in_dim3A_268 = vector.broadcast %jit3A_267 : i32 to vector<48x384xi32>
    %select_n3A_269 = arith.select %gt3A_265, %broadcast_in_dim3A_268, %select_n3A_262 : vector<48x384xi1>, vector<48x384xi32>
    %slice3A_270 = vector.extract_strided_slice %get3A_8 {offsets = [38, 0, 0], sizes = [1, 48, 384], strides = [1, 1, 1]} : vector<150x48x384xf32> to vector<1x48x384xf32>
    %squeeze3A_271 = vector.shape_cast %slice3A_270 : vector<1x48x384xf32> to vector<48x384xf32>
    %gt3A_272 = arith.cmpf ogt, %squeeze3A_271, %max3A_266 : vector<48x384xf32>
    %max3A_273 = arith.maximumf %max3A_266, %squeeze3A_271 : vector<48x384xf32>
    %jit3A_274 = arith.constant 38 : i32
    %broadcast_in_dim3A_275 = vector.broadcast %jit3A_274 : i32 to vector<48x384xi32>
    %select_n3A_276 = arith.select %gt3A_272, %broadcast_in_dim3A_275, %select_n3A_269 : vector<48x384xi1>, vector<48x384xi32>
    %slice3A_277 = vector.extract_strided_slice %get3A_8 {offsets = [39, 0, 0], sizes = [1, 48, 384], strides = [1, 1, 1]} : vector<150x48x384xf32> to vector<1x48x384xf32>
    %squeeze3A_278 = vector.shape_cast %slice3A_277 : vector<1x48x384xf32> to vector<48x384xf32>
    %gt3A_279 = arith.cmpf ogt, %squeeze3A_278, %max3A_273 : vector<48x384xf32>
    %max3A_280 = arith.maximumf %max3A_273, %squeeze3A_278 : vector<48x384xf32>
    %jit3A_281 = arith.constant 39 : i32
    %broadcast_in_dim3A_282 = vector.broadcast %jit3A_281 : i32 to vector<48x384xi32>
    %select_n3A_283 = arith.select %gt3A_279, %broadcast_in_dim3A_282, %select_n3A_276 : vector<48x384xi1>, vector<48x384xi32>
    %slice3A_284 = vector.extract_strided_slice %get3A_8 {offsets = [40, 0, 0], sizes = [1, 48, 384], strides = [1, 1, 1]} : vector<150x48x384xf32> to vector<1x48x384xf32>
    %squeeze3A_285 = vector.shape_cast %slice3A_284 : vector<1x48x384xf32> to vector<48x384xf32>
    %gt3A_286 = arith.cmpf ogt, %squeeze3A_285, %max3A_280 : vector<48x384xf32>
    %max3A_287 = arith.maximumf %max3A_280, %squeeze3A_285 : vector<48x384xf32>
    %jit3A_288 = arith.constant 40 : i32
    %broadcast_in_dim3A_289 = vector.broadcast %jit3A_288 : i32 to vector<48x384xi32>
    %select_n3A_290 = arith.select %gt3A_286, %broadcast_in_dim3A_289, %select_n3A_283 : vector<48x384xi1>, vector<48x384xi32>
    %slice3A_291 = vector.extract_strided_slice %get3A_8 {offsets = [41, 0, 0], sizes = [1, 48, 384], strides = [1, 1, 1]} : vector<150x48x384xf32> to vector<1x48x384xf32>
    %squeeze3A_292 = vector.shape_cast %slice3A_291 : vector<1x48x384xf32> to vector<48x384xf32>
    %gt3A_293 = arith.cmpf ogt, %squeeze3A_292, %max3A_287 : vector<48x384xf32>
    %max3A_294 = arith.maximumf %max3A_287, %squeeze3A_292 : vector<48x384xf32>
    %jit3A_295 = arith.constant 41 : i32
    %broadcast_in_dim3A_296 = vector.broadcast %jit3A_295 : i32 to vector<48x384xi32>
    %select_n3A_297 = arith.select %gt3A_293, %broadcast_in_dim3A_296, %select_n3A_290 : vector<48x384xi1>, vector<48x384xi32>
    %slice3A_298 = vector.extract_strided_slice %get3A_8 {offsets = [42, 0, 0], sizes = [1, 48, 384], strides = [1, 1, 1]} : vector<150x48x384xf32> to vector<1x48x384xf32>
    %squeeze3A_299 = vector.shape_cast %slice3A_298 : vector<1x48x384xf32> to vector<48x384xf32>
    %gt3A_300 = arith.cmpf ogt, %squeeze3A_299, %max3A_294 : vector<48x384xf32>
    %max3A_301 = arith.maximumf %max3A_294, %squeeze3A_299 : vector<48x384xf32>
    %jit3A_302 = arith.constant 42 : i32
    %broadcast_in_dim3A_303 = vector.broadcast %jit3A_302 : i32 to vector<48x384xi32>
    %select_n3A_304 = arith.select %gt3A_300, %broadcast_in_dim3A_303, %select_n3A_297 : vector<48x384xi1>, vector<48x384xi32>
    %slice3A_305 = vector.extract_strided_slice %get3A_8 {offsets = [43, 0, 0], sizes = [1, 48, 384], strides = [1, 1, 1]} : vector<150x48x384xf32> to vector<1x48x384xf32>
    %squeeze3A_306 = vector.shape_cast %slice3A_305 : vector<1x48x384xf32> to vector<48x384xf32>
    %gt3A_307 = arith.cmpf ogt, %squeeze3A_306, %max3A_301 : vector<48x384xf32>
    %max3A_308 = arith.maximumf %max3A_301, %squeeze3A_306 : vector<48x384xf32>
    %jit3A_309 = arith.constant 43 : i32
    %broadcast_in_dim3A_310 = vector.broadcast %jit3A_309 : i32 to vector<48x384xi32>
    %select_n3A_311 = arith.select %gt3A_307, %broadcast_in_dim3A_310, %select_n3A_304 : vector<48x384xi1>, vector<48x384xi32>
    %slice3A_312 = vector.extract_strided_slice %get3A_8 {offsets = [44, 0, 0], sizes = [1, 48, 384], strides = [1, 1, 1]} : vector<150x48x384xf32> to vector<1x48x384xf32>
    %squeeze3A_313 = vector.shape_cast %slice3A_312 : vector<1x48x384xf32> to vector<48x384xf32>
    %gt3A_314 = arith.cmpf ogt, %squeeze3A_313, %max3A_308 : vector<48x384xf32>
    %max3A_315 = arith.maximumf %max3A_308, %squeeze3A_313 : vector<48x384xf32>
    %jit3A_316 = arith.constant 44 : i32
    %broadcast_in_dim3A_317 = vector.broadcast %jit3A_316 : i32 to vector<48x384xi32>
    %select_n3A_318 = arith.select %gt3A_314, %broadcast_in_dim3A_317, %select_n3A_311 : vector<48x384xi1>, vector<48x384xi32>
    %slice3A_319 = vector.extract_strided_slice %get3A_8 {offsets = [45, 0, 0], sizes = [1, 48, 384], strides = [1, 1, 1]} : vector<150x48x384xf32> to vector<1x48x384xf32>
    %squeeze3A_320 = vector.shape_cast %slice3A_319 : vector<1x48x384xf32> to vector<48x384xf32>
    %gt3A_321 = arith.cmpf ogt, %squeeze3A_320, %max3A_315 : vector<48x384xf32>
    %max3A_322 = arith.maximumf %max3A_315, %squeeze3A_320 : vector<48x384xf32>
    %jit3A_323 = arith.constant 45 : i32
    %broadcast_in_dim3A_324 = vector.broadcast %jit3A_323 : i32 to vector<48x384xi32>
    %select_n3A_325 = arith.select %gt3A_321, %broadcast_in_dim3A_324, %select_n3A_318 : vector<48x384xi1>, vector<48x384xi32>
    %slice3A_326 = vector.extract_strided_slice %get3A_8 {offsets = [46, 0, 0], sizes = [1, 48, 384], strides = [1, 1, 1]} : vector<150x48x384xf32> to vector<1x48x384xf32>
    %squeeze3A_327 = vector.shape_cast %slice3A_326 : vector<1x48x384xf32> to vector<48x384xf32>
    %gt3A_328 = arith.cmpf ogt, %squeeze3A_327, %max3A_322 : vector<48x384xf32>
    %max3A_329 = arith.maximumf %max3A_322, %squeeze3A_327 : vector<48x384xf32>
    %jit3A_330 = arith.constant 46 : i32
    %broadcast_in_dim3A_331 = vector.broadcast %jit3A_330 : i32 to vector<48x384xi32>
    %select_n3A_332 = arith.select %gt3A_328, %broadcast_in_dim3A_331, %select_n3A_325 : vector<48x384xi1>, vector<48x384xi32>
    %slice3A_333 = vector.extract_strided_slice %get3A_8 {offsets = [47, 0, 0], sizes = [1, 48, 384], strides = [1, 1, 1]} : vector<150x48x384xf32> to vector<1x48x384xf32>
    %squeeze3A_334 = vector.shape_cast %slice3A_333 : vector<1x48x384xf32> to vector<48x384xf32>
    %gt3A_335 = arith.cmpf ogt, %squeeze3A_334, %max3A_329 : vector<48x384xf32>
    %max3A_336 = arith.maximumf %max3A_329, %squeeze3A_334 : vector<48x384xf32>
    %jit3A_337 = arith.constant 47 : i32
    %broadcast_in_dim3A_338 = vector.broadcast %jit3A_337 : i32 to vector<48x384xi32>
    %select_n3A_339 = arith.select %gt3A_335, %broadcast_in_dim3A_338, %select_n3A_332 : vector<48x384xi1>, vector<48x384xi32>
    %slice3A_340 = vector.extract_strided_slice %get3A_8 {offsets = [48, 0, 0], sizes = [1, 48, 384], strides = [1, 1, 1]} : vector<150x48x384xf32> to vector<1x48x384xf32>
    %squeeze3A_341 = vector.shape_cast %slice3A_340 : vector<1x48x384xf32> to vector<48x384xf32>
    %gt3A_342 = arith.cmpf ogt, %squeeze3A_341, %max3A_336 : vector<48x384xf32>
    %max3A_343 = arith.maximumf %max3A_336, %squeeze3A_341 : vector<48x384xf32>
    %jit3A_344 = arith.constant 48 : i32
    %broadcast_in_dim3A_345 = vector.broadcast %jit3A_344 : i32 to vector<48x384xi32>
    %select_n3A_346 = arith.select %gt3A_342, %broadcast_in_dim3A_345, %select_n3A_339 : vector<48x384xi1>, vector<48x384xi32>
    %slice3A_347 = vector.extract_strided_slice %get3A_8 {offsets = [49, 0, 0], sizes = [1, 48, 384], strides = [1, 1, 1]} : vector<150x48x384xf32> to vector<1x48x384xf32>
    %squeeze3A_348 = vector.shape_cast %slice3A_347 : vector<1x48x384xf32> to vector<48x384xf32>
    %gt3A_349 = arith.cmpf ogt, %squeeze3A_348, %max3A_343 : vector<48x384xf32>
    %max3A_350 = arith.maximumf %max3A_343, %squeeze3A_348 : vector<48x384xf32>
    %jit3A_351 = arith.constant 49 : i32
    %broadcast_in_dim3A_352 = vector.broadcast %jit3A_351 : i32 to vector<48x384xi32>
    %select_n3A_353 = arith.select %gt3A_349, %broadcast_in_dim3A_352, %select_n3A_346 : vector<48x384xi1>, vector<48x384xi32>
    %slice3A_354 = vector.extract_strided_slice %get3A_8 {offsets = [50, 0, 0], sizes = [1, 48, 384], strides = [1, 1, 1]} : vector<150x48x384xf32> to vector<1x48x384xf32>
    %squeeze3A_355 = vector.shape_cast %slice3A_354 : vector<1x48x384xf32> to vector<48x384xf32>
    %gt3A_356 = arith.cmpf ogt, %squeeze3A_355, %max3A_350 : vector<48x384xf32>
    %max3A_357 = arith.maximumf %max3A_350, %squeeze3A_355 : vector<48x384xf32>
    %jit3A_358 = arith.constant 50 : i32
    %broadcast_in_dim3A_359 = vector.broadcast %jit3A_358 : i32 to vector<48x384xi32>
    %select_n3A_360 = arith.select %gt3A_356, %broadcast_in_dim3A_359, %select_n3A_353 : vector<48x384xi1>, vector<48x384xi32>
    %slice3A_361 = vector.extract_strided_slice %get3A_8 {offsets = [51, 0, 0], sizes = [1, 48, 384], strides = [1, 1, 1]} : vector<150x48x384xf32> to vector<1x48x384xf32>
    %squeeze3A_362 = vector.shape_cast %slice3A_361 : vector<1x48x384xf32> to vector<48x384xf32>
    %gt3A_363 = arith.cmpf ogt, %squeeze3A_362, %max3A_357 : vector<48x384xf32>
    %max3A_364 = arith.maximumf %max3A_357, %squeeze3A_362 : vector<48x384xf32>
    %jit3A_365 = arith.constant 51 : i32
    %broadcast_in_dim3A_366 = vector.broadcast %jit3A_365 : i32 to vector<48x384xi32>
    %select_n3A_367 = arith.select %gt3A_363, %broadcast_in_dim3A_366, %select_n3A_360 : vector<48x384xi1>, vector<48x384xi32>
    %slice3A_368 = vector.extract_strided_slice %get3A_8 {offsets = [52, 0, 0], sizes = [1, 48, 384], strides = [1, 1, 1]} : vector<150x48x384xf32> to vector<1x48x384xf32>
    %squeeze3A_369 = vector.shape_cast %slice3A_368 : vector<1x48x384xf32> to vector<48x384xf32>
    %gt3A_370 = arith.cmpf ogt, %squeeze3A_369, %max3A_364 : vector<48x384xf32>
    %max3A_371 = arith.maximumf %max3A_364, %squeeze3A_369 : vector<48x384xf32>
    %jit3A_372 = arith.constant 52 : i32
    %broadcast_in_dim3A_373 = vector.broadcast %jit3A_372 : i32 to vector<48x384xi32>
    %select_n3A_374 = arith.select %gt3A_370, %broadcast_in_dim3A_373, %select_n3A_367 : vector<48x384xi1>, vector<48x384xi32>
    %slice3A_375 = vector.extract_strided_slice %get3A_8 {offsets = [53, 0, 0], sizes = [1, 48, 384], strides = [1, 1, 1]} : vector<150x48x384xf32> to vector<1x48x384xf32>
    %squeeze3A_376 = vector.shape_cast %slice3A_375 : vector<1x48x384xf32> to vector<48x384xf32>
    %gt3A_377 = arith.cmpf ogt, %squeeze3A_376, %max3A_371 : vector<48x384xf32>
    %max3A_378 = arith.maximumf %max3A_371, %squeeze3A_376 : vector<48x384xf32>
    %jit3A_379 = arith.constant 53 : i32
    %broadcast_in_dim3A_380 = vector.broadcast %jit3A_379 : i32 to vector<48x384xi32>
    %select_n3A_381 = arith.select %gt3A_377, %broadcast_in_dim3A_380, %select_n3A_374 : vector<48x384xi1>, vector<48x384xi32>
    %slice3A_382 = vector.extract_strided_slice %get3A_8 {offsets = [54, 0, 0], sizes = [1, 48, 384], strides = [1, 1, 1]} : vector<150x48x384xf32> to vector<1x48x384xf32>
    %squeeze3A_383 = vector.shape_cast %slice3A_382 : vector<1x48x384xf32> to vector<48x384xf32>
    %gt3A_384 = arith.cmpf ogt, %squeeze3A_383, %max3A_378 : vector<48x384xf32>
    %max3A_385 = arith.maximumf %max3A_378, %squeeze3A_383 : vector<48x384xf32>
    %jit3A_386 = arith.constant 54 : i32
    %broadcast_in_dim3A_387 = vector.broadcast %jit3A_386 : i32 to vector<48x384xi32>
    %select_n3A_388 = arith.select %gt3A_384, %broadcast_in_dim3A_387, %select_n3A_381 : vector<48x384xi1>, vector<48x384xi32>
    %slice3A_389 = vector.extract_strided_slice %get3A_8 {offsets = [55, 0, 0], sizes = [1, 48, 384], strides = [1, 1, 1]} : vector<150x48x384xf32> to vector<1x48x384xf32>
    %squeeze3A_390 = vector.shape_cast %slice3A_389 : vector<1x48x384xf32> to vector<48x384xf32>
    %gt3A_391 = arith.cmpf ogt, %squeeze3A_390, %max3A_385 : vector<48x384xf32>
    %max3A_392 = arith.maximumf %max3A_385, %squeeze3A_390 : vector<48x384xf32>
    %jit3A_393 = arith.constant 55 : i32
    %broadcast_in_dim3A_394 = vector.broadcast %jit3A_393 : i32 to vector<48x384xi32>
    %select_n3A_395 = arith.select %gt3A_391, %broadcast_in_dim3A_394, %select_n3A_388 : vector<48x384xi1>, vector<48x384xi32>
    %slice3A_396 = vector.extract_strided_slice %get3A_8 {offsets = [56, 0, 0], sizes = [1, 48, 384], strides = [1, 1, 1]} : vector<150x48x384xf32> to vector<1x48x384xf32>
    %squeeze3A_397 = vector.shape_cast %slice3A_396 : vector<1x48x384xf32> to vector<48x384xf32>
    %gt3A_398 = arith.cmpf ogt, %squeeze3A_397, %max3A_392 : vector<48x384xf32>
    %max3A_399 = arith.maximumf %max3A_392, %squeeze3A_397 : vector<48x384xf32>
    %jit3A_400 = arith.constant 56 : i32
    %broadcast_in_dim3A_401 = vector.broadcast %jit3A_400 : i32 to vector<48x384xi32>
    %select_n3A_402 = arith.select %gt3A_398, %broadcast_in_dim3A_401, %select_n3A_395 : vector<48x384xi1>, vector<48x384xi32>
    %slice3A_403 = vector.extract_strided_slice %get3A_8 {offsets = [57, 0, 0], sizes = [1, 48, 384], strides = [1, 1, 1]} : vector<150x48x384xf32> to vector<1x48x384xf32>
    %squeeze3A_404 = vector.shape_cast %slice3A_403 : vector<1x48x384xf32> to vector<48x384xf32>
    %gt3A_405 = arith.cmpf ogt, %squeeze3A_404, %max3A_399 : vector<48x384xf32>
    %max3A_406 = arith.maximumf %max3A_399, %squeeze3A_404 : vector<48x384xf32>
    %jit3A_407 = arith.constant 57 : i32
    %broadcast_in_dim3A_408 = vector.broadcast %jit3A_407 : i32 to vector<48x384xi32>
    %select_n3A_409 = arith.select %gt3A_405, %broadcast_in_dim3A_408, %select_n3A_402 : vector<48x384xi1>, vector<48x384xi32>
    %slice3A_410 = vector.extract_strided_slice %get3A_8 {offsets = [58, 0, 0], sizes = [1, 48, 384], strides = [1, 1, 1]} : vector<150x48x384xf32> to vector<1x48x384xf32>
    %squeeze3A_411 = vector.shape_cast %slice3A_410 : vector<1x48x384xf32> to vector<48x384xf32>
    %gt3A_412 = arith.cmpf ogt, %squeeze3A_411, %max3A_406 : vector<48x384xf32>
    %max3A_413 = arith.maximumf %max3A_406, %squeeze3A_411 : vector<48x384xf32>
    %jit3A_414 = arith.constant 58 : i32
    %broadcast_in_dim3A_415 = vector.broadcast %jit3A_414 : i32 to vector<48x384xi32>
    %select_n3A_416 = arith.select %gt3A_412, %broadcast_in_dim3A_415, %select_n3A_409 : vector<48x384xi1>, vector<48x384xi32>
    %slice3A_417 = vector.extract_strided_slice %get3A_8 {offsets = [59, 0, 0], sizes = [1, 48, 384], strides = [1, 1, 1]} : vector<150x48x384xf32> to vector<1x48x384xf32>
    %squeeze3A_418 = vector.shape_cast %slice3A_417 : vector<1x48x384xf32> to vector<48x384xf32>
    %gt3A_419 = arith.cmpf ogt, %squeeze3A_418, %max3A_413 : vector<48x384xf32>
    %max3A_420 = arith.maximumf %max3A_413, %squeeze3A_418 : vector<48x384xf32>
    %jit3A_421 = arith.constant 59 : i32
    %broadcast_in_dim3A_422 = vector.broadcast %jit3A_421 : i32 to vector<48x384xi32>
    %select_n3A_423 = arith.select %gt3A_419, %broadcast_in_dim3A_422, %select_n3A_416 : vector<48x384xi1>, vector<48x384xi32>
    %slice3A_424 = vector.extract_strided_slice %get3A_8 {offsets = [60, 0, 0], sizes = [1, 48, 384], strides = [1, 1, 1]} : vector<150x48x384xf32> to vector<1x48x384xf32>
    %squeeze3A_425 = vector.shape_cast %slice3A_424 : vector<1x48x384xf32> to vector<48x384xf32>
    %gt3A_426 = arith.cmpf ogt, %squeeze3A_425, %max3A_420 : vector<48x384xf32>
    %max3A_427 = arith.maximumf %max3A_420, %squeeze3A_425 : vector<48x384xf32>
    %jit3A_428 = arith.constant 60 : i32
    %broadcast_in_dim3A_429 = vector.broadcast %jit3A_428 : i32 to vector<48x384xi32>
    %select_n3A_430 = arith.select %gt3A_426, %broadcast_in_dim3A_429, %select_n3A_423 : vector<48x384xi1>, vector<48x384xi32>
    %slice3A_431 = vector.extract_strided_slice %get3A_8 {offsets = [61, 0, 0], sizes = [1, 48, 384], strides = [1, 1, 1]} : vector<150x48x384xf32> to vector<1x48x384xf32>
    %squeeze3A_432 = vector.shape_cast %slice3A_431 : vector<1x48x384xf32> to vector<48x384xf32>
    %gt3A_433 = arith.cmpf ogt, %squeeze3A_432, %max3A_427 : vector<48x384xf32>
    %max3A_434 = arith.maximumf %max3A_427, %squeeze3A_432 : vector<48x384xf32>
    %jit3A_435 = arith.constant 61 : i32
    %broadcast_in_dim3A_436 = vector.broadcast %jit3A_435 : i32 to vector<48x384xi32>
    %select_n3A_437 = arith.select %gt3A_433, %broadcast_in_dim3A_436, %select_n3A_430 : vector<48x384xi1>, vector<48x384xi32>
    %slice3A_438 = vector.extract_strided_slice %get3A_8 {offsets = [62, 0, 0], sizes = [1, 48, 384], strides = [1, 1, 1]} : vector<150x48x384xf32> to vector<1x48x384xf32>
    %squeeze3A_439 = vector.shape_cast %slice3A_438 : vector<1x48x384xf32> to vector<48x384xf32>
    %gt3A_440 = arith.cmpf ogt, %squeeze3A_439, %max3A_434 : vector<48x384xf32>
    %max3A_441 = arith.maximumf %max3A_434, %squeeze3A_439 : vector<48x384xf32>
    %jit3A_442 = arith.constant 62 : i32
    %broadcast_in_dim3A_443 = vector.broadcast %jit3A_442 : i32 to vector<48x384xi32>
    %select_n3A_444 = arith.select %gt3A_440, %broadcast_in_dim3A_443, %select_n3A_437 : vector<48x384xi1>, vector<48x384xi32>
    %slice3A_445 = vector.extract_strided_slice %get3A_8 {offsets = [63, 0, 0], sizes = [1, 48, 384], strides = [1, 1, 1]} : vector<150x48x384xf32> to vector<1x48x384xf32>
    %squeeze3A_446 = vector.shape_cast %slice3A_445 : vector<1x48x384xf32> to vector<48x384xf32>
    %gt3A_447 = arith.cmpf ogt, %squeeze3A_446, %max3A_441 : vector<48x384xf32>
    %max3A_448 = arith.maximumf %max3A_441, %squeeze3A_446 : vector<48x384xf32>
    %jit3A_449 = arith.constant 63 : i32
    %broadcast_in_dim3A_450 = vector.broadcast %jit3A_449 : i32 to vector<48x384xi32>
    %select_n3A_451 = arith.select %gt3A_447, %broadcast_in_dim3A_450, %select_n3A_444 : vector<48x384xi1>, vector<48x384xi32>
    %slice3A_452 = vector.extract_strided_slice %get3A_8 {offsets = [64, 0, 0], sizes = [1, 48, 384], strides = [1, 1, 1]} : vector<150x48x384xf32> to vector<1x48x384xf32>
    %squeeze3A_453 = vector.shape_cast %slice3A_452 : vector<1x48x384xf32> to vector<48x384xf32>
    %gt3A_454 = arith.cmpf ogt, %squeeze3A_453, %max3A_448 : vector<48x384xf32>
    %max3A_455 = arith.maximumf %max3A_448, %squeeze3A_453 : vector<48x384xf32>
    %jit3A_456 = arith.constant 64 : i32
    %broadcast_in_dim3A_457 = vector.broadcast %jit3A_456 : i32 to vector<48x384xi32>
    %select_n3A_458 = arith.select %gt3A_454, %broadcast_in_dim3A_457, %select_n3A_451 : vector<48x384xi1>, vector<48x384xi32>
    %slice3A_459 = vector.extract_strided_slice %get3A_8 {offsets = [65, 0, 0], sizes = [1, 48, 384], strides = [1, 1, 1]} : vector<150x48x384xf32> to vector<1x48x384xf32>
    %squeeze3A_460 = vector.shape_cast %slice3A_459 : vector<1x48x384xf32> to vector<48x384xf32>
    %gt3A_461 = arith.cmpf ogt, %squeeze3A_460, %max3A_455 : vector<48x384xf32>
    %max3A_462 = arith.maximumf %max3A_455, %squeeze3A_460 : vector<48x384xf32>
    %jit3A_463 = arith.constant 65 : i32
    %broadcast_in_dim3A_464 = vector.broadcast %jit3A_463 : i32 to vector<48x384xi32>
    %select_n3A_465 = arith.select %gt3A_461, %broadcast_in_dim3A_464, %select_n3A_458 : vector<48x384xi1>, vector<48x384xi32>
    %slice3A_466 = vector.extract_strided_slice %get3A_8 {offsets = [66, 0, 0], sizes = [1, 48, 384], strides = [1, 1, 1]} : vector<150x48x384xf32> to vector<1x48x384xf32>
    %squeeze3A_467 = vector.shape_cast %slice3A_466 : vector<1x48x384xf32> to vector<48x384xf32>
    %gt3A_468 = arith.cmpf ogt, %squeeze3A_467, %max3A_462 : vector<48x384xf32>
    %max3A_469 = arith.maximumf %max3A_462, %squeeze3A_467 : vector<48x384xf32>
    %jit3A_470 = arith.constant 66 : i32
    %broadcast_in_dim3A_471 = vector.broadcast %jit3A_470 : i32 to vector<48x384xi32>
    %select_n3A_472 = arith.select %gt3A_468, %broadcast_in_dim3A_471, %select_n3A_465 : vector<48x384xi1>, vector<48x384xi32>
    %slice3A_473 = vector.extract_strided_slice %get3A_8 {offsets = [67, 0, 0], sizes = [1, 48, 384], strides = [1, 1, 1]} : vector<150x48x384xf32> to vector<1x48x384xf32>
    %squeeze3A_474 = vector.shape_cast %slice3A_473 : vector<1x48x384xf32> to vector<48x384xf32>
    %gt3A_475 = arith.cmpf ogt, %squeeze3A_474, %max3A_469 : vector<48x384xf32>
    %max3A_476 = arith.maximumf %max3A_469, %squeeze3A_474 : vector<48x384xf32>
    %jit3A_477 = arith.constant 67 : i32
    %broadcast_in_dim3A_478 = vector.broadcast %jit3A_477 : i32 to vector<48x384xi32>
    %select_n3A_479 = arith.select %gt3A_475, %broadcast_in_dim3A_478, %select_n3A_472 : vector<48x384xi1>, vector<48x384xi32>
    %slice3A_480 = vector.extract_strided_slice %get3A_8 {offsets = [68, 0, 0], sizes = [1, 48, 384], strides = [1, 1, 1]} : vector<150x48x384xf32> to vector<1x48x384xf32>
    %squeeze3A_481 = vector.shape_cast %slice3A_480 : vector<1x48x384xf32> to vector<48x384xf32>
    %gt3A_482 = arith.cmpf ogt, %squeeze3A_481, %max3A_476 : vector<48x384xf32>
    %max3A_483 = arith.maximumf %max3A_476, %squeeze3A_481 : vector<48x384xf32>
    %jit3A_484 = arith.constant 68 : i32
    %broadcast_in_dim3A_485 = vector.broadcast %jit3A_484 : i32 to vector<48x384xi32>
    %select_n3A_486 = arith.select %gt3A_482, %broadcast_in_dim3A_485, %select_n3A_479 : vector<48x384xi1>, vector<48x384xi32>
    %slice3A_487 = vector.extract_strided_slice %get3A_8 {offsets = [69, 0, 0], sizes = [1, 48, 384], strides = [1, 1, 1]} : vector<150x48x384xf32> to vector<1x48x384xf32>
    %squeeze3A_488 = vector.shape_cast %slice3A_487 : vector<1x48x384xf32> to vector<48x384xf32>
    %gt3A_489 = arith.cmpf ogt, %squeeze3A_488, %max3A_483 : vector<48x384xf32>
    %max3A_490 = arith.maximumf %max3A_483, %squeeze3A_488 : vector<48x384xf32>
    %jit3A_491 = arith.constant 69 : i32
    %broadcast_in_dim3A_492 = vector.broadcast %jit3A_491 : i32 to vector<48x384xi32>
    %select_n3A_493 = arith.select %gt3A_489, %broadcast_in_dim3A_492, %select_n3A_486 : vector<48x384xi1>, vector<48x384xi32>
    %slice3A_494 = vector.extract_strided_slice %get3A_8 {offsets = [70, 0, 0], sizes = [1, 48, 384], strides = [1, 1, 1]} : vector<150x48x384xf32> to vector<1x48x384xf32>
    %squeeze3A_495 = vector.shape_cast %slice3A_494 : vector<1x48x384xf32> to vector<48x384xf32>
    %gt3A_496 = arith.cmpf ogt, %squeeze3A_495, %max3A_490 : vector<48x384xf32>
    %max3A_497 = arith.maximumf %max3A_490, %squeeze3A_495 : vector<48x384xf32>
    %jit3A_498 = arith.constant 70 : i32
    %broadcast_in_dim3A_499 = vector.broadcast %jit3A_498 : i32 to vector<48x384xi32>
    %select_n3A_500 = arith.select %gt3A_496, %broadcast_in_dim3A_499, %select_n3A_493 : vector<48x384xi1>, vector<48x384xi32>
    %slice3A_501 = vector.extract_strided_slice %get3A_8 {offsets = [71, 0, 0], sizes = [1, 48, 384], strides = [1, 1, 1]} : vector<150x48x384xf32> to vector<1x48x384xf32>
    %squeeze3A_502 = vector.shape_cast %slice3A_501 : vector<1x48x384xf32> to vector<48x384xf32>
    %gt3A_503 = arith.cmpf ogt, %squeeze3A_502, %max3A_497 : vector<48x384xf32>
    %max3A_504 = arith.maximumf %max3A_497, %squeeze3A_502 : vector<48x384xf32>
    %jit3A_505 = arith.constant 71 : i32
    %broadcast_in_dim3A_506 = vector.broadcast %jit3A_505 : i32 to vector<48x384xi32>
    %select_n3A_507 = arith.select %gt3A_503, %broadcast_in_dim3A_506, %select_n3A_500 : vector<48x384xi1>, vector<48x384xi32>
    %slice3A_508 = vector.extract_strided_slice %get3A_8 {offsets = [72, 0, 0], sizes = [1, 48, 384], strides = [1, 1, 1]} : vector<150x48x384xf32> to vector<1x48x384xf32>
    %squeeze3A_509 = vector.shape_cast %slice3A_508 : vector<1x48x384xf32> to vector<48x384xf32>
    %gt3A_510 = arith.cmpf ogt, %squeeze3A_509, %max3A_504 : vector<48x384xf32>
    %max3A_511 = arith.maximumf %max3A_504, %squeeze3A_509 : vector<48x384xf32>
    %jit3A_512 = arith.constant 72 : i32
    %broadcast_in_dim3A_513 = vector.broadcast %jit3A_512 : i32 to vector<48x384xi32>
    %select_n3A_514 = arith.select %gt3A_510, %broadcast_in_dim3A_513, %select_n3A_507 : vector<48x384xi1>, vector<48x384xi32>
    %slice3A_515 = vector.extract_strided_slice %get3A_8 {offsets = [73, 0, 0], sizes = [1, 48, 384], strides = [1, 1, 1]} : vector<150x48x384xf32> to vector<1x48x384xf32>
    %squeeze3A_516 = vector.shape_cast %slice3A_515 : vector<1x48x384xf32> to vector<48x384xf32>
    %gt3A_517 = arith.cmpf ogt, %squeeze3A_516, %max3A_511 : vector<48x384xf32>
    %max3A_518 = arith.maximumf %max3A_511, %squeeze3A_516 : vector<48x384xf32>
    %jit3A_519 = arith.constant 73 : i32
    %broadcast_in_dim3A_520 = vector.broadcast %jit3A_519 : i32 to vector<48x384xi32>
    %select_n3A_521 = arith.select %gt3A_517, %broadcast_in_dim3A_520, %select_n3A_514 : vector<48x384xi1>, vector<48x384xi32>
    %slice3A_522 = vector.extract_strided_slice %get3A_8 {offsets = [74, 0, 0], sizes = [1, 48, 384], strides = [1, 1, 1]} : vector<150x48x384xf32> to vector<1x48x384xf32>
    %squeeze3A_523 = vector.shape_cast %slice3A_522 : vector<1x48x384xf32> to vector<48x384xf32>
    %gt3A_524 = arith.cmpf ogt, %squeeze3A_523, %max3A_518 : vector<48x384xf32>
    %max3A_525 = arith.maximumf %max3A_518, %squeeze3A_523 : vector<48x384xf32>
    %jit3A_526 = arith.constant 74 : i32
    %broadcast_in_dim3A_527 = vector.broadcast %jit3A_526 : i32 to vector<48x384xi32>
    %select_n3A_528 = arith.select %gt3A_524, %broadcast_in_dim3A_527, %select_n3A_521 : vector<48x384xi1>, vector<48x384xi32>
    %slice3A_529 = vector.extract_strided_slice %get3A_8 {offsets = [75, 0, 0], sizes = [1, 48, 384], strides = [1, 1, 1]} : vector<150x48x384xf32> to vector<1x48x384xf32>
    %squeeze3A_530 = vector.shape_cast %slice3A_529 : vector<1x48x384xf32> to vector<48x384xf32>
    %gt3A_531 = arith.cmpf ogt, %squeeze3A_530, %max3A_525 : vector<48x384xf32>
    %max3A_532 = arith.maximumf %max3A_525, %squeeze3A_530 : vector<48x384xf32>
    %jit3A_533 = arith.constant 75 : i32
    %broadcast_in_dim3A_534 = vector.broadcast %jit3A_533 : i32 to vector<48x384xi32>
    %select_n3A_535 = arith.select %gt3A_531, %broadcast_in_dim3A_534, %select_n3A_528 : vector<48x384xi1>, vector<48x384xi32>
    %slice3A_536 = vector.extract_strided_slice %get3A_8 {offsets = [76, 0, 0], sizes = [1, 48, 384], strides = [1, 1, 1]} : vector<150x48x384xf32> to vector<1x48x384xf32>
    %squeeze3A_537 = vector.shape_cast %slice3A_536 : vector<1x48x384xf32> to vector<48x384xf32>
    %gt3A_538 = arith.cmpf ogt, %squeeze3A_537, %max3A_532 : vector<48x384xf32>
    %max3A_539 = arith.maximumf %max3A_532, %squeeze3A_537 : vector<48x384xf32>
    %jit3A_540 = arith.constant 76 : i32
    %broadcast_in_dim3A_541 = vector.broadcast %jit3A_540 : i32 to vector<48x384xi32>
    %select_n3A_542 = arith.select %gt3A_538, %broadcast_in_dim3A_541, %select_n3A_535 : vector<48x384xi1>, vector<48x384xi32>
    %slice3A_543 = vector.extract_strided_slice %get3A_8 {offsets = [77, 0, 0], sizes = [1, 48, 384], strides = [1, 1, 1]} : vector<150x48x384xf32> to vector<1x48x384xf32>
    %squeeze3A_544 = vector.shape_cast %slice3A_543 : vector<1x48x384xf32> to vector<48x384xf32>
    %gt3A_545 = arith.cmpf ogt, %squeeze3A_544, %max3A_539 : vector<48x384xf32>
    %max3A_546 = arith.maximumf %max3A_539, %squeeze3A_544 : vector<48x384xf32>
    %jit3A_547 = arith.constant 77 : i32
    %broadcast_in_dim3A_548 = vector.broadcast %jit3A_547 : i32 to vector<48x384xi32>
    %select_n3A_549 = arith.select %gt3A_545, %broadcast_in_dim3A_548, %select_n3A_542 : vector<48x384xi1>, vector<48x384xi32>
    %slice3A_550 = vector.extract_strided_slice %get3A_8 {offsets = [78, 0, 0], sizes = [1, 48, 384], strides = [1, 1, 1]} : vector<150x48x384xf32> to vector<1x48x384xf32>
    %squeeze3A_551 = vector.shape_cast %slice3A_550 : vector<1x48x384xf32> to vector<48x384xf32>
    %gt3A_552 = arith.cmpf ogt, %squeeze3A_551, %max3A_546 : vector<48x384xf32>
    %max3A_553 = arith.maximumf %max3A_546, %squeeze3A_551 : vector<48x384xf32>
    %jit3A_554 = arith.constant 78 : i32
    %broadcast_in_dim3A_555 = vector.broadcast %jit3A_554 : i32 to vector<48x384xi32>
    %select_n3A_556 = arith.select %gt3A_552, %broadcast_in_dim3A_555, %select_n3A_549 : vector<48x384xi1>, vector<48x384xi32>
    %slice3A_557 = vector.extract_strided_slice %get3A_8 {offsets = [79, 0, 0], sizes = [1, 48, 384], strides = [1, 1, 1]} : vector<150x48x384xf32> to vector<1x48x384xf32>
    %squeeze3A_558 = vector.shape_cast %slice3A_557 : vector<1x48x384xf32> to vector<48x384xf32>
    %gt3A_559 = arith.cmpf ogt, %squeeze3A_558, %max3A_553 : vector<48x384xf32>
    %max3A_560 = arith.maximumf %max3A_553, %squeeze3A_558 : vector<48x384xf32>
    %jit3A_561 = arith.constant 79 : i32
    %broadcast_in_dim3A_562 = vector.broadcast %jit3A_561 : i32 to vector<48x384xi32>
    %select_n3A_563 = arith.select %gt3A_559, %broadcast_in_dim3A_562, %select_n3A_556 : vector<48x384xi1>, vector<48x384xi32>
    %slice3A_564 = vector.extract_strided_slice %get3A_8 {offsets = [80, 0, 0], sizes = [1, 48, 384], strides = [1, 1, 1]} : vector<150x48x384xf32> to vector<1x48x384xf32>
    %squeeze3A_565 = vector.shape_cast %slice3A_564 : vector<1x48x384xf32> to vector<48x384xf32>
    %gt3A_566 = arith.cmpf ogt, %squeeze3A_565, %max3A_560 : vector<48x384xf32>
    %max3A_567 = arith.maximumf %max3A_560, %squeeze3A_565 : vector<48x384xf32>
    %jit3A_568 = arith.constant 80 : i32
    %broadcast_in_dim3A_569 = vector.broadcast %jit3A_568 : i32 to vector<48x384xi32>
    %select_n3A_570 = arith.select %gt3A_566, %broadcast_in_dim3A_569, %select_n3A_563 : vector<48x384xi1>, vector<48x384xi32>
    %slice3A_571 = vector.extract_strided_slice %get3A_8 {offsets = [81, 0, 0], sizes = [1, 48, 384], strides = [1, 1, 1]} : vector<150x48x384xf32> to vector<1x48x384xf32>
    %squeeze3A_572 = vector.shape_cast %slice3A_571 : vector<1x48x384xf32> to vector<48x384xf32>
    %gt3A_573 = arith.cmpf ogt, %squeeze3A_572, %max3A_567 : vector<48x384xf32>
    %max3A_574 = arith.maximumf %max3A_567, %squeeze3A_572 : vector<48x384xf32>
    %jit3A_575 = arith.constant 81 : i32
    %broadcast_in_dim3A_576 = vector.broadcast %jit3A_575 : i32 to vector<48x384xi32>
    %select_n3A_577 = arith.select %gt3A_573, %broadcast_in_dim3A_576, %select_n3A_570 : vector<48x384xi1>, vector<48x384xi32>
    %slice3A_578 = vector.extract_strided_slice %get3A_8 {offsets = [82, 0, 0], sizes = [1, 48, 384], strides = [1, 1, 1]} : vector<150x48x384xf32> to vector<1x48x384xf32>
    %squeeze3A_579 = vector.shape_cast %slice3A_578 : vector<1x48x384xf32> to vector<48x384xf32>
    %gt3A_580 = arith.cmpf ogt, %squeeze3A_579, %max3A_574 : vector<48x384xf32>
    %max3A_581 = arith.maximumf %max3A_574, %squeeze3A_579 : vector<48x384xf32>
    %jit3A_582 = arith.constant 82 : i32
    %broadcast_in_dim3A_583 = vector.broadcast %jit3A_582 : i32 to vector<48x384xi32>
    %select_n3A_584 = arith.select %gt3A_580, %broadcast_in_dim3A_583, %select_n3A_577 : vector<48x384xi1>, vector<48x384xi32>
    %slice3A_585 = vector.extract_strided_slice %get3A_8 {offsets = [83, 0, 0], sizes = [1, 48, 384], strides = [1, 1, 1]} : vector<150x48x384xf32> to vector<1x48x384xf32>
    %squeeze3A_586 = vector.shape_cast %slice3A_585 : vector<1x48x384xf32> to vector<48x384xf32>
    %gt3A_587 = arith.cmpf ogt, %squeeze3A_586, %max3A_581 : vector<48x384xf32>
    %max3A_588 = arith.maximumf %max3A_581, %squeeze3A_586 : vector<48x384xf32>
    %jit3A_589 = arith.constant 83 : i32
    %broadcast_in_dim3A_590 = vector.broadcast %jit3A_589 : i32 to vector<48x384xi32>
    %select_n3A_591 = arith.select %gt3A_587, %broadcast_in_dim3A_590, %select_n3A_584 : vector<48x384xi1>, vector<48x384xi32>
    %slice3A_592 = vector.extract_strided_slice %get3A_8 {offsets = [84, 0, 0], sizes = [1, 48, 384], strides = [1, 1, 1]} : vector<150x48x384xf32> to vector<1x48x384xf32>
    %squeeze3A_593 = vector.shape_cast %slice3A_592 : vector<1x48x384xf32> to vector<48x384xf32>
    %gt3A_594 = arith.cmpf ogt, %squeeze3A_593, %max3A_588 : vector<48x384xf32>
    %max3A_595 = arith.maximumf %max3A_588, %squeeze3A_593 : vector<48x384xf32>
    %jit3A_596 = arith.constant 84 : i32
    %broadcast_in_dim3A_597 = vector.broadcast %jit3A_596 : i32 to vector<48x384xi32>
    %select_n3A_598 = arith.select %gt3A_594, %broadcast_in_dim3A_597, %select_n3A_591 : vector<48x384xi1>, vector<48x384xi32>
    %slice3A_599 = vector.extract_strided_slice %get3A_8 {offsets = [85, 0, 0], sizes = [1, 48, 384], strides = [1, 1, 1]} : vector<150x48x384xf32> to vector<1x48x384xf32>
    %squeeze3A_600 = vector.shape_cast %slice3A_599 : vector<1x48x384xf32> to vector<48x384xf32>
    %gt3A_601 = arith.cmpf ogt, %squeeze3A_600, %max3A_595 : vector<48x384xf32>
    %max3A_602 = arith.maximumf %max3A_595, %squeeze3A_600 : vector<48x384xf32>
    %jit3A_603 = arith.constant 85 : i32
    %broadcast_in_dim3A_604 = vector.broadcast %jit3A_603 : i32 to vector<48x384xi32>
    %select_n3A_605 = arith.select %gt3A_601, %broadcast_in_dim3A_604, %select_n3A_598 : vector<48x384xi1>, vector<48x384xi32>
    %slice3A_606 = vector.extract_strided_slice %get3A_8 {offsets = [86, 0, 0], sizes = [1, 48, 384], strides = [1, 1, 1]} : vector<150x48x384xf32> to vector<1x48x384xf32>
    %squeeze3A_607 = vector.shape_cast %slice3A_606 : vector<1x48x384xf32> to vector<48x384xf32>
    %gt3A_608 = arith.cmpf ogt, %squeeze3A_607, %max3A_602 : vector<48x384xf32>
    %max3A_609 = arith.maximumf %max3A_602, %squeeze3A_607 : vector<48x384xf32>
    %jit3A_610 = arith.constant 86 : i32
    %broadcast_in_dim3A_611 = vector.broadcast %jit3A_610 : i32 to vector<48x384xi32>
    %select_n3A_612 = arith.select %gt3A_608, %broadcast_in_dim3A_611, %select_n3A_605 : vector<48x384xi1>, vector<48x384xi32>
    %slice3A_613 = vector.extract_strided_slice %get3A_8 {offsets = [87, 0, 0], sizes = [1, 48, 384], strides = [1, 1, 1]} : vector<150x48x384xf32> to vector<1x48x384xf32>
    %squeeze3A_614 = vector.shape_cast %slice3A_613 : vector<1x48x384xf32> to vector<48x384xf32>
    %gt3A_615 = arith.cmpf ogt, %squeeze3A_614, %max3A_609 : vector<48x384xf32>
    %max3A_616 = arith.maximumf %max3A_609, %squeeze3A_614 : vector<48x384xf32>
    %jit3A_617 = arith.constant 87 : i32
    %broadcast_in_dim3A_618 = vector.broadcast %jit3A_617 : i32 to vector<48x384xi32>
    %select_n3A_619 = arith.select %gt3A_615, %broadcast_in_dim3A_618, %select_n3A_612 : vector<48x384xi1>, vector<48x384xi32>
    %slice3A_620 = vector.extract_strided_slice %get3A_8 {offsets = [88, 0, 0], sizes = [1, 48, 384], strides = [1, 1, 1]} : vector<150x48x384xf32> to vector<1x48x384xf32>
    %squeeze3A_621 = vector.shape_cast %slice3A_620 : vector<1x48x384xf32> to vector<48x384xf32>
    %gt3A_622 = arith.cmpf ogt, %squeeze3A_621, %max3A_616 : vector<48x384xf32>
    %max3A_623 = arith.maximumf %max3A_616, %squeeze3A_621 : vector<48x384xf32>
    %jit3A_624 = arith.constant 88 : i32
    %broadcast_in_dim3A_625 = vector.broadcast %jit3A_624 : i32 to vector<48x384xi32>
    %select_n3A_626 = arith.select %gt3A_622, %broadcast_in_dim3A_625, %select_n3A_619 : vector<48x384xi1>, vector<48x384xi32>
    %slice3A_627 = vector.extract_strided_slice %get3A_8 {offsets = [89, 0, 0], sizes = [1, 48, 384], strides = [1, 1, 1]} : vector<150x48x384xf32> to vector<1x48x384xf32>
    %squeeze3A_628 = vector.shape_cast %slice3A_627 : vector<1x48x384xf32> to vector<48x384xf32>
    %gt3A_629 = arith.cmpf ogt, %squeeze3A_628, %max3A_623 : vector<48x384xf32>
    %max3A_630 = arith.maximumf %max3A_623, %squeeze3A_628 : vector<48x384xf32>
    %jit3A_631 = arith.constant 89 : i32
    %broadcast_in_dim3A_632 = vector.broadcast %jit3A_631 : i32 to vector<48x384xi32>
    %select_n3A_633 = arith.select %gt3A_629, %broadcast_in_dim3A_632, %select_n3A_626 : vector<48x384xi1>, vector<48x384xi32>
    %slice3A_634 = vector.extract_strided_slice %get3A_8 {offsets = [90, 0, 0], sizes = [1, 48, 384], strides = [1, 1, 1]} : vector<150x48x384xf32> to vector<1x48x384xf32>
    %squeeze3A_635 = vector.shape_cast %slice3A_634 : vector<1x48x384xf32> to vector<48x384xf32>
    %gt3A_636 = arith.cmpf ogt, %squeeze3A_635, %max3A_630 : vector<48x384xf32>
    %max3A_637 = arith.maximumf %max3A_630, %squeeze3A_635 : vector<48x384xf32>
    %jit3A_638 = arith.constant 90 : i32
    %broadcast_in_dim3A_639 = vector.broadcast %jit3A_638 : i32 to vector<48x384xi32>
    %select_n3A_640 = arith.select %gt3A_636, %broadcast_in_dim3A_639, %select_n3A_633 : vector<48x384xi1>, vector<48x384xi32>
    %slice3A_641 = vector.extract_strided_slice %get3A_8 {offsets = [91, 0, 0], sizes = [1, 48, 384], strides = [1, 1, 1]} : vector<150x48x384xf32> to vector<1x48x384xf32>
    %squeeze3A_642 = vector.shape_cast %slice3A_641 : vector<1x48x384xf32> to vector<48x384xf32>
    %gt3A_643 = arith.cmpf ogt, %squeeze3A_642, %max3A_637 : vector<48x384xf32>
    %max3A_644 = arith.maximumf %max3A_637, %squeeze3A_642 : vector<48x384xf32>
    %jit3A_645 = arith.constant 91 : i32
    %broadcast_in_dim3A_646 = vector.broadcast %jit3A_645 : i32 to vector<48x384xi32>
    %select_n3A_647 = arith.select %gt3A_643, %broadcast_in_dim3A_646, %select_n3A_640 : vector<48x384xi1>, vector<48x384xi32>
    %slice3A_648 = vector.extract_strided_slice %get3A_8 {offsets = [92, 0, 0], sizes = [1, 48, 384], strides = [1, 1, 1]} : vector<150x48x384xf32> to vector<1x48x384xf32>
    %squeeze3A_649 = vector.shape_cast %slice3A_648 : vector<1x48x384xf32> to vector<48x384xf32>
    %gt3A_650 = arith.cmpf ogt, %squeeze3A_649, %max3A_644 : vector<48x384xf32>
    %max3A_651 = arith.maximumf %max3A_644, %squeeze3A_649 : vector<48x384xf32>
    %jit3A_652 = arith.constant 92 : i32
    %broadcast_in_dim3A_653 = vector.broadcast %jit3A_652 : i32 to vector<48x384xi32>
    %select_n3A_654 = arith.select %gt3A_650, %broadcast_in_dim3A_653, %select_n3A_647 : vector<48x384xi1>, vector<48x384xi32>
    %slice3A_655 = vector.extract_strided_slice %get3A_8 {offsets = [93, 0, 0], sizes = [1, 48, 384], strides = [1, 1, 1]} : vector<150x48x384xf32> to vector<1x48x384xf32>
    %squeeze3A_656 = vector.shape_cast %slice3A_655 : vector<1x48x384xf32> to vector<48x384xf32>
    %gt3A_657 = arith.cmpf ogt, %squeeze3A_656, %max3A_651 : vector<48x384xf32>
    %max3A_658 = arith.maximumf %max3A_651, %squeeze3A_656 : vector<48x384xf32>
    %jit3A_659 = arith.constant 93 : i32
    %broadcast_in_dim3A_660 = vector.broadcast %jit3A_659 : i32 to vector<48x384xi32>
    %select_n3A_661 = arith.select %gt3A_657, %broadcast_in_dim3A_660, %select_n3A_654 : vector<48x384xi1>, vector<48x384xi32>
    %slice3A_662 = vector.extract_strided_slice %get3A_8 {offsets = [94, 0, 0], sizes = [1, 48, 384], strides = [1, 1, 1]} : vector<150x48x384xf32> to vector<1x48x384xf32>
    %squeeze3A_663 = vector.shape_cast %slice3A_662 : vector<1x48x384xf32> to vector<48x384xf32>
    %gt3A_664 = arith.cmpf ogt, %squeeze3A_663, %max3A_658 : vector<48x384xf32>
    %max3A_665 = arith.maximumf %max3A_658, %squeeze3A_663 : vector<48x384xf32>
    %jit3A_666 = arith.constant 94 : i32
    %broadcast_in_dim3A_667 = vector.broadcast %jit3A_666 : i32 to vector<48x384xi32>
    %select_n3A_668 = arith.select %gt3A_664, %broadcast_in_dim3A_667, %select_n3A_661 : vector<48x384xi1>, vector<48x384xi32>
    %slice3A_669 = vector.extract_strided_slice %get3A_8 {offsets = [95, 0, 0], sizes = [1, 48, 384], strides = [1, 1, 1]} : vector<150x48x384xf32> to vector<1x48x384xf32>
    %squeeze3A_670 = vector.shape_cast %slice3A_669 : vector<1x48x384xf32> to vector<48x384xf32>
    %gt3A_671 = arith.cmpf ogt, %squeeze3A_670, %max3A_665 : vector<48x384xf32>
    %max3A_672 = arith.maximumf %max3A_665, %squeeze3A_670 : vector<48x384xf32>
    %jit3A_673 = arith.constant 95 : i32
    %broadcast_in_dim3A_674 = vector.broadcast %jit3A_673 : i32 to vector<48x384xi32>
    %select_n3A_675 = arith.select %gt3A_671, %broadcast_in_dim3A_674, %select_n3A_668 : vector<48x384xi1>, vector<48x384xi32>
    %slice3A_676 = vector.extract_strided_slice %get3A_8 {offsets = [96, 0, 0], sizes = [1, 48, 384], strides = [1, 1, 1]} : vector<150x48x384xf32> to vector<1x48x384xf32>
    %squeeze3A_677 = vector.shape_cast %slice3A_676 : vector<1x48x384xf32> to vector<48x384xf32>
    %gt3A_678 = arith.cmpf ogt, %squeeze3A_677, %max3A_672 : vector<48x384xf32>
    %max3A_679 = arith.maximumf %max3A_672, %squeeze3A_677 : vector<48x384xf32>
    %jit3A_680 = arith.constant 96 : i32
    %broadcast_in_dim3A_681 = vector.broadcast %jit3A_680 : i32 to vector<48x384xi32>
    %select_n3A_682 = arith.select %gt3A_678, %broadcast_in_dim3A_681, %select_n3A_675 : vector<48x384xi1>, vector<48x384xi32>
    %slice3A_683 = vector.extract_strided_slice %get3A_8 {offsets = [97, 0, 0], sizes = [1, 48, 384], strides = [1, 1, 1]} : vector<150x48x384xf32> to vector<1x48x384xf32>
    %squeeze3A_684 = vector.shape_cast %slice3A_683 : vector<1x48x384xf32> to vector<48x384xf32>
    %gt3A_685 = arith.cmpf ogt, %squeeze3A_684, %max3A_679 : vector<48x384xf32>
    %max3A_686 = arith.maximumf %max3A_679, %squeeze3A_684 : vector<48x384xf32>
    %jit3A_687 = arith.constant 97 : i32
    %broadcast_in_dim3A_688 = vector.broadcast %jit3A_687 : i32 to vector<48x384xi32>
    %select_n3A_689 = arith.select %gt3A_685, %broadcast_in_dim3A_688, %select_n3A_682 : vector<48x384xi1>, vector<48x384xi32>
    %slice3A_690 = vector.extract_strided_slice %get3A_8 {offsets = [98, 0, 0], sizes = [1, 48, 384], strides = [1, 1, 1]} : vector<150x48x384xf32> to vector<1x48x384xf32>
    %squeeze3A_691 = vector.shape_cast %slice3A_690 : vector<1x48x384xf32> to vector<48x384xf32>
    %gt3A_692 = arith.cmpf ogt, %squeeze3A_691, %max3A_686 : vector<48x384xf32>
    %max3A_693 = arith.maximumf %max3A_686, %squeeze3A_691 : vector<48x384xf32>
    %jit3A_694 = arith.constant 98 : i32
    %broadcast_in_dim3A_695 = vector.broadcast %jit3A_694 : i32 to vector<48x384xi32>
    %select_n3A_696 = arith.select %gt3A_692, %broadcast_in_dim3A_695, %select_n3A_689 : vector<48x384xi1>, vector<48x384xi32>
    %slice3A_697 = vector.extract_strided_slice %get3A_8 {offsets = [99, 0, 0], sizes = [1, 48, 384], strides = [1, 1, 1]} : vector<150x48x384xf32> to vector<1x48x384xf32>
    %squeeze3A_698 = vector.shape_cast %slice3A_697 : vector<1x48x384xf32> to vector<48x384xf32>
    %gt3A_699 = arith.cmpf ogt, %squeeze3A_698, %max3A_693 : vector<48x384xf32>
    %max3A_700 = arith.maximumf %max3A_693, %squeeze3A_698 : vector<48x384xf32>
    %jit3A_701 = arith.constant 99 : i32
    %broadcast_in_dim3A_702 = vector.broadcast %jit3A_701 : i32 to vector<48x384xi32>
    %select_n3A_703 = arith.select %gt3A_699, %broadcast_in_dim3A_702, %select_n3A_696 : vector<48x384xi1>, vector<48x384xi32>
    %slice3A_704 = vector.extract_strided_slice %get3A_8 {offsets = [100, 0, 0], sizes = [1, 48, 384], strides = [1, 1, 1]} : vector<150x48x384xf32> to vector<1x48x384xf32>
    %squeeze3A_705 = vector.shape_cast %slice3A_704 : vector<1x48x384xf32> to vector<48x384xf32>
    %gt3A_706 = arith.cmpf ogt, %squeeze3A_705, %max3A_700 : vector<48x384xf32>
    %max3A_707 = arith.maximumf %max3A_700, %squeeze3A_705 : vector<48x384xf32>
    %jit3A_708 = arith.constant 100 : i32
    %broadcast_in_dim3A_709 = vector.broadcast %jit3A_708 : i32 to vector<48x384xi32>
    %select_n3A_710 = arith.select %gt3A_706, %broadcast_in_dim3A_709, %select_n3A_703 : vector<48x384xi1>, vector<48x384xi32>
    %slice3A_711 = vector.extract_strided_slice %get3A_8 {offsets = [101, 0, 0], sizes = [1, 48, 384], strides = [1, 1, 1]} : vector<150x48x384xf32> to vector<1x48x384xf32>
    %squeeze3A_712 = vector.shape_cast %slice3A_711 : vector<1x48x384xf32> to vector<48x384xf32>
    %gt3A_713 = arith.cmpf ogt, %squeeze3A_712, %max3A_707 : vector<48x384xf32>
    %max3A_714 = arith.maximumf %max3A_707, %squeeze3A_712 : vector<48x384xf32>
    %jit3A_715 = arith.constant 101 : i32
    %broadcast_in_dim3A_716 = vector.broadcast %jit3A_715 : i32 to vector<48x384xi32>
    %select_n3A_717 = arith.select %gt3A_713, %broadcast_in_dim3A_716, %select_n3A_710 : vector<48x384xi1>, vector<48x384xi32>
    %slice3A_718 = vector.extract_strided_slice %get3A_8 {offsets = [102, 0, 0], sizes = [1, 48, 384], strides = [1, 1, 1]} : vector<150x48x384xf32> to vector<1x48x384xf32>
    %squeeze3A_719 = vector.shape_cast %slice3A_718 : vector<1x48x384xf32> to vector<48x384xf32>
    %gt3A_720 = arith.cmpf ogt, %squeeze3A_719, %max3A_714 : vector<48x384xf32>
    %max3A_721 = arith.maximumf %max3A_714, %squeeze3A_719 : vector<48x384xf32>
    %jit3A_722 = arith.constant 102 : i32
    %broadcast_in_dim3A_723 = vector.broadcast %jit3A_722 : i32 to vector<48x384xi32>
    %select_n3A_724 = arith.select %gt3A_720, %broadcast_in_dim3A_723, %select_n3A_717 : vector<48x384xi1>, vector<48x384xi32>
    %slice3A_725 = vector.extract_strided_slice %get3A_8 {offsets = [103, 0, 0], sizes = [1, 48, 384], strides = [1, 1, 1]} : vector<150x48x384xf32> to vector<1x48x384xf32>
    %squeeze3A_726 = vector.shape_cast %slice3A_725 : vector<1x48x384xf32> to vector<48x384xf32>
    %gt3A_727 = arith.cmpf ogt, %squeeze3A_726, %max3A_721 : vector<48x384xf32>
    %max3A_728 = arith.maximumf %max3A_721, %squeeze3A_726 : vector<48x384xf32>
    %jit3A_729 = arith.constant 103 : i32
    %broadcast_in_dim3A_730 = vector.broadcast %jit3A_729 : i32 to vector<48x384xi32>
    %select_n3A_731 = arith.select %gt3A_727, %broadcast_in_dim3A_730, %select_n3A_724 : vector<48x384xi1>, vector<48x384xi32>
    %slice3A_732 = vector.extract_strided_slice %get3A_8 {offsets = [104, 0, 0], sizes = [1, 48, 384], strides = [1, 1, 1]} : vector<150x48x384xf32> to vector<1x48x384xf32>
    %squeeze3A_733 = vector.shape_cast %slice3A_732 : vector<1x48x384xf32> to vector<48x384xf32>
    %gt3A_734 = arith.cmpf ogt, %squeeze3A_733, %max3A_728 : vector<48x384xf32>
    %max3A_735 = arith.maximumf %max3A_728, %squeeze3A_733 : vector<48x384xf32>
    %jit3A_736 = arith.constant 104 : i32
    %broadcast_in_dim3A_737 = vector.broadcast %jit3A_736 : i32 to vector<48x384xi32>
    %select_n3A_738 = arith.select %gt3A_734, %broadcast_in_dim3A_737, %select_n3A_731 : vector<48x384xi1>, vector<48x384xi32>
    %slice3A_739 = vector.extract_strided_slice %get3A_8 {offsets = [105, 0, 0], sizes = [1, 48, 384], strides = [1, 1, 1]} : vector<150x48x384xf32> to vector<1x48x384xf32>
    %squeeze3A_740 = vector.shape_cast %slice3A_739 : vector<1x48x384xf32> to vector<48x384xf32>
    %gt3A_741 = arith.cmpf ogt, %squeeze3A_740, %max3A_735 : vector<48x384xf32>
    %max3A_742 = arith.maximumf %max3A_735, %squeeze3A_740 : vector<48x384xf32>
    %jit3A_743 = arith.constant 105 : i32
    %broadcast_in_dim3A_744 = vector.broadcast %jit3A_743 : i32 to vector<48x384xi32>
    %select_n3A_745 = arith.select %gt3A_741, %broadcast_in_dim3A_744, %select_n3A_738 : vector<48x384xi1>, vector<48x384xi32>
    %slice3A_746 = vector.extract_strided_slice %get3A_8 {offsets = [106, 0, 0], sizes = [1, 48, 384], strides = [1, 1, 1]} : vector<150x48x384xf32> to vector<1x48x384xf32>
    %squeeze3A_747 = vector.shape_cast %slice3A_746 : vector<1x48x384xf32> to vector<48x384xf32>
    %gt3A_748 = arith.cmpf ogt, %squeeze3A_747, %max3A_742 : vector<48x384xf32>
    %max3A_749 = arith.maximumf %max3A_742, %squeeze3A_747 : vector<48x384xf32>
    %jit3A_750 = arith.constant 106 : i32
    %broadcast_in_dim3A_751 = vector.broadcast %jit3A_750 : i32 to vector<48x384xi32>
    %select_n3A_752 = arith.select %gt3A_748, %broadcast_in_dim3A_751, %select_n3A_745 : vector<48x384xi1>, vector<48x384xi32>
    %slice3A_753 = vector.extract_strided_slice %get3A_8 {offsets = [107, 0, 0], sizes = [1, 48, 384], strides = [1, 1, 1]} : vector<150x48x384xf32> to vector<1x48x384xf32>
    %squeeze3A_754 = vector.shape_cast %slice3A_753 : vector<1x48x384xf32> to vector<48x384xf32>
    %gt3A_755 = arith.cmpf ogt, %squeeze3A_754, %max3A_749 : vector<48x384xf32>
    %max3A_756 = arith.maximumf %max3A_749, %squeeze3A_754 : vector<48x384xf32>
    %jit3A_757 = arith.constant 107 : i32
    %broadcast_in_dim3A_758 = vector.broadcast %jit3A_757 : i32 to vector<48x384xi32>
    %select_n3A_759 = arith.select %gt3A_755, %broadcast_in_dim3A_758, %select_n3A_752 : vector<48x384xi1>, vector<48x384xi32>
    %slice3A_760 = vector.extract_strided_slice %get3A_8 {offsets = [108, 0, 0], sizes = [1, 48, 384], strides = [1, 1, 1]} : vector<150x48x384xf32> to vector<1x48x384xf32>
    %squeeze3A_761 = vector.shape_cast %slice3A_760 : vector<1x48x384xf32> to vector<48x384xf32>
    %gt3A_762 = arith.cmpf ogt, %squeeze3A_761, %max3A_756 : vector<48x384xf32>
    %max3A_763 = arith.maximumf %max3A_756, %squeeze3A_761 : vector<48x384xf32>
    %jit3A_764 = arith.constant 108 : i32
    %broadcast_in_dim3A_765 = vector.broadcast %jit3A_764 : i32 to vector<48x384xi32>
    %select_n3A_766 = arith.select %gt3A_762, %broadcast_in_dim3A_765, %select_n3A_759 : vector<48x384xi1>, vector<48x384xi32>
    %slice3A_767 = vector.extract_strided_slice %get3A_8 {offsets = [109, 0, 0], sizes = [1, 48, 384], strides = [1, 1, 1]} : vector<150x48x384xf32> to vector<1x48x384xf32>
    %squeeze3A_768 = vector.shape_cast %slice3A_767 : vector<1x48x384xf32> to vector<48x384xf32>
    %gt3A_769 = arith.cmpf ogt, %squeeze3A_768, %max3A_763 : vector<48x384xf32>
    %max3A_770 = arith.maximumf %max3A_763, %squeeze3A_768 : vector<48x384xf32>
    %jit3A_771 = arith.constant 109 : i32
    %broadcast_in_dim3A_772 = vector.broadcast %jit3A_771 : i32 to vector<48x384xi32>
    %select_n3A_773 = arith.select %gt3A_769, %broadcast_in_dim3A_772, %select_n3A_766 : vector<48x384xi1>, vector<48x384xi32>
    %slice3A_774 = vector.extract_strided_slice %get3A_8 {offsets = [110, 0, 0], sizes = [1, 48, 384], strides = [1, 1, 1]} : vector<150x48x384xf32> to vector<1x48x384xf32>
    %squeeze3A_775 = vector.shape_cast %slice3A_774 : vector<1x48x384xf32> to vector<48x384xf32>
    %gt3A_776 = arith.cmpf ogt, %squeeze3A_775, %max3A_770 : vector<48x384xf32>
    %max3A_777 = arith.maximumf %max3A_770, %squeeze3A_775 : vector<48x384xf32>
    %jit3A_778 = arith.constant 110 : i32
    %broadcast_in_dim3A_779 = vector.broadcast %jit3A_778 : i32 to vector<48x384xi32>
    %select_n3A_780 = arith.select %gt3A_776, %broadcast_in_dim3A_779, %select_n3A_773 : vector<48x384xi1>, vector<48x384xi32>
    %slice3A_781 = vector.extract_strided_slice %get3A_8 {offsets = [111, 0, 0], sizes = [1, 48, 384], strides = [1, 1, 1]} : vector<150x48x384xf32> to vector<1x48x384xf32>
    %squeeze3A_782 = vector.shape_cast %slice3A_781 : vector<1x48x384xf32> to vector<48x384xf32>
    %gt3A_783 = arith.cmpf ogt, %squeeze3A_782, %max3A_777 : vector<48x384xf32>
    %max3A_784 = arith.maximumf %max3A_777, %squeeze3A_782 : vector<48x384xf32>
    %jit3A_785 = arith.constant 111 : i32
    %broadcast_in_dim3A_786 = vector.broadcast %jit3A_785 : i32 to vector<48x384xi32>
    %select_n3A_787 = arith.select %gt3A_783, %broadcast_in_dim3A_786, %select_n3A_780 : vector<48x384xi1>, vector<48x384xi32>
    %slice3A_788 = vector.extract_strided_slice %get3A_8 {offsets = [112, 0, 0], sizes = [1, 48, 384], strides = [1, 1, 1]} : vector<150x48x384xf32> to vector<1x48x384xf32>
    %squeeze3A_789 = vector.shape_cast %slice3A_788 : vector<1x48x384xf32> to vector<48x384xf32>
    %gt3A_790 = arith.cmpf ogt, %squeeze3A_789, %max3A_784 : vector<48x384xf32>
    %max3A_791 = arith.maximumf %max3A_784, %squeeze3A_789 : vector<48x384xf32>
    %jit3A_792 = arith.constant 112 : i32
    %broadcast_in_dim3A_793 = vector.broadcast %jit3A_792 : i32 to vector<48x384xi32>
    %select_n3A_794 = arith.select %gt3A_790, %broadcast_in_dim3A_793, %select_n3A_787 : vector<48x384xi1>, vector<48x384xi32>
    %slice3A_795 = vector.extract_strided_slice %get3A_8 {offsets = [113, 0, 0], sizes = [1, 48, 384], strides = [1, 1, 1]} : vector<150x48x384xf32> to vector<1x48x384xf32>
    %squeeze3A_796 = vector.shape_cast %slice3A_795 : vector<1x48x384xf32> to vector<48x384xf32>
    %gt3A_797 = arith.cmpf ogt, %squeeze3A_796, %max3A_791 : vector<48x384xf32>
    %max3A_798 = arith.maximumf %max3A_791, %squeeze3A_796 : vector<48x384xf32>
    %jit3A_799 = arith.constant 113 : i32
    %broadcast_in_dim3A_800 = vector.broadcast %jit3A_799 : i32 to vector<48x384xi32>
    %select_n3A_801 = arith.select %gt3A_797, %broadcast_in_dim3A_800, %select_n3A_794 : vector<48x384xi1>, vector<48x384xi32>
    %slice3A_802 = vector.extract_strided_slice %get3A_8 {offsets = [114, 0, 0], sizes = [1, 48, 384], strides = [1, 1, 1]} : vector<150x48x384xf32> to vector<1x48x384xf32>
    %squeeze3A_803 = vector.shape_cast %slice3A_802 : vector<1x48x384xf32> to vector<48x384xf32>
    %gt3A_804 = arith.cmpf ogt, %squeeze3A_803, %max3A_798 : vector<48x384xf32>
    %max3A_805 = arith.maximumf %max3A_798, %squeeze3A_803 : vector<48x384xf32>
    %jit3A_806 = arith.constant 114 : i32
    %broadcast_in_dim3A_807 = vector.broadcast %jit3A_806 : i32 to vector<48x384xi32>
    %select_n3A_808 = arith.select %gt3A_804, %broadcast_in_dim3A_807, %select_n3A_801 : vector<48x384xi1>, vector<48x384xi32>
    %slice3A_809 = vector.extract_strided_slice %get3A_8 {offsets = [115, 0, 0], sizes = [1, 48, 384], strides = [1, 1, 1]} : vector<150x48x384xf32> to vector<1x48x384xf32>
    %squeeze3A_810 = vector.shape_cast %slice3A_809 : vector<1x48x384xf32> to vector<48x384xf32>
    %gt3A_811 = arith.cmpf ogt, %squeeze3A_810, %max3A_805 : vector<48x384xf32>
    %max3A_812 = arith.maximumf %max3A_805, %squeeze3A_810 : vector<48x384xf32>
    %jit3A_813 = arith.constant 115 : i32
    %broadcast_in_dim3A_814 = vector.broadcast %jit3A_813 : i32 to vector<48x384xi32>
    %select_n3A_815 = arith.select %gt3A_811, %broadcast_in_dim3A_814, %select_n3A_808 : vector<48x384xi1>, vector<48x384xi32>
    %slice3A_816 = vector.extract_strided_slice %get3A_8 {offsets = [116, 0, 0], sizes = [1, 48, 384], strides = [1, 1, 1]} : vector<150x48x384xf32> to vector<1x48x384xf32>
    %squeeze3A_817 = vector.shape_cast %slice3A_816 : vector<1x48x384xf32> to vector<48x384xf32>
    %gt3A_818 = arith.cmpf ogt, %squeeze3A_817, %max3A_812 : vector<48x384xf32>
    %max3A_819 = arith.maximumf %max3A_812, %squeeze3A_817 : vector<48x384xf32>
    %jit3A_820 = arith.constant 116 : i32
    %broadcast_in_dim3A_821 = vector.broadcast %jit3A_820 : i32 to vector<48x384xi32>
    %select_n3A_822 = arith.select %gt3A_818, %broadcast_in_dim3A_821, %select_n3A_815 : vector<48x384xi1>, vector<48x384xi32>
    %slice3A_823 = vector.extract_strided_slice %get3A_8 {offsets = [117, 0, 0], sizes = [1, 48, 384], strides = [1, 1, 1]} : vector<150x48x384xf32> to vector<1x48x384xf32>
    %squeeze3A_824 = vector.shape_cast %slice3A_823 : vector<1x48x384xf32> to vector<48x384xf32>
    %gt3A_825 = arith.cmpf ogt, %squeeze3A_824, %max3A_819 : vector<48x384xf32>
    %max3A_826 = arith.maximumf %max3A_819, %squeeze3A_824 : vector<48x384xf32>
    %jit3A_827 = arith.constant 117 : i32
    %broadcast_in_dim3A_828 = vector.broadcast %jit3A_827 : i32 to vector<48x384xi32>
    %select_n3A_829 = arith.select %gt3A_825, %broadcast_in_dim3A_828, %select_n3A_822 : vector<48x384xi1>, vector<48x384xi32>
    %slice3A_830 = vector.extract_strided_slice %get3A_8 {offsets = [118, 0, 0], sizes = [1, 48, 384], strides = [1, 1, 1]} : vector<150x48x384xf32> to vector<1x48x384xf32>
    %squeeze3A_831 = vector.shape_cast %slice3A_830 : vector<1x48x384xf32> to vector<48x384xf32>
    %gt3A_832 = arith.cmpf ogt, %squeeze3A_831, %max3A_826 : vector<48x384xf32>
    %max3A_833 = arith.maximumf %max3A_826, %squeeze3A_831 : vector<48x384xf32>
    %jit3A_834 = arith.constant 118 : i32
    %broadcast_in_dim3A_835 = vector.broadcast %jit3A_834 : i32 to vector<48x384xi32>
    %select_n3A_836 = arith.select %gt3A_832, %broadcast_in_dim3A_835, %select_n3A_829 : vector<48x384xi1>, vector<48x384xi32>
    %slice3A_837 = vector.extract_strided_slice %get3A_8 {offsets = [119, 0, 0], sizes = [1, 48, 384], strides = [1, 1, 1]} : vector<150x48x384xf32> to vector<1x48x384xf32>
    %squeeze3A_838 = vector.shape_cast %slice3A_837 : vector<1x48x384xf32> to vector<48x384xf32>
    %gt3A_839 = arith.cmpf ogt, %squeeze3A_838, %max3A_833 : vector<48x384xf32>
    %max3A_840 = arith.maximumf %max3A_833, %squeeze3A_838 : vector<48x384xf32>
    %jit3A_841 = arith.constant 119 : i32
    %broadcast_in_dim3A_842 = vector.broadcast %jit3A_841 : i32 to vector<48x384xi32>
    %select_n3A_843 = arith.select %gt3A_839, %broadcast_in_dim3A_842, %select_n3A_836 : vector<48x384xi1>, vector<48x384xi32>
    %slice3A_844 = vector.extract_strided_slice %get3A_8 {offsets = [120, 0, 0], sizes = [1, 48, 384], strides = [1, 1, 1]} : vector<150x48x384xf32> to vector<1x48x384xf32>
    %squeeze3A_845 = vector.shape_cast %slice3A_844 : vector<1x48x384xf32> to vector<48x384xf32>
    %gt3A_846 = arith.cmpf ogt, %squeeze3A_845, %max3A_840 : vector<48x384xf32>
    %max3A_847 = arith.maximumf %max3A_840, %squeeze3A_845 : vector<48x384xf32>
    %jit3A_848 = arith.constant 120 : i32
    %broadcast_in_dim3A_849 = vector.broadcast %jit3A_848 : i32 to vector<48x384xi32>
    %select_n3A_850 = arith.select %gt3A_846, %broadcast_in_dim3A_849, %select_n3A_843 : vector<48x384xi1>, vector<48x384xi32>
    %slice3A_851 = vector.extract_strided_slice %get3A_8 {offsets = [121, 0, 0], sizes = [1, 48, 384], strides = [1, 1, 1]} : vector<150x48x384xf32> to vector<1x48x384xf32>
    %squeeze3A_852 = vector.shape_cast %slice3A_851 : vector<1x48x384xf32> to vector<48x384xf32>
    %gt3A_853 = arith.cmpf ogt, %squeeze3A_852, %max3A_847 : vector<48x384xf32>
    %max3A_854 = arith.maximumf %max3A_847, %squeeze3A_852 : vector<48x384xf32>
    %jit3A_855 = arith.constant 121 : i32
    %broadcast_in_dim3A_856 = vector.broadcast %jit3A_855 : i32 to vector<48x384xi32>
    %select_n3A_857 = arith.select %gt3A_853, %broadcast_in_dim3A_856, %select_n3A_850 : vector<48x384xi1>, vector<48x384xi32>
    %slice3A_858 = vector.extract_strided_slice %get3A_8 {offsets = [122, 0, 0], sizes = [1, 48, 384], strides = [1, 1, 1]} : vector<150x48x384xf32> to vector<1x48x384xf32>
    %squeeze3A_859 = vector.shape_cast %slice3A_858 : vector<1x48x384xf32> to vector<48x384xf32>
    %gt3A_860 = arith.cmpf ogt, %squeeze3A_859, %max3A_854 : vector<48x384xf32>
    %max3A_861 = arith.maximumf %max3A_854, %squeeze3A_859 : vector<48x384xf32>
    %jit3A_862 = arith.constant 122 : i32
    %broadcast_in_dim3A_863 = vector.broadcast %jit3A_862 : i32 to vector<48x384xi32>
    %select_n3A_864 = arith.select %gt3A_860, %broadcast_in_dim3A_863, %select_n3A_857 : vector<48x384xi1>, vector<48x384xi32>
    %slice3A_865 = vector.extract_strided_slice %get3A_8 {offsets = [123, 0, 0], sizes = [1, 48, 384], strides = [1, 1, 1]} : vector<150x48x384xf32> to vector<1x48x384xf32>
    %squeeze3A_866 = vector.shape_cast %slice3A_865 : vector<1x48x384xf32> to vector<48x384xf32>
    %gt3A_867 = arith.cmpf ogt, %squeeze3A_866, %max3A_861 : vector<48x384xf32>
    %max3A_868 = arith.maximumf %max3A_861, %squeeze3A_866 : vector<48x384xf32>
    %jit3A_869 = arith.constant 123 : i32
    %broadcast_in_dim3A_870 = vector.broadcast %jit3A_869 : i32 to vector<48x384xi32>
    %select_n3A_871 = arith.select %gt3A_867, %broadcast_in_dim3A_870, %select_n3A_864 : vector<48x384xi1>, vector<48x384xi32>
    %slice3A_872 = vector.extract_strided_slice %get3A_8 {offsets = [124, 0, 0], sizes = [1, 48, 384], strides = [1, 1, 1]} : vector<150x48x384xf32> to vector<1x48x384xf32>
    %squeeze3A_873 = vector.shape_cast %slice3A_872 : vector<1x48x384xf32> to vector<48x384xf32>
    %gt3A_874 = arith.cmpf ogt, %squeeze3A_873, %max3A_868 : vector<48x384xf32>
    %max3A_875 = arith.maximumf %max3A_868, %squeeze3A_873 : vector<48x384xf32>
    %jit3A_876 = arith.constant 124 : i32
    %broadcast_in_dim3A_877 = vector.broadcast %jit3A_876 : i32 to vector<48x384xi32>
    %select_n3A_878 = arith.select %gt3A_874, %broadcast_in_dim3A_877, %select_n3A_871 : vector<48x384xi1>, vector<48x384xi32>
    %slice3A_879 = vector.extract_strided_slice %get3A_8 {offsets = [125, 0, 0], sizes = [1, 48, 384], strides = [1, 1, 1]} : vector<150x48x384xf32> to vector<1x48x384xf32>
    %squeeze3A_880 = vector.shape_cast %slice3A_879 : vector<1x48x384xf32> to vector<48x384xf32>
    %gt3A_881 = arith.cmpf ogt, %squeeze3A_880, %max3A_875 : vector<48x384xf32>
    %max3A_882 = arith.maximumf %max3A_875, %squeeze3A_880 : vector<48x384xf32>
    %jit3A_883 = arith.constant 125 : i32
    %broadcast_in_dim3A_884 = vector.broadcast %jit3A_883 : i32 to vector<48x384xi32>
    %select_n3A_885 = arith.select %gt3A_881, %broadcast_in_dim3A_884, %select_n3A_878 : vector<48x384xi1>, vector<48x384xi32>
    %slice3A_886 = vector.extract_strided_slice %get3A_8 {offsets = [126, 0, 0], sizes = [1, 48, 384], strides = [1, 1, 1]} : vector<150x48x384xf32> to vector<1x48x384xf32>
    %squeeze3A_887 = vector.shape_cast %slice3A_886 : vector<1x48x384xf32> to vector<48x384xf32>
    %gt3A_888 = arith.cmpf ogt, %squeeze3A_887, %max3A_882 : vector<48x384xf32>
    %max3A_889 = arith.maximumf %max3A_882, %squeeze3A_887 : vector<48x384xf32>
    %jit3A_890 = arith.constant 126 : i32
    %broadcast_in_dim3A_891 = vector.broadcast %jit3A_890 : i32 to vector<48x384xi32>
    %select_n3A_892 = arith.select %gt3A_888, %broadcast_in_dim3A_891, %select_n3A_885 : vector<48x384xi1>, vector<48x384xi32>
    %slice3A_893 = vector.extract_strided_slice %get3A_8 {offsets = [127, 0, 0], sizes = [1, 48, 384], strides = [1, 1, 1]} : vector<150x48x384xf32> to vector<1x48x384xf32>
    %squeeze3A_894 = vector.shape_cast %slice3A_893 : vector<1x48x384xf32> to vector<48x384xf32>
    %gt3A_895 = arith.cmpf ogt, %squeeze3A_894, %max3A_889 : vector<48x384xf32>
    %max3A_896 = arith.maximumf %max3A_889, %squeeze3A_894 : vector<48x384xf32>
    %jit3A_897 = arith.constant 127 : i32
    %broadcast_in_dim3A_898 = vector.broadcast %jit3A_897 : i32 to vector<48x384xi32>
    %select_n3A_899 = arith.select %gt3A_895, %broadcast_in_dim3A_898, %select_n3A_892 : vector<48x384xi1>, vector<48x384xi32>
    %slice3A_900 = vector.extract_strided_slice %get3A_8 {offsets = [128, 0, 0], sizes = [1, 48, 384], strides = [1, 1, 1]} : vector<150x48x384xf32> to vector<1x48x384xf32>
    %squeeze3A_901 = vector.shape_cast %slice3A_900 : vector<1x48x384xf32> to vector<48x384xf32>
    %gt3A_902 = arith.cmpf ogt, %squeeze3A_901, %max3A_896 : vector<48x384xf32>
    %max3A_903 = arith.maximumf %max3A_896, %squeeze3A_901 : vector<48x384xf32>
    %jit3A_904 = arith.constant 128 : i32
    %broadcast_in_dim3A_905 = vector.broadcast %jit3A_904 : i32 to vector<48x384xi32>
    %select_n3A_906 = arith.select %gt3A_902, %broadcast_in_dim3A_905, %select_n3A_899 : vector<48x384xi1>, vector<48x384xi32>
    %slice3A_907 = vector.extract_strided_slice %get3A_8 {offsets = [129, 0, 0], sizes = [1, 48, 384], strides = [1, 1, 1]} : vector<150x48x384xf32> to vector<1x48x384xf32>
    %squeeze3A_908 = vector.shape_cast %slice3A_907 : vector<1x48x384xf32> to vector<48x384xf32>
    %gt3A_909 = arith.cmpf ogt, %squeeze3A_908, %max3A_903 : vector<48x384xf32>
    %max3A_910 = arith.maximumf %max3A_903, %squeeze3A_908 : vector<48x384xf32>
    %jit3A_911 = arith.constant 129 : i32
    %broadcast_in_dim3A_912 = vector.broadcast %jit3A_911 : i32 to vector<48x384xi32>
    %select_n3A_913 = arith.select %gt3A_909, %broadcast_in_dim3A_912, %select_n3A_906 : vector<48x384xi1>, vector<48x384xi32>
    %slice3A_914 = vector.extract_strided_slice %get3A_8 {offsets = [130, 0, 0], sizes = [1, 48, 384], strides = [1, 1, 1]} : vector<150x48x384xf32> to vector<1x48x384xf32>
    %squeeze3A_915 = vector.shape_cast %slice3A_914 : vector<1x48x384xf32> to vector<48x384xf32>
    %gt3A_916 = arith.cmpf ogt, %squeeze3A_915, %max3A_910 : vector<48x384xf32>
    %max3A_917 = arith.maximumf %max3A_910, %squeeze3A_915 : vector<48x384xf32>
    %jit3A_918 = arith.constant 130 : i32
    %broadcast_in_dim3A_919 = vector.broadcast %jit3A_918 : i32 to vector<48x384xi32>
    %select_n3A_920 = arith.select %gt3A_916, %broadcast_in_dim3A_919, %select_n3A_913 : vector<48x384xi1>, vector<48x384xi32>
    %slice3A_921 = vector.extract_strided_slice %get3A_8 {offsets = [131, 0, 0], sizes = [1, 48, 384], strides = [1, 1, 1]} : vector<150x48x384xf32> to vector<1x48x384xf32>
    %squeeze3A_922 = vector.shape_cast %slice3A_921 : vector<1x48x384xf32> to vector<48x384xf32>
    %gt3A_923 = arith.cmpf ogt, %squeeze3A_922, %max3A_917 : vector<48x384xf32>
    %max3A_924 = arith.maximumf %max3A_917, %squeeze3A_922 : vector<48x384xf32>
    %jit3A_925 = arith.constant 131 : i32
    %broadcast_in_dim3A_926 = vector.broadcast %jit3A_925 : i32 to vector<48x384xi32>
    %select_n3A_927 = arith.select %gt3A_923, %broadcast_in_dim3A_926, %select_n3A_920 : vector<48x384xi1>, vector<48x384xi32>
    %slice3A_928 = vector.extract_strided_slice %get3A_8 {offsets = [132, 0, 0], sizes = [1, 48, 384], strides = [1, 1, 1]} : vector<150x48x384xf32> to vector<1x48x384xf32>
    %squeeze3A_929 = vector.shape_cast %slice3A_928 : vector<1x48x384xf32> to vector<48x384xf32>
    %gt3A_930 = arith.cmpf ogt, %squeeze3A_929, %max3A_924 : vector<48x384xf32>
    %max3A_931 = arith.maximumf %max3A_924, %squeeze3A_929 : vector<48x384xf32>
    %jit3A_932 = arith.constant 132 : i32
    %broadcast_in_dim3A_933 = vector.broadcast %jit3A_932 : i32 to vector<48x384xi32>
    %select_n3A_934 = arith.select %gt3A_930, %broadcast_in_dim3A_933, %select_n3A_927 : vector<48x384xi1>, vector<48x384xi32>
    %slice3A_935 = vector.extract_strided_slice %get3A_8 {offsets = [133, 0, 0], sizes = [1, 48, 384], strides = [1, 1, 1]} : vector<150x48x384xf32> to vector<1x48x384xf32>
    %squeeze3A_936 = vector.shape_cast %slice3A_935 : vector<1x48x384xf32> to vector<48x384xf32>
    %gt3A_937 = arith.cmpf ogt, %squeeze3A_936, %max3A_931 : vector<48x384xf32>
    %max3A_938 = arith.maximumf %max3A_931, %squeeze3A_936 : vector<48x384xf32>
    %jit3A_939 = arith.constant 133 : i32
    %broadcast_in_dim3A_940 = vector.broadcast %jit3A_939 : i32 to vector<48x384xi32>
    %select_n3A_941 = arith.select %gt3A_937, %broadcast_in_dim3A_940, %select_n3A_934 : vector<48x384xi1>, vector<48x384xi32>
    %slice3A_942 = vector.extract_strided_slice %get3A_8 {offsets = [134, 0, 0], sizes = [1, 48, 384], strides = [1, 1, 1]} : vector<150x48x384xf32> to vector<1x48x384xf32>
    %squeeze3A_943 = vector.shape_cast %slice3A_942 : vector<1x48x384xf32> to vector<48x384xf32>
    %gt3A_944 = arith.cmpf ogt, %squeeze3A_943, %max3A_938 : vector<48x384xf32>
    %max3A_945 = arith.maximumf %max3A_938, %squeeze3A_943 : vector<48x384xf32>
    %jit3A_946 = arith.constant 134 : i32
    %broadcast_in_dim3A_947 = vector.broadcast %jit3A_946 : i32 to vector<48x384xi32>
    %select_n3A_948 = arith.select %gt3A_944, %broadcast_in_dim3A_947, %select_n3A_941 : vector<48x384xi1>, vector<48x384xi32>
    %slice3A_949 = vector.extract_strided_slice %get3A_8 {offsets = [135, 0, 0], sizes = [1, 48, 384], strides = [1, 1, 1]} : vector<150x48x384xf32> to vector<1x48x384xf32>
    %squeeze3A_950 = vector.shape_cast %slice3A_949 : vector<1x48x384xf32> to vector<48x384xf32>
    %gt3A_951 = arith.cmpf ogt, %squeeze3A_950, %max3A_945 : vector<48x384xf32>
    %max3A_952 = arith.maximumf %max3A_945, %squeeze3A_950 : vector<48x384xf32>
    %jit3A_953 = arith.constant 135 : i32
    %broadcast_in_dim3A_954 = vector.broadcast %jit3A_953 : i32 to vector<48x384xi32>
    %select_n3A_955 = arith.select %gt3A_951, %broadcast_in_dim3A_954, %select_n3A_948 : vector<48x384xi1>, vector<48x384xi32>
    %slice3A_956 = vector.extract_strided_slice %get3A_8 {offsets = [136, 0, 0], sizes = [1, 48, 384], strides = [1, 1, 1]} : vector<150x48x384xf32> to vector<1x48x384xf32>
    %squeeze3A_957 = vector.shape_cast %slice3A_956 : vector<1x48x384xf32> to vector<48x384xf32>
    %gt3A_958 = arith.cmpf ogt, %squeeze3A_957, %max3A_952 : vector<48x384xf32>
    %max3A_959 = arith.maximumf %max3A_952, %squeeze3A_957 : vector<48x384xf32>
    %jit3A_960 = arith.constant 136 : i32
    %broadcast_in_dim3A_961 = vector.broadcast %jit3A_960 : i32 to vector<48x384xi32>
    %select_n3A_962 = arith.select %gt3A_958, %broadcast_in_dim3A_961, %select_n3A_955 : vector<48x384xi1>, vector<48x384xi32>
    %slice3A_963 = vector.extract_strided_slice %get3A_8 {offsets = [137, 0, 0], sizes = [1, 48, 384], strides = [1, 1, 1]} : vector<150x48x384xf32> to vector<1x48x384xf32>
    %squeeze3A_964 = vector.shape_cast %slice3A_963 : vector<1x48x384xf32> to vector<48x384xf32>
    %gt3A_965 = arith.cmpf ogt, %squeeze3A_964, %max3A_959 : vector<48x384xf32>
    %max3A_966 = arith.maximumf %max3A_959, %squeeze3A_964 : vector<48x384xf32>
    %jit3A_967 = arith.constant 137 : i32
    %broadcast_in_dim3A_968 = vector.broadcast %jit3A_967 : i32 to vector<48x384xi32>
    %select_n3A_969 = arith.select %gt3A_965, %broadcast_in_dim3A_968, %select_n3A_962 : vector<48x384xi1>, vector<48x384xi32>
    %slice3A_970 = vector.extract_strided_slice %get3A_8 {offsets = [138, 0, 0], sizes = [1, 48, 384], strides = [1, 1, 1]} : vector<150x48x384xf32> to vector<1x48x384xf32>
    %squeeze3A_971 = vector.shape_cast %slice3A_970 : vector<1x48x384xf32> to vector<48x384xf32>
    %gt3A_972 = arith.cmpf ogt, %squeeze3A_971, %max3A_966 : vector<48x384xf32>
    %max3A_973 = arith.maximumf %max3A_966, %squeeze3A_971 : vector<48x384xf32>
    %jit3A_974 = arith.constant 138 : i32
    %broadcast_in_dim3A_975 = vector.broadcast %jit3A_974 : i32 to vector<48x384xi32>
    %select_n3A_976 = arith.select %gt3A_972, %broadcast_in_dim3A_975, %select_n3A_969 : vector<48x384xi1>, vector<48x384xi32>
    %slice3A_977 = vector.extract_strided_slice %get3A_8 {offsets = [139, 0, 0], sizes = [1, 48, 384], strides = [1, 1, 1]} : vector<150x48x384xf32> to vector<1x48x384xf32>
    %squeeze3A_978 = vector.shape_cast %slice3A_977 : vector<1x48x384xf32> to vector<48x384xf32>
    %gt3A_979 = arith.cmpf ogt, %squeeze3A_978, %max3A_973 : vector<48x384xf32>
    %max3A_980 = arith.maximumf %max3A_973, %squeeze3A_978 : vector<48x384xf32>
    %jit3A_981 = arith.constant 139 : i32
    %broadcast_in_dim3A_982 = vector.broadcast %jit3A_981 : i32 to vector<48x384xi32>
    %select_n3A_983 = arith.select %gt3A_979, %broadcast_in_dim3A_982, %select_n3A_976 : vector<48x384xi1>, vector<48x384xi32>
    %slice3A_984 = vector.extract_strided_slice %get3A_8 {offsets = [140, 0, 0], sizes = [1, 48, 384], strides = [1, 1, 1]} : vector<150x48x384xf32> to vector<1x48x384xf32>
    %squeeze3A_985 = vector.shape_cast %slice3A_984 : vector<1x48x384xf32> to vector<48x384xf32>
    %gt3A_986 = arith.cmpf ogt, %squeeze3A_985, %max3A_980 : vector<48x384xf32>
    %max3A_987 = arith.maximumf %max3A_980, %squeeze3A_985 : vector<48x384xf32>
    %jit3A_988 = arith.constant 140 : i32
    %broadcast_in_dim3A_989 = vector.broadcast %jit3A_988 : i32 to vector<48x384xi32>
    %select_n3A_990 = arith.select %gt3A_986, %broadcast_in_dim3A_989, %select_n3A_983 : vector<48x384xi1>, vector<48x384xi32>
    %slice3A_991 = vector.extract_strided_slice %get3A_8 {offsets = [141, 0, 0], sizes = [1, 48, 384], strides = [1, 1, 1]} : vector<150x48x384xf32> to vector<1x48x384xf32>
    %squeeze3A_992 = vector.shape_cast %slice3A_991 : vector<1x48x384xf32> to vector<48x384xf32>
    %gt3A_993 = arith.cmpf ogt, %squeeze3A_992, %max3A_987 : vector<48x384xf32>
    %max3A_994 = arith.maximumf %max3A_987, %squeeze3A_992 : vector<48x384xf32>
    %jit3A_995 = arith.constant 141 : i32
    %broadcast_in_dim3A_996 = vector.broadcast %jit3A_995 : i32 to vector<48x384xi32>
    %select_n3A_997 = arith.select %gt3A_993, %broadcast_in_dim3A_996, %select_n3A_990 : vector<48x384xi1>, vector<48x384xi32>
    %slice3A_998 = vector.extract_strided_slice %get3A_8 {offsets = [142, 0, 0], sizes = [1, 48, 384], strides = [1, 1, 1]} : vector<150x48x384xf32> to vector<1x48x384xf32>
    %squeeze3A_999 = vector.shape_cast %slice3A_998 : vector<1x48x384xf32> to vector<48x384xf32>
    %gt3A_1000 = arith.cmpf ogt, %squeeze3A_999, %max3A_994 : vector<48x384xf32>
    %max3A_1001 = arith.maximumf %max3A_994, %squeeze3A_999 : vector<48x384xf32>
    %jit3A_1002 = arith.constant 142 : i32
    %broadcast_in_dim3A_1003 = vector.broadcast %jit3A_1002 : i32 to vector<48x384xi32>
    %select_n3A_1004 = arith.select %gt3A_1000, %broadcast_in_dim3A_1003, %select_n3A_997 : vector<48x384xi1>, vector<48x384xi32>
    %slice3A_1005 = vector.extract_strided_slice %get3A_8 {offsets = [143, 0, 0], sizes = [1, 48, 384], strides = [1, 1, 1]} : vector<150x48x384xf32> to vector<1x48x384xf32>
    %squeeze3A_1006 = vector.shape_cast %slice3A_1005 : vector<1x48x384xf32> to vector<48x384xf32>
    %gt3A_1007 = arith.cmpf ogt, %squeeze3A_1006, %max3A_1001 : vector<48x384xf32>
    %max3A_1008 = arith.maximumf %max3A_1001, %squeeze3A_1006 : vector<48x384xf32>
    %jit3A_1009 = arith.constant 143 : i32
    %broadcast_in_dim3A_1010 = vector.broadcast %jit3A_1009 : i32 to vector<48x384xi32>
    %select_n3A_1011 = arith.select %gt3A_1007, %broadcast_in_dim3A_1010, %select_n3A_1004 : vector<48x384xi1>, vector<48x384xi32>
    %slice3A_1012 = vector.extract_strided_slice %get3A_8 {offsets = [144, 0, 0], sizes = [1, 48, 384], strides = [1, 1, 1]} : vector<150x48x384xf32> to vector<1x48x384xf32>
    %squeeze3A_1013 = vector.shape_cast %slice3A_1012 : vector<1x48x384xf32> to vector<48x384xf32>
    %gt3A_1014 = arith.cmpf ogt, %squeeze3A_1013, %max3A_1008 : vector<48x384xf32>
    %max3A_1015 = arith.maximumf %max3A_1008, %squeeze3A_1013 : vector<48x384xf32>
    %jit3A_1016 = arith.constant 144 : i32
    %broadcast_in_dim3A_1017 = vector.broadcast %jit3A_1016 : i32 to vector<48x384xi32>
    %select_n3A_1018 = arith.select %gt3A_1014, %broadcast_in_dim3A_1017, %select_n3A_1011 : vector<48x384xi1>, vector<48x384xi32>
    %slice3A_1019 = vector.extract_strided_slice %get3A_8 {offsets = [145, 0, 0], sizes = [1, 48, 384], strides = [1, 1, 1]} : vector<150x48x384xf32> to vector<1x48x384xf32>
    %squeeze3A_1020 = vector.shape_cast %slice3A_1019 : vector<1x48x384xf32> to vector<48x384xf32>
    %gt3A_1021 = arith.cmpf ogt, %squeeze3A_1020, %max3A_1015 : vector<48x384xf32>
    %max3A_1022 = arith.maximumf %max3A_1015, %squeeze3A_1020 : vector<48x384xf32>
    %jit3A_1023 = arith.constant 145 : i32
    %broadcast_in_dim3A_1024 = vector.broadcast %jit3A_1023 : i32 to vector<48x384xi32>
    %select_n3A_1025 = arith.select %gt3A_1021, %broadcast_in_dim3A_1024, %select_n3A_1018 : vector<48x384xi1>, vector<48x384xi32>
    %slice3A_1026 = vector.extract_strided_slice %get3A_8 {offsets = [146, 0, 0], sizes = [1, 48, 384], strides = [1, 1, 1]} : vector<150x48x384xf32> to vector<1x48x384xf32>
    %squeeze3A_1027 = vector.shape_cast %slice3A_1026 : vector<1x48x384xf32> to vector<48x384xf32>
    %gt3A_1028 = arith.cmpf ogt, %squeeze3A_1027, %max3A_1022 : vector<48x384xf32>
    %max3A_1029 = arith.maximumf %max3A_1022, %squeeze3A_1027 : vector<48x384xf32>
    %jit3A_1030 = arith.constant 146 : i32
    %broadcast_in_dim3A_1031 = vector.broadcast %jit3A_1030 : i32 to vector<48x384xi32>
    %select_n3A_1032 = arith.select %gt3A_1028, %broadcast_in_dim3A_1031, %select_n3A_1025 : vector<48x384xi1>, vector<48x384xi32>
    %slice3A_1033 = vector.extract_strided_slice %get3A_8 {offsets = [147, 0, 0], sizes = [1, 48, 384], strides = [1, 1, 1]} : vector<150x48x384xf32> to vector<1x48x384xf32>
    %squeeze3A_1034 = vector.shape_cast %slice3A_1033 : vector<1x48x384xf32> to vector<48x384xf32>
    %gt3A_1035 = arith.cmpf ogt, %squeeze3A_1034, %max3A_1029 : vector<48x384xf32>
    %max3A_1036 = arith.maximumf %max3A_1029, %squeeze3A_1034 : vector<48x384xf32>
    %jit3A_1037 = arith.constant 147 : i32
    %broadcast_in_dim3A_1038 = vector.broadcast %jit3A_1037 : i32 to vector<48x384xi32>
    %select_n3A_1039 = arith.select %gt3A_1035, %broadcast_in_dim3A_1038, %select_n3A_1032 : vector<48x384xi1>, vector<48x384xi32>
    %slice3A_1040 = vector.extract_strided_slice %get3A_8 {offsets = [148, 0, 0], sizes = [1, 48, 384], strides = [1, 1, 1]} : vector<150x48x384xf32> to vector<1x48x384xf32>
    %squeeze3A_1041 = vector.shape_cast %slice3A_1040 : vector<1x48x384xf32> to vector<48x384xf32>
    %gt3A_1042 = arith.cmpf ogt, %squeeze3A_1041, %max3A_1036 : vector<48x384xf32>
    %max3A_1043 = arith.maximumf %max3A_1036, %squeeze3A_1041 : vector<48x384xf32>
    %jit3A_1044 = arith.constant 148 : i32
    %broadcast_in_dim3A_1045 = vector.broadcast %jit3A_1044 : i32 to vector<48x384xi32>
    %select_n3A_1046 = arith.select %gt3A_1042, %broadcast_in_dim3A_1045, %select_n3A_1039 : vector<48x384xi1>, vector<48x384xi32>
    %slice3A_1047 = vector.extract_strided_slice %get3A_8 {offsets = [149, 0, 0], sizes = [1, 48, 384], strides = [1, 1, 1]} : vector<150x48x384xf32> to vector<1x48x384xf32>
    %squeeze3A_1048 = vector.shape_cast %slice3A_1047 : vector<1x48x384xf32> to vector<48x384xf32>
    %gt3A_1049 = arith.cmpf ogt, %squeeze3A_1048, %max3A_1043 : vector<48x384xf32>
    %jit3A_1050 = arith.constant 149 : i32
    %broadcast_in_dim3A_1051 = vector.broadcast %jit3A_1050 : i32 to vector<48x384xi32>
    %select_n3A_1052 = arith.select %gt3A_1049, %broadcast_in_dim3A_1051, %select_n3A_1046 : vector<48x384xi1>, vector<48x384xi32>
    %reshape3A = vector.shape_cast %select_n3A_1052 : vector<48x384xi32> to vector<1x18432xi32>
    %reshape3A_1053 = vector.shape_cast %get3A_13 : vector<48x384xi32> to vector<1x18432xi32>
    %eq3A_1054 = arith.cmpi eq, %reshape3A_1053, %reshape3A : vector<1x18432xi32>
    %jit3A_1055 = arith.constant 150 : i32
    %broadcast_in_dim3A_1056 = vector.broadcast %jit3A_1055 : i32 to vector<1x18432xi32>
    %select_n3A_1057 = arith.select %eq3A_1054, %reshape3A_1053, %broadcast_in_dim3A_1056 : vector<1x18432xi1>, vector<1x18432xi32>
    %shift_right_arithmetic3A = arith.constant 4 : i32
    %shift_right_arithmetic3A_1058 = vector.broadcast %shift_right_arithmetic3A : i32 to vector<1x18432xi32>
    %shift_right_arithmetic3A_1059 = arith.shrsi %select_n3A_1057, %shift_right_arithmetic3A_1058 : vector<1x18432xi32>
    %and3A_1060 = arith.constant 15 : i32
    %and3A_1061 = vector.broadcast %and3A_1060 : i32 to vector<1x18432xi32>
    %and3A_1062 = arith.andi %select_n3A_1057, %and3A_1061 : vector<1x18432xi32>
    %iota3A = tpu.iota {dimensions = array<i32: 0>} : vector<16x18432xi32>
    %iota3A_1063 = tpu.iota {dimensions = array<i32: 0>} : vector<16x18432xi32>
    %eq3A_1064 = vector.broadcast %shift_right_arithmetic3A_1059 : vector<1x18432xi32> to vector<16x18432xi32>
    %eq3A_1065 = arith.cmpi eq, %eq3A_1064, %iota3A : vector<16x18432xi32>
    %jit3A_1066 = arith.constant 1.000000e+00 : f32
    %jit3A_1067 = arith.constant 0.000000e+00 : f32
    %broadcast_in_dim3A_1068 = vector.broadcast %jit3A_1066 : f32 to vector<16x18432xf32>
    %broadcast_in_dim3A_1069 = vector.broadcast %jit3A_1067 : f32 to vector<16x18432xf32>
    %select_n3A_1070 = arith.select %eq3A_1065, %broadcast_in_dim3A_1068, %broadcast_in_dim3A_1069 : vector<16x18432xi1>, vector<16x18432xf32>
    %eq3A_1071 = vector.broadcast %and3A_1062 : vector<1x18432xi32> to vector<16x18432xi32>
    %eq3A_1072 = arith.cmpi eq, %eq3A_1071, %iota3A_1063 : vector<16x18432xi32>
    %jit3A_1073 = arith.constant 1.000000e+00 : f32
    %jit3A_1074 = arith.constant 0.000000e+00 : f32
    %broadcast_in_dim3A_1075 = vector.broadcast %jit3A_1073 : f32 to vector<16x18432xf32>
    %broadcast_in_dim3A_1076 = vector.broadcast %jit3A_1074 : f32 to vector<16x18432xf32>
    %select_n3A_1077 = arith.select %eq3A_1072, %broadcast_in_dim3A_1075, %broadcast_in_dim3A_1076 : vector<16x18432xi1>, vector<16x18432xf32>
    %dot_general3A = arith.constant dense<0.000000e+00> : vector<16x16xf32>
    %dot_general3A_1078 = tpu.matmul %select_n3A_1070, %select_n3A_1077, %dot_general3A {dimension_numbers = #tpu.dot_dimension_numbers<[1], [1], [0], [0], [0, 0, 1, 0], [], []>, transpose_lhs_hint = false} : vector<16x18432xf32>, vector<16x18432xf32>, vector<16x16xf32> -> vector<16x16xf32>
    %shift_right_arithmetic3A_1079 = arith.constant 4 : i32
    %shift_right_arithmetic3A_1080 = vector.broadcast %shift_right_arithmetic3A_1079 : i32 to vector<1x18432xi32>
    %shift_right_arithmetic3A_1081 = arith.shrsi %reshape3A, %shift_right_arithmetic3A_1080 : vector<1x18432xi32>
    %and3A_1082 = arith.constant 15 : i32
    %and3A_1083 = vector.broadcast %and3A_1082 : i32 to vector<1x18432xi32>
    %and3A_1084 = arith.andi %reshape3A, %and3A_1083 : vector<1x18432xi32>
    %iota3A_1085 = tpu.iota {dimensions = array<i32: 0>} : vector<16x18432xi32>
    %iota3A_1086 = tpu.iota {dimensions = array<i32: 0>} : vector<16x18432xi32>
    %eq3A_1087 = vector.broadcast %shift_right_arithmetic3A_1081 : vector<1x18432xi32> to vector<16x18432xi32>
    %eq3A_1088 = arith.cmpi eq, %eq3A_1087, %iota3A_1085 : vector<16x18432xi32>
    %jit3A_1089 = arith.constant 1.000000e+00 : f32
    %jit3A_1090 = arith.constant 0.000000e+00 : f32
    %broadcast_in_dim3A_1091 = vector.broadcast %jit3A_1089 : f32 to vector<16x18432xf32>
    %broadcast_in_dim3A_1092 = vector.broadcast %jit3A_1090 : f32 to vector<16x18432xf32>
    %select_n3A_1093 = arith.select %eq3A_1088, %broadcast_in_dim3A_1091, %broadcast_in_dim3A_1092 : vector<16x18432xi1>, vector<16x18432xf32>
    %eq3A_1094 = vector.broadcast %and3A_1084 : vector<1x18432xi32> to vector<16x18432xi32>
    %eq3A_1095 = arith.cmpi eq, %eq3A_1094, %iota3A_1086 : vector<16x18432xi32>
    %jit3A_1096 = arith.constant 1.000000e+00 : f32
    %jit3A_1097 = arith.constant 0.000000e+00 : f32
    %broadcast_in_dim3A_1098 = vector.broadcast %jit3A_1096 : f32 to vector<16x18432xf32>
    %broadcast_in_dim3A_1099 = vector.broadcast %jit3A_1097 : f32 to vector<16x18432xf32>
    %select_n3A_1100 = arith.select %eq3A_1095, %broadcast_in_dim3A_1098, %broadcast_in_dim3A_1099 : vector<16x18432xi1>, vector<16x18432xf32>
    %dot_general3A_1101 = arith.constant dense<0.000000e+00> : vector<16x16xf32>
    %dot_general3A_1102 = tpu.matmul %select_n3A_1093, %select_n3A_1100, %dot_general3A_1101 {dimension_numbers = #tpu.dot_dimension_numbers<[1], [1], [0], [0], [0, 0, 1, 0], [], []>, transpose_lhs_hint = false} : vector<16x18432xf32>, vector<16x18432xf32>, vector<16x16xf32> -> vector<16x16xf32>
    %shift_right_arithmetic3A_1103 = arith.constant 4 : i32
    %shift_right_arithmetic3A_1104 = vector.broadcast %shift_right_arithmetic3A_1103 : i32 to vector<1x18432xi32>
    %shift_right_arithmetic3A_1105 = arith.shrsi %reshape3A_1053, %shift_right_arithmetic3A_1104 : vector<1x18432xi32>
    %and3A_1106 = arith.constant 15 : i32
    %and3A_1107 = vector.broadcast %and3A_1106 : i32 to vector<1x18432xi32>
    %and3A_1108 = arith.andi %reshape3A_1053, %and3A_1107 : vector<1x18432xi32>
    %iota3A_1109 = tpu.iota {dimensions = array<i32: 0>} : vector<16x18432xi32>
    %iota3A_1110 = tpu.iota {dimensions = array<i32: 0>} : vector<16x18432xi32>
    %eq3A_1111 = vector.broadcast %shift_right_arithmetic3A_1105 : vector<1x18432xi32> to vector<16x18432xi32>
    %eq3A_1112 = arith.cmpi eq, %eq3A_1111, %iota3A_1109 : vector<16x18432xi32>
    %jit3A_1113 = arith.constant 1.000000e+00 : f32
    %jit3A_1114 = arith.constant 0.000000e+00 : f32
    %broadcast_in_dim3A_1115 = vector.broadcast %jit3A_1113 : f32 to vector<16x18432xf32>
    %broadcast_in_dim3A_1116 = vector.broadcast %jit3A_1114 : f32 to vector<16x18432xf32>
    %select_n3A_1117 = arith.select %eq3A_1112, %broadcast_in_dim3A_1115, %broadcast_in_dim3A_1116 : vector<16x18432xi1>, vector<16x18432xf32>
    %eq3A_1118 = vector.broadcast %and3A_1108 : vector<1x18432xi32> to vector<16x18432xi32>
    %eq3A_1119 = arith.cmpi eq, %eq3A_1118, %iota3A_1110 : vector<16x18432xi32>
    %jit3A_1120 = arith.constant 1.000000e+00 : f32
    %jit3A_1121 = arith.constant 0.000000e+00 : f32
    %broadcast_in_dim3A_1122 = vector.broadcast %jit3A_1120 : f32 to vector<16x18432xf32>
    %broadcast_in_dim3A_1123 = vector.broadcast %jit3A_1121 : f32 to vector<16x18432xf32>
    %select_n3A_1124 = arith.select %eq3A_1119, %broadcast_in_dim3A_1122, %broadcast_in_dim3A_1123 : vector<16x18432xi1>, vector<16x18432xf32>
    %dot_general3A_1125 = arith.constant dense<0.000000e+00> : vector<16x16xf32>
    %dot_general3A_1126 = tpu.matmul %select_n3A_1117, %select_n3A_1124, %dot_general3A_1125 {dimension_numbers = #tpu.dot_dimension_numbers<[1], [1], [0], [0], [0, 0, 1, 0], [], []>, transpose_lhs_hint = false} : vector<16x18432xf32>, vector<16x18432xf32>, vector<16x16xf32> -> vector<16x16xf32>
    %get3A_1127 = arith.constant 0 : index
    %get3A_1128 = arith.constant 0 : index
    %get3A_1129 = arith.constant 0 : index
    %get3A_1130 = vector.load %arg5[%get3A_1127, %get3A_1128, %get3A_1129] : memref<3x16x16xf32, #tpu.memory_space<vmem>>, vector<1x16x16xf32>
    %get3A_1131 = vector.shape_cast %get3A_1130 : vector<1x16x16xf32> to vector<16x16xf32>
    %add3A = arith.addf %get3A_1131, %dot_general3A_1078 : vector<16x16xf32>
    %swap3A = arith.constant 0 : index
    %swap3A_1132 = arith.constant 0 : index
    %swap3A_1133 = arith.constant 0 : index
    %swap3A_1134 = vector.load %arg5[%swap3A, %swap3A_1132, %swap3A_1133] : memref<3x16x16xf32, #tpu.memory_space<vmem>>, vector<1x16x16xf32>
    %swap3A_1135 = vector.shape_cast %swap3A_1134 : vector<1x16x16xf32> to vector<16x16xf32>
    %swap3A_1136 = vector.shape_cast %add3A : vector<16x16xf32> to vector<1x16x16xf32>
    tpu.vector_store %arg5[%swap3A, %swap3A_1132, %swap3A_1133], %swap3A_1136 {strides = array<i32>} : memref<3x16x16xf32, #tpu.memory_space<vmem>>, vector<1x16x16xf32>,
    %get3A_1137 = arith.constant 1 : index
    %get3A_1138 = arith.constant 0 : index
    %get3A_1139 = arith.constant 0 : index
    %get3A_1140 = vector.load %arg5[%get3A_1137, %get3A_1138, %get3A_1139] : memref<3x16x16xf32, #tpu.memory_space<vmem>>, vector<1x16x16xf32>
    %get3A_1141 = vector.shape_cast %get3A_1140 : vector<1x16x16xf32> to vector<16x16xf32>
    %add3A_1142 = arith.addf %get3A_1141, %dot_general3A_1102 : vector<16x16xf32>
    %swap3A_1143 = arith.constant 1 : index
    %swap3A_1144 = arith.constant 0 : index
    %swap3A_1145 = arith.constant 0 : index
    %swap3A_1146 = vector.load %arg5[%swap3A_1143, %swap3A_1144, %swap3A_1145] : memref<3x16x16xf32, #tpu.memory_space<vmem>>, vector<1x16x16xf32>
    %swap3A_1147 = vector.shape_cast %swap3A_1146 : vector<1x16x16xf32> to vector<16x16xf32>
    %swap3A_1148 = vector.shape_cast %add3A_1142 : vector<16x16xf32> to vector<1x16x16xf32>
    tpu.vector_store %arg5[%swap3A_1143, %swap3A_1144, %swap3A_1145], %swap3A_1148 {strides = array<i32>} : memref<3x16x16xf32, #tpu.memory_space<vmem>>, vector<1x16x16xf32>,
    %get3A_1149 = arith.constant 2 : index
    %get3A_1150 = arith.constant 0 : index
    %get3A_1151 = arith.constant 0 : index
    %get3A_1152 = vector.load %arg5[%get3A_1149, %get3A_1150, %get3A_1151] : memref<3x16x16xf32, #tpu.memory_space<vmem>>, vector<1x16x16xf32>
    %get3A_1153 = vector.shape_cast %get3A_1152 : vector<1x16x16xf32> to vector<16x16xf32>
    %add3A_1154 = arith.addf %get3A_1153, %dot_general3A_1126 : vector<16x16xf32>
    %swap3A_1155 = arith.constant 2 : index
    %swap3A_1156 = arith.constant 0 : index
    %swap3A_1157 = arith.constant 0 : index
    %swap3A_1158 = vector.load %arg5[%swap3A_1155, %swap3A_1156, %swap3A_1157] : memref<3x16x16xf32, #tpu.memory_space<vmem>>, vector<1x16x16xf32>
    %swap3A_1159 = vector.shape_cast %swap3A_1158 : vector<1x16x16xf32> to vector<16x16xf32>
    %swap3A_1160 = vector.shape_cast %add3A_1154 : vector<16x16xf32> to vector<1x16x16xf32>
    tpu.vector_store %arg5[%swap3A_1155, %swap3A_1156, %swap3A_1157], %swap3A_1160 {strides = array<i32>} : memref<3x16x16xf32, #tpu.memory_space<vmem>>, vector<1x16x16xf32>,
    %eq3A_1161 = arith.constant 1 : i32
    %eq3A_1162 = arith.cmpi eq, %arg0, %eq3A_1161 : i32
    %eq3A_1163 = arith.constant 6 : i32
    %eq3A_1164 = arith.cmpi eq, %arg1, %eq3A_1163 : i32
    %and3A_1165 = arith.andi %eq3A_1162, %eq3A_1164 : i1
    %convert_element_type3A_1166 = arith.extui %and3A_1165 : i1 to i32
    %cond3A_1167 = arith.constant 0 : i32
    %cond3A_1168 = arith.cmpi ne, %convert_element_type3A_1166, %cond3A_1167 : i32
    scf.if %cond3A_1168 {
      %get3A_1169 = arith.constant 0 : index
      %get3A_1170 = arith.constant 0 : index
      %get3A_1171 = arith.constant 0 : index
      %get3A_1172 = vector.load %arg5[%get3A_1169, %get3A_1170, %get3A_1171] : memref<3x16x16xf32, #tpu.memory_space<vmem>>, vector<3x16x16xf32>
      %swap3A_1173 = arith.constant 0 : index
      %swap3A_1174 = arith.constant 0 : index
      %swap3A_1175 = arith.constant 0 : index
      %swap3A_1176 = vector.load %arg4[%swap3A_1173, %swap3A_1174, %swap3A_1175] : memref<3x16x16xf32, #tpu.memory_space<vmem>>, vector<3x16x16xf32>
      tpu.vector_store %arg4[%swap3A_1173, %swap3A_1174, %swap3A_1175], %get3A_1172 {strides = array<i32>} : memref<3x16x16xf32, #tpu.memory_space<vmem>>, vector<3x16x16xf32>,
    } else {
    }
    return
  }
  func.func @transform_0(%arg0: i32, %arg1: i32) -> (i32, i32, i32, i32) {
    %c0_i32 = arith.constant 0 : i32
    %c0_i32_0 = arith.constant 0 : i32
    %c0_i32_1 = arith.constant 0 : i32
    return %arg0, %c0_i32, %arg1, %c0_i32_0 : i32, i32, i32, i32
  }
  func.func @transform_1(%arg0: i32, %arg1: i32) -> (i32, i32, i32) {
    %c0_i32 = arith.constant 0 : i32
    %c0_i32_0 = arith.constant 0 : i32
    return %arg0, %arg1, %c0_i32 : i32, i32, i32
  }
  func.func @transform_2(%arg0: i32, %arg1: i32) -> (i32, i32, i32) {
    %c0_i32 = arith.constant 0 : i32
    %c0_i32_0 = arith.constant 0 : i32
    %c0_i32_1 = arith.constant 0 : i32
    %c0_i32_2 = arith.constant 0 : i32
    return %c0_i32, %c0_i32_0, %c0_i32_1 : i32, i32, i32
  }
}

module attributes {stable_mosaic.version = 14 : i64} {
  func.func @_combine_kernel(%arg0: memref<3x16x16xf32, #tpu.memory_space<vmem>>, %arg1: memref<1x36864xi32, #tpu.memory_space<vmem>>, %arg2: memref<1x36864xi32, #tpu.memory_space<vmem>>, %arg3: memref<16x16xf32, #tpu.memory_space<vmem>>) attributes {dimension_semantics = [], scalar_prefetch = 0 : i64, scratch_operands = 0 : i64, tpu.core_type = #tpu.core_type<tc>} {
    %get3A = arith.constant 0 : index
    %get3A_0 = arith.constant 0 : index
    %get3A_1 = arith.constant 0 : index
    %get3A_2 = vector.load %arg0[%get3A, %get3A_0, %get3A_1] : memref<3x16x16xf32, #tpu.memory_space<vmem>>, vector<3x16x16xf32>
    %get3A_3 = arith.constant 0 : index
    %get3A_4 = arith.constant 0 : index
    %get3A_5 = vector.load %arg1[%get3A_3, %get3A_4] : memref<1x36864xi32, #tpu.memory_space<vmem>>, vector<1x36864xi32>
    %get3A_6 = arith.constant 0 : index
    %get3A_7 = arith.constant 0 : index
    %get3A_8 = vector.load %arg2[%get3A_6, %get3A_7] : memref<1x36864xi32, #tpu.memory_space<vmem>>, vector<1x36864xi32>
    %eq3A = arith.cmpi eq, %get3A_8, %get3A_5 : vector<1x36864xi32>
    %jit3A = arith.constant 150 : i32
    %broadcast_in_dim3A = vector.broadcast %jit3A : i32 to vector<1x36864xi32>
    %select_n3A = arith.select %eq3A, %get3A_8, %broadcast_in_dim3A : vector<1x36864xi1>, vector<1x36864xi32>
    %shift_right_arithmetic3A = arith.constant 4 : i32
    %shift_right_arithmetic3A_9 = vector.broadcast %shift_right_arithmetic3A : i32 to vector<1x36864xi32>
    %shift_right_arithmetic3A_10 = arith.shrsi %select_n3A, %shift_right_arithmetic3A_9 : vector<1x36864xi32>
    %and3A = arith.constant 15 : i32
    %and3A_11 = vector.broadcast %and3A : i32 to vector<1x36864xi32>
    %and3A_12 = arith.andi %select_n3A, %and3A_11 : vector<1x36864xi32>
    %iota3A = tpu.iota {dimensions = array<i32: 0>} : vector<16x36864xi32>
    %iota3A_13 = tpu.iota {dimensions = array<i32: 0>} : vector<16x36864xi32>
    %eq3A_14 = vector.broadcast %shift_right_arithmetic3A_10 : vector<1x36864xi32> to vector<16x36864xi32>
    %eq3A_15 = arith.cmpi eq, %eq3A_14, %iota3A : vector<16x36864xi32>
    %jit3A_16 = arith.constant 1.000000e+00 : f32
    %jit3A_17 = arith.constant 0.000000e+00 : f32
    %broadcast_in_dim3A_18 = vector.broadcast %jit3A_16 : f32 to vector<16x36864xf32>
    %broadcast_in_dim3A_19 = vector.broadcast %jit3A_17 : f32 to vector<16x36864xf32>
    %select_n3A_20 = arith.select %eq3A_15, %broadcast_in_dim3A_18, %broadcast_in_dim3A_19 : vector<16x36864xi1>, vector<16x36864xf32>
    %eq3A_21 = vector.broadcast %and3A_12 : vector<1x36864xi32> to vector<16x36864xi32>
    %eq3A_22 = arith.cmpi eq, %eq3A_21, %iota3A_13 : vector<16x36864xi32>
    %jit3A_23 = arith.constant 1.000000e+00 : f32
    %jit3A_24 = arith.constant 0.000000e+00 : f32
    %broadcast_in_dim3A_25 = vector.broadcast %jit3A_23 : f32 to vector<16x36864xf32>
    %broadcast_in_dim3A_26 = vector.broadcast %jit3A_24 : f32 to vector<16x36864xf32>
    %select_n3A_27 = arith.select %eq3A_22, %broadcast_in_dim3A_25, %broadcast_in_dim3A_26 : vector<16x36864xi1>, vector<16x36864xf32>
    %dot_general3A = arith.constant dense<0.000000e+00> : vector<16x16xf32>
    %dot_general3A_28 = tpu.matmul %select_n3A_20, %select_n3A_27, %dot_general3A {dimension_numbers = #tpu.dot_dimension_numbers<[1], [1], [0], [0], [0, 0, 1, 0], [], []>, transpose_lhs_hint = false} : vector<16x36864xf32>, vector<16x36864xf32>, vector<16x16xf32> -> vector<16x16xf32>
    %shift_right_arithmetic3A_29 = arith.constant 4 : i32
    %shift_right_arithmetic3A_30 = vector.broadcast %shift_right_arithmetic3A_29 : i32 to vector<1x36864xi32>
    %shift_right_arithmetic3A_31 = arith.shrsi %get3A_5, %shift_right_arithmetic3A_30 : vector<1x36864xi32>
    %and3A_32 = arith.constant 15 : i32
    %and3A_33 = vector.broadcast %and3A_32 : i32 to vector<1x36864xi32>
    %and3A_34 = arith.andi %get3A_5, %and3A_33 : vector<1x36864xi32>
    %iota3A_35 = tpu.iota {dimensions = array<i32: 0>} : vector<16x36864xi32>
    %iota3A_36 = tpu.iota {dimensions = array<i32: 0>} : vector<16x36864xi32>
    %eq3A_37 = vector.broadcast %shift_right_arithmetic3A_31 : vector<1x36864xi32> to vector<16x36864xi32>
    %eq3A_38 = arith.cmpi eq, %eq3A_37, %iota3A_35 : vector<16x36864xi32>
    %jit3A_39 = arith.constant 1.000000e+00 : f32
    %jit3A_40 = arith.constant 0.000000e+00 : f32
    %broadcast_in_dim3A_41 = vector.broadcast %jit3A_39 : f32 to vector<16x36864xf32>
    %broadcast_in_dim3A_42 = vector.broadcast %jit3A_40 : f32 to vector<16x36864xf32>
    %select_n3A_43 = arith.select %eq3A_38, %broadcast_in_dim3A_41, %broadcast_in_dim3A_42 : vector<16x36864xi1>, vector<16x36864xf32>
    %eq3A_44 = vector.broadcast %and3A_34 : vector<1x36864xi32> to vector<16x36864xi32>
    %eq3A_45 = arith.cmpi eq, %eq3A_44, %iota3A_36 : vector<16x36864xi32>
    %jit3A_46 = arith.constant 1.000000e+00 : f32
    %jit3A_47 = arith.constant 0.000000e+00 : f32
    %broadcast_in_dim3A_48 = vector.broadcast %jit3A_46 : f32 to vector<16x36864xf32>
    %broadcast_in_dim3A_49 = vector.broadcast %jit3A_47 : f32 to vector<16x36864xf32>
    %select_n3A_50 = arith.select %eq3A_45, %broadcast_in_dim3A_48, %broadcast_in_dim3A_49 : vector<16x36864xi1>, vector<16x36864xf32>
    %dot_general3A_51 = arith.constant dense<0.000000e+00> : vector<16x16xf32>
    %dot_general3A_52 = tpu.matmul %select_n3A_43, %select_n3A_50, %dot_general3A_51 {dimension_numbers = #tpu.dot_dimension_numbers<[1], [1], [0], [0], [0, 0, 1, 0], [], []>, transpose_lhs_hint = false} : vector<16x36864xf32>, vector<16x36864xf32>, vector<16x16xf32> -> vector<16x16xf32>
    %shift_right_arithmetic3A_53 = arith.constant 4 : i32
    %shift_right_arithmetic3A_54 = vector.broadcast %shift_right_arithmetic3A_53 : i32 to vector<1x36864xi32>
    %shift_right_arithmetic3A_55 = arith.shrsi %get3A_8, %shift_right_arithmetic3A_54 : vector<1x36864xi32>
    %and3A_56 = arith.constant 15 : i32
    %and3A_57 = vector.broadcast %and3A_56 : i32 to vector<1x36864xi32>
    %and3A_58 = arith.andi %get3A_8, %and3A_57 : vector<1x36864xi32>
    %iota3A_59 = tpu.iota {dimensions = array<i32: 0>} : vector<16x36864xi32>
    %iota3A_60 = tpu.iota {dimensions = array<i32: 0>} : vector<16x36864xi32>
    %eq3A_61 = vector.broadcast %shift_right_arithmetic3A_55 : vector<1x36864xi32> to vector<16x36864xi32>
    %eq3A_62 = arith.cmpi eq, %eq3A_61, %iota3A_59 : vector<16x36864xi32>
    %jit3A_63 = arith.constant 1.000000e+00 : f32
    %jit3A_64 = arith.constant 0.000000e+00 : f32
    %broadcast_in_dim3A_65 = vector.broadcast %jit3A_63 : f32 to vector<16x36864xf32>
    %broadcast_in_dim3A_66 = vector.broadcast %jit3A_64 : f32 to vector<16x36864xf32>
    %select_n3A_67 = arith.select %eq3A_62, %broadcast_in_dim3A_65, %broadcast_in_dim3A_66 : vector<16x36864xi1>, vector<16x36864xf32>
    %eq3A_68 = vector.broadcast %and3A_58 : vector<1x36864xi32> to vector<16x36864xi32>
    %eq3A_69 = arith.cmpi eq, %eq3A_68, %iota3A_60 : vector<16x36864xi32>
    %jit3A_70 = arith.constant 1.000000e+00 : f32
    %jit3A_71 = arith.constant 0.000000e+00 : f32
    %broadcast_in_dim3A_72 = vector.broadcast %jit3A_70 : f32 to vector<16x36864xf32>
    %broadcast_in_dim3A_73 = vector.broadcast %jit3A_71 : f32 to vector<16x36864xf32>
    %select_n3A_74 = arith.select %eq3A_69, %broadcast_in_dim3A_72, %broadcast_in_dim3A_73 : vector<16x36864xi1>, vector<16x36864xf32>
    %dot_general3A_75 = arith.constant dense<0.000000e+00> : vector<16x16xf32>
    %dot_general3A_76 = tpu.matmul %select_n3A_67, %select_n3A_74, %dot_general3A_75 {dimension_numbers = #tpu.dot_dimension_numbers<[1], [1], [0], [0], [0, 0, 1, 0], [], []>, transpose_lhs_hint = false} : vector<16x36864xf32>, vector<16x36864xf32>, vector<16x16xf32> -> vector<16x16xf32>
    %slice3A = vector.extract_strided_slice %get3A_2 {offsets = [0, 0, 0], sizes = [1, 16, 16], strides = [1, 1, 1]} : vector<3x16x16xf32> to vector<1x16x16xf32>
    %squeeze3A = vector.shape_cast %slice3A : vector<1x16x16xf32> to vector<16x16xf32>
    %add3A = arith.addf %squeeze3A, %dot_general3A_28 : vector<16x16xf32>
    %slice3A_77 = vector.extract_strided_slice %get3A_2 {offsets = [1, 0, 0], sizes = [1, 16, 16], strides = [1, 1, 1]} : vector<3x16x16xf32> to vector<1x16x16xf32>
    %squeeze3A_78 = vector.shape_cast %slice3A_77 : vector<1x16x16xf32> to vector<16x16xf32>
    %add3A_79 = arith.addf %squeeze3A_78, %dot_general3A_52 : vector<16x16xf32>
    %slice3A_80 = vector.extract_strided_slice %get3A_2 {offsets = [2, 0, 0], sizes = [1, 16, 16], strides = [1, 1, 1]} : vector<3x16x16xf32> to vector<1x16x16xf32>
    %squeeze3A_81 = vector.shape_cast %slice3A_80 : vector<1x16x16xf32> to vector<16x16xf32>
    %add3A_82 = arith.addf %squeeze3A_81, %dot_general3A_76 : vector<16x16xf32>
    %add3A_83 = arith.addf %add3A_79, %add3A_82 : vector<16x16xf32>
    %sub3A = arith.subf %add3A_83, %add3A : vector<16x16xf32>
    %add3A_84 = arith.constant 9.99999974E-6 : f32
    %add3A_85 = vector.broadcast %add3A_84 : f32 to vector<16x16xf32>
    %add3A_86 = arith.addf %sub3A, %add3A_85 : vector<16x16xf32>
    %div3A = arith.divf %add3A, %add3A_86 : vector<16x16xf32>
    %swap3A = arith.constant 0 : index
    %swap3A_87 = arith.constant 0 : index
    %swap3A_88 = vector.load %arg3[%swap3A, %swap3A_87] : memref<16x16xf32, #tpu.memory_space<vmem>>, vector<16x16xf32>
    tpu.vector_store %arg3[%swap3A, %swap3A_87], %div3A {strides = array<i32>} : memref<16x16xf32, #tpu.memory_space<vmem>>, vector<16x16xf32>,
    return
  }
}

</mosaic_0001>

<sc_bundles>
// kernel: kernel.5.cloned.1.call-start
scs
__scs_entry_jumppad:
0x0: {  	(pc) =	sbr.rel $0x88, $3  }
0x1: {  	(tag) =	ssettag $0x0;
	lr =	simm.s32 $0x1  }
0x2: {  	[smem:$0x3F9F] =	sst lr;
	_ =	strace $0xD0000000  }
0x3: {  	_ = 	snop  }
0x4: {  	_ = 	snop  }
0x5: {  	_ = 	snop  }
0x6: {  	_ = 	snop  }
0x7: {  	_ = 	snop  }
__scs_overlays_trampoline_lowered:
0x8: {  	[smem:$0x3FAE] =	sst s0  }
0x9: {  	[smem:$0x3FAF] =	sst s1  }
0xa: {  	[smem:$0x3FB0] =	sst s2  }
0xb: {  	[smem:$0x3FB1] =	sst s3  }
0xc: {  	[smem:$0x3FB2] =	sst s4  }
0xd: {  	[smem:$0x3FB3] =	sst s5  }
0xe: {  	[smem:$0x3FB4] =	sst s6  }
0xf: {  	[smem:$0x3FB5] =	sst s7  }
0x10: {  	[smem:$0x3FB6] =	sst s8  }
0x11: {  	[smem:$0x3FB7] =	sst s9;
	s0 =	simm.s32 @!p0 $0x0  }
0x12: {  	s1 =	sld [smem:$0x3F9D];
	s0 =	simm.s32 @p0 $0x1  }
0x13: {  	[smem:$0x3FB8] =	sst s0;
	s0 =	simm.s32 @!p1 $0x0  }
0x14: {  	s2 =	sld [smem:$0x3F9C];
	s0 =	simm.s32 @p1 $0x1  }
0x15: {  	[smem:$0x3FB9] =	sst s0;
	s0 =	simm.s32 @!p2 $0x0  }
0x16: {  	s3 =	sld [smem:$0x3FDB];
	s0 =	simm.s32 @p2 $0x1  }
0x17: {  	s4 =	simm.s32 $0x1BF5;
	[smem:$0x3FBB] =	sst s0  }
0x18: {  	s0 =	sld [smem:$0x3F9E];
	_ =	swait.ge [sflag:s4], $0x0  }
0x19: {  	s7 =	sld [smem:$0x3F9F]  }
0x1a: {  	s8 =	sadd.s32 $0xFFFFE003, lr  }
0x1b: {  	s9 =	sadd.s32 $0xFFFFFEF7, lr;
	s5 =	simm.s32 $0xFFFFFFFF;
	p2 =	slt.u32 s8, $0xFFFFF086  }
0x1c: {  	p1 =	slt.u32 s9, $0xF7A;
	s5 =	simm.s32 @!p2 $0x0  }
0x1d: {  	s5 =	simm.s32 @p1 $0x1;
	p0 =	seq.s32 s7, s2  }
0x1e: {  	s7 =	smul.u32 @!p0 $0xF7A, s2;
	p2 =	seq.s32 @!p0 s5, $0x0  }
0x1f: {  	s9 =	smul.u32 $0xF7A, s1;
	s8 =	simm.s32 @!p0 $0x1BF5;
	p2 =	por !p2, p0  }
0x20: {  	[sflag:s8] =	ssyncset.s32 @!p0 $0xFFFFF086;
	s6 =	sadd.s32 @!p0 s3, s7;
	s7 =	simm.s32 @!p0 $0x108  }
0x21: {  	s3 =	sadd.s32 s3, s9;
	s6 =	sadd.s32 @!p0 $0x88, s6;
	s7 =	simm.s32 @p2 $0x1082  }
0x22: {  	[simem:s7], [sflag:s8] =	dma.local @!p0 [hbm:s6], $0xF7A  }
0x23: {  	s9 =	sor.u32 $0xD0000000, s2;
	s6 =	simm.s32 $0x108;
	_ =	swait.ge @!p0 [sflag:s8], $0x0  }
0x24: {  	s3 =	sadd.s32 $0x88, s3;
	s6 =	simm.s32 @!p1 $0x1082;
	[sflag:s4] =	ssyncset.s32 $0xFFFFF086  }
0x25: {  	[simem:s6], [sflag:s4] =	dma.local [hbm:s3], $0xF7A  }
0x26: {  	[smem:$0x3F9F] =	sst s1;
	(tag) =	ssettag s2;
	_ =	strace s9  }
0x27: {  	s1 =	sld [smem:$0x3FAF]  }
0x28: {  	s2 =	sld [smem:$0x3FB0]  }
0x29: {  	s4 =	sld [smem:$0x3FB2]  }
0x2a: {  	p0 =	seq.s32 s5, $0x0;
	s5 =	sld [smem:$0x3FB3]  }
0x2b: {  	s6 =	sld [smem:$0x3FB4]  }
0x2c: {  	s7 =	sld [smem:$0x3FB5]  }
0x2d: {  	s3 =	simm.s32 $0x108;
	s8 =	sld [smem:$0x3FB6]  }
0x2e: {  	s3 =	simm.s32 @!p0 $0x1082;
	s9 =	sld [smem:$0x3FB7]  }
0x2f: {  	lr =	sadd.s32 s0, s3;
	s0 =	sld [smem:$0x3FAE]  }
0x30: {  	s3 =	sld [smem:$0x3FB1]  }
0x31: {  	[smem:$0x3FBA] =	sst s10  }
0x32: {  	s10 =	sld [smem:$0x3FB8];
	_ =	sdelay $0x3  }
0x33: {  	p0 =	seq.s32 s10, $0x1;
	s10 =	sld [smem:$0x3FBA];
	_ =	sdelay $0x3  }
0x34: {  	[smem:$0x3FBA] =	sst s10  }
0x35: {  	s10 =	sld [smem:$0x3FB9];
	_ =	sdelay $0x3  }
0x36: {  	p1 =	seq.s32 s10, $0x1;
	s10 =	sld [smem:$0x3FBA];
	_ =	sdelay $0x3  }
0x37: {  	[smem:$0x3FBA] =	sst s10  }
0x38: {  	s10 =	sld [smem:$0x3FBB]  }
0x39: {  	_ = 	snop;
	(pc) =	sbr.ind lr, $3  }
0x3a: {  	_ = 	snop  }
0x3b: {  	_ = 	snop  }
0x3c: {  	p2 =	seq.s32 s10, $0x1;
	s10 =	sld [smem:$0x3FBA]  }
0x3d: {  	_ =	shalt  }
0x3e: {  	_ =	shalt  }
0x3f: {  	_ =	shalt  }
0x40: {  	_ =	shalt  }
0x41: {  	_ =	shalt  }
0x42: {  	_ =	shalt  }
0x43: {  	_ =	shalt  }
0x44: {  	_ =	shalt  }
0x45: {  	_ =	shalt  }
0x46: {  	_ =	shalt  }
0x47: {  	_ =	shalt  }
0x48: {  	_ =	shalt  }
0x49: {  	_ =	shalt  }
0x4a: {  	_ =	shalt  }
0x4b: {  	_ =	shalt  }
0x4c: {  	_ =	shalt  }
0x4d: {  	_ =	shalt  }
0x4e: {  	_ =	shalt  }
0x4f: {  	_ =	shalt  }
0x50: {  	_ =	shalt  }
0x51: {  	_ =	shalt  }
0x52: {  	_ =	shalt  }
0x53: {  	_ =	shalt  }
0x54: {  	_ =	shalt  }
0x55: {  	_ =	shalt  }
0x56: {  	_ =	shalt  }
0x57: {  	_ =	shalt  }
0x58: {  	_ =	shalt  }
0x59: {  	_ =	shalt  }
0x5a: {  	_ =	shalt  }
0x5b: {  	_ =	shalt  }
0x5c: {  	_ =	shalt  }
0x5d: {  	_ =	shalt  }
0x5e: {  	_ =	shalt  }
0x5f: {  	_ =	shalt  }
0x60: {  	_ =	shalt  }
0x61: {  	_ =	shalt  }
0x62: {  	_ =	shalt  }
0x63: {  	_ =	shalt  }
0x64: {  	_ =	shalt  }
0x65: {  	_ =	shalt  }
0x66: {  	_ =	shalt  }
0x67: {  	_ =	shalt  }
0x68: {  	_ =	shalt  }
0x69: {  	_ =	shalt  }
0x6a: {  	_ =	shalt  }
0x6b: {  	_ =	shalt  }
0x6c: {  	_ =	shalt  }
0x6d: {  	_ =	shalt  }
0x6e: {  	_ =	shalt  }
0x6f: {  	_ =	shalt  }
0x70: {  	_ =	shalt  }
0x71: {  	_ =	shalt  }
0x72: {  	_ =	shalt  }
0x73: {  	_ =	shalt  }
0x74: {  	_ =	shalt  }
0x75: {  	_ =	shalt  }
0x76: {  	_ =	shalt  }
0x77: {  	_ =	shalt  }
0x78: {  	_ =	shalt  }
0x79: {  	_ =	shalt  }
0x7a: {  	_ =	shalt  }
0x7b: {  	_ =	shalt  }
0x7c: {  	_ =	shalt  }
0x7d: {  	_ =	shalt  }
0x7e: {  	_ =	shalt  }
0x7f: {  	_ =	shalt  }
0x80: {  	_ =	shalt  }
0x81: {  	_ =	shalt  }
0x82: {  	_ =	shalt  }
0x83: {  	_ =	shalt  }
0x84: {  	_ =	shalt  }
0x85: {  	_ =	shalt  }
0x86: {  	_ =	shalt  }
0x87: {  	_ =	shalt  }
.Lfunc_end0:
.L_simem_size_0:
called_computation_lowered:
.L_overlay_start_0:
0x88: {  	s2 =	sld [smem:$0x3FD9]  }
0x89: {  	s3 =	sld [smem:$0x3FFE];
	_ =	sdelay $0x1  }
0x8a: {  	s1 =	srdreg.scid  }
0x8b: {  	s0 =	sand.u32 $0x1, s1  }
0x8c: {  	s16 =	sshll.u32 s0, $0xA;
	s2 =	sadd.s32 s3, s2  }
0x8d: {  	s2 =	sadd.s32 s2, s16  }
0x8e: {  	[smem:$0x3FC6] =	sst s2  }
0x8f: {  	_ = 	snop  }
0x90: {  	(tm) =	ssettm $0x1  }
0x91: {  	s17 =	sld [smem:$0x3FFB];
	_ =	sdelay $0x3  }
0x92: {  	_ =	strace s17  }
0x93: {  	s2 =	sld [smem:$0x3FFC];
	_ =	sdelay $0x3  }
0x94: {  	_ =	strace s2  }
0x95: {  	s2 =	sld [smem:$0x3FFD];
	_ =	sdelay $0x3  }
0x96: {  	_ =	strace s2  }
0x97: {  	_ =	strace $0x8FFFFFFF  }
0x98: {  	s18 =	sld [smem:$0x3FDB];
	_ =	sdelay $0x1  }
0x99: {  	s19 =	simm.s32 $_scs_section_size  }
0x9a: {  	s4 =	simm.s32 $_size__tile_overlayer_lowered;
	s5 =	simm.s32 $_tile_overlayer_lowered  }
0x9b: {  	s22 =	simm.s32 $0x1BFF;
	s21 =	sshll.u32 s5, $0x1;
	s2 =	sadd.s32 s19, s18  }
0x9c: {  	s6 =	simm.s32 $0x0;
	s20 =	sshll.u32 s4, $0x1;
	s4 =	sadd.s32 s21, s2  }
0x9d: {  	[timem:s6], [sflag:s22] =	dma.local [hbm:s4], s20  }
0x9e: {  	_ =	swait.ge [sflag:s22], s20  }
0x9f: {  	s3 =	ssub.s32 $0x0, s20;
	[sflag:s22] =	ssyncset.done $0x0  }
0xa0: {  	[sflag:s22] =	ssyncadd.s32 s3;
	_ =	sdelay $0x1  }
0xa1: {  	s23 =	simm.s32 $0x1B8B  }
0xa2: {  	_ =	swait.ge [sflag:s23], $0x1  }
0xa3: {  	[sflag:s23] =	ssyncset.done $0x0  }
0xa4: {  	s25 =	simm.s32 $0x1B8E;
	s24 =	sld [smem:$0x3FFE];
	[sflag:s23] =	ssyncadd.s32 $0xFFFFFFFF  }
0xa5: {  	s26 =	simm.s32 $execute0_lowered;
	[smem:$0x3FD2] =	sst s25  }
0xa6: {  	s4 =	sshll.u32 s26, $0x1;
	_ =	strace $0x80000046;
	[dreg:$0x1] =	wrdreg $0xFFFFFFFF  }
0xa7: {  	s28 =	simm.s32 $_size_execute0_lowered;
	s2 =	sadd.s32 s2, s4;
	[dreg:$0x0] =	wrdreg $0x0  }
0xa8: {  	s4 =	sshll.u32 s28, $0x1;
	[dreg:$0x2] =	wrdreg s2  }
0xa9: {  	[dreg:$0x3] =	wrdreg s4  }
0xaa: {  	[dreg:$0x4] =	wrdreg $0xC0  }
0xab: {  	_ =	task [dreg:s6], $0x5FFFF  }
0xac: {  	[dreg:$0x1] =	wrdreg $0xFFFFFFFF  }
0xad: {  	[dreg:$0x0] =	wrdreg $0x60  }
0xae: {  	[dreg:$0x2] =	wrdreg s24  }
0xaf: {  	[dreg:$0x3] =	wrdreg $0x9  }
0xb0: {  	_ =	task.clear_ibuf [dreg:s6], $0x4FFFF;
	_ =	strace $0x90000046  }
0xb1: {  	s29 =	simm.s32 $0x9;
	_ =	strace $0x80000048  }
0xb2: {  	_ =	swait.ge [sflag:s29], $0x1  }
0xb3: {  	[sflag:s29] =	ssyncadd.s32 $0xFFFFFFFF  }
0xb4: {  	_ =	strace $0x90000048  }
0xb5: {  	_ =	sfence  }
0xb6: {  	s30 =	sld [smem:$0x0];
	_ =	sdelay $0x2  }
0xb7: {  	s31 =	sshll.u32 s1, $0xD;
	s1 =	sshrl.u32 s1, $0x2  }
0xb8: {  	s3 =	sand.u32 $0x4000, s31;
	s1 =	sadd.s32 s1, s30  }
0xb9: {  	s0 =	sor.u32 s3, s0;
	s1 =	sshll.u32 s1, $0x11  }
0xba: {  	s0 =	sor.u32 s1, s0  }
0xbb: {  	s0 =	sadd.s32 $0x8F2B, s0  }
0xbc: {  	[sflag:s0] =	ssyncadd.remote.s32 $0x1  }
0xbd: {  	_ =	sfence.sel $0xFFFF  }
0xbe: {  	[dreg:$0x0] =	wrdreg $0xFFFFFFFF;
	(pc) =	sbr.abs _section_cstart, $3  }
0xbf: {  	[dreg:$0x1] =	wrdreg $0xFFFFFFFF  }
0xc0: {  	_ =	task.clear_ibuf [dreg:s6], $0x2FFFF;
	_ =	strace $0x9FFFFFFF  }
0xc1: {  	(tm) =	ssettm $0x7FFFFFFF  }
tec
execute0_lowered:
.L_overlay_start_1:
0x0: {  	(tag) =	ssettag $0x1  }
0x1: {  	s1 =	srdreg.scid  }
0x2: {  	s0 =	stileid.u32;
	s7 =	rddreg [dreg:$0x0];
	s2 =	simm.s32 $0x0  }
0x3: {  	s16 =	simm.s32 $0x400;
	s17 =	simm.s32 $0xE400;
	s18 =	simm.s32 $0x1  }
0x4: {  	s19 =	simm.s32 $0x0;
	s3 =	sand.u32 $0x1, s1;
	s6 =	sshrl.u32 s0, $0x3  }
0x5: {  	s22 =	sshll.u32 s0, $0x1;
	[smem:$0x7FF] =	sst s2;
	s23 =	smul.u32 $0xFFFFFFD0, s6  }
0x6: {  	s10 =	sadd.s32 $0xA00, s7;
	s4 =	sor.u32 s3, s22;
	s9 =	smul.u32 $0x2A3000, s6  }
0x7: {  	s11 =	sadd.s32 $0xA9600, s7;
	p0 =	sgt.u32 s0, $0x7;
	s5 =	smul.u32 $0x3, s4  }
0x8: {  	s7 =	simm.s32 $0xFFFFFFD0;
	s3 =	ssub.s32 $0x2, s3;
	s4 =	smul.u32 $0x180, s4  }
0x9: {  	s6 =	smul.u32 $0x4800, s6;
	s7 =	simm.s32 @!p0 $0x0;
	s24 =	sshrl.u32 s3, $0x1  }
0xa: {  	s12 =	ssub.s32 s3, s24;
	s1 =	sadd.s32 s23, s5;
	s4 =	sand.u32 $0x380, s4  }
0xb: {  	s26 =	sadd.s32 $0x1, s5;
	s14 =	sadd.s32 $0x2, s5;
	s8 =	sshrl.u32 s1, $0x3  }
0xc: {  	s1 =	rddreg [dreg:$0x1];
	_ =	strace $0x80000047;
	s28 =	sadd.s32 s26, s7  }
0xd: {  	s7 =	sadd.s32 s14, s7;
	s14 =	sshll.u32 s14, $0x7;
	s8 =	smul.u32 $0xC00, s8  }
0xe: {  	s29 =	sshrl.u32 s28, $0x3;
	s7 =	sshrl.u32 s7, $0x3;
	s14 =	sand.u32 $0x380, s14  }
0xf: {  	s7 =	smul.u32 $0xC00, s7;
	s25 =	sadd.s32 s9, s8;
	s6 =	sadd.s32 s6, s8  }
0x10: {  	s8 =	simm.s32 $0x2A3000;
	s9 =	sshll.u32 s26, $0x7;
	s3 =	sor.u32 s4, s25  }
0x11: {  	s4 =	sor.u32 s4, s6;
	s6 =	smul.u32 $0xC00, s29;
	s8 =	simm.s32 @!p0 $0x0  }
0x12: {  	s9 =	sand.u32 $0x380, s9;
	s3 =	sshrl.u32 s3, $0x3;
	s4 =	sshrl.u32 s4, $0x3  }
0x13: {  	s3 =	sadd.s32 s10, s3;
	s4 =	sadd.s32 s11, s4;
	s13 =	sadd.s32 s8, s6  }
0x14: {  	s8 =	sadd.s32 s8, s7;
	s30 =	sor.u32 s9, s13;
	s13 =	simm.s32 $0x4800  }
0x15: {  	s8 =	sor.u32 s14, s8;
	s5 =	sshrl.u32 s30, $0x3;
	s13 =	simm.s32 @!p0 $0x0  }
0x16: {  	s8 =	sshrl.u32 s8, $0x3;
	s5 =	sadd.s32 s10, s5;
	s15 =	sadd.s32 s13, s6  }
0x17: {  	s6 =	simm.s32 $0x4800;
	s7 =	sadd.s32 s13, s7;
	s8 =	sadd.s32 s10, s8  }
0x18: {  	s10 =	smax.u32 s12, $0x1;
	s12 =	simm.s32 $0x80;
	s9 =	sor.u32 s9, s15  }
0x19: {  	s13 =	sor.u32 s14, s7;
	s14 =	simm.s32 $0xDC00;
	s15 =	simm.s32 $0xE000  }
0x1a: {  	s9 =	sshrl.u32 s9, $0x3;
	s31 =	sshrl.u32 s13, $0x3;
	s13 =	simm.s32 $0xD800  }
0x1b: {  	s7 =	sadd.s32 s11, s9;
	s9 =	sadd.s32 s11, s31;
	s11 =	sadd.s32 $0x51000, s3  }
.LBB2_1:
0x1c: {  	s21 =	sadd.s32 $0x0, s3  }
0x1d: {  	[tilespmem:s2], [sflag:$0x1] =	stream.strided.gather [hbm4b:s21+s12], $0x400, s6, s12, $0x38;
	[tilespmem:$0xE580] =	vst v63  }
0x1e: {  	s22 =	simm.s32 $0x400;
	s23 =	simm.s32 $0x800;
	s20 =	sadd.s32 $0x80, s21  }
0x1f: {  	[tilespmem:s22], [sflag:$0x1] =	stream.strided.gather [hbm4b:s20+s12], $0x400, s6, s12, $0x38;
	[tilespmem:$0xE580] =	vst v63  }
0x20: {  	s20 =	simm.s32 $0x4800;
	s22 =	sadd.s32 $0x100, s21;
	s21 =	simm.s32 $0xC00  }
.LBB2_2:
0x21: {  	[tilespmem:s23], [sflag:$0x1] =	stream.strided.gather [hbm4b:s22+s12], $0x400, s6, s12, $0x38;
	[tilespmem:$0xE580] =	vst v63  }
0x22: {  	p0 =	seq.s32 s20, $0x4C800  }
.Ltmp0:
0x23: {  	s22 =	sadd.s32 s20, s3;
	(pc) =	sbr.rel @!p0 .LBB2_2-.Ltmp0, $4  }
0x24: {  	[tilespmem:s21], [sflag:$0x1] =	stream.strided.gather [hbm4b:s22+s12], $0x400, s6, s12, $0x38;
	[tilespmem:$0xE580] =	vst v63  }
0x25: {  	s24 =	sadd.s32 $0x400, s21;
	s20 =	sadd.s32 $0x4800, s20;
	s23 =	sadd.s32 $0x80, s22  }
0x26: {  	[tilespmem:s24], [sflag:$0x1] =	stream.strided.gather [hbm4b:s23+s12], $0x400, s6, s12, $0x38;
	[tilespmem:$0xE580] =	vst v63  }
0x27: {  	s22 =	sadd.s32 $0x100, s22;
	s23 =	sadd.s32 $0x800, s21;
	s21 =	sadd.s32 $0xC00, s21  }
0x28: {  	[tilespmem:s23], [sflag:$0x1] =	stream.strided.gather [hbm4b:s22+s12], $0x400, s6, s12, $0x38;
	[tilespmem:$0xE580] =	vst v63  }
0x29: {  	s21 =	simm.s32 $0x80  }
0x2a: {  	[tilespmem:s13], [sflag:$0x1] =	stream.strided.gather [hbm4b:s11+s21], $0x300, s6, s21, $0x38;
	[tilespmem:$0xE580] =	vst v63  }
0x2b: {  	s20 =	sadd.s32 $0x80, s11  }
0x2c: {  	[tilespmem:s14], [sflag:$0x1] =	stream.strided.gather [hbm4b:s20+s21], $0x300, s6, s21, $0x38;
	[tilespmem:$0xE580] =	vst v63  }
0x2d: {  	s28 =	sadd.s32 $0x100, s11;
	s20 =	simm.s32 $0x1  }
0x2e: {  	[tilespmem:s15], [sflag:$0x1] =	stream.strided.gather [hbm4b:s28+s21], $0x300, s6, s21, $0x38;
	[tilespmem:$0xE580] =	vst v63  }
0x2f: {  	_ =	swait.ge [sflag:s20], $0xE100  }
0x30: {  	[sflag:s20] =	ssyncset.done $0x0  }
0x31: {  	[sflag:s20] =	ssyncadd.s32 $0xFFFF1F00  }
0x32: {  	v8 =	vld [tilespmem:$0x0]  }
0x33: {  	v7 =	vld [tilespmem:$0x10]  }
0x34: {  	v4 =	vld [tilespmem:$0x20]  }
0x35: {  	s29 =	simm.s32 $0x0;
	v5 =	vld [tilespmem:$0x30]  }
0x36: {  	s22 =	smul.u32 $0x3000, s29;
	v6 =	vld [tilespmem:$0x40]  }
0x37: {  	v2 =	vld [tilespmem:$0x50]  }
0x38: {  	s22 =	sshra.s32 s22, $0x2;
	s21 =	sand.u32 $0x380, s21;
	v3 =	vld [tilespmem:$0x60]  }
0x39: {  	s21 =	sor.u32 s21, s22;
	v0 =	vld [tilespmem:$0x70]  }
0x3a: {  	v9 =	vld [tilespmem:s21+$0x0]  }
0x3b: {  	v10 =	vld [tilespmem:s21+$0x10]  }
0x3c: {  	v24 =	vld [tilespmem:s21+$0x20]  }
0x3d: {  	s30 =	simm.s32 $0x0;
	v14 =	vld [tilespmem:s21+$0x30]  }
0x3e: {  	s22 =	smul.u32 $0x3000, s30;
	v17 =	vld [tilespmem:s21+$0x40]  }
0x3f: {  	s31 =	simm.s32 $0x100;
	v11 =	vld [tilespmem:s21+$0x50]  }
0x40: {  	v1 =	vimm.s32 $0x0;
	v18 =	vimm.s32 $0x0;
	v15 =	vimm.s32 $0x0;
	s23 =	sand.u32 $0x380, s31;
	s22 =	sshra.s32 s22, $0x2;
	v19 =	vld [tilespmem:s21+$0x60]  }
0x41: {  	s22 =	sor.u32 s23, s22;
	v21 =	vld [tilespmem:s21+$0x70];
	vm1 =	vgt.f32 v9, v8;
	vm0 =	vgt.f32 v10, v7;
	vm3 =	vgt.f32 v24, v4  }
0x42: {  	v22 =	vld [tilespmem:s22+$0x0];
	vm2 =	vgt.f32 v14, v5;
	v16 =	vsel vm1, v9, v8;
	v13 =	vsel vm1, s20, v1  }
0x43: {  	v20 =	vld [tilespmem:s22+$0x10];
	v12 =	vsel vm0, v10, v7;
	vm1 =	vgt.f32 v17, v6;
	v9 =	vimm.s32 $0x0  }
0x44: {  	s24 =	simm.s32 $0x180;
	s21 =	simm.s32 $0x2;
	s23 =	simm.s32 $0x3;
	v23 =	vld [tilespmem:s22+$0x20];
	v10 =	vimm.s32 $0x0;
	v8 =	vimm.s32 $0x0;
	v7 =	vimm.s32 $0x0  }
.LBB2_4:
0x45: {  	s25 =	sshrl.u32 s23, $0x3;
	p0 =	sne.s32 s24, $0x4A80;
	v4 =	vsel vm3, v24, v4;
	v5 =	vsel vm2, v14, v5;
	v14 =	vld [tilespmem:s22+$0x30];
	v6 =	vsel vm1, v17, v6  }
0x46: {  	vm4 =	vgt.f32 v11, v2;
	vm5 =	vgt.f32 v19, v3;
	s25 =	smul.u32 $0x3000, s25;
	v17 =	vld [tilespmem:s22+$0x40];
	vm6 =	vgt.f32 v21, v0  }
0x47: {  	v2 =	vsel vm4, v11, v2;
	v3 =	vsel vm5, v19, v3;
	v11 =	vld [tilespmem:s22+$0x50];
	v0 =	vsel vm6, v21, v0;
	v25 =	vmovc v22  }
.Ltmp1:
0x48: {  	s26 =	sand.u32 $0x380, s24;
	v1 =	vsel vm0, s20, v1;
	v18 =	vsel vm3, s20, v18;
	v15 =	vsel vm2, s20, v15;
	s25 =	sshra.s32 s25, $0x2;
	v19 =	vld [tilespmem:s22+$0x60];
	(pc) =	sbr.rel @p0 .LBB2_4-.Ltmp1, $4  }
0x49: {  	v9 =	vsel vm1, s20, v9;
	v10 =	vsel vm4, s20, v10;
	v8 =	vsel vm5, s20, v8;
	v21 =	vld [tilespmem:s22+$0x70];
	s22 =	sor.u32 s26, s25;
	v24 =	vmovc v23  }
0x4a: {  	v7 =	vsel vm6, s20, v7;
	s20 =	smov.u32 s21;
	s21 =	smov.u32 s23;
	vm1 =	vgt.f32 v25, v16;
	vm0 =	vgt.f32 v20, v12;
	v22 =	vld [tilespmem:s22+$0x0]  }
0x4b: {  	v16 =	vsel vm1, v25, v16;
	v13 =	vsel vm1, s20, v13;
	v12 =	vsel vm0, v20, v12;
	v20 =	vld [tilespmem:s22+$0x10]  }
0x4c: {  	s24 =	sadd.s32 $0x80, s24;
	s23 =	sadd.s32 $0x1, s23;
	vm3 =	vgt.f32 v24, v4;
	vm2 =	vgt.f32 v14, v5;
	vm1 =	vgt.f32 v17, v6;
	v23 =	vld [tilespmem:s22+$0x20]  }
0x4d: {  	v25 =	vld [tilespmem:s22+$0x30];
	v4 =	vsel vm3, v24, v4;
	v5 =	vsel vm2, v14, v5;
	v6 =	vsel vm1, v17, v6  }
0x4e: {  	v14 =	vld [tilespmem:s22+$0x40];
	vm5 =	vgt.f32 v11, v2;
	vm6 =	vgt.f32 v19, v3;
	v1 =	vsel vm0, s20, v1  }
0x4f: {  	v17 =	vld [tilespmem:s22+$0x50];
	vm4 =	vgt.f32 v21, v0;
	v2 =	vsel vm5, v11, v2;
	vm0 =	vgt.f32 v22, v16  }
0x50: {  	v3 =	vsel vm6, v19, v3;
	v11 =	vld [tilespmem:s22+$0x60];
	v16 =	vsel vm4, v21, v0;
	v0 =	vsel vm0, s21, v13  }
0x51: {  	v19 =	vld [tilespmem:s22+$0x70];
	vm0 =	vgt.f32 v20, v12;
	v12 =	vsel vm3, s20, v18;
	vm3 =	vgt.f32 v23, v4  }
0x52: {  	v1 =	vsel vm0, s21, v1;
	[tilespmem:$0xE400] =	vst v0;
	v0 =	vsel vm2, s20, v15;
	v4 =	vsel vm3, s21, v12;
	v12 =	vld [tilespmem:$0x400]  }
0x53: {  	vm0 =	vgt.f32 v25, v5;
	[tilespmem:$0xE410] =	vst v1;
	v1 =	vsel vm1, s20, v9;
	vm1 =	vgt.f32 v14, v6;
	v6 =	vld [tilespmem:$0x410]  }
0x54: {  	v5 =	vld [tilespmem:$0x470];
	v0 =	vsel vm0, s21, v0;
	[tilespmem:$0xE420] =	vst v4  }
0x55: {  	s26 =	simm.s32 $0x0;
	v4 =	vsel vm5, s20, v10;
	vm0 =	vgt.f32 v17, v2;
	v1 =	vsel vm1, s21, v1;
	[tilespmem:$0xE430] =	vst v0;
	v0 =	vld [tilespmem:$0x420]  }
0x56: {  	s22 =	smul.u32 $0x3000, s26;
	v2 =	vsel vm6, s20, v8;
	vm1 =	vgt.f32 v11, v3;
	v3 =	vsel vm0, s21, v4;
	[tilespmem:$0xE440] =	vst v1;
	v1 =	vld [tilespmem:$0x430]  }
0x57: {  	s28 =	simm.s32 $0x80;
	v4 =	vsel vm4, s20, v7;
	vm0 =	vgt.f32 v19, v16;
	v2 =	vsel vm1, s21, v2;
	[tilespmem:$0xE450] =	vst v3;
	v3 =	vld [tilespmem:$0x440]  }
0x58: {  	s29 =	sshra.s32 s22, $0x2;
	s20 =	sand.u32 $0x380, s28;
	v4 =	vsel vm0, s21, v4;
	[tilespmem:$0xE460] =	vst v2;
	v2 =	vld [tilespmem:$0x450]  }
0x59: {  	s21 =	sor.u32 s20, s29;
	[tilespmem:$0xE470] =	vst v4;
	v4 =	vld [tilespmem:$0x460]  }
0x5a: {  	v7 =	vld [tilespmem:s21+$0x400]  }
0x5b: {  	v11 =	vld [tilespmem:s21+$0x410]  }
0x5c: {  	v24 =	vld [tilespmem:s21+$0x420]  }
0x5d: {  	s30 =	simm.s32 $0x0;
	v10 =	vld [tilespmem:s21+$0x430]  }
0x5e: {  	s31 =	smul.u32 $0x3000, s30;
	v15 =	vld [tilespmem:s21+$0x440]  }
0x5f: {  	s23 =	simm.s32 $0x100;
	v9 =	vld [tilespmem:s21+$0x450]  }
0x60: {  	s23 =	sand.u32 $0x380, s23;
	s22 =	sshra.s32 s31, $0x2;
	v18 =	vimm.s32 $0x0;
	v8 =	vimm.s32 $0x0;
	v16 =	vimm.s32 $0x0;
	v19 =	vld [tilespmem:s21+$0x460]  }
0x61: {  	s22 =	sor.u32 s23, s22;
	s20 =	simm.s32 $0x1;
	v21 =	vld [tilespmem:s21+$0x470];
	vm1 =	vgt.f32 v7, v12;
	vm0 =	vgt.f32 v11, v6;
	vm3 =	vgt.f32 v24, v0  }
0x62: {  	v22 =	vld [tilespmem:s22+$0x400];
	vm2 =	vgt.f32 v10, v1;
	v17 =	vsel vm1, v7, v12;
	v14 =	vsel vm1, s20, v8  }
0x63: {  	v20 =	vld [tilespmem:s22+$0x410];
	v13 =	vsel vm0, v11, v6;
	vm1 =	vgt.f32 v15, v3;
	v11 =	vimm.s32 $0x0  }
0x64: {  	s24 =	simm.s32 $0x180;
	s23 =	simm.s32 $0x3;
	s21 =	simm.s32 $0x2;
	v23 =	vld [tilespmem:s22+$0x420];
	v12 =	vimm.s32 $0x0;
	v7 =	vimm.s32 $0x0;
	v6 =	vimm.s32 $0x0  }
.LBB2_6:
0x65: {  	s25 =	sshrl.u32 s23, $0x3;
	p0 =	sne.s32 s24, $0x4A80;
	v0 =	vsel vm3, v24, v0;
	v1 =	vsel vm2, v10, v1;
	v10 =	vld [tilespmem:s22+$0x430];
	v3 =	vsel vm1, v15, v3  }
0x66: {  	vm4 =	vgt.f32 v9, v2;
	vm5 =	vgt.f32 v19, v4;
	s25 =	smul.u32 $0x3000, s25;
	v15 =	vld [tilespmem:s22+$0x440];
	vm6 =	vgt.f32 v21, v5  }
0x67: {  	v2 =	vsel vm4, v9, v2;
	v4 =	vsel vm5, v19, v4;
	v9 =	vld [tilespmem:s22+$0x450];
	v5 =	vsel vm6, v21, v5;
	v25 =	vmovc v22  }
.Ltmp2:
0x68: {  	s26 =	sand.u32 $0x380, s24;
	v8 =	vsel vm0, s20, v8;
	v18 =	vsel vm3, s20, v18;
	v16 =	vsel vm2, s20, v16;
	s25 =	sshra.s32 s25, $0x2;
	v19 =	vld [tilespmem:s22+$0x460];
	(pc) =	sbr.rel @p0 .LBB2_6-.Ltmp2, $4  }
0x69: {  	v11 =	vsel vm1, s20, v11;
	v12 =	vsel vm4, s20, v12;
	v7 =	vsel vm5, s20, v7;
	v21 =	vld [tilespmem:s22+$0x470];
	s22 =	sor.u32 s26, s25;
	v24 =	vmovc v23  }
0x6a: {  	v6 =	vsel vm6, s20, v6;
	s20 =	smov.u32 s21;
	s21 =	smov.u32 s23;
	vm1 =	vgt.f32 v25, v17;
	vm0 =	vgt.f32 v20, v13;
	v22 =	vld [tilespmem:s22+$0x400]  }
0x6b: {  	v17 =	vsel vm1, v25, v17;
	v14 =	vsel vm1, s20, v14;
	v13 =	vsel vm0, v20, v13;
	v20 =	vld [tilespmem:s22+$0x410]  }
0x6c: {  	s24 =	sadd.s32 $0x80, s24;
	s23 =	sadd.s32 $0x1, s23;
	vm3 =	vgt.f32 v24, v0;
	vm2 =	vgt.f32 v10, v1;
	vm1 =	vgt.f32 v15, v3;
	v23 =	vld [tilespmem:s22+$0x420]  }
0x6d: {  	v0 =	vsel vm3, v24, v0  }
0x6e: {  	v25 =	vld [tilespmem:s22+$0x430];
	v1 =	vsel vm2, v10, v1;
	v3 =	vsel vm1, v15, v3;
	vm5 =	vgt.f32 v9, v2  }
0x6f: {  	v10 =	vld [tilespmem:s22+$0x440];
	vm6 =	vgt.f32 v19, v4;
	v8 =	vsel vm0, s20, v8;
	vm4 =	vgt.f32 v21, v5  }
0x70: {  	v15 =	vld [tilespmem:s22+$0x450];
	v2 =	vsel vm5, v9, v2;
	v4 =	vsel vm6, v19, v4;
	vm0 =	vgt.f32 v22, v17  }
0x71: {  	v9 =	vld [tilespmem:s22+$0x460];
	v5 =	vsel vm4, v21, v5;
	v14 =	vsel vm0, s21, v14;
	vm0 =	vgt.f32 v20, v13  }
0x72: {  	v17 =	vld [tilespmem:s22+$0x470];
	v13 =	vsel vm3, s20, v18;
	vm3 =	vgt.f32 v23, v0;
	v0 =	vsel vm0, s21, v8  }
0x73: {  	[tilespmem:$0xE480] =	vst v14;
	v8 =	vsel vm2, s20, v16;
	vm0 =	vgt.f32 v25, v1;
	v1 =	vsel vm3, s21, v13;
	v13 =	vld [tilespmem:$0x800]  }
0x74: {  	[tilespmem:$0xE490] =	vst v0;
	v0 =	vsel vm1, s20, v11;
	vm1 =	vgt.f32 v10, v3;
	v11 =	vld [tilespmem:$0x810];
	v3 =	vsel vm0, s21, v8  }
0x75: {  	[tilespmem:$0xE4A0] =	vst v1;
	v1 =	vsel vm5, s20, v12;
	vm0 =	vgt.f32 v15, v2;
	v2 =	vsel vm1, s21, v0;
	v0 =	vld [tilespmem:$0x820]  }
0x76: {  	s26 =	simm.s32 $0x0;
	vm1 =	vgt.f32 v9, v4;
	[tilespmem:$0xE4B0] =	vst v3;
	v3 =	vsel vm6, s20, v7;
	v4 =	vsel vm0, s21, v1;
	v1 =	vld [tilespmem:$0x830]  }
0x77: {  	s22 =	smul.u32 $0x3000, s26;
	[tilespmem:$0xE4C0] =	vst v2;
	v2 =	vsel vm4, s20, v6;
	vm0 =	vgt.f32 v17, v5;
	v5 =	vsel vm1, s21, v3;
	v3 =	vld [tilespmem:$0x840]  }
0x78: {  	s28 =	simm.s32 $0x80;
	[tilespmem:$0xE4D0] =	vst v4;
	v4 =	vsel vm0, s21, v2;
	v2 =	vld [tilespmem:$0x850]  }
0x79: {  	s29 =	sshra.s32 s22, $0x2;
	s20 =	sand.u32 $0x380, s28;
	[tilespmem:$0xE4F0] =	vst v4;
	v4 =	vld [tilespmem:$0x860]  }
0x7a: {  	s21 =	sor.u32 s20, s29;
	[tilespmem:$0xE4E0] =	vst v5;
	v5 =	vld [tilespmem:$0x870]  }
0x7b: {  	v6 =	vld [tilespmem:s21+$0x800]  }
0x7c: {  	v9 =	vld [tilespmem:s21+$0x810]  }
0x7d: {  	v24 =	vld [tilespmem:s21+$0x820]  }
0x7e: {  	s30 =	simm.s32 $0x0;
	v10 =	vld [tilespmem:s21+$0x830]  }
0x7f: {  	s31 =	smul.u32 $0x3000, s30;
	v15 =	vld [tilespmem:s21+$0x840]  }
0x80: {  	s23 =	simm.s32 $0x100;
	v8 =	vld [tilespmem:s21+$0x850]  }
0x81: {  	s23 =	sand.u32 $0x380, s23;
	v18 =	vimm.s32 $0x0;
	s22 =	sshra.s32 s31, $0x2;
	v16 =	vimm.s32 $0x0;
	v12 =	vimm.s32 $0x0;
	v19 =	vld [tilespmem:s21+$0x860]  }
0x82: {  	s22 =	sor.u32 s23, s22;
	v7 =	vimm.s32 $0x0;
	v21 =	vld [tilespmem:s21+$0x870];
	vm1 =	vgt.f32 v6, v13;
	vm0 =	vgt.f32 v9, v11  }
0x83: {  	s20 =	simm.s32 $0x1;
	v22 =	vld [tilespmem:s22+$0x800];
	vm3 =	vgt.f32 v24, v0;
	vm2 =	vgt.f32 v10, v1;
	v17 =	vsel vm1, v6, v13  }
0x84: {  	v20 =	vld [tilespmem:s22+$0x810];
	v14 =	vsel vm1, s20, v7;
	v13 =	vsel vm0, v9, v11;
	vm1 =	vgt.f32 v15, v3  }
0x85: {  	s24 =	simm.s32 $0x180;
	s23 =	simm.s32 $0x3;
	s21 =	simm.s32 $0x2;
	v23 =	vld [tilespmem:s22+$0x820];
	v11 =	vimm.s32 $0x0;
	v9 =	vimm.s32 $0x0;
	v6 =	vimm.s32 $0x0  }
.LBB2_8:
0x86: {  	s25 =	sshrl.u32 s23, $0x3;
	p0 =	sne.s32 s24, $0x4A80;
	v0 =	vsel vm3, v24, v0;
	v1 =	vsel vm2, v10, v1;
	v10 =	vld [tilespmem:s22+$0x830];
	v3 =	vsel vm1, v15, v3  }
0x87: {  	vm4 =	vgt.f32 v8, v2;
	vm5 =	vgt.f32 v19, v4;
	s25 =	smul.u32 $0x3000, s25;
	v15 =	vld [tilespmem:s22+$0x840];
	vm6 =	vgt.f32 v21, v5  }
0x88: {  	v2 =	vsel vm4, v8, v2;
	v4 =	vsel vm5, v19, v4;
	v8 =	vld [tilespmem:s22+$0x850];
	v5 =	vsel vm6, v21, v5;
	v25 =	vmovc v22  }
.Ltmp3:
0x89: {  	s26 =	sand.u32 $0x380, s24;
	v7 =	vsel vm0, s20, v7;
	v18 =	vsel vm3, s20, v18;
	v16 =	vsel vm2, s20, v16;
	s25 =	sshra.s32 s25, $0x2;
	v19 =	vld [tilespmem:s22+$0x860];
	(pc) =	sbr.rel @p0 .LBB2_8-.Ltmp3, $4  }
0x8a: {  	v11 =	vsel vm1, s20, v11;
	v12 =	vsel vm4, s20, v12;
	v9 =	vsel vm5, s20, v9;
	v21 =	vld [tilespmem:s22+$0x870];
	s22 =	sor.u32 s26, s25;
	v24 =	vmovc v23  }
0x8b: {  	v6 =	vsel vm6, s20, v6;
	s20 =	smov.u32 s21;
	s21 =	smov.u32 s23;
	vm1 =	vgt.f32 v25, v17;
	vm0 =	vgt.f32 v20, v13;
	v22 =	vld [tilespmem:s22+$0x800]  }
0x8c: {  	v17 =	vsel vm1, v25, v17;
	v14 =	vsel vm1, s20, v14;
	v13 =	vsel vm0, v20, v13;
	v20 =	vld [tilespmem:s22+$0x810]  }
0x8d: {  	s24 =	sadd.s32 $0x80, s24;
	s23 =	sadd.s32 $0x1, s23;
	vm3 =	vgt.f32 v24, v0;
	vm2 =	vgt.f32 v10, v1;
	vm1 =	vgt.f32 v15, v3;
	v23 =	vld [tilespmem:s22+$0x820]  }
0x8e: {  	v0 =	vsel vm3, v24, v0  }
0x8f: {  	v25 =	vld [tilespmem:s22+$0x830];
	v1 =	vsel vm2, v10, v1;
	v3 =	vsel vm1, v15, v3;
	vm4 =	vgt.f32 v8, v2  }
0x90: {  	v51 =	vld [tilespmem:s22+$0x840];
	vm5 =	vgt.f32 v19, v4;
	v7 =	vsel vm0, s20, v7;
	v55 =	vsel vm3, s20, v18  }
0x91: {  	v52 =	vld [tilespmem:s22+$0x850];
	v57 =	vsel vm2, s20, v16;
	v59 =	vsel vm1, s20, v11;
	vm8 =	vgt.f32 v22, v17  }
0x92: {  	v53 =	vld [tilespmem:s22+$0x860];
	vm6 =	vgt.f32 v21, v5;
	v14 =	vsel vm8, s21, v14;
	vm9 =	vgt.f32 v20, v13  }
0x93: {  	v54 =	vld [tilespmem:s22+$0x870];
	v2 =	vsel vm4, v8, v2;
	vm10 =	vgt.f32 v23, v0;
	v56 =	vsel vm9, s21, v7;
	[tilespmem:$0xE500] =	vst v14  }
0x94: {  	v4 =	vsel vm5, v19, v4;
	vm11 =	vgt.f32 v25, v1;
	v58 =	vsel vm10, s21, v55;
	[tilespmem:$0xE510] =	vst v56  }
0x95: {  	v61 =	vsel vm4, s20, v12;
	vm12 =	vgt.f32 v51, v3;
	v60 =	vsel vm11, s21, v57;
	[tilespmem:$0xE520] =	vst v58  }
0x96: {  	v62 =	vsel vm5, s20, v9;
	vm13 =	vgt.f32 v52, v2;
	v0 =	vsel vm12, s21, v59;
	[tilespmem:$0xE530] =	vst v60  }
0x97: {  	v5 =	vsel vm6, v21, v5;
	vm14 =	vgt.f32 v53, v4;
	v1 =	vsel vm13, s21, v61;
	[tilespmem:$0xE540] =	vst v0  }
0x98: {  	v63 =	vsel vm6, s20, v6;
	vm15 =	vgt.f32 v54, v5;
	v2 =	vsel vm14, s21, v62;
	[tilespmem:$0xE550] =	vst v1  }
0x99: {  	v0 =	vsel vm15, s21, v63;
	[tilespmem:$0xE560] =	vst v2  }
0x9a: {  	[tilespmem:$0xE570] =	vst v0  }
0x9b: {  	[hbm4b:s4+s12] =	stream.strided.scatter [tilespmem:s17], [sflag:$0x1], $0x180, s16, s12, $0x38;
	[tilespmem:$0xE580] =	vst v63  }
0x9c: {  	s28 =	simm.s32 $0x0;
	_ =	swait.ge [sflag:s18], $0x180  }
0x9d: {  	s29 =	sadd.s32 $0x0, s5;
	s31 =	simm.s32 $0x400;
	[sflag:s18] =	ssyncset.done $0x0  }
0x9e: {  	s23 =	simm.s32 $0x800;
	s30 =	sadd.s32 $0x80, s29;
	[sflag:s18] =	ssyncadd.s32 $0xFFFFFE80  }
0x9f: {  	[tilespmem:s28], [sflag:$0x1] =	stream.strided.gather [hbm4b:s29+s12], $0x400, s6, s12, $0x38;
	[tilespmem:$0xE580] =	vst v63  }
0xa0: {  	s22 =	sadd.s32 $0x100, s29;
	s20 =	simm.s32 $0x4800;
	s21 =	simm.s32 $0xC00  }
0xa1: {  	[tilespmem:s31], [sflag:$0x1] =	stream.strided.gather [hbm4b:s30+s12], $0x400, s6, s12, $0x38;
	[tilespmem:$0xE580] =	vst v63  }
.LBB2_10:
0xa2: {  	[tilespmem:s23], [sflag:$0x1] =	stream.strided.gather [hbm4b:s22+s12], $0x400, s6, s12, $0x38;
	[tilespmem:$0xE580] =	vst v63  }
0xa3: {  	p0 =	seq.s32 s20, $0x4C800  }
.Ltmp4:
0xa4: {  	s22 =	sadd.s32 s20, s5;
	(pc) =	sbr.rel @!p0 .LBB2_10-.Ltmp4, $4  }
0xa5: {  	[tilespmem:s21], [sflag:$0x1] =	stream.strided.gather [hbm4b:s22+s12], $0x400, s6, s12, $0x38;
	[tilespmem:$0xE580] =	vst v63  }
0xa6: {  	s24 =	sadd.s32 $0x400, s21;
	s20 =	sadd.s32 $0x4800, s20;
	s23 =	sadd.s32 $0x80, s22  }
0xa7: {  	[tilespmem:s24], [sflag:$0x1] =	stream.strided.gather [hbm4b:s23+s12], $0x400, s6, s12, $0x38;
	[tilespmem:$0xE580] =	vst v63  }
0xa8: {  	s22 =	sadd.s32 $0x100, s22;
	s23 =	sadd.s32 $0x800, s21;
	s21 =	sadd.s32 $0xC00, s21  }
0xa9: {  	[tilespmem:s23], [sflag:$0x1] =	stream.strided.gather [hbm4b:s22+s12], $0x400, s6, s12, $0x38;
	[tilespmem:$0xE580] =	vst v63  }
0xaa: {  	s20 =	sadd.s32 $0x51000, s5;
	s21 =	simm.s32 $0x80  }
0xab: {  	[tilespmem:s13], [sflag:$0x1] =	stream.strided.gather [hbm4b:s20+s21], $0x300, s6, s21, $0x38;
	[tilespmem:$0xE580] =	vst v63  }
0xac: {  	s28 =	sadd.s32 $0x80, s20  }
0xad: {  	[tilespmem:s14], [sflag:$0x1] =	stream.strided.gather [hbm4b:s28+s21], $0x300, s6, s21, $0x38;
	[tilespmem:$0xE580] =	vst v63  }
0xae: {  	s20 =	sadd.s32 $0x100, s20  }
0xaf: {  	[tilespmem:s15], [sflag:$0x1] =	stream.strided.gather [hbm4b:s20+s21], $0x300, s6, s21, $0x38;
	[tilespmem:$0xE580] =	vst v63  }
0xb0: {  	s20 =	simm.s32 $0x1  }
0xb1: {  	_ =	swait.ge [sflag:s20], $0xE100  }
0xb2: {  	[sflag:s20] =	ssyncset.done $0x0  }
0xb3: {  	[sflag:s20] =	ssyncadd.s32 $0xFFFF1F00  }
0xb4: {  	v8 =	vld [tilespmem:$0x0]  }
0xb5: {  	v7 =	vld [tilespmem:$0x10]  }
0xb6: {  	v4 =	vld [tilespmem:$0x20]  }
0xb7: {  	s29 =	simm.s32 $0x0;
	v5 =	vld [tilespmem:$0x30]  }
0xb8: {  	s22 =	smul.u32 $0x3000, s29;
	v6 =	vld [tilespmem:$0x40]  }
0xb9: {  	v2 =	vld [tilespmem:$0x50]  }
0xba: {  	s22 =	sshra.s32 s22, $0x2;
	s21 =	sand.u32 $0x380, s21;
	v3 =	vld [tilespmem:$0x60]  }
0xbb: {  	s21 =	sor.u32 s21, s22;
	v0 =	vld [tilespmem:$0x70]  }
0xbc: {  	v9 =	vld [tilespmem:s21+$0x0]  }
0xbd: {  	v10 =	vld [tilespmem:s21+$0x10]  }
0xbe: {  	v24 =	vld [tilespmem:s21+$0x20]  }
0xbf: {  	s30 =	simm.s32 $0x0;
	v14 =	vld [tilespmem:s21+$0x30]  }
0xc0: {  	s22 =	smul.u32 $0x3000, s30;
	v17 =	vld [tilespmem:s21+$0x40]  }
0xc1: {  	s31 =	simm.s32 $0x100;
	v11 =	vld [tilespmem:s21+$0x50]  }
0xc2: {  	v1 =	vimm.s32 $0x0;
	v18 =	vimm.s32 $0x0;
	v15 =	vimm.s32 $0x0;
	s23 =	sand.u32 $0x380, s31;
	s22 =	sshra.s32 s22, $0x2;
	v19 =	vld [tilespmem:s21+$0x60]  }
0xc3: {  	s22 =	sor.u32 s23, s22;
	v21 =	vld [tilespmem:s21+$0x70];
	vm1 =	vgt.f32 v9, v8;
	vm0 =	vgt.f32 v10, v7;
	vm3 =	vgt.f32 v24, v4  }
0xc4: {  	v22 =	vld [tilespmem:s22+$0x0];
	vm2 =	vgt.f32 v14, v5;
	v16 =	vsel vm1, v9, v8;
	v13 =	vsel vm1, s20, v1  }
0xc5: {  	v20 =	vld [tilespmem:s22+$0x10];
	v12 =	vsel vm0, v10, v7;
	vm1 =	vgt.f32 v17, v6;
	v9 =	vimm.s32 $0x0  }
0xc6: {  	s24 =	simm.s32 $0x180;
	s21 =	simm.s32 $0x2;
	s23 =	simm.s32 $0x3;
	v23 =	vld [tilespmem:s22+$0x20];
	v10 =	vimm.s32 $0x0;
	v8 =	vimm.s32 $0x0;
	v7 =	vimm.s32 $0x0  }
.LBB2_12:
0xc7: {  	s25 =	sshrl.u32 s23, $0x3;
	p0 =	sne.s32 s24, $0x4A80;
	v4 =	vsel vm3, v24, v4;
	v5 =	vsel vm2, v14, v5;
	v14 =	vld [tilespmem:s22+$0x30];
	v6 =	vsel vm1, v17, v6  }
0xc8: {  	vm4 =	vgt.f32 v11, v2;
	vm5 =	vgt.f32 v19, v3;
	s25 =	smul.u32 $0x3000, s25;
	v17 =	vld [tilespmem:s22+$0x40];
	vm6 =	vgt.f32 v21, v0  }
0xc9: {  	v2 =	vsel vm4, v11, v2;
	v3 =	vsel vm5, v19, v3;
	v11 =	vld [tilespmem:s22+$0x50];
	v0 =	vsel vm6, v21, v0;
	v25 =	vmovc v22  }
.Ltmp5:
0xca: {  	s26 =	sand.u32 $0x380, s24;
	v1 =	vsel vm0, s20, v1;
	v18 =	vsel vm3, s20, v18;
	v15 =	vsel vm2, s20, v15;
	s25 =	sshra.s32 s25, $0x2;
	v19 =	vld [tilespmem:s22+$0x60];
	(pc) =	sbr.rel @p0 .LBB2_12-.Ltmp5, $4  }
0xcb: {  	v9 =	vsel vm1, s20, v9;
	v10 =	vsel vm4, s20, v10;
	v8 =	vsel vm5, s20, v8;
	v21 =	vld [tilespmem:s22+$0x70];
	s22 =	sor.u32 s26, s25;
	v24 =	vmovc v23  }
0xcc: {  	v7 =	vsel vm6, s20, v7;
	s20 =	smov.u32 s21;
	s21 =	smov.u32 s23;
	vm1 =	vgt.f32 v25, v16;
	vm0 =	vgt.f32 v20, v12;
	v22 =	vld [tilespmem:s22+$0x0]  }
0xcd: {  	v16 =	vsel vm1, v25, v16;
	v13 =	vsel vm1, s20, v13;
	v12 =	vsel vm0, v20, v12;
	v20 =	vld [tilespmem:s22+$0x10]  }
0xce: {  	s24 =	sadd.s32 $0x80, s24;
	s23 =	sadd.s32 $0x1, s23;
	vm3 =	vgt.f32 v24, v4;
	vm2 =	vgt.f32 v14, v5;
	vm1 =	vgt.f32 v17, v6;
	v23 =	vld [tilespmem:s22+$0x20]  }
0xcf: {  	v25 =	vld [tilespmem:s22+$0x30];
	v4 =	vsel vm3, v24, v4;
	v5 =	vsel vm2, v14, v5;
	v6 =	vsel vm1, v17, v6  }
0xd0: {  	v14 =	vld [tilespmem:s22+$0x40];
	vm5 =	vgt.f32 v11, v2;
	vm6 =	vgt.f32 v19, v3;
	v1 =	vsel vm0, s20, v1  }
0xd1: {  	v17 =	vld [tilespmem:s22+$0x50];
	vm4 =	vgt.f32 v21, v0;
	v2 =	vsel vm5, v11, v2;
	vm0 =	vgt.f32 v22, v16  }
0xd2: {  	v3 =	vsel vm6, v19, v3;
	v11 =	vld [tilespmem:s22+$0x60];
	v16 =	vsel vm4, v21, v0;
	v0 =	vsel vm0, s21, v13  }
0xd3: {  	v19 =	vld [tilespmem:s22+$0x70];
	vm0 =	vgt.f32 v20, v12;
	v12 =	vsel vm3, s20, v18;
	vm3 =	vgt.f32 v23, v4  }
0xd4: {  	v1 =	vsel vm0, s21, v1;
	[tilespmem:$0xE400] =	vst v0;
	v0 =	vsel vm2, s20, v15;
	v4 =	vsel vm3, s21, v12;
	v12 =	vld [tilespmem:$0x400]  }
0xd5: {  	vm0 =	vgt.f32 v25, v5;
	[tilespmem:$0xE410] =	vst v1;
	v1 =	vsel vm1, s20, v9;
	vm1 =	vgt.f32 v14, v6;
	v6 =	vld [tilespmem:$0x410]  }
0xd6: {  	v5 =	vld [tilespmem:$0x470];
	v0 =	vsel vm0, s21, v0;
	[tilespmem:$0xE420] =	vst v4  }
0xd7: {  	s26 =	simm.s32 $0x0;
	v4 =	vsel vm5, s20, v10;
	vm0 =	vgt.f32 v17, v2;
	v1 =	vsel vm1, s21, v1;
	[tilespmem:$0xE430] =	vst v0;
	v0 =	vld [tilespmem:$0x420]  }
0xd8: {  	s22 =	smul.u32 $0x3000, s26;
	v2 =	vsel vm6, s20, v8;
	vm1 =	vgt.f32 v11, v3;
	v3 =	vsel vm0, s21, v4;
	[tilespmem:$0xE440] =	vst v1;
	v1 =	vld [tilespmem:$0x430]  }
0xd9: {  	s28 =	simm.s32 $0x80;
	v4 =	vsel vm4, s20, v7;
	vm0 =	vgt.f32 v19, v16;
	v2 =	vsel vm1, s21, v2;
	[tilespmem:$0xE450] =	vst v3;
	v3 =	vld [tilespmem:$0x440]  }
0xda: {  	s29 =	sshra.s32 s22, $0x2;
	s20 =	sand.u32 $0x380, s28;
	v4 =	vsel vm0, s21, v4;
	[tilespmem:$0xE460] =	vst v2;
	v2 =	vld [tilespmem:$0x450]  }
0xdb: {  	s21 =	sor.u32 s20, s29;
	[tilespmem:$0xE470] =	vst v4;
	v4 =	vld [tilespmem:$0x460]  }
0xdc: {  	v7 =	vld [tilespmem:s21+$0x400]  }
0xdd: {  	v11 =	vld [tilespmem:s21+$0x410]  }
0xde: {  	v24 =	vld [tilespmem:s21+$0x420]  }
0xdf: {  	s30 =	simm.s32 $0x0;
	v10 =	vld [tilespmem:s21+$0x430]  }
0xe0: {  	s31 =	smul.u32 $0x3000, s30;
	v15 =	vld [tilespmem:s21+$0x440]  }
0xe1: {  	s23 =	simm.s32 $0x100;
	v9 =	vld [tilespmem:s21+$0x450]  }
0xe2: {  	s23 =	sand.u32 $0x380, s23;
	s22 =	sshra.s32 s31, $0x2;
	v18 =	vimm.s32 $0x0;
	v8 =	vimm.s32 $0x0;
	v16 =	vimm.s32 $0x0;
	v19 =	vld [tilespmem:s21+$0x460]  }
0xe3: {  	s22 =	sor.u32 s23, s22;
	s20 =	simm.s32 $0x1;
	v21 =	vld [tilespmem:s21+$0x470];
	vm1 =	vgt.f32 v7, v12;
	vm0 =	vgt.f32 v11, v6;
	vm3 =	vgt.f32 v24, v0  }
0xe4: {  	v22 =	vld [tilespmem:s22+$0x400];
	vm2 =	vgt.f32 v10, v1;
	v17 =	vsel vm1, v7, v12;
	v14 =	vsel vm1, s20, v8  }
0xe5: {  	v20 =	vld [tilespmem:s22+$0x410];
	v13 =	vsel vm0, v11, v6;
	vm1 =	vgt.f32 v15, v3;
	v11 =	vimm.s32 $0x0  }
0xe6: {  	s24 =	simm.s32 $0x180;
	s23 =	simm.s32 $0x3;
	s21 =	simm.s32 $0x2;
	v23 =	vld [tilespmem:s22+$0x420];
	v12 =	vimm.s32 $0x0;
	v7 =	vimm.s32 $0x0;
	v6 =	vimm.s32 $0x0  }
.LBB2_14:
0xe7: {  	s25 =	sshrl.u32 s23, $0x3;
	p0 =	sne.s32 s24, $0x4A80;
	v0 =	vsel vm3, v24, v0;
	v1 =	vsel vm2, v10, v1;
	v10 =	vld [tilespmem:s22+$0x430];
	v3 =	vsel vm1, v15, v3  }
0xe8: {  	vm4 =	vgt.f32 v9, v2;
	vm5 =	vgt.f32 v19, v4;
	s25 =	smul.u32 $0x3000, s25;
	v15 =	vld [tilespmem:s22+$0x440];
	vm6 =	vgt.f32 v21, v5  }
0xe9: {  	v2 =	vsel vm4, v9, v2;
	v4 =	vsel vm5, v19, v4;
	v9 =	vld [tilespmem:s22+$0x450];
	v5 =	vsel vm6, v21, v5;
	v25 =	vmovc v22  }
.Ltmp6:
0xea: {  	s26 =	sand.u32 $0x380, s24;
	v8 =	vsel vm0, s20, v8;
	v18 =	vsel vm3, s20, v18;
	v16 =	vsel vm2, s20, v16;
	s25 =	sshra.s32 s25, $0x2;
	v19 =	vld [tilespmem:s22+$0x460];
	(pc) =	sbr.rel @p0 .LBB2_14-.Ltmp6, $4  }
0xeb: {  	v11 =	vsel vm1, s20, v11;
	v12 =	vsel vm4, s20, v12;
	v7 =	vsel vm5, s20, v7;
	v21 =	vld [tilespmem:s22+$0x470];
	s22 =	sor.u32 s26, s25;
	v24 =	vmovc v23  }
0xec: {  	v6 =	vsel vm6, s20, v6;
	s20 =	smov.u32 s21;
	s21 =	smov.u32 s23;
	vm1 =	vgt.f32 v25, v17;
	vm0 =	vgt.f32 v20, v13;
	v22 =	vld [tilespmem:s22+$0x400]  }
0xed: {  	v17 =	vsel vm1, v25, v17;
	v14 =	vsel vm1, s20, v14;
	v13 =	vsel vm0, v20, v13;
	v20 =	vld [tilespmem:s22+$0x410]  }
0xee: {  	s24 =	sadd.s32 $0x80, s24;
	s23 =	sadd.s32 $0x1, s23;
	vm3 =	vgt.f32 v24, v0;
	vm2 =	vgt.f32 v10, v1;
	vm1 =	vgt.f32 v15, v3;
	v23 =	vld [tilespmem:s22+$0x420]  }
0xef: {  	v0 =	vsel vm3, v24, v0  }
0xf0: {  	v25 =	vld [tilespmem:s22+$0x430];
	v1 =	vsel vm2, v10, v1;
	v3 =	vsel vm1, v15, v3;
	vm5 =	vgt.f32 v9, v2  }
0xf1: {  	v10 =	vld [tilespmem:s22+$0x440];
	vm6 =	vgt.f32 v19, v4;
	v8 =	vsel vm0, s20, v8;
	vm4 =	vgt.f32 v21, v5  }
0xf2: {  	v15 =	vld [tilespmem:s22+$0x450];
	v2 =	vsel vm5, v9, v2;
	v4 =	vsel vm6, v19, v4;
	vm0 =	vgt.f32 v22, v17  }
0xf3: {  	v9 =	vld [tilespmem:s22+$0x460];
	v5 =	vsel vm4, v21, v5;
	v14 =	vsel vm0, s21, v14;
	vm0 =	vgt.f32 v20, v13  }
0xf4: {  	v17 =	vld [tilespmem:s22+$0x470];
	v13 =	vsel vm3, s20, v18;
	vm3 =	vgt.f32 v23, v0;
	v0 =	vsel vm0, s21, v8  }
0xf5: {  	[tilespmem:$0xE480] =	vst v14;
	v8 =	vsel vm2, s20, v16;
	vm0 =	vgt.f32 v25, v1;
	v1 =	vsel vm3, s21, v13;
	v13 =	vld [tilespmem:$0x800]  }
0xf6: {  	[tilespmem:$0xE490] =	vst v0;
	v0 =	vsel vm1, s20, v11;
	vm1 =	vgt.f32 v10, v3;
	v11 =	vld [tilespmem:$0x810];
	v3 =	vsel vm0, s21, v8  }
0xf7: {  	[tilespmem:$0xE4A0] =	vst v1;
	v1 =	vsel vm5, s20, v12;
	vm0 =	vgt.f32 v15, v2;
	v2 =	vsel vm1, s21, v0;
	v0 =	vld [tilespmem:$0x820]  }
0xf8: {  	s26 =	simm.s32 $0x0;
	vm1 =	vgt.f32 v9, v4;
	[tilespmem:$0xE4B0] =	vst v3;
	v3 =	vsel vm6, s20, v7;
	v4 =	vsel vm0, s21, v1;
	v1 =	vld [tilespmem:$0x830]  }
0xf9: {  	s22 =	smul.u32 $0x3000, s26;
	[tilespmem:$0xE4C0] =	vst v2;
	v2 =	vsel vm4, s20, v6;
	vm0 =	vgt.f32 v17, v5;
	v5 =	vsel vm1, s21, v3;
	v3 =	vld [tilespmem:$0x840]  }
0xfa: {  	s28 =	simm.s32 $0x80;
	[tilespmem:$0xE4D0] =	vst v4;
	v4 =	vsel vm0, s21, v2;
	v2 =	vld [tilespmem:$0x850]  }
0xfb: {  	s29 =	sshra.s32 s22, $0x2;
	s20 =	sand.u32 $0x380, s28;
	[tilespmem:$0xE4F0] =	vst v4;
	v4 =	vld [tilespmem:$0x860]  }
0xfc: {  	s21 =	sor.u32 s20, s29;
	[tilespmem:$0xE4E0] =	vst v5;
	v5 =	vld [tilespmem:$0x870]  }
0xfd: {  	v6 =	vld [tilespmem:s21+$0x800]  }
0xfe: {  	v9 =	vld [tilespmem:s21+$0x810]  }
0xff: {  	v24 =	vld [tilespmem:s21+$0x820]  }
0x100: {  	s30 =	simm.s32 $0x0;
	v10 =	vld [tilespmem:s21+$0x830]  }
0x101: {  	s31 =	smul.u32 $0x3000, s30;
	v15 =	vld [tilespmem:s21+$0x840]  }
0x102: {  	s23 =	simm.s32 $0x100;
	v8 =	vld [tilespmem:s21+$0x850]  }
0x103: {  	s23 =	sand.u32 $0x380, s23;
	v18 =	vimm.s32 $0x0;
	s22 =	sshra.s32 s31, $0x2;
	v16 =	vimm.s32 $0x0;
	v12 =	vimm.s32 $0x0;
	v19 =	vld [tilespmem:s21+$0x860]  }
0x104: {  	s22 =	sor.u32 s23, s22;
	v7 =	vimm.s32 $0x0;
	v21 =	vld [tilespmem:s21+$0x870];
	vm1 =	vgt.f32 v6, v13;
	vm0 =	vgt.f32 v9, v11  }
0x105: {  	s20 =	simm.s32 $0x1;
	v22 =	vld [tilespmem:s22+$0x800];
	vm3 =	vgt.f32 v24, v0;
	vm2 =	vgt.f32 v10, v1;
	v17 =	vsel vm1, v6, v13  }
0x106: {  	v20 =	vld [tilespmem:s22+$0x810];
	v14 =	vsel vm1, s20, v7;
	v13 =	vsel vm0, v9, v11;
	vm1 =	vgt.f32 v15, v3  }
0x107: {  	s24 =	simm.s32 $0x180;
	s23 =	simm.s32 $0x3;
	s21 =	simm.s32 $0x2;
	v23 =	vld [tilespmem:s22+$0x820];
	v11 =	vimm.s32 $0x0;
	v9 =	vimm.s32 $0x0;
	v6 =	vimm.s32 $0x0  }
.LBB2_16:
0x108: {  	s25 =	sshrl.u32 s23, $0x3;
	p0 =	sne.s32 s24, $0x4A80;
	v0 =	vsel vm3, v24, v0;
	v1 =	vsel vm2, v10, v1;
	v10 =	vld [tilespmem:s22+$0x830];
	v3 =	vsel vm1, v15, v3  }
0x109: {  	vm4 =	vgt.f32 v8, v2;
	vm5 =	vgt.f32 v19, v4;
	s25 =	smul.u32 $0x3000, s25;
	v15 =	vld [tilespmem:s22+$0x840];
	vm6 =	vgt.f32 v21, v5  }
0x10a: {  	v2 =	vsel vm4, v8, v2;
	v4 =	vsel vm5, v19, v4;
	v8 =	vld [tilespmem:s22+$0x850];
	v5 =	vsel vm6, v21, v5;
	v25 =	vmovc v22  }
.Ltmp7:
0x10b: {  	s26 =	sand.u32 $0x380, s24;
	v7 =	vsel vm0, s20, v7;
	v18 =	vsel vm3, s20, v18;
	v16 =	vsel vm2, s20, v16;
	s25 =	sshra.s32 s25, $0x2;
	v19 =	vld [tilespmem:s22+$0x860];
	(pc) =	sbr.rel @p0 .LBB2_16-.Ltmp7, $4  }
0x10c: {  	v11 =	vsel vm1, s20, v11;
	v12 =	vsel vm4, s20, v12;
	v9 =	vsel vm5, s20, v9;
	v21 =	vld [tilespmem:s22+$0x870];
	s22 =	sor.u32 s26, s25;
	v24 =	vmovc v23  }
0x10d: {  	v6 =	vsel vm6, s20, v6;
	s20 =	smov.u32 s21;
	s21 =	smov.u32 s23;
	vm1 =	vgt.f32 v25, v17;
	vm0 =	vgt.f32 v20, v13;
	v22 =	vld [tilespmem:s22+$0x800]  }
0x10e: {  	v17 =	vsel vm1, v25, v17;
	v14 =	vsel vm1, s20, v14;
	v13 =	vsel vm0, v20, v13;
	v20 =	vld [tilespmem:s22+$0x810]  }
0x10f: {  	s24 =	sadd.s32 $0x80, s24;
	s23 =	sadd.s32 $0x1, s23;
	vm3 =	vgt.f32 v24, v0;
	vm2 =	vgt.f32 v10, v1;
	vm1 =	vgt.f32 v15, v3;
	v23 =	vld [tilespmem:s22+$0x820]  }
0x110: {  	v0 =	vsel vm3, v24, v0  }
0x111: {  	v25 =	vld [tilespmem:s22+$0x830];
	v1 =	vsel vm2, v10, v1;
	v3 =	vsel vm1, v15, v3;
	vm4 =	vgt.f32 v8, v2  }
0x112: {  	v51 =	vld [tilespmem:s22+$0x840];
	vm5 =	vgt.f32 v19, v4;
	v7 =	vsel vm0, s20, v7;
	v55 =	vsel vm3, s20, v18  }
0x113: {  	v52 =	vld [tilespmem:s22+$0x850];
	v57 =	vsel vm2, s20, v16;
	v59 =	vsel vm1, s20, v11;
	vm8 =	vgt.f32 v22, v17  }
0x114: {  	v53 =	vld [tilespmem:s22+$0x860];
	vm6 =	vgt.f32 v21, v5;
	v14 =	vsel vm8, s21, v14;
	vm9 =	vgt.f32 v20, v13  }
0x115: {  	v54 =	vld [tilespmem:s22+$0x870];
	v2 =	vsel vm4, v8, v2;
	vm10 =	vgt.f32 v23, v0;
	v56 =	vsel vm9, s21, v7;
	[tilespmem:$0xE500] =	vst v14  }
0x116: {  	v4 =	vsel vm5, v19, v4;
	vm11 =	vgt.f32 v25, v1;
	v58 =	vsel vm10, s21, v55;
	[tilespmem:$0xE510] =	vst v56  }
0x117: {  	v61 =	vsel vm4, s20, v12;
	vm12 =	vgt.f32 v51, v3;
	v60 =	vsel vm11, s21, v57;
	[tilespmem:$0xE520] =	vst v58  }
0x118: {  	v62 =	vsel vm5, s20, v9;
	vm13 =	vgt.f32 v52, v2;
	v0 =	vsel vm12, s21, v59;
	[tilespmem:$0xE530] =	vst v60  }
0x119: {  	v5 =	vsel vm6, v21, v5;
	vm14 =	vgt.f32 v53, v4;
	v1 =	vsel vm13, s21, v61;
	[tilespmem:$0xE540] =	vst v0  }
0x11a: {  	v63 =	vsel vm6, s20, v6;
	vm15 =	vgt.f32 v54, v5;
	v2 =	vsel vm14, s21, v62;
	[tilespmem:$0xE550] =	vst v1  }
0x11b: {  	v0 =	vsel vm15, s21, v63;
	[tilespmem:$0xE560] =	vst v2  }
0x11c: {  	[tilespmem:$0xE570] =	vst v0  }
0x11d: {  	[hbm4b:s7+s12] =	stream.strided.scatter [tilespmem:s17], [sflag:$0x1], $0x180, s16, s12, $0x38;
	[tilespmem:$0xE580] =	vst v63  }
0x11e: {  	s28 =	simm.s32 $0x0;
	_ =	swait.ge [sflag:s18], $0x180  }
0x11f: {  	s29 =	sadd.s32 $0x0, s8;
	s31 =	simm.s32 $0x400;
	[sflag:s18] =	ssyncset.done $0x0  }
0x120: {  	s23 =	simm.s32 $0x800;
	s30 =	sadd.s32 $0x80, s29;
	[sflag:s18] =	ssyncadd.s32 $0xFFFFFE80  }
0x121: {  	[tilespmem:s28], [sflag:$0x1] =	stream.strided.gather [hbm4b:s29+s12], $0x400, s6, s12, $0x38;
	[tilespmem:$0xE580] =	vst v63  }
0x122: {  	s22 =	sadd.s32 $0x100, s29;
	s20 =	simm.s32 $0x4800;
	s21 =	simm.s32 $0xC00  }
0x123: {  	[tilespmem:s31], [sflag:$0x1] =	stream.strided.gather [hbm4b:s30+s12], $0x400, s6, s12, $0x38;
	[tilespmem:$0xE580] =	vst v63  }
.LBB2_18:
0x124: {  	[tilespmem:s23], [sflag:$0x1] =	stream.strided.gather [hbm4b:s22+s12], $0x400, s6, s12, $0x38;
	[tilespmem:$0xE580] =	vst v63  }
0x125: {  	p0 =	seq.s32 s20, $0x4C800  }
.Ltmp8:
0x126: {  	s22 =	sadd.s32 s20, s8;
	(pc) =	sbr.rel @!p0 .LBB2_18-.Ltmp8, $4  }
0x127: {  	[tilespmem:s21], [sflag:$0x1] =	stream.strided.gather [hbm4b:s22+s12], $0x400, s6, s12, $0x38;
	[tilespmem:$0xE580] =	vst v63  }
0x128: {  	s24 =	sadd.s32 $0x400, s21;
	s20 =	sadd.s32 $0x4800, s20;
	s23 =	sadd.s32 $0x80, s22  }
0x129: {  	[tilespmem:s24], [sflag:$0x1] =	stream.strided.gather [hbm4b:s23+s12], $0x400, s6, s12, $0x38;
	[tilespmem:$0xE580] =	vst v63  }
0x12a: {  	s22 =	sadd.s32 $0x100, s22;
	s23 =	sadd.s32 $0x800, s21;
	s21 =	sadd.s32 $0xC00, s21  }
0x12b: {  	[tilespmem:s23], [sflag:$0x1] =	stream.strided.gather [hbm4b:s22+s12], $0x400, s6, s12, $0x38;
	[tilespmem:$0xE580] =	vst v63  }
0x12c: {  	s20 =	sadd.s32 $0x51000, s8;
	s21 =	simm.s32 $0x80  }
0x12d: {  	[tilespmem:s13], [sflag:$0x1] =	stream.strided.gather [hbm4b:s20+s21], $0x300, s6, s21, $0x38;
	[tilespmem:$0xE580] =	vst v63  }
0x12e: {  	s28 =	sadd.s32 $0x80, s20  }
0x12f: {  	[tilespmem:s14], [sflag:$0x1] =	stream.strided.gather [hbm4b:s28+s21], $0x300, s6, s21, $0x38;
	[tilespmem:$0xE580] =	vst v63  }
0x130: {  	s20 =	sadd.s32 $0x100, s20  }
0x131: {  	[tilespmem:s15], [sflag:$0x1] =	stream.strided.gather [hbm4b:s20+s21], $0x300, s6, s21, $0x38;
	[tilespmem:$0xE580] =	vst v63  }
0x132: {  	s20 =	simm.s32 $0x1  }
0x133: {  	_ =	swait.ge [sflag:s20], $0xE100  }
0x134: {  	[sflag:s20] =	ssyncset.done $0x0  }
0x135: {  	[sflag:s20] =	ssyncadd.s32 $0xFFFF1F00  }
0x136: {  	v8 =	vld [tilespmem:$0x0]  }
0x137: {  	v7 =	vld [tilespmem:$0x10]  }
0x138: {  	v4 =	vld [tilespmem:$0x20]  }
0x139: {  	s29 =	simm.s32 $0x0;
	v5 =	vld [tilespmem:$0x30]  }
0x13a: {  	s22 =	smul.u32 $0x3000, s29;
	v6 =	vld [tilespmem:$0x40]  }
0x13b: {  	v2 =	vld [tilespmem:$0x50]  }
0x13c: {  	s22 =	sshra.s32 s22, $0x2;
	s21 =	sand.u32 $0x380, s21;
	v3 =	vld [tilespmem:$0x60]  }
0x13d: {  	s21 =	sor.u32 s21, s22;
	v0 =	vld [tilespmem:$0x70]  }
0x13e: {  	v9 =	vld [tilespmem:s21+$0x0]  }
0x13f: {  	v10 =	vld [tilespmem:s21+$0x10]  }
0x140: {  	v24 =	vld [tilespmem:s21+$0x20]  }
0x141: {  	s30 =	simm.s32 $0x0;
	v14 =	vld [tilespmem:s21+$0x30]  }
0x142: {  	s22 =	smul.u32 $0x3000, s30;
	v17 =	vld [tilespmem:s21+$0x40]  }
0x143: {  	s31 =	simm.s32 $0x100;
	v11 =	vld [tilespmem:s21+$0x50]  }
0x144: {  	v1 =	vimm.s32 $0x0;
	v18 =	vimm.s32 $0x0;
	v15 =	vimm.s32 $0x0;
	s23 =	sand.u32 $0x380, s31;
	s22 =	sshra.s32 s22, $0x2;
	v19 =	vld [tilespmem:s21+$0x60]  }
0x145: {  	s22 =	sor.u32 s23, s22;
	v21 =	vld [tilespmem:s21+$0x70];
	vm1 =	vgt.f32 v9, v8;
	vm0 =	vgt.f32 v10, v7;
	vm3 =	vgt.f32 v24, v4  }
0x146: {  	v22 =	vld [tilespmem:s22+$0x0];
	vm2 =	vgt.f32 v14, v5;
	v16 =	vsel vm1, v9, v8;
	v13 =	vsel vm1, s20, v1  }
0x147: {  	v20 =	vld [tilespmem:s22+$0x10];
	v12 =	vsel vm0, v10, v7;
	vm1 =	vgt.f32 v17, v6;
	v9 =	vimm.s32 $0x0  }
0x148: {  	s24 =	simm.s32 $0x180;
	s21 =	simm.s32 $0x2;
	s23 =	simm.s32 $0x3;
	v23 =	vld [tilespmem:s22+$0x20];
	v10 =	vimm.s32 $0x0;
	v8 =	vimm.s32 $0x0;
	v7 =	vimm.s32 $0x0  }
.LBB2_20:
0x149: {  	s25 =	sshrl.u32 s23, $0x3;
	p0 =	sne.s32 s24, $0x4A80;
	v4 =	vsel vm3, v24, v4;
	v5 =	vsel vm2, v14, v5;
	v14 =	vld [tilespmem:s22+$0x30];
	v6 =	vsel vm1, v17, v6  }
0x14a: {  	vm4 =	vgt.f32 v11, v2;
	vm5 =	vgt.f32 v19, v3;
	s25 =	smul.u32 $0x3000, s25;
	v17 =	vld [tilespmem:s22+$0x40];
	vm6 =	vgt.f32 v21, v0  }
0x14b: {  	v2 =	vsel vm4, v11, v2;
	v3 =	vsel vm5, v19, v3;
	v11 =	vld [tilespmem:s22+$0x50];
	v0 =	vsel vm6, v21, v0;
	v25 =	vmovc v22  }
.Ltmp9:
0x14c: {  	s26 =	sand.u32 $0x380, s24;
	v1 =	vsel vm0, s20, v1;
	v18 =	vsel vm3, s20, v18;
	v15 =	vsel vm2, s20, v15;
	s25 =	sshra.s32 s25, $0x2;
	v19 =	vld [tilespmem:s22+$0x60];
	(pc) =	sbr.rel @p0 .LBB2_20-.Ltmp9, $4  }
0x14d: {  	v9 =	vsel vm1, s20, v9;
	v10 =	vsel vm4, s20, v10;
	v8 =	vsel vm5, s20, v8;
	v21 =	vld [tilespmem:s22+$0x70];
	s22 =	sor.u32 s26, s25;
	v24 =	vmovc v23  }
0x14e: {  	v7 =	vsel vm6, s20, v7;
	s20 =	smov.u32 s21;
	s21 =	smov.u32 s23;
	vm1 =	vgt.f32 v25, v16;
	vm0 =	vgt.f32 v20, v12;
	v22 =	vld [tilespmem:s22+$0x0]  }
0x14f: {  	v16 =	vsel vm1, v25, v16;
	v13 =	vsel vm1, s20, v13;
	v12 =	vsel vm0, v20, v12;
	v20 =	vld [tilespmem:s22+$0x10]  }
0x150: {  	s24 =	sadd.s32 $0x80, s24;
	s23 =	sadd.s32 $0x1, s23;
	vm3 =	vgt.f32 v24, v4;
	vm2 =	vgt.f32 v14, v5;
	vm1 =	vgt.f32 v17, v6;
	v23 =	vld [tilespmem:s22+$0x20]  }
0x151: {  	v25 =	vld [tilespmem:s22+$0x30];
	v4 =	vsel vm3, v24, v4;
	v5 =	vsel vm2, v14, v5;
	v6 =	vsel vm1, v17, v6  }
0x152: {  	v14 =	vld [tilespmem:s22+$0x40];
	vm5 =	vgt.f32 v11, v2;
	vm6 =	vgt.f32 v19, v3;
	v1 =	vsel vm0, s20, v1  }
0x153: {  	v17 =	vld [tilespmem:s22+$0x50];
	vm4 =	vgt.f32 v21, v0;
	v2 =	vsel vm5, v11, v2;
	vm0 =	vgt.f32 v22, v16  }
0x154: {  	v3 =	vsel vm6, v19, v3;
	v11 =	vld [tilespmem:s22+$0x60];
	v16 =	vsel vm4, v21, v0;
	v0 =	vsel vm0, s21, v13  }
0x155: {  	v19 =	vld [tilespmem:s22+$0x70];
	vm0 =	vgt.f32 v20, v12;
	v12 =	vsel vm3, s20, v18;
	vm3 =	vgt.f32 v23, v4  }
0x156: {  	v1 =	vsel vm0, s21, v1;
	[tilespmem:$0xE400] =	vst v0;
	v0 =	vsel vm2, s20, v15;
	v4 =	vsel vm3, s21, v12;
	v12 =	vld [tilespmem:$0x400]  }
0x157: {  	vm0 =	vgt.f32 v25, v5;
	[tilespmem:$0xE410] =	vst v1;
	v1 =	vsel vm1, s20, v9;
	vm1 =	vgt.f32 v14, v6;
	v6 =	vld [tilespmem:$0x410]  }
0x158: {  	v5 =	vld [tilespmem:$0x470];
	v0 =	vsel vm0, s21, v0;
	[tilespmem:$0xE420] =	vst v4  }
0x159: {  	s26 =	simm.s32 $0x0;
	v4 =	vsel vm5, s20, v10;
	vm0 =	vgt.f32 v17, v2;
	v1 =	vsel vm1, s21, v1;
	[tilespmem:$0xE430] =	vst v0;
	v0 =	vld [tilespmem:$0x420]  }
0x15a: {  	s22 =	smul.u32 $0x3000, s26;
	v2 =	vsel vm6, s20, v8;
	vm1 =	vgt.f32 v11, v3;
	v3 =	vsel vm0, s21, v4;
	[tilespmem:$0xE440] =	vst v1;
	v1 =	vld [tilespmem:$0x430]  }
0x15b: {  	s28 =	simm.s32 $0x80;
	v4 =	vsel vm4, s20, v7;
	vm0 =	vgt.f32 v19, v16;
	v2 =	vsel vm1, s21, v2;
	[tilespmem:$0xE450] =	vst v3;
	v3 =	vld [tilespmem:$0x440]  }
0x15c: {  	s29 =	sshra.s32 s22, $0x2;
	s20 =	sand.u32 $0x380, s28;
	v4 =	vsel vm0, s21, v4;
	[tilespmem:$0xE460] =	vst v2;
	v2 =	vld [tilespmem:$0x450]  }
0x15d: {  	s21 =	sor.u32 s20, s29;
	[tilespmem:$0xE470] =	vst v4;
	v4 =	vld [tilespmem:$0x460]  }
0x15e: {  	v7 =	vld [tilespmem:s21+$0x400]  }
0x15f: {  	v11 =	vld [tilespmem:s21+$0x410]  }
0x160: {  	v24 =	vld [tilespmem:s21+$0x420]  }
0x161: {  	s30 =	simm.s32 $0x0;
	v10 =	vld [tilespmem:s21+$0x430]  }
0x162: {  	s31 =	smul.u32 $0x3000, s30;
	v15 =	vld [tilespmem:s21+$0x440]  }
0x163: {  	s23 =	simm.s32 $0x100;
	v9 =	vld [tilespmem:s21+$0x450]  }
0x164: {  	s23 =	sand.u32 $0x380, s23;
	s22 =	sshra.s32 s31, $0x2;
	v18 =	vimm.s32 $0x0;
	v8 =	vimm.s32 $0x0;
	v16 =	vimm.s32 $0x0;
	v19 =	vld [tilespmem:s21+$0x460]  }
0x165: {  	s22 =	sor.u32 s23, s22;
	s20 =	simm.s32 $0x1;
	v21 =	vld [tilespmem:s21+$0x470];
	vm1 =	vgt.f32 v7, v12;
	vm0 =	vgt.f32 v11, v6;
	vm3 =	vgt.f32 v24, v0  }
0x166: {  	v22 =	vld [tilespmem:s22+$0x400];
	vm2 =	vgt.f32 v10, v1;
	v17 =	vsel vm1, v7, v12;
	v14 =	vsel vm1, s20, v8  }
0x167: {  	v20 =	vld [tilespmem:s22+$0x410];
	v13 =	vsel vm0, v11, v6;
	vm1 =	vgt.f32 v15, v3;
	v11 =	vimm.s32 $0x0  }
0x168: {  	s24 =	simm.s32 $0x180;
	s23 =	simm.s32 $0x3;
	s21 =	simm.s32 $0x2;
	v23 =	vld [tilespmem:s22+$0x420];
	v12 =	vimm.s32 $0x0;
	v7 =	vimm.s32 $0x0;
	v6 =	vimm.s32 $0x0  }
.LBB2_22:
0x169: {  	s25 =	sshrl.u32 s23, $0x3;
	p0 =	sne.s32 s24, $0x4A80;
	v0 =	vsel vm3, v24, v0;
	v1 =	vsel vm2, v10, v1;
	v10 =	vld [tilespmem:s22+$0x430];
	v3 =	vsel vm1, v15, v3  }
0x16a: {  	vm4 =	vgt.f32 v9, v2;
	vm5 =	vgt.f32 v19, v4;
	s25 =	smul.u32 $0x3000, s25;
	v15 =	vld [tilespmem:s22+$0x440];
	vm6 =	vgt.f32 v21, v5  }
0x16b: {  	v2 =	vsel vm4, v9, v2;
	v4 =	vsel vm5, v19, v4;
	v9 =	vld [tilespmem:s22+$0x450];
	v5 =	vsel vm6, v21, v5;
	v25 =	vmovc v22  }
.Ltmp10:
0x16c: {  	s26 =	sand.u32 $0x380, s24;
	v8 =	vsel vm0, s20, v8;
	v18 =	vsel vm3, s20, v18;
	v16 =	vsel vm2, s20, v16;
	s25 =	sshra.s32 s25, $0x2;
	v19 =	vld [tilespmem:s22+$0x460];
	(pc) =	sbr.rel @p0 .LBB2_22-.Ltmp10, $4  }
0x16d: {  	v11 =	vsel vm1, s20, v11;
	v12 =	vsel vm4, s20, v12;
	v7 =	vsel vm5, s20, v7;
	v21 =	vld [tilespmem:s22+$0x470];
	s22 =	sor.u32 s26, s25;
	v24 =	vmovc v23  }
0x16e: {  	v6 =	vsel vm6, s20, v6;
	s20 =	smov.u32 s21;
	s21 =	smov.u32 s23;
	vm1 =	vgt.f32 v25, v17;
	vm0 =	vgt.f32 v20, v13;
	v22 =	vld [tilespmem:s22+$0x400]  }
0x16f: {  	v17 =	vsel vm1, v25, v17;
	v14 =	vsel vm1, s20, v14;
	v13 =	vsel vm0, v20, v13;
	v20 =	vld [tilespmem:s22+$0x410]  }
0x170: {  	s24 =	sadd.s32 $0x80, s24;
	s23 =	sadd.s32 $0x1, s23;
	vm3 =	vgt.f32 v24, v0;
	vm2 =	vgt.f32 v10, v1;
	vm1 =	vgt.f32 v15, v3;
	v23 =	vld [tilespmem:s22+$0x420]  }
0x171: {  	v0 =	vsel vm3, v24, v0  }
0x172: {  	v25 =	vld [tilespmem:s22+$0x430];
	v1 =	vsel vm2, v10, v1;
	v3 =	vsel vm1, v15, v3;
	vm5 =	vgt.f32 v9, v2  }
0x173: {  	v10 =	vld [tilespmem:s22+$0x440];
	vm6 =	vgt.f32 v19, v4;
	v8 =	vsel vm0, s20, v8;
	vm4 =	vgt.f32 v21, v5  }
0x174: {  	v15 =	vld [tilespmem:s22+$0x450];
	v2 =	vsel vm5, v9, v2;
	v4 =	vsel vm6, v19, v4;
	vm0 =	vgt.f32 v22, v17  }
0x175: {  	v9 =	vld [tilespmem:s22+$0x460];
	v5 =	vsel vm4, v21, v5;
	v14 =	vsel vm0, s21, v14;
	vm0 =	vgt.f32 v20, v13  }
0x176: {  	v17 =	vld [tilespmem:s22+$0x470];
	v13 =	vsel vm3, s20, v18;
	vm3 =	vgt.f32 v23, v0;
	v0 =	vsel vm0, s21, v8  }
0x177: {  	[tilespmem:$0xE480] =	vst v14;
	v8 =	vsel vm2, s20, v16;
	vm0 =	vgt.f32 v25, v1;
	v1 =	vsel vm3, s21, v13;
	v13 =	vld [tilespmem:$0x800]  }
0x178: {  	[tilespmem:$0xE490] =	vst v0;
	v0 =	vsel vm1, s20, v11;
	vm1 =	vgt.f32 v10, v3;
	v11 =	vld [tilespmem:$0x810];
	v3 =	vsel vm0, s21, v8  }
0x179: {  	[tilespmem:$0xE4A0] =	vst v1;
	v1 =	vsel vm5, s20, v12;
	vm0 =	vgt.f32 v15, v2;
	v2 =	vsel vm1, s21, v0;
	v0 =	vld [tilespmem:$0x820]  }
0x17a: {  	s26 =	simm.s32 $0x0;
	vm1 =	vgt.f32 v9, v4;
	[tilespmem:$0xE4B0] =	vst v3;
	v3 =	vsel vm6, s20, v7;
	v4 =	vsel vm0, s21, v1;
	v1 =	vld [tilespmem:$0x830]  }
0x17b: {  	s22 =	smul.u32 $0x3000, s26;
	[tilespmem:$0xE4C0] =	vst v2;
	v2 =	vsel vm4, s20, v6;
	vm0 =	vgt.f32 v17, v5;
	v5 =	vsel vm1, s21, v3;
	v3 =	vld [tilespmem:$0x840]  }
0x17c: {  	s28 =	simm.s32 $0x80;
	[tilespmem:$0xE4D0] =	vst v4;
	v4 =	vsel vm0, s21, v2;
	v2 =	vld [tilespmem:$0x850]  }
0x17d: {  	s29 =	sshra.s32 s22, $0x2;
	s20 =	sand.u32 $0x380, s28;
	[tilespmem:$0xE4F0] =	vst v4;
	v4 =	vld [tilespmem:$0x860]  }
0x17e: {  	s21 =	sor.u32 s20, s29;
	[tilespmem:$0xE4E0] =	vst v5;
	v5 =	vld [tilespmem:$0x870]  }
0x17f: {  	v6 =	vld [tilespmem:s21+$0x800]  }
0x180: {  	v9 =	vld [tilespmem:s21+$0x810]  }
0x181: {  	v24 =	vld [tilespmem:s21+$0x820]  }
0x182: {  	s30 =	simm.s32 $0x0;
	v10 =	vld [tilespmem:s21+$0x830]  }
0x183: {  	s31 =	smul.u32 $0x3000, s30;
	v15 =	vld [tilespmem:s21+$0x840]  }
0x184: {  	s23 =	simm.s32 $0x100;
	v8 =	vld [tilespmem:s21+$0x850]  }
0x185: {  	s23 =	sand.u32 $0x380, s23;
	v18 =	vimm.s32 $0x0;
	s22 =	sshra.s32 s31, $0x2;
	v16 =	vimm.s32 $0x0;
	v12 =	vimm.s32 $0x0;
	v19 =	vld [tilespmem:s21+$0x860]  }
0x186: {  	s22 =	sor.u32 s23, s22;
	v7 =	vimm.s32 $0x0;
	v21 =	vld [tilespmem:s21+$0x870];
	vm1 =	vgt.f32 v6, v13;
	vm0 =	vgt.f32 v9, v11  }
0x187: {  	s20 =	simm.s32 $0x1;
	v22 =	vld [tilespmem:s22+$0x800];
	vm3 =	vgt.f32 v24, v0;
	vm2 =	vgt.f32 v10, v1;
	v17 =	vsel vm1, v6, v13  }
0x188: {  	v20 =	vld [tilespmem:s22+$0x810];
	v14 =	vsel vm1, s20, v7;
	v13 =	vsel vm0, v9, v11;
	vm1 =	vgt.f32 v15, v3  }
0x189: {  	s24 =	simm.s32 $0x180;
	s23 =	simm.s32 $0x3;
	s21 =	simm.s32 $0x2;
	v23 =	vld [tilespmem:s22+$0x820];
	v11 =	vimm.s32 $0x0;
	v9 =	vimm.s32 $0x0;
	v6 =	vimm.s32 $0x0  }
.LBB2_24:
0x18a: {  	s25 =	sshrl.u32 s23, $0x3;
	p0 =	sne.s32 s24, $0x4A80;
	v0 =	vsel vm3, v24, v0;
	v1 =	vsel vm2, v10, v1;
	v10 =	vld [tilespmem:s22+$0x830];
	v3 =	vsel vm1, v15, v3  }
0x18b: {  	vm4 =	vgt.f32 v8, v2;
	vm5 =	vgt.f32 v19, v4;
	s25 =	smul.u32 $0x3000, s25;
	v15 =	vld [tilespmem:s22+$0x840];
	vm6 =	vgt.f32 v21, v5  }
0x18c: {  	v2 =	vsel vm4, v8, v2;
	v4 =	vsel vm5, v19, v4;
	v8 =	vld [tilespmem:s22+$0x850];
	v5 =	vsel vm6, v21, v5;
	v25 =	vmovc v22  }
.Ltmp11:
0x18d: {  	s26 =	sand.u32 $0x380, s24;
	v7 =	vsel vm0, s20, v7;
	v18 =	vsel vm3, s20, v18;
	v16 =	vsel vm2, s20, v16;
	s25 =	sshra.s32 s25, $0x2;
	v19 =	vld [tilespmem:s22+$0x860];
	(pc) =	sbr.rel @p0 .LBB2_24-.Ltmp11, $4  }
0x18e: {  	v11 =	vsel vm1, s20, v11;
	v12 =	vsel vm4, s20, v12;
	v9 =	vsel vm5, s20, v9;
	v21 =	vld [tilespmem:s22+$0x870];
	s22 =	sor.u32 s26, s25;
	v24 =	vmovc v23  }
0x18f: {  	v6 =	vsel vm6, s20, v6;
	s20 =	smov.u32 s21;
	s21 =	smov.u32 s23;
	vm1 =	vgt.f32 v25, v17;
	vm0 =	vgt.f32 v20, v13;
	v22 =	vld [tilespmem:s22+$0x800]  }
0x190: {  	v17 =	vsel vm1, v25, v17;
	v14 =	vsel vm1, s20, v14;
	v13 =	vsel vm0, v20, v13;
	v20 =	vld [tilespmem:s22+$0x810]  }
0x191: {  	s24 =	sadd.s32 $0x80, s24;
	s23 =	sadd.s32 $0x1, s23;
	vm3 =	vgt.f32 v24, v0;
	vm2 =	vgt.f32 v10, v1;
	vm1 =	vgt.f32 v15, v3;
	v23 =	vld [tilespmem:s22+$0x820]  }
0x192: {  	v0 =	vsel vm3, v24, v0  }
0x193: {  	v25 =	vld [tilespmem:s22+$0x830];
	v1 =	vsel vm2, v10, v1;
	v3 =	vsel vm1, v15, v3;
	vm4 =	vgt.f32 v8, v2  }
0x194: {  	v51 =	vld [tilespmem:s22+$0x840];
	vm5 =	vgt.f32 v19, v4;
	v7 =	vsel vm0, s20, v7;
	v55 =	vsel vm3, s20, v18  }
0x195: {  	v52 =	vld [tilespmem:s22+$0x850];
	v57 =	vsel vm2, s20, v16;
	v59 =	vsel vm1, s20, v11;
	vm8 =	vgt.f32 v22, v17  }
0x196: {  	v53 =	vld [tilespmem:s22+$0x860];
	vm6 =	vgt.f32 v21, v5;
	v14 =	vsel vm8, s21, v14;
	vm9 =	vgt.f32 v20, v13  }
0x197: {  	v54 =	vld [tilespmem:s22+$0x870];
	v2 =	vsel vm4, v8, v2;
	vm10 =	vgt.f32 v23, v0;
	v56 =	vsel vm9, s21, v7;
	[tilespmem:$0xE500] =	vst v14  }
0x198: {  	v4 =	vsel vm5, v19, v4;
	vm11 =	vgt.f32 v25, v1;
	v58 =	vsel vm10, s21, v55;
	[tilespmem:$0xE510] =	vst v56  }
0x199: {  	v61 =	vsel vm4, s20, v12;
	vm12 =	vgt.f32 v51, v3;
	v60 =	vsel vm11, s21, v57;
	[tilespmem:$0xE520] =	vst v58  }
0x19a: {  	v62 =	vsel vm5, s20, v9;
	vm13 =	vgt.f32 v52, v2;
	v0 =	vsel vm12, s21, v59;
	[tilespmem:$0xE530] =	vst v60  }
0x19b: {  	v5 =	vsel vm6, v21, v5;
	vm14 =	vgt.f32 v53, v4;
	v1 =	vsel vm13, s21, v61;
	[tilespmem:$0xE540] =	vst v0  }
0x19c: {  	s19 =	sadd.s32 $0x1, s19;
	v63 =	vsel vm6, s20, v6;
	vm15 =	vgt.f32 v54, v5;
	v2 =	vsel vm14, s21, v62;
	[tilespmem:$0xE550] =	vst v1  }
0x19d: {  	p0 =	sne.s32 s19, s10;
	v0 =	vsel vm15, s21, v63;
	[tilespmem:$0xE560] =	vst v2  }
.Ltmp12:
0x19e: {  	[tilespmem:$0xE570] =	vst v0;
	(pc) =	sbr.rel @p0 .LBB2_1-.Ltmp12, $4  }
0x19f: {  	[hbm4b:s9+s12] =	stream.strided.scatter [tilespmem:s17], [sflag:$0x1], $0x180, s16, s12, $0x38;
	[tilespmem:$0xE580] =	vst v63  }
0x1a0: {  	_ =	swait.ge [sflag:s18], $0x180  }
0x1a1: {  	[sflag:s18] =	ssyncset.done $0x0  }
0x1a2: {  	[sflag:s18] =	ssyncadd.s32 $0xFFFFFE80  }
0x1a3: {  	_ =	sfence.sel $0x180000  }
0x1a4: {  	[bflag:$0x0] =	sbarrier.arrive $0xFFFF  }
0x1a5: {  	p0 =	sne.s32 s0, $0x0;
	_ =	strace $0x90000047  }
0x1a6: {  	s0 =	sadd.s32 @!p0 $0x100000, s1;
	[bflag:$0x2] =	sbarrier.arrive $0xFFFF  }
0x1a7: {  	[sflag:s0] =	ssyncadd.tile.s32 @!p0 $0x1;
	_ =	shalt  }
.Lfunc_end2:
_tile_overlayer_lowered:
.L_overlay_start_2:
0x1a8: {  	(tag) =	ssettag $0x2  }
0x1a9: {  	s0 =	rddreg [dreg:$0x0];
	s2 =	stileid.u32  }
0x1aa: {  	s1 =	rddreg [dreg:$0x1];
	p0 =	sne.s32 s2, $0x0  }
0x1ab: {  	s3 =	rddreg [dreg:$0x2];
	[bflag:$0x3] =	sbarrier.arrive $0xFFFF;
	s2 =	simm.s32 @!p0 $0x1C01  }
0x1ac: {  	[timem:s3], [sflag:s2] =	dma.local @!p0 [hbm:s0], s1  }
0x1ad: {  	s0 =	simm.s32 @!p0 $0x1  }
0x1ae: {  	_ =	swait.ge @!p0 [sflag:s0], s1  }
0x1af: {  	s1 =	ssub.s32 @!p0 $0x0, s1;
	[sflag:s0] =	ssyncset.done @!p0 $0x0  }
0x1b0: {  	[sflag:s0] =	ssyncadd.s32 @!p0 s1  }
0x1b1: {  	[bflag:$0x3] =	sbarrier.arrive $0xFFFF  }
0x1b2: {  	_ =	shalt  }

</sc_bundles>
